<compile_context>
chip_gen: v7x
topology: tpu7x:2x2x1
jax: 0.10.2.dev20260603
libtpu: 0.0.44.dev20260713+nightly
codegen_flags: <defaults>
</compile_context>

<pallas_src>
import jax
import jax.numpy as jnp
import numpy as np
from jax import lax
from jax.experimental import pallas as pl
from jax.experimental.pallas import tpu as pltpu
from jax.experimental.pallas import tpu_sc as plsc

NC, NS, L = 2, 16, 16
E = 256
NR = 100000
RCH = 6256

_BASE = np.array([1, 0, 0, 0, 0, 1, 0, 0, 0, 0, 1, 0, 0, 0, 0, 1], np.float32)
_C1 = np.array([-2, 2, 2, 0, 2, -2, 2, 0, 2, 2, -2, 0, 0, 0, 0, 0], np.float32)
_C2 = np.array([-2, -2, 2, 0, 2, -2, -2, 0, -2, 2, -2, 0, 0, 0, 0, 0], np.float32)
_TCOEF = np.array([0, 0, 0, 1, 0, 0, 0, 1, 0, 0, 0, 1, 0, 0, 0, 0], np.float32)
_A = np.array([2, 1, 0, 0, 1, 1, 2, 0, 1, 0, 1, 0, 0, 0, 0, 0], np.int32)
_B = np.array([2, 2, 2, 0, 2, 1, 3, 0, 3, 1, 1, 0, 0, 0, 0, 0], np.int32)
_C = np.array([3, 0, 1, 0, 0, 3, 0, 0, 0, 2, 2, 0, 0, 0, 0, 0], np.int32)
_D = np.array([3, 3, 3, 0, 3, 3, 1, 0, 2, 3, 2, 0, 0, 0, 0, 0], np.int32)
_TIDX = np.array([0, 0, 0, 0, 0, 0, 0, 1, 0, 0, 0, 2, 0, 0, 0, 0], np.int32)
_PAT3 = (np.arange(16) % 3).astype(np.int32)
_PAT4 = (np.arange(16) % 4).astype(np.int32)
_CI = np.stack([_A, _B, _C, _D, _TIDX, _PAT3, _PAT4,
                np.arange(16, dtype=np.int32)])
_CF = np.stack([_BASE, _C1, _C2, _TCOEF])
_IIDX = np.arange(256, dtype=np.int32).reshape(2, 128)


def _body(idx16, embt, w1t, b1t, w2t, b2t, w3t, b3t,
          embr, w1r, b1r, w2r, b2r, w3r, b3r,
          tb, rb, ci, cf, iidx,
          c2w_o, tbn_o, rbn_o,
          idx_v, ci_v, cf_v, ii_v, e_v, w1_v, w2_v, w3_v,
          part_v, p3_v, hc_v, bias_v, t_v, r_v, bt_v, br_v,
          shA_t, shB_t, sh3_t, shA_r, shB_r, sh3_r,
          sem_in, sem_out):
  cid = lax.axis_index("c")
  sid = lax.axis_index("s")
  z16 = jnp.zeros((L,), jnp.int32)
  lane = lax.iota(jnp.int32, L)

  off = pl.multiple_of(jnp.minimum(sid * RCH, NR - RCH), 8)
  t_cp = pltpu.make_async_copy(tb.at[pl.ds(off, RCH)],
                               tbn_o.at[pl.ds(off, RCH)], sem_in)
  r_cp = pltpu.make_async_copy(rb.at[pl.ds(off, RCH)],
                               rbn_o.at[pl.ds(off, RCH)], sem_in)

  @pl.when(cid == 0)
  def _():
    t_cp.start()

  @pl.when(cid == 1)
  def _():
    r_cp.start()

  pltpu.sync_copy(idx16, idx_v)
  pltpu.sync_copy(ci, ci_v)
  pltpu.sync_copy(cf, cf_v)
  pltpu.sync_copy(iidx, ii_v)

  @pl.when(sid == 0)
  def _():
    for b_h, sh in ((b1t, shA_t), (b2t, shB_t), (b1r, shA_r), (b2r, shB_r)):
      pltpu.sync_copy(b_h, bias_v)
      pltpu.sync_copy(bias_v, sh)
    for b_h, sh in ((b3t, sh3_t), (b3r, sh3_r)):
      pltpu.sync_copy(b_h, p3_v)
      pltpu.sync_copy(p3_v, sh)

  def bcast(src_ref, base, k, relu):
    v = plsc.load_gather(src_ref, [jnp.full((L,), base + k, jnp.int32)])
    return jnp.maximum(v, 0.0) if relu else v

  def layer_big(src_ref, base, relu, w_ref, sh_acc):
    svs = [bcast(src_ref, base, k, relu) for k in range(L)]

    def jc_body(jc, carry):
      acc = None
      for k in range(L):
        wk = plsc.load_gather(w_ref, [jnp.full((L,), k, jnp.int32),
                                      jc * L + lane])
        acc = svs[k] * wk if acc is None else acc + svs[k] * wk
      part_v[pl.ds(jc * L, L)] = acc
      return carry

    lax.fori_loop(0, L, jc_body, 0, unroll=2)
    pltpu.sync_copy(part_v.at[pl.ds(0, 128)], sh_acc.at[ii_v.at[0]],
                    add=True)
    pltpu.sync_copy(part_v.at[pl.ds(128, 128)], sh_acc.at[ii_v.at[1]],
                    add=True)

  def layer_small(src_ref, base, w_ref, sh_acc):
    svs = [bcast(src_ref, base, k, True) for k in range(L)]
    acc = None
    for k in range(L):
      wk = plsc.load_gather(w_ref, [jnp.full((L,), k, jnp.int32), lane])
      acc = svs[k] * wk if acc is None else acc + svs[k] * wk
    p3_v[...] = acc
    pltpu.sync_copy(p3_v, sh_acc.at[ci_v.at[7]], add=True)

  pltpu.sync_copy(embt.at[idx_v], e_v)
  pltpu.sync_copy(w1t.at[pl.ds(sid * L, L), :], w1_v)
  pltpu.sync_copy(w2t.at[pl.ds(sid * L, L), :], w2_v)
  pltpu.sync_copy(w3t.at[pl.ds(sid * L, L), :], w3_v)
  plsc.subcore_barrier()

  hc_v[pl.ds(L, L)] = plsc.load_gather(e_v, [z16, sid * L + lane])
  layer_big(hc_v, L, False, w1_v, shA_t)
  plsc.subcore_barrier()
  pltpu.sync_copy(shA_t.at[pl.ds(sid * L, L)], hc_v.at[pl.ds(L, L)])
  layer_big(hc_v, L, True, w2_v, shB_t)
  plsc.subcore_barrier()
  pltpu.sync_copy(shB_t.at[pl.ds(sid * L, L)], hc_v.at[pl.ds(L, L)])
  layer_small(hc_v, L, w3_v, sh3_t)

  pltpu.sync_copy(embr.at[idx_v], e_v)
  pltpu.sync_copy(w1r.at[pl.ds(sid * L, L), :], w1_v)
  pltpu.sync_copy(w2r.at[pl.ds(sid * L, L), :], w2_v)
  pltpu.sync_copy(w3r.at[pl.ds(sid * L, L), :], w3_v)

  hc_v[pl.ds(L, L)] = plsc.load_gather(e_v, [z16, sid * L + lane])
  layer_big(hc_v, L, False, w1_v, shA_r)
  plsc.subcore_barrier()
  pltpu.sync_copy(shA_r.at[pl.ds(sid * L, L)], hc_v.at[pl.ds(L, L)])
  layer_big(hc_v, L, True, w2_v, shB_r)
  plsc.subcore_barrier()
  pltpu.sync_copy(shB_r.at[pl.ds(sid * L, L)], hc_v.at[pl.ds(L, L)])
  layer_small(hc_v, L, w3_v, sh3_r)
  plsc.subcore_barrier()

  pltpu.sync_copy(sh3_t, t_v)
  pltpu.sync_copy(sh3_r, r_v)

  rr = r_v[...]
  s = jnp.sum(jnp.where(lane < 4, rr * rr, 0.0))
  sv = jnp.full((L,), s)
  sv_safe = jnp.maximum(sv, 1e-37)
  bits = lax.bitcast_convert_type(sv_safe, jnp.int32)
  y = lax.bitcast_convert_type(
      jnp.full((L,), 0x5F3759DF, jnp.int32) - (bits >> 1), jnp.float32)
  y = y * (1.5 - 0.5 * sv_safe * y * y)
  y = y * (1.5 - 0.5 * sv_safe * y * y)
  y = y * (1.5 - 0.5 * sv_safe * y * y)
  y = y * (1.5 - 0.5 * sv_safe * y * y)
  norm = sv * y
  rq = rr * (1.0 / (norm + 1e-8))
  r_v[...] = rq

  ra = plsc.load_gather(r_v, [ci_v[0]])
  rb_q = plsc.load_gather(r_v, [ci_v[1]])
  rc = plsc.load_gather(r_v, [ci_v[2]])
  rd = plsc.load_gather(r_v, [ci_v[3]])
  tg = plsc.load_gather(t_v, [ci_v[4]])
  bias_v[pl.ds(0, L)] = (cf_v[0] + cf_v[1] * ra * rb_q + cf_v[2] * rc * rd
                         + cf_v[3] * tg)

  @pl.when(cid == 0)
  def _():
    t_cp.wait()

  @pl.when(cid == 1)
  def _():
    r_cp.wait()

  plsc.subcore_barrier()

  idx_s = jnp.max(idx_v[...])
  blk = pl.multiple_of(idx_s - lax.rem(idx_s, 8), 8)
  row_l = idx_v[...] - blk

  @pl.when((cid == 0) & (sid == 0))
  def _():
    pltpu.sync_copy(bias_v.at[pl.ds(0, L)], c2w_o)
    pltpu.sync_copy(tbn_o.at[pl.ds(blk, 8)], bt_v)
    plsc.store_scatter(bt_v, [row_l, lane], t_v[...], mask=lane < 3)
    pltpu.sync_copy(bt_v, tbn_o.at[pl.ds(blk, 8)])

  @pl.when((cid == 1) & (sid == 0))
  def _():
    pltpu.sync_copy(rbn_o.at[pl.ds(blk, 8)], br_v)
    plsc.store_scatter(br_v, [row_l, lane], r_v[...], mask=lane < 4)
    pltpu.sync_copy(br_v, rbn_o.at[pl.ds(blk, 8)])


def kernel(cam_id, emb_t, W1_t, b1_t, W2_t, b2_t, W3_t, b3_t,
           emb_r, W1_r, b1_r, W2_r, b2_r, W3_r, b3_r, t_buf, r_buf):
  n = t_buf.shape[0]
  idx = jnp.asarray(cam_id, jnp.int32) - 1
  idx16 = jnp.full((16,), idx, jnp.int32)
  w3tp = jnp.pad(W3_t, ((0, 0), (0, 16 - W3_t.shape[1])))
  b3tp = jnp.pad(b3_t, (0, 16 - b3_t.shape[0]))
  w3rp = jnp.pad(W3_r, ((0, 0), (0, 16 - W3_r.shape[1])))
  b3rp = jnp.pad(b3_r, (0, 16 - b3_r.shape[0]))
  ci = jnp.asarray(_CI)
  cf = jnp.asarray(_CF)
  iidx = jnp.asarray(_IIDX)

  mesh = plsc.VectorSubcoreMesh(core_axis_name="c", subcore_axis_name="s")
  f = pl.kernel(
      _body,
      out_type=(
          jax.ShapeDtypeStruct((16,), jnp.float32),
          jax.ShapeDtypeStruct((NR, 3), jnp.float32),
          jax.ShapeDtypeStruct((NR, 4), jnp.float32),
      ),
      mesh=mesh,
      compiler_params=pltpu.CompilerParams(needs_layout_passes=False),
      scratch_types=[
          pltpu.VMEM((16,), jnp.int32),
          pltpu.VMEM((8, 16), jnp.int32),
          pltpu.VMEM((4, 16), jnp.float32),
          pltpu.VMEM((2, 128), jnp.int32),
          pltpu.VMEM((16, E), jnp.float32),
          pltpu.VMEM((L, E), jnp.float32),
          pltpu.VMEM((L, E), jnp.float32),
          pltpu.VMEM((L, L), jnp.float32),
          pltpu.VMEM((E,), jnp.float32),
          pltpu.VMEM((L,), jnp.float32),
          pltpu.VMEM((2 * L,), jnp.float32),
          pltpu.VMEM((E,), jnp.float32),
          pltpu.VMEM((L,), jnp.float32),
          pltpu.VMEM((L,), jnp.float32),
          pltpu.VMEM((8, 3), jnp.float32),
          pltpu.VMEM((8, 4), jnp.float32),
          pltpu.VMEM_SHARED((E,), jnp.float32),
          pltpu.VMEM_SHARED((E,), jnp.float32),
          pltpu.VMEM_SHARED((L,), jnp.float32),
          pltpu.VMEM_SHARED((E,), jnp.float32),
          pltpu.VMEM_SHARED((E,), jnp.float32),
          pltpu.VMEM_SHARED((L,), jnp.float32),
          pltpu.SemaphoreType.DMA,
          pltpu.SemaphoreType.DMA,
      ],
  )
  c2w16, tbn, rbn = f(idx16, emb_t, W1_t, b1_t, W2_t, b2_t, w3tp, b3tp,
                      emb_r, W1_r, b1_r, W2_r, b2_r, w3rp, b3rp,
                      t_buf, r_buf, ci, cf, iidx)
  return (c2w16.reshape(4, 4), tbn, rbn)

# --- scband reference (transcript-rebuilt; emitter-appended) ---
"""Pipeline reference for scband-learn-pose-net-decouple-quad4-49134425866831 (READ-ONLY COPY).

The authoritative reference and input builder live on the scoring server;
editing this copy changes nothing except your own understanding.
"""

import jax, jax.numpy as jnp
import numpy as np

NUM_CAMS = 100000
EMB = 256
HID = 256


def _mlp(e, W1, b1, W2, b2, W3, b3):
    h = jax.nn.relu(e @ W1 + b1)
    h = jax.nn.relu(h @ W2 + b2)
    return h @ W3 + b3


def _q_to_R(q):
    qa, qb, qc, qd = q[..., 0], q[..., 1], q[..., 2], q[..., 3]
    row0 = jnp.stack([1 - 2 * (qc ** 2 + qd ** 2), 2 * (qb * qc - qa * qd), 2 * (qa * qc + qb * qd)], axis=-1)
    row1 = jnp.stack([2 * (qb * qc + qa * qd), 1 - 2 * (qb ** 2 + qd ** 2), 2 * (qc * qd - qa * qb)], axis=-1)
    row2 = jnp.stack([2 * (qb * qd - qa * qc), 2 * (qa * qb + qc * qd), 1 - 2 * (qb ** 2 + qc ** 2)], axis=-1)
    return jnp.stack([row0, row1, row2], axis=-2)


def setup_inputs(seed: int = 0):
    key = jax.random.key(seed)
    ks = jax.random.split(key, 14)
    s_emb = 0.01
    s1 = 1.0 / np.sqrt(EMB)
    s2 = 1.0 / np.sqrt(HID)
    inp = {}
    inp['cam_id'] = NUM_CAMS
    inp['emb_t'] = jax.random.normal(ks[0], (NUM_CAMS + 1, EMB), jnp.float32) * s_emb
    inp['W1_t'] = jax.random.normal(ks[1], (EMB, HID), jnp.float32) * s1
    inp['b1_t'] = jnp.zeros((HID,), jnp.float32)
    inp['W2_t'] = jax.random.normal(ks[2], (HID, HID), jnp.float32) * s2
    inp['b2_t'] = jnp.zeros((HID,), jnp.float32)
    inp['W3_t'] = jax.random.normal(ks[3], (HID, 3), jnp.float32) * s2
    inp['b3_t'] = jnp.zeros((3,), jnp.float32)
    inp['emb_r'] = jax.random.normal(ks[4], (NUM_CAMS + 1, EMB), jnp.float32) * s_emb
    inp['W1_r'] = jax.random.normal(ks[5], (EMB, HID), jnp.float32) * s1
    inp['b1_r'] = jnp.zeros((HID,), jnp.float32)
    inp['W2_r'] = jax.random.normal(ks[6], (HID, HID), jnp.float32) * s2
    inp['b2_r'] = jnp.zeros((HID,), jnp.float32)
    inp['W3_r'] = jax.random.normal(ks[7], (HID, 4), jnp.float32) * s2
    inp['b3_r'] = jnp.array([1.0, 0.0, 0.0, 0.0], jnp.float32)
    inp['t_buf'] = jnp.zeros((NUM_CAMS, 3), jnp.float32)
    inp['r_buf'] = jnp.zeros((NUM_CAMS, 4), jnp.float32)
    return inp


def reference(cam_id, emb_t, W1_t, b1_t, W2_t, b2_t, W3_t, b3_t, emb_r, W1_r, b1_r, W2_r, b2_r, W3_r, b3_r, t_buf, r_buf):
    idx = cam_id - 1
    # TransNet: per-camera embedding lookup -> MLP -> 3-vector translation
    t = _mlp(emb_t[idx], W1_t, b1_t, W2_t, b2_t, W3_t, b3_t)
    # RotsNet_quad4: per-camera embedding lookup -> MLP -> unit quaternion
    r_raw = _mlp(emb_r[idx], W1_r, b1_r, W2_r, b2_r, W3_r, b3_r)
    r = r_raw / (jnp.linalg.norm(r_raw) + 1e-8)
    # scatter-overwrite of detached pose memory (self.t[cam_id] = t.detach(); self.r[cam_id] = r.detach())
    t_buf_new = t_buf.at[idx].set(jax.lax.stop_gradient(t))
    r_buf_new = r_buf.at[idx].set(jax.lax.stop_gradient(r))
    R = _q_to_R(r)
    c2w = jnp.concatenate([R.reshape(3, 3), t.reshape(3, 1)], axis=-1)
    bottom = jnp.array([[0.0, 0.0, 0.0, 1.0]], jnp.float32)
    c2w = jnp.concatenate([c2w, bottom], axis=0)
    return (c2w, t_buf_new, r_buf_new)

if __name__ == "__main__":
    import jax
    _d = setup_inputs()
    print(jax.jit(kernel)(*tuple(_d.values())))

</pallas_src>

<mosaic_0001>
#map = affine_map<(d0, d1) -> (0)>
#map1 = affine_map<(d0, d1) -> (0, 0)>
module attributes {stable_mosaic.version = 14 : i64} {
  func.func @_body(%arg0: i32, %arg1: i32, %arg2: memref<16xi32, #tpu.memory_space<hbm>>, %arg3: memref<100001x256xf32, #tpu.memory_space<hbm>>, %arg4: memref<256x256xf32, #tpu.memory_space<hbm>>, %arg5: memref<256xf32, #tpu.memory_space<hbm>>, %arg6: memref<256x256xf32, #tpu.memory_space<hbm>>, %arg7: memref<256xf32, #tpu.memory_space<hbm>>, %arg8: memref<256x16xf32, #tpu.memory_space<hbm>>, %arg9: memref<16xf32, #tpu.memory_space<hbm>>, %arg10: memref<100001x256xf32, #tpu.memory_space<hbm>>, %arg11: memref<256x256xf32, #tpu.memory_space<hbm>>, %arg12: memref<256xf32, #tpu.memory_space<hbm>>, %arg13: memref<256x256xf32, #tpu.memory_space<hbm>>, %arg14: memref<256xf32, #tpu.memory_space<hbm>>, %arg15: memref<256x16xf32, #tpu.memory_space<hbm>>, %arg16: memref<16xf32, #tpu.memory_space<hbm>>, %arg17: memref<100000x3xf32, #tpu.memory_space<hbm>>, %arg18: memref<100000x4xf32, #tpu.memory_space<hbm>>, %arg19: memref<8x16xi32, #tpu.memory_space<hbm>>, %arg20: memref<4x16xf32, #tpu.memory_space<hbm>>, %arg21: memref<2x128xi32, #tpu.memory_space<hbm>>, %arg22: memref<16xf32, #tpu.memory_space<hbm>>, %arg23: memref<100000x3xf32, #tpu.memory_space<hbm>>, %arg24: memref<100000x4xf32, #tpu.memory_space<hbm>>, %arg25: memref<16xi32, #tpu.memory_space<vmem>>, %arg26: memref<8x16xi32, #tpu.memory_space<vmem>>, %arg27: memref<4x16xf32, #tpu.memory_space<vmem>>, %arg28: memref<2x128xi32, #tpu.memory_space<vmem>>, %arg29: memref<16x256xf32, #tpu.memory_space<vmem>>, %arg30: memref<16x256xf32, #tpu.memory_space<vmem>>, %arg31: memref<16x256xf32, #tpu.memory_space<vmem>>, %arg32: memref<16x16xf32, #tpu.memory_space<vmem>>, %arg33: memref<256xf32, #tpu.memory_space<vmem>>, %arg34: memref<16xf32, #tpu.memory_space<vmem>>, %arg35: memref<32xf32, #tpu.memory_space<vmem>>, %arg36: memref<256xf32, #tpu.memory_space<vmem>>, %arg37: memref<16xf32, #tpu.memory_space<vmem>>, %arg38: memref<16xf32, #tpu.memory_space<vmem>>, %arg39: memref<8x3xf32, #tpu.memory_space<vmem>>, %arg40: memref<8x4xf32, #tpu.memory_space<vmem>>, %arg41: memref<256xf32, #tpu.memory_space<vmem_shared>>, %arg42: memref<256xf32, #tpu.memory_space<vmem_shared>>, %arg43: memref<16xf32, #tpu.memory_space<vmem_shared>>, %arg44: memref<256xf32, #tpu.memory_space<vmem_shared>>, %arg45: memref<256xf32, #tpu.memory_space<vmem_shared>>, %arg46: memref<16xf32, #tpu.memory_space<vmem_shared>>, %arg47: memref<!tpu.dma_semaphore, #tpu.memory_space<semaphore_mem>>, %arg48: memref<!tpu.dma_semaphore, #tpu.memory_space<semaphore_mem>>) attributes {dimension_semantics = [#tpu.dimension_semantics<core_parallel>, #tpu.dimension_semantics<subcore_parallel>], iteration_bounds = array<i64: 2, 16>, scalar_prefetch = 0 : i64, scratch_operands = 24 : i64, tpu.core_type = #tpu.core_type<sc_vector_subcore>, window_params = [{transform_indices = #map}, {transform_indices = #map1}, {transform_indices = #map1}, {transform_indices = #map}, {transform_indices = #map1}, {transform_indices = #map}, {transform_indices = #map1}, {transform_indices = #map}, {transform_indices = #map1}, {transform_indices = #map1}, {transform_indices = #map}, {transform_indices = #map1}, {transform_indices = #map}, {transform_indices = #map1}, {transform_indices = #map}, {transform_indices = #map1}, {transform_indices = #map1}, {transform_indices = #map1}, {transform_indices = #map1}, {transform_indices = #map1}, {transform_indices = #map}, {transform_indices = #map1}, {transform_indices = #map1}]} {
    %broadcast_in_dim3A = arith.constant 0 : i32
    %broadcast_in_dim3A_0 = vector.broadcast %broadcast_in_dim3A : i32 to vector<16xi32>
    %iota3A = tpu.iota {dimensions = array<i32: 0>} : vector<16xi32>
    %mul3A = arith.constant 6256 : i32
    %mul3A_1 = arith.muli %arg1, %mul3A : i32
    %min3A = arith.constant 93744 : i32
    %min3A_2 = arith.minsi %mul3A_1, %min3A : i32
    %multiple_of3A = tpu.assume_multiple %min3A_2, 8 : i32
    %eq3A = arith.constant 0 : i32
    %eq3A_3 = arith.cmpi eq, %arg0, %eq3A : i32
    %convert_element_type3A = arith.extui %eq3A_3 : i1 to i32
    %cond3A = arith.constant 0 : i32
    %cond3A_4 = arith.cmpi ne, %convert_element_type3A, %cond3A : i32
    scf.if %cond3A_4 {
      %dma_start3A = arith.constant 0 : i32
      %dma_start3A_879 = tpu.memref_slice %arg23[%multiple_of3A, %dma_start3A] : memref<100000x3xf32, #tpu.memory_space<hbm>> -> memref<6256x3xf32, #tpu.memory_space<hbm>>
      %dma_start3A_880 = arith.constant 0 : i32
      %dma_start3A_881 = tpu.memref_slice %arg17[%multiple_of3A, %dma_start3A_880] : memref<100000x3xf32, #tpu.memory_space<hbm>> -> memref<6256x3xf32, #tpu.memory_space<hbm>>
      tpu.enqueue_dma source(%dma_start3A_881 : memref<6256x3xf32, #tpu.memory_space<hbm>>) target(%dma_start3A_879 : memref<6256x3xf32, #tpu.memory_space<hbm>>) target_semaphore(%arg47 : memref<!tpu.dma_semaphore, #tpu.memory_space<semaphore_mem>>)
    } else {
    }
    %eq3A_5 = arith.constant 1 : i32
    %eq3A_6 = arith.cmpi eq, %arg0, %eq3A_5 : i32
    %convert_element_type3A_7 = arith.extui %eq3A_6 : i1 to i32
    %cond3A_8 = arith.constant 0 : i32
    %cond3A_9 = arith.cmpi ne, %convert_element_type3A_7, %cond3A_8 : i32
    scf.if %cond3A_9 {
      %dma_start3A = arith.constant 0 : i32
      %dma_start3A_879 = tpu.memref_slice %arg24[%multiple_of3A, %dma_start3A] : memref<100000x4xf32, #tpu.memory_space<hbm>> -> memref<6256x4xf32, #tpu.memory_space<hbm>>
      %dma_start3A_880 = arith.constant 0 : i32
      %dma_start3A_881 = tpu.memref_slice %arg18[%multiple_of3A, %dma_start3A_880] : memref<100000x4xf32, #tpu.memory_space<hbm>> -> memref<6256x4xf32, #tpu.memory_space<hbm>>
      tpu.enqueue_dma source(%dma_start3A_881 : memref<6256x4xf32, #tpu.memory_space<hbm>>) target(%dma_start3A_879 : memref<6256x4xf32, #tpu.memory_space<hbm>>) target_semaphore(%arg47 : memref<!tpu.dma_semaphore, #tpu.memory_space<semaphore_mem>>)
    } else {
    }
    "tpu.region"() ({
      %run_scoped3A_879 = tpu.sem_alloc : memref<!tpu.dma_semaphore, #tpu.memory_space<semaphore_mem>>
      tpu.enqueue_dma source(%arg2 : memref<16xi32, #tpu.memory_space<hbm>>) target(%arg25 : memref<16xi32, #tpu.memory_space<vmem>>) target_semaphore(%run_scoped3A_879 : memref<!tpu.dma_semaphore, #tpu.memory_space<semaphore_mem>>)
      tpu.wait_dma2 semaphore(%run_scoped3A_879 : memref<!tpu.dma_semaphore, #tpu.memory_space<semaphore_mem>>) src(%arg2 : memref<16xi32, #tpu.memory_space<hbm>>) dst(%arg25 : memref<16xi32, #tpu.memory_space<vmem>>)
      tpu.yield
    }) : () -> ()
    "tpu.region"() ({
      %run_scoped3A_879 = tpu.sem_alloc : memref<!tpu.dma_semaphore, #tpu.memory_space<semaphore_mem>>
      tpu.enqueue_dma source(%arg19 : memref<8x16xi32, #tpu.memory_space<hbm>>) target(%arg26 : memref<8x16xi32, #tpu.memory_space<vmem>>) target_semaphore(%run_scoped3A_879 : memref<!tpu.dma_semaphore, #tpu.memory_space<semaphore_mem>>)
      tpu.wait_dma2 semaphore(%run_scoped3A_879 : memref<!tpu.dma_semaphore, #tpu.memory_space<semaphore_mem>>) src(%arg19 : memref<8x16xi32, #tpu.memory_space<hbm>>) dst(%arg26 : memref<8x16xi32, #tpu.memory_space<vmem>>)
      tpu.yield
    }) : () -> ()
    "tpu.region"() ({
      %run_scoped3A_879 = tpu.sem_alloc : memref<!tpu.dma_semaphore, #tpu.memory_space<semaphore_mem>>
      tpu.enqueue_dma source(%arg20 : memref<4x16xf32, #tpu.memory_space<hbm>>) target(%arg27 : memref<4x16xf32, #tpu.memory_space<vmem>>) target_semaphore(%run_scoped3A_879 : memref<!tpu.dma_semaphore, #tpu.memory_space<semaphore_mem>>)
      tpu.wait_dma2 semaphore(%run_scoped3A_879 : memref<!tpu.dma_semaphore, #tpu.memory_space<semaphore_mem>>) src(%arg20 : memref<4x16xf32, #tpu.memory_space<hbm>>) dst(%arg27 : memref<4x16xf32, #tpu.memory_space<vmem>>)
      tpu.yield
    }) : () -> ()
    "tpu.region"() ({
      %run_scoped3A_879 = tpu.sem_alloc : memref<!tpu.dma_semaphore, #tpu.memory_space<semaphore_mem>>
      tpu.enqueue_dma source(%arg21 : memref<2x128xi32, #tpu.memory_space<hbm>>) target(%arg28 : memref<2x128xi32, #tpu.memory_space<vmem>>) target_semaphore(%run_scoped3A_879 : memref<!tpu.dma_semaphore, #tpu.memory_space<semaphore_mem>>)
      tpu.wait_dma2 semaphore(%run_scoped3A_879 : memref<!tpu.dma_semaphore, #tpu.memory_space<semaphore_mem>>) src(%arg21 : memref<2x128xi32, #tpu.memory_space<hbm>>) dst(%arg28 : memref<2x128xi32, #tpu.memory_space<vmem>>)
      tpu.yield
    }) : () -> ()
    %eq3A_10 = arith.constant 0 : i32
    %eq3A_11 = arith.cmpi eq, %arg1, %eq3A_10 : i32
    %convert_element_type3A_12 = arith.extui %eq3A_11 : i1 to i32
    %cond3A_13 = arith.constant 0 : i32
    %cond3A_14 = arith.cmpi ne, %convert_element_type3A_12, %cond3A_13 : i32
    scf.if %cond3A_14 {
      "tpu.region"() ({
        %run_scoped3A_879 = tpu.sem_alloc : memref<!tpu.dma_semaphore, #tpu.memory_space<semaphore_mem>>
        tpu.enqueue_dma source(%arg5 : memref<256xf32, #tpu.memory_space<hbm>>) target(%arg36 : memref<256xf32, #tpu.memory_space<vmem>>) target_semaphore(%run_scoped3A_879 : memref<!tpu.dma_semaphore, #tpu.memory_space<semaphore_mem>>)
        tpu.wait_dma2 semaphore(%run_scoped3A_879 : memref<!tpu.dma_semaphore, #tpu.memory_space<semaphore_mem>>) src(%arg5 : memref<256xf32, #tpu.memory_space<hbm>>) dst(%arg36 : memref<256xf32, #tpu.memory_space<vmem>>)
        tpu.yield
      }) : () -> ()
      "tpu.region"() ({
        %run_scoped3A_879 = tpu.sem_alloc : memref<!tpu.dma_semaphore, #tpu.memory_space<semaphore_mem>>
        tpu.enqueue_dma source(%arg36 : memref<256xf32, #tpu.memory_space<vmem>>) target(%arg41 : memref<256xf32, #tpu.memory_space<vmem_shared>>) target_semaphore(%run_scoped3A_879 : memref<!tpu.dma_semaphore, #tpu.memory_space<semaphore_mem>>)
        tpu.wait_dma2 semaphore(%run_scoped3A_879 : memref<!tpu.dma_semaphore, #tpu.memory_space<semaphore_mem>>) src(%arg36 : memref<256xf32, #tpu.memory_space<vmem>>) dst(%arg41 : memref<256xf32, #tpu.memory_space<vmem_shared>>)
        tpu.yield
      }) : () -> ()
      "tpu.region"() ({
        %run_scoped3A_879 = tpu.sem_alloc : memref<!tpu.dma_semaphore, #tpu.memory_space<semaphore_mem>>
        tpu.enqueue_dma source(%arg7 : memref<256xf32, #tpu.memory_space<hbm>>) target(%arg36 : memref<256xf32, #tpu.memory_space<vmem>>) target_semaphore(%run_scoped3A_879 : memref<!tpu.dma_semaphore, #tpu.memory_space<semaphore_mem>>)
        tpu.wait_dma2 semaphore(%run_scoped3A_879 : memref<!tpu.dma_semaphore, #tpu.memory_space<semaphore_mem>>) src(%arg7 : memref<256xf32, #tpu.memory_space<hbm>>) dst(%arg36 : memref<256xf32, #tpu.memory_space<vmem>>)
        tpu.yield
      }) : () -> ()
      "tpu.region"() ({
        %run_scoped3A_879 = tpu.sem_alloc : memref<!tpu.dma_semaphore, #tpu.memory_space<semaphore_mem>>
        tpu.enqueue_dma source(%arg36 : memref<256xf32, #tpu.memory_space<vmem>>) target(%arg42 : memref<256xf32, #tpu.memory_space<vmem_shared>>) target_semaphore(%run_scoped3A_879 : memref<!tpu.dma_semaphore, #tpu.memory_space<semaphore_mem>>)
        tpu.wait_dma2 semaphore(%run_scoped3A_879 : memref<!tpu.dma_semaphore, #tpu.memory_space<semaphore_mem>>) src(%arg36 : memref<256xf32, #tpu.memory_space<vmem>>) dst(%arg42 : memref<256xf32, #tpu.memory_space<vmem_shared>>)
        tpu.yield
      }) : () -> ()
      "tpu.region"() ({
        %run_scoped3A_879 = tpu.sem_alloc : memref<!tpu.dma_semaphore, #tpu.memory_space<semaphore_mem>>
        tpu.enqueue_dma source(%arg12 : memref<256xf32, #tpu.memory_space<hbm>>) target(%arg36 : memref<256xf32, #tpu.memory_space<vmem>>) target_semaphore(%run_scoped3A_879 : memref<!tpu.dma_semaphore, #tpu.memory_space<semaphore_mem>>)
        tpu.wait_dma2 semaphore(%run_scoped3A_879 : memref<!tpu.dma_semaphore, #tpu.memory_space<semaphore_mem>>) src(%arg12 : memref<256xf32, #tpu.memory_space<hbm>>) dst(%arg36 : memref<256xf32, #tpu.memory_space<vmem>>)
        tpu.yield
      }) : () -> ()
      "tpu.region"() ({
        %run_scoped3A_879 = tpu.sem_alloc : memref<!tpu.dma_semaphore, #tpu.memory_space<semaphore_mem>>
        tpu.enqueue_dma source(%arg36 : memref<256xf32, #tpu.memory_space<vmem>>) target(%arg44 : memref<256xf32, #tpu.memory_space<vmem_shared>>) target_semaphore(%run_scoped3A_879 : memref<!tpu.dma_semaphore, #tpu.memory_space<semaphore_mem>>)
        tpu.wait_dma2 semaphore(%run_scoped3A_879 : memref<!tpu.dma_semaphore, #tpu.memory_space<semaphore_mem>>) src(%arg36 : memref<256xf32, #tpu.memory_space<vmem>>) dst(%arg44 : memref<256xf32, #tpu.memory_space<vmem_shared>>)
        tpu.yield
      }) : () -> ()
      "tpu.region"() ({
        %run_scoped3A_879 = tpu.sem_alloc : memref<!tpu.dma_semaphore, #tpu.memory_space<semaphore_mem>>
        tpu.enqueue_dma source(%arg14 : memref<256xf32, #tpu.memory_space<hbm>>) target(%arg36 : memref<256xf32, #tpu.memory_space<vmem>>) target_semaphore(%run_scoped3A_879 : memref<!tpu.dma_semaphore, #tpu.memory_space<semaphore_mem>>)
        tpu.wait_dma2 semaphore(%run_scoped3A_879 : memref<!tpu.dma_semaphore, #tpu.memory_space<semaphore_mem>>) src(%arg14 : memref<256xf32, #tpu.memory_space<hbm>>) dst(%arg36 : memref<256xf32, #tpu.memory_space<vmem>>)
        tpu.yield
      }) : () -> ()
      "tpu.region"() ({
        %run_scoped3A_879 = tpu.sem_alloc : memref<!tpu.dma_semaphore, #tpu.memory_space<semaphore_mem>>
        tpu.enqueue_dma source(%arg36 : memref<256xf32, #tpu.memory_space<vmem>>) target(%arg45 : memref<256xf32, #tpu.memory_space<vmem_shared>>) target_semaphore(%run_scoped3A_879 : memref<!tpu.dma_semaphore, #tpu.memory_space<semaphore_mem>>)
        tpu.wait_dma2 semaphore(%run_scoped3A_879 : memref<!tpu.dma_semaphore, #tpu.memory_space<semaphore_mem>>) src(%arg36 : memref<256xf32, #tpu.memory_space<vmem>>) dst(%arg45 : memref<256xf32, #tpu.memory_space<vmem_shared>>)
        tpu.yield
      }) : () -> ()
      "tpu.region"() ({
        %run_scoped3A_879 = tpu.sem_alloc : memref<!tpu.dma_semaphore, #tpu.memory_space<semaphore_mem>>
        tpu.enqueue_dma source(%arg9 : memref<16xf32, #tpu.memory_space<hbm>>) target(%arg34 : memref<16xf32, #tpu.memory_space<vmem>>) target_semaphore(%run_scoped3A_879 : memref<!tpu.dma_semaphore, #tpu.memory_space<semaphore_mem>>)
        tpu.wait_dma2 semaphore(%run_scoped3A_879 : memref<!tpu.dma_semaphore, #tpu.memory_space<semaphore_mem>>) src(%arg9 : memref<16xf32, #tpu.memory_space<hbm>>) dst(%arg34 : memref<16xf32, #tpu.memory_space<vmem>>)
        tpu.yield
      }) : () -> ()
      "tpu.region"() ({
        %run_scoped3A_879 = tpu.sem_alloc : memref<!tpu.dma_semaphore, #tpu.memory_space<semaphore_mem>>
        tpu.enqueue_dma source(%arg34 : memref<16xf32, #tpu.memory_space<vmem>>) target(%arg43 : memref<16xf32, #tpu.memory_space<vmem_shared>>) target_semaphore(%run_scoped3A_879 : memref<!tpu.dma_semaphore, #tpu.memory_space<semaphore_mem>>)
        tpu.wait_dma2 semaphore(%run_scoped3A_879 : memref<!tpu.dma_semaphore, #tpu.memory_space<semaphore_mem>>) src(%arg34 : memref<16xf32, #tpu.memory_space<vmem>>) dst(%arg43 : memref<16xf32, #tpu.memory_space<vmem_shared>>)
        tpu.yield
      }) : () -> ()
      "tpu.region"() ({
        %run_scoped3A_879 = tpu.sem_alloc : memref<!tpu.dma_semaphore, #tpu.memory_space<semaphore_mem>>
        tpu.enqueue_dma source(%arg16 : memref<16xf32, #tpu.memory_space<hbm>>) target(%arg34 : memref<16xf32, #tpu.memory_space<vmem>>) target_semaphore(%run_scoped3A_879 : memref<!tpu.dma_semaphore, #tpu.memory_space<semaphore_mem>>)
        tpu.wait_dma2 semaphore(%run_scoped3A_879 : memref<!tpu.dma_semaphore, #tpu.memory_space<semaphore_mem>>) src(%arg16 : memref<16xf32, #tpu.memory_space<hbm>>) dst(%arg34 : memref<16xf32, #tpu.memory_space<vmem>>)
        tpu.yield
      }) : () -> ()
      "tpu.region"() ({
        %run_scoped3A_879 = tpu.sem_alloc : memref<!tpu.dma_semaphore, #tpu.memory_space<semaphore_mem>>
        tpu.enqueue_dma source(%arg34 : memref<16xf32, #tpu.memory_space<vmem>>) target(%arg46 : memref<16xf32, #tpu.memory_space<vmem_shared>>) target_semaphore(%run_scoped3A_879 : memref<!tpu.dma_semaphore, #tpu.memory_space<semaphore_mem>>)
        tpu.wait_dma2 semaphore(%run_scoped3A_879 : memref<!tpu.dma_semaphore, #tpu.memory_space<semaphore_mem>>) src(%arg34 : memref<16xf32, #tpu.memory_space<vmem>>) dst(%arg46 : memref<16xf32, #tpu.memory_space<vmem_shared>>)
        tpu.yield
      }) : () -> ()
    } else {
    }
    "tpu.region"() ({
      %run_scoped3A_879 = tpu.sem_alloc : memref<!tpu.dma_semaphore, #tpu.memory_space<semaphore_mem>>
      %dma_start3A = arith.constant 0 : i32
      %dma_start3A_880 = arith.constant 0 : i32
      %dma_start3A_881 = tpu.memref_slice %arg3[%dma_start3A, %dma_start3A_880] : memref<100001x256xf32, #tpu.memory_space<hbm>> -> memref<100001x256xf32, #tpu.memory_space<hbm>>
      tpu.enqueue_indirect_dma source(%dma_start3A_881 : memref<100001x256xf32, #tpu.memory_space<hbm>>) target(%arg29 : memref<16x256xf32, #tpu.memory_space<vmem>>) offsets(%arg25 : memref<16xi32, #tpu.memory_space<vmem>>) semaphore(%run_scoped3A_879 : memref<!tpu.dma_semaphore, #tpu.memory_space<semaphore_mem>>)
      %dma_wait3A = arith.constant 0 : i32
      %dma_wait3A_882 = arith.constant 0 : i32
      %dma_wait3A_883 = tpu.memref_slice %arg3[%dma_wait3A, %dma_wait3A_882] : memref<100001x256xf32, #tpu.memory_space<hbm>> -> memref<100001x256xf32, #tpu.memory_space<hbm>>
      tpu.wait_indirect_dma semaphore(%run_scoped3A_879 : memref<!tpu.dma_semaphore, #tpu.memory_space<semaphore_mem>>) src(%dma_wait3A_883 : memref<100001x256xf32, #tpu.memory_space<hbm>>) dst(%arg29 : memref<16x256xf32, #tpu.memory_space<vmem>>)
      tpu.yield
    }) : () -> ()
    %mul3A_15 = arith.constant 16 : i32
    %mul3A_16 = arith.muli %arg1, %mul3A_15 : i32
    "tpu.region"() ({
      %run_scoped3A_879 = tpu.sem_alloc : memref<!tpu.dma_semaphore, #tpu.memory_space<semaphore_mem>>
      %dma_start3A = arith.constant 0 : i32
      %dma_start3A_880 = tpu.memref_slice %arg4[%mul3A_16, %dma_start3A] : memref<256x256xf32, #tpu.memory_space<hbm>> -> memref<16x256xf32, #tpu.memory_space<hbm>>
      %dma_start3A_881 = arith.constant 0 : i32
      %dma_start3A_882 = tpu.memref_slice %arg4[%mul3A_16, %dma_start3A_881] : memref<256x256xf32, #tpu.memory_space<hbm>> -> memref<16x256xf32, #tpu.memory_space<hbm>>
      tpu.enqueue_dma source(%dma_start3A_882 : memref<16x256xf32, #tpu.memory_space<hbm>>) target(%arg30 : memref<16x256xf32, #tpu.memory_space<vmem>>) target_semaphore(%run_scoped3A_879 : memref<!tpu.dma_semaphore, #tpu.memory_space<semaphore_mem>>)
      %dma_wait3A = arith.constant 0 : i32
      %dma_wait3A_883 = tpu.memref_slice %arg4[%mul3A_16, %dma_wait3A] : memref<256x256xf32, #tpu.memory_space<hbm>> -> memref<16x256xf32, #tpu.memory_space<hbm>>
      %dma_wait3A_884 = arith.constant 0 : i32
      %dma_wait3A_885 = tpu.memref_slice %arg4[%mul3A_16, %dma_wait3A_884] : memref<256x256xf32, #tpu.memory_space<hbm>> -> memref<16x256xf32, #tpu.memory_space<hbm>>
      tpu.wait_dma2 semaphore(%run_scoped3A_879 : memref<!tpu.dma_semaphore, #tpu.memory_space<semaphore_mem>>) src(%dma_wait3A_885 : memref<16x256xf32, #tpu.memory_space<hbm>>) dst(%arg30 : memref<16x256xf32, #tpu.memory_space<vmem>>)
      tpu.yield
    }) : () -> ()
    %mul3A_17 = arith.constant 16 : i32
    %mul3A_18 = arith.muli %arg1, %mul3A_17 : i32
    "tpu.region"() ({
      %run_scoped3A_879 = tpu.sem_alloc : memref<!tpu.dma_semaphore, #tpu.memory_space<semaphore_mem>>
      %dma_start3A = arith.constant 0 : i32
      %dma_start3A_880 = tpu.memref_slice %arg6[%mul3A_18, %dma_start3A] : memref<256x256xf32, #tpu.memory_space<hbm>> -> memref<16x256xf32, #tpu.memory_space<hbm>>
      %dma_start3A_881 = arith.constant 0 : i32
      %dma_start3A_882 = tpu.memref_slice %arg6[%mul3A_18, %dma_start3A_881] : memref<256x256xf32, #tpu.memory_space<hbm>> -> memref<16x256xf32, #tpu.memory_space<hbm>>
      tpu.enqueue_dma source(%dma_start3A_882 : memref<16x256xf32, #tpu.memory_space<hbm>>) target(%arg31 : memref<16x256xf32, #tpu.memory_space<vmem>>) target_semaphore(%run_scoped3A_879 : memref<!tpu.dma_semaphore, #tpu.memory_space<semaphore_mem>>)
      %dma_wait3A = arith.constant 0 : i32
      %dma_wait3A_883 = tpu.memref_slice %arg6[%mul3A_18, %dma_wait3A] : memref<256x256xf32, #tpu.memory_space<hbm>> -> memref<16x256xf32, #tpu.memory_space<hbm>>
      %dma_wait3A_884 = arith.constant 0 : i32
      %dma_wait3A_885 = tpu.memref_slice %arg6[%mul3A_18, %dma_wait3A_884] : memref<256x256xf32, #tpu.memory_space<hbm>> -> memref<16x256xf32, #tpu.memory_space<hbm>>
      tpu.wait_dma2 semaphore(%run_scoped3A_879 : memref<!tpu.dma_semaphore, #tpu.memory_space<semaphore_mem>>) src(%dma_wait3A_885 : memref<16x256xf32, #tpu.memory_space<hbm>>) dst(%arg31 : memref<16x256xf32, #tpu.memory_space<vmem>>)
      tpu.yield
    }) : () -> ()
    %mul3A_19 = arith.constant 16 : i32
    %mul3A_20 = arith.muli %arg1, %mul3A_19 : i32
    "tpu.region"() ({
      %run_scoped3A_879 = tpu.sem_alloc : memref<!tpu.dma_semaphore, #tpu.memory_space<semaphore_mem>>
      %dma_start3A = arith.constant 0 : i32
      %dma_start3A_880 = tpu.memref_slice %arg8[%mul3A_20, %dma_start3A] : memref<256x16xf32, #tpu.memory_space<hbm>> -> memref<16x16xf32, #tpu.memory_space<hbm>>
      %dma_start3A_881 = arith.constant 0 : i32
      %dma_start3A_882 = tpu.memref_slice %arg8[%mul3A_20, %dma_start3A_881] : memref<256x16xf32, #tpu.memory_space<hbm>> -> memref<16x16xf32, #tpu.memory_space<hbm>>
      tpu.enqueue_dma source(%dma_start3A_882 : memref<16x16xf32, #tpu.memory_space<hbm>>) target(%arg32 : memref<16x16xf32, #tpu.memory_space<vmem>>) target_semaphore(%run_scoped3A_879 : memref<!tpu.dma_semaphore, #tpu.memory_space<semaphore_mem>>)
      %dma_wait3A = arith.constant 0 : i32
      %dma_wait3A_883 = tpu.memref_slice %arg8[%mul3A_20, %dma_wait3A] : memref<256x16xf32, #tpu.memory_space<hbm>> -> memref<16x16xf32, #tpu.memory_space<hbm>>
      %dma_wait3A_884 = arith.constant 0 : i32
      %dma_wait3A_885 = tpu.memref_slice %arg8[%mul3A_20, %dma_wait3A_884] : memref<256x16xf32, #tpu.memory_space<hbm>> -> memref<16x16xf32, #tpu.memory_space<hbm>>
      tpu.wait_dma2 semaphore(%run_scoped3A_879 : memref<!tpu.dma_semaphore, #tpu.memory_space<semaphore_mem>>) src(%dma_wait3A_885 : memref<16x16xf32, #tpu.memory_space<hbm>>) dst(%arg32 : memref<16x16xf32, #tpu.memory_space<vmem>>)
      tpu.yield
    }) : () -> ()
    %barrier3A = arith.constant 0 : index
    tpu.barrier barrier_id(%barrier3A)
    %mul3A_21 = arith.constant 16 : i32
    %mul3A_22 = arith.muli %arg1, %mul3A_21 : i32
    %add3A = vector.broadcast %mul3A_22 : i32 to vector<16xi32>
    %add3A_23 = arith.addi %add3A, %iota3A : vector<16xi32>
    %gather3A = tpu.vector_load_idx %arg29[%broadcast_in_dim3A_0, %add3A_23] : memref<16x256xf32, #tpu.memory_space<vmem>>[vector<16xi32>, vector<16xi32>], vector<16xf32>,
    %swap3A = arith.constant 16 : index
    %swap3A_24 = tpu.vector_load %arg35[%swap3A] {strides = array<i32>} : memref<32xf32, #tpu.memory_space<vmem>>, vector<16xf32>,
    tpu.vector_store %arg35[%swap3A], %gather3A {strides = array<i32>} : memref<32xf32, #tpu.memory_space<vmem>>, vector<16xf32>,
    %broadcast_in_dim3A_25 = arith.constant 16 : i32
    %broadcast_in_dim3A_26 = vector.broadcast %broadcast_in_dim3A_25 : i32 to vector<16xi32>
    %gather3A_27 = tpu.vector_load_idx %arg35[%broadcast_in_dim3A_26] : memref<32xf32, #tpu.memory_space<vmem>>[vector<16xi32>], vector<16xf32>,
    %broadcast_in_dim3A_28 = arith.constant 17 : i32
    %broadcast_in_dim3A_29 = vector.broadcast %broadcast_in_dim3A_28 : i32 to vector<16xi32>
    %gather3A_30 = tpu.vector_load_idx %arg35[%broadcast_in_dim3A_29] : memref<32xf32, #tpu.memory_space<vmem>>[vector<16xi32>], vector<16xf32>,
    %broadcast_in_dim3A_31 = arith.constant 18 : i32
    %broadcast_in_dim3A_32 = vector.broadcast %broadcast_in_dim3A_31 : i32 to vector<16xi32>
    %gather3A_33 = tpu.vector_load_idx %arg35[%broadcast_in_dim3A_32] : memref<32xf32, #tpu.memory_space<vmem>>[vector<16xi32>], vector<16xf32>,
    %broadcast_in_dim3A_34 = arith.constant 19 : i32
    %broadcast_in_dim3A_35 = vector.broadcast %broadcast_in_dim3A_34 : i32 to vector<16xi32>
    %gather3A_36 = tpu.vector_load_idx %arg35[%broadcast_in_dim3A_35] : memref<32xf32, #tpu.memory_space<vmem>>[vector<16xi32>], vector<16xf32>,
    %broadcast_in_dim3A_37 = arith.constant 20 : i32
    %broadcast_in_dim3A_38 = vector.broadcast %broadcast_in_dim3A_37 : i32 to vector<16xi32>
    %gather3A_39 = tpu.vector_load_idx %arg35[%broadcast_in_dim3A_38] : memref<32xf32, #tpu.memory_space<vmem>>[vector<16xi32>], vector<16xf32>,
    %broadcast_in_dim3A_40 = arith.constant 21 : i32
    %broadcast_in_dim3A_41 = vector.broadcast %broadcast_in_dim3A_40 : i32 to vector<16xi32>
    %gather3A_42 = tpu.vector_load_idx %arg35[%broadcast_in_dim3A_41] : memref<32xf32, #tpu.memory_space<vmem>>[vector<16xi32>], vector<16xf32>,
    %broadcast_in_dim3A_43 = arith.constant 22 : i32
    %broadcast_in_dim3A_44 = vector.broadcast %broadcast_in_dim3A_43 : i32 to vector<16xi32>
    %gather3A_45 = tpu.vector_load_idx %arg35[%broadcast_in_dim3A_44] : memref<32xf32, #tpu.memory_space<vmem>>[vector<16xi32>], vector<16xf32>,
    %broadcast_in_dim3A_46 = arith.constant 23 : i32
    %broadcast_in_dim3A_47 = vector.broadcast %broadcast_in_dim3A_46 : i32 to vector<16xi32>
    %gather3A_48 = tpu.vector_load_idx %arg35[%broadcast_in_dim3A_47] : memref<32xf32, #tpu.memory_space<vmem>>[vector<16xi32>], vector<16xf32>,
    %broadcast_in_dim3A_49 = arith.constant 24 : i32
    %broadcast_in_dim3A_50 = vector.broadcast %broadcast_in_dim3A_49 : i32 to vector<16xi32>
    %gather3A_51 = tpu.vector_load_idx %arg35[%broadcast_in_dim3A_50] : memref<32xf32, #tpu.memory_space<vmem>>[vector<16xi32>], vector<16xf32>,
    %broadcast_in_dim3A_52 = arith.constant 25 : i32
    %broadcast_in_dim3A_53 = vector.broadcast %broadcast_in_dim3A_52 : i32 to vector<16xi32>
    %gather3A_54 = tpu.vector_load_idx %arg35[%broadcast_in_dim3A_53] : memref<32xf32, #tpu.memory_space<vmem>>[vector<16xi32>], vector<16xf32>,
    %broadcast_in_dim3A_55 = arith.constant 26 : i32
    %broadcast_in_dim3A_56 = vector.broadcast %broadcast_in_dim3A_55 : i32 to vector<16xi32>
    %gather3A_57 = tpu.vector_load_idx %arg35[%broadcast_in_dim3A_56] : memref<32xf32, #tpu.memory_space<vmem>>[vector<16xi32>], vector<16xf32>,
    %broadcast_in_dim3A_58 = arith.constant 27 : i32
    %broadcast_in_dim3A_59 = vector.broadcast %broadcast_in_dim3A_58 : i32 to vector<16xi32>
    %gather3A_60 = tpu.vector_load_idx %arg35[%broadcast_in_dim3A_59] : memref<32xf32, #tpu.memory_space<vmem>>[vector<16xi32>], vector<16xf32>,
    %broadcast_in_dim3A_61 = arith.constant 28 : i32
    %broadcast_in_dim3A_62 = vector.broadcast %broadcast_in_dim3A_61 : i32 to vector<16xi32>
    %gather3A_63 = tpu.vector_load_idx %arg35[%broadcast_in_dim3A_62] : memref<32xf32, #tpu.memory_space<vmem>>[vector<16xi32>], vector<16xf32>,
    %broadcast_in_dim3A_64 = arith.constant 29 : i32
    %broadcast_in_dim3A_65 = vector.broadcast %broadcast_in_dim3A_64 : i32 to vector<16xi32>
    %gather3A_66 = tpu.vector_load_idx %arg35[%broadcast_in_dim3A_65] : memref<32xf32, #tpu.memory_space<vmem>>[vector<16xi32>], vector<16xf32>,
    %broadcast_in_dim3A_67 = arith.constant 30 : i32
    %broadcast_in_dim3A_68 = vector.broadcast %broadcast_in_dim3A_67 : i32 to vector<16xi32>
    %gather3A_69 = tpu.vector_load_idx %arg35[%broadcast_in_dim3A_68] : memref<32xf32, #tpu.memory_space<vmem>>[vector<16xi32>], vector<16xf32>,
    %broadcast_in_dim3A_70 = arith.constant 31 : i32
    %broadcast_in_dim3A_71 = vector.broadcast %broadcast_in_dim3A_70 : i32 to vector<16xi32>
    %gather3A_72 = tpu.vector_load_idx %arg35[%broadcast_in_dim3A_71] : memref<32xf32, #tpu.memory_space<vmem>>[vector<16xi32>], vector<16xf32>,
    %scan3A = arith.constant 0 : i32
    %scan3A_73 = arith.constant 0 : i32
    %scan3A_74 = arith.constant 16 : i32
    %scan3A_75 = arith.addi %scan3A_73, %scan3A_74 : i32
    %scan3A_76 = arith.constant 2 : i32
    scf.for %scan3A_879 = %scan3A_73 to %scan3A_75 step %scan3A_76  : i32 {
      %broadcast_in_dim3A_880 = arith.constant 0 : i32
      %broadcast_in_dim3A_881 = vector.broadcast %broadcast_in_dim3A_880 : i32 to vector<16xi32>
      %mul3A_882 = arith.constant 16 : i32
      %mul3A_883 = arith.muli %scan3A_879, %mul3A_882 : i32
      %add3A_884 = vector.broadcast %mul3A_883 : i32 to vector<16xi32>
      %add3A_885 = arith.addi %add3A_884, %iota3A : vector<16xi32>
      %gather3A_886 = tpu.vector_load_idx %arg30[%broadcast_in_dim3A_881, %add3A_885] : memref<16x256xf32, #tpu.memory_space<vmem>>[vector<16xi32>, vector<16xi32>], vector<16xf32>,
      %mul3A_887 = arith.mulf %gather3A_27, %gather3A_886 : vector<16xf32>
      %broadcast_in_dim3A_888 = arith.constant 1 : i32
      %broadcast_in_dim3A_889 = vector.broadcast %broadcast_in_dim3A_888 : i32 to vector<16xi32>
      %mul3A_890 = arith.constant 16 : i32
      %mul3A_891 = arith.muli %scan3A_879, %mul3A_890 : i32
      %add3A_892 = vector.broadcast %mul3A_891 : i32 to vector<16xi32>
      %add3A_893 = arith.addi %add3A_892, %iota3A : vector<16xi32>
      %gather3A_894 = tpu.vector_load_idx %arg30[%broadcast_in_dim3A_889, %add3A_893] : memref<16x256xf32, #tpu.memory_space<vmem>>[vector<16xi32>, vector<16xi32>], vector<16xf32>,
      %mul3A_895 = arith.mulf %gather3A_30, %gather3A_894 : vector<16xf32>
      %add3A_896 = arith.addf %mul3A_887, %mul3A_895 : vector<16xf32>
      %broadcast_in_dim3A_897 = arith.constant 2 : i32
      %broadcast_in_dim3A_898 = vector.broadcast %broadcast_in_dim3A_897 : i32 to vector<16xi32>
      %mul3A_899 = arith.constant 16 : i32
      %mul3A_900 = arith.muli %scan3A_879, %mul3A_899 : i32
      %add3A_901 = vector.broadcast %mul3A_900 : i32 to vector<16xi32>
      %add3A_902 = arith.addi %add3A_901, %iota3A : vector<16xi32>
      %gather3A_903 = tpu.vector_load_idx %arg30[%broadcast_in_dim3A_898, %add3A_902] : memref<16x256xf32, #tpu.memory_space<vmem>>[vector<16xi32>, vector<16xi32>], vector<16xf32>,
      %mul3A_904 = arith.mulf %gather3A_33, %gather3A_903 : vector<16xf32>
      %add3A_905 = arith.addf %add3A_896, %mul3A_904 : vector<16xf32>
      %broadcast_in_dim3A_906 = arith.constant 3 : i32
      %broadcast_in_dim3A_907 = vector.broadcast %broadcast_in_dim3A_906 : i32 to vector<16xi32>
      %mul3A_908 = arith.constant 16 : i32
      %mul3A_909 = arith.muli %scan3A_879, %mul3A_908 : i32
      %add3A_910 = vector.broadcast %mul3A_909 : i32 to vector<16xi32>
      %add3A_911 = arith.addi %add3A_910, %iota3A : vector<16xi32>
      %gather3A_912 = tpu.vector_load_idx %arg30[%broadcast_in_dim3A_907, %add3A_911] : memref<16x256xf32, #tpu.memory_space<vmem>>[vector<16xi32>, vector<16xi32>], vector<16xf32>,
      %mul3A_913 = arith.mulf %gather3A_36, %gather3A_912 : vector<16xf32>
      %add3A_914 = arith.addf %add3A_905, %mul3A_913 : vector<16xf32>
      %broadcast_in_dim3A_915 = arith.constant 4 : i32
      %broadcast_in_dim3A_916 = vector.broadcast %broadcast_in_dim3A_915 : i32 to vector<16xi32>
      %mul3A_917 = arith.constant 16 : i32
      %mul3A_918 = arith.muli %scan3A_879, %mul3A_917 : i32
      %add3A_919 = vector.broadcast %mul3A_918 : i32 to vector<16xi32>
      %add3A_920 = arith.addi %add3A_919, %iota3A : vector<16xi32>
      %gather3A_921 = tpu.vector_load_idx %arg30[%broadcast_in_dim3A_916, %add3A_920] : memref<16x256xf32, #tpu.memory_space<vmem>>[vector<16xi32>, vector<16xi32>], vector<16xf32>,
      %mul3A_922 = arith.mulf %gather3A_39, %gather3A_921 : vector<16xf32>
      %add3A_923 = arith.addf %add3A_914, %mul3A_922 : vector<16xf32>
      %broadcast_in_dim3A_924 = arith.constant 5 : i32
      %broadcast_in_dim3A_925 = vector.broadcast %broadcast_in_dim3A_924 : i32 to vector<16xi32>
      %mul3A_926 = arith.constant 16 : i32
      %mul3A_927 = arith.muli %scan3A_879, %mul3A_926 : i32
      %add3A_928 = vector.broadcast %mul3A_927 : i32 to vector<16xi32>
      %add3A_929 = arith.addi %add3A_928, %iota3A : vector<16xi32>
      %gather3A_930 = tpu.vector_load_idx %arg30[%broadcast_in_dim3A_925, %add3A_929] : memref<16x256xf32, #tpu.memory_space<vmem>>[vector<16xi32>, vector<16xi32>], vector<16xf32>,
      %mul3A_931 = arith.mulf %gather3A_42, %gather3A_930 : vector<16xf32>
      %add3A_932 = arith.addf %add3A_923, %mul3A_931 : vector<16xf32>
      %broadcast_in_dim3A_933 = arith.constant 6 : i32
      %broadcast_in_dim3A_934 = vector.broadcast %broadcast_in_dim3A_933 : i32 to vector<16xi32>
      %mul3A_935 = arith.constant 16 : i32
      %mul3A_936 = arith.muli %scan3A_879, %mul3A_935 : i32
      %add3A_937 = vector.broadcast %mul3A_936 : i32 to vector<16xi32>
      %add3A_938 = arith.addi %add3A_937, %iota3A : vector<16xi32>
      %gather3A_939 = tpu.vector_load_idx %arg30[%broadcast_in_dim3A_934, %add3A_938] : memref<16x256xf32, #tpu.memory_space<vmem>>[vector<16xi32>, vector<16xi32>], vector<16xf32>,
      %mul3A_940 = arith.mulf %gather3A_45, %gather3A_939 : vector<16xf32>
      %add3A_941 = arith.addf %add3A_932, %mul3A_940 : vector<16xf32>
      %broadcast_in_dim3A_942 = arith.constant 7 : i32
      %broadcast_in_dim3A_943 = vector.broadcast %broadcast_in_dim3A_942 : i32 to vector<16xi32>
      %mul3A_944 = arith.constant 16 : i32
      %mul3A_945 = arith.muli %scan3A_879, %mul3A_944 : i32
      %add3A_946 = vector.broadcast %mul3A_945 : i32 to vector<16xi32>
      %add3A_947 = arith.addi %add3A_946, %iota3A : vector<16xi32>
      %gather3A_948 = tpu.vector_load_idx %arg30[%broadcast_in_dim3A_943, %add3A_947] : memref<16x256xf32, #tpu.memory_space<vmem>>[vector<16xi32>, vector<16xi32>], vector<16xf32>,
      %mul3A_949 = arith.mulf %gather3A_48, %gather3A_948 : vector<16xf32>
      %add3A_950 = arith.addf %add3A_941, %mul3A_949 : vector<16xf32>
      %broadcast_in_dim3A_951 = arith.constant 8 : i32
      %broadcast_in_dim3A_952 = vector.broadcast %broadcast_in_dim3A_951 : i32 to vector<16xi32>
      %mul3A_953 = arith.constant 16 : i32
      %mul3A_954 = arith.muli %scan3A_879, %mul3A_953 : i32
      %add3A_955 = vector.broadcast %mul3A_954 : i32 to vector<16xi32>
      %add3A_956 = arith.addi %add3A_955, %iota3A : vector<16xi32>
      %gather3A_957 = tpu.vector_load_idx %arg30[%broadcast_in_dim3A_952, %add3A_956] : memref<16x256xf32, #tpu.memory_space<vmem>>[vector<16xi32>, vector<16xi32>], vector<16xf32>,
      %mul3A_958 = arith.mulf %gather3A_51, %gather3A_957 : vector<16xf32>
      %add3A_959 = arith.addf %add3A_950, %mul3A_958 : vector<16xf32>
      %broadcast_in_dim3A_960 = arith.constant 9 : i32
      %broadcast_in_dim3A_961 = vector.broadcast %broadcast_in_dim3A_960 : i32 to vector<16xi32>
      %mul3A_962 = arith.constant 16 : i32
      %mul3A_963 = arith.muli %scan3A_879, %mul3A_962 : i32
      %add3A_964 = vector.broadcast %mul3A_963 : i32 to vector<16xi32>
      %add3A_965 = arith.addi %add3A_964, %iota3A : vector<16xi32>
      %gather3A_966 = tpu.vector_load_idx %arg30[%broadcast_in_dim3A_961, %add3A_965] : memref<16x256xf32, #tpu.memory_space<vmem>>[vector<16xi32>, vector<16xi32>], vector<16xf32>,
      %mul3A_967 = arith.mulf %gather3A_54, %gather3A_966 : vector<16xf32>
      %add3A_968 = arith.addf %add3A_959, %mul3A_967 : vector<16xf32>
      %broadcast_in_dim3A_969 = arith.constant 10 : i32
      %broadcast_in_dim3A_970 = vector.broadcast %broadcast_in_dim3A_969 : i32 to vector<16xi32>
      %mul3A_971 = arith.constant 16 : i32
      %mul3A_972 = arith.muli %scan3A_879, %mul3A_971 : i32
      %add3A_973 = vector.broadcast %mul3A_972 : i32 to vector<16xi32>
      %add3A_974 = arith.addi %add3A_973, %iota3A : vector<16xi32>
      %gather3A_975 = tpu.vector_load_idx %arg30[%broadcast_in_dim3A_970, %add3A_974] : memref<16x256xf32, #tpu.memory_space<vmem>>[vector<16xi32>, vector<16xi32>], vector<16xf32>,
      %mul3A_976 = arith.mulf %gather3A_57, %gather3A_975 : vector<16xf32>
      %add3A_977 = arith.addf %add3A_968, %mul3A_976 : vector<16xf32>
      %broadcast_in_dim3A_978 = arith.constant 11 : i32
      %broadcast_in_dim3A_979 = vector.broadcast %broadcast_in_dim3A_978 : i32 to vector<16xi32>
      %mul3A_980 = arith.constant 16 : i32
      %mul3A_981 = arith.muli %scan3A_879, %mul3A_980 : i32
      %add3A_982 = vector.broadcast %mul3A_981 : i32 to vector<16xi32>
      %add3A_983 = arith.addi %add3A_982, %iota3A : vector<16xi32>
      %gather3A_984 = tpu.vector_load_idx %arg30[%broadcast_in_dim3A_979, %add3A_983] : memref<16x256xf32, #tpu.memory_space<vmem>>[vector<16xi32>, vector<16xi32>], vector<16xf32>,
      %mul3A_985 = arith.mulf %gather3A_60, %gather3A_984 : vector<16xf32>
      %add3A_986 = arith.addf %add3A_977, %mul3A_985 : vector<16xf32>
      %broadcast_in_dim3A_987 = arith.constant 12 : i32
      %broadcast_in_dim3A_988 = vector.broadcast %broadcast_in_dim3A_987 : i32 to vector<16xi32>
      %mul3A_989 = arith.constant 16 : i32
      %mul3A_990 = arith.muli %scan3A_879, %mul3A_989 : i32
      %add3A_991 = vector.broadcast %mul3A_990 : i32 to vector<16xi32>
      %add3A_992 = arith.addi %add3A_991, %iota3A : vector<16xi32>
      %gather3A_993 = tpu.vector_load_idx %arg30[%broadcast_in_dim3A_988, %add3A_992] : memref<16x256xf32, #tpu.memory_space<vmem>>[vector<16xi32>, vector<16xi32>], vector<16xf32>,
      %mul3A_994 = arith.mulf %gather3A_63, %gather3A_993 : vector<16xf32>
      %add3A_995 = arith.addf %add3A_986, %mul3A_994 : vector<16xf32>
      %broadcast_in_dim3A_996 = arith.constant 13 : i32
      %broadcast_in_dim3A_997 = vector.broadcast %broadcast_in_dim3A_996 : i32 to vector<16xi32>
      %mul3A_998 = arith.constant 16 : i32
      %mul3A_999 = arith.muli %scan3A_879, %mul3A_998 : i32
      %add3A_1000 = vector.broadcast %mul3A_999 : i32 to vector<16xi32>
      %add3A_1001 = arith.addi %add3A_1000, %iota3A : vector<16xi32>
      %gather3A_1002 = tpu.vector_load_idx %arg30[%broadcast_in_dim3A_997, %add3A_1001] : memref<16x256xf32, #tpu.memory_space<vmem>>[vector<16xi32>, vector<16xi32>], vector<16xf32>,
      %mul3A_1003 = arith.mulf %gather3A_66, %gather3A_1002 : vector<16xf32>
      %add3A_1004 = arith.addf %add3A_995, %mul3A_1003 : vector<16xf32>
      %broadcast_in_dim3A_1005 = arith.constant 14 : i32
      %broadcast_in_dim3A_1006 = vector.broadcast %broadcast_in_dim3A_1005 : i32 to vector<16xi32>
      %mul3A_1007 = arith.constant 16 : i32
      %mul3A_1008 = arith.muli %scan3A_879, %mul3A_1007 : i32
      %add3A_1009 = vector.broadcast %mul3A_1008 : i32 to vector<16xi32>
      %add3A_1010 = arith.addi %add3A_1009, %iota3A : vector<16xi32>
      %gather3A_1011 = tpu.vector_load_idx %arg30[%broadcast_in_dim3A_1006, %add3A_1010] : memref<16x256xf32, #tpu.memory_space<vmem>>[vector<16xi32>, vector<16xi32>], vector<16xf32>,
      %mul3A_1012 = arith.mulf %gather3A_69, %gather3A_1011 : vector<16xf32>
      %add3A_1013 = arith.addf %add3A_1004, %mul3A_1012 : vector<16xf32>
      %broadcast_in_dim3A_1014 = arith.constant 15 : i32
      %broadcast_in_dim3A_1015 = vector.broadcast %broadcast_in_dim3A_1014 : i32 to vector<16xi32>
      %mul3A_1016 = arith.constant 16 : i32
      %mul3A_1017 = arith.muli %scan3A_879, %mul3A_1016 : i32
      %add3A_1018 = vector.broadcast %mul3A_1017 : i32 to vector<16xi32>
      %add3A_1019 = arith.addi %add3A_1018, %iota3A : vector<16xi32>
      %gather3A_1020 = tpu.vector_load_idx %arg30[%broadcast_in_dim3A_1015, %add3A_1019] : memref<16x256xf32, #tpu.memory_space<vmem>>[vector<16xi32>, vector<16xi32>], vector<16xf32>,
      %mul3A_1021 = arith.mulf %gather3A_72, %gather3A_1020 : vector<16xf32>
      %add3A_1022 = arith.addf %add3A_1013, %mul3A_1021 : vector<16xf32>
      %mul3A_1023 = arith.constant 16 : i32
      %mul3A_1024 = arith.muli %scan3A_879, %mul3A_1023 : i32
      %swap3A_1025 = arith.index_cast %mul3A_1024 : i32 to index
      %swap3A_1026 = tpu.vector_load %arg33[%swap3A_1025] {strides = array<i32>} : memref<256xf32, #tpu.memory_space<vmem>>, vector<16xf32>,
      tpu.vector_store %arg33[%swap3A_1025], %add3A_1022 {strides = array<i32>} : memref<256xf32, #tpu.memory_space<vmem>>, vector<16xf32>,
      %scan3A_1027 = arith.constant 1 : i32
      %scan3A_1028 = arith.addi %scan3A_879, %scan3A_1027 : i32
      %broadcast_in_dim3A_1029 = arith.constant 0 : i32
      %broadcast_in_dim3A_1030 = vector.broadcast %broadcast_in_dim3A_1029 : i32 to vector<16xi32>
      %mul3A_1031 = arith.constant 16 : i32
      %mul3A_1032 = arith.muli %scan3A_1028, %mul3A_1031 : i32
      %add3A_1033 = vector.broadcast %mul3A_1032 : i32 to vector<16xi32>
      %add3A_1034 = arith.addi %add3A_1033, %iota3A : vector<16xi32>
      %gather3A_1035 = tpu.vector_load_idx %arg30[%broadcast_in_dim3A_1030, %add3A_1034] : memref<16x256xf32, #tpu.memory_space<vmem>>[vector<16xi32>, vector<16xi32>], vector<16xf32>,
      %mul3A_1036 = arith.mulf %gather3A_27, %gather3A_1035 : vector<16xf32>
      %broadcast_in_dim3A_1037 = arith.constant 1 : i32
      %broadcast_in_dim3A_1038 = vector.broadcast %broadcast_in_dim3A_1037 : i32 to vector<16xi32>
      %mul3A_1039 = arith.constant 16 : i32
      %mul3A_1040 = arith.muli %scan3A_1028, %mul3A_1039 : i32
      %add3A_1041 = vector.broadcast %mul3A_1040 : i32 to vector<16xi32>
      %add3A_1042 = arith.addi %add3A_1041, %iota3A : vector<16xi32>
      %gather3A_1043 = tpu.vector_load_idx %arg30[%broadcast_in_dim3A_1038, %add3A_1042] : memref<16x256xf32, #tpu.memory_space<vmem>>[vector<16xi32>, vector<16xi32>], vector<16xf32>,
      %mul3A_1044 = arith.mulf %gather3A_30, %gather3A_1043 : vector<16xf32>
      %add3A_1045 = arith.addf %mul3A_1036, %mul3A_1044 : vector<16xf32>
      %broadcast_in_dim3A_1046 = arith.constant 2 : i32
      %broadcast_in_dim3A_1047 = vector.broadcast %broadcast_in_dim3A_1046 : i32 to vector<16xi32>
      %mul3A_1048 = arith.constant 16 : i32
      %mul3A_1049 = arith.muli %scan3A_1028, %mul3A_1048 : i32
      %add3A_1050 = vector.broadcast %mul3A_1049 : i32 to vector<16xi32>
      %add3A_1051 = arith.addi %add3A_1050, %iota3A : vector<16xi32>
      %gather3A_1052 = tpu.vector_load_idx %arg30[%broadcast_in_dim3A_1047, %add3A_1051] : memref<16x256xf32, #tpu.memory_space<vmem>>[vector<16xi32>, vector<16xi32>], vector<16xf32>,
      %mul3A_1053 = arith.mulf %gather3A_33, %gather3A_1052 : vector<16xf32>
      %add3A_1054 = arith.addf %add3A_1045, %mul3A_1053 : vector<16xf32>
      %broadcast_in_dim3A_1055 = arith.constant 3 : i32
      %broadcast_in_dim3A_1056 = vector.broadcast %broadcast_in_dim3A_1055 : i32 to vector<16xi32>
      %mul3A_1057 = arith.constant 16 : i32
      %mul3A_1058 = arith.muli %scan3A_1028, %mul3A_1057 : i32
      %add3A_1059 = vector.broadcast %mul3A_1058 : i32 to vector<16xi32>
      %add3A_1060 = arith.addi %add3A_1059, %iota3A : vector<16xi32>
      %gather3A_1061 = tpu.vector_load_idx %arg30[%broadcast_in_dim3A_1056, %add3A_1060] : memref<16x256xf32, #tpu.memory_space<vmem>>[vector<16xi32>, vector<16xi32>], vector<16xf32>,
      %mul3A_1062 = arith.mulf %gather3A_36, %gather3A_1061 : vector<16xf32>
      %add3A_1063 = arith.addf %add3A_1054, %mul3A_1062 : vector<16xf32>
      %broadcast_in_dim3A_1064 = arith.constant 4 : i32
      %broadcast_in_dim3A_1065 = vector.broadcast %broadcast_in_dim3A_1064 : i32 to vector<16xi32>
      %mul3A_1066 = arith.constant 16 : i32
      %mul3A_1067 = arith.muli %scan3A_1028, %mul3A_1066 : i32
      %add3A_1068 = vector.broadcast %mul3A_1067 : i32 to vector<16xi32>
      %add3A_1069 = arith.addi %add3A_1068, %iota3A : vector<16xi32>
      %gather3A_1070 = tpu.vector_load_idx %arg30[%broadcast_in_dim3A_1065, %add3A_1069] : memref<16x256xf32, #tpu.memory_space<vmem>>[vector<16xi32>, vector<16xi32>], vector<16xf32>,
      %mul3A_1071 = arith.mulf %gather3A_39, %gather3A_1070 : vector<16xf32>
      %add3A_1072 = arith.addf %add3A_1063, %mul3A_1071 : vector<16xf32>
      %broadcast_in_dim3A_1073 = arith.constant 5 : i32
      %broadcast_in_dim3A_1074 = vector.broadcast %broadcast_in_dim3A_1073 : i32 to vector<16xi32>
      %mul3A_1075 = arith.constant 16 : i32
      %mul3A_1076 = arith.muli %scan3A_1028, %mul3A_1075 : i32
      %add3A_1077 = vector.broadcast %mul3A_1076 : i32 to vector<16xi32>
      %add3A_1078 = arith.addi %add3A_1077, %iota3A : vector<16xi32>
      %gather3A_1079 = tpu.vector_load_idx %arg30[%broadcast_in_dim3A_1074, %add3A_1078] : memref<16x256xf32, #tpu.memory_space<vmem>>[vector<16xi32>, vector<16xi32>], vector<16xf32>,
      %mul3A_1080 = arith.mulf %gather3A_42, %gather3A_1079 : vector<16xf32>
      %add3A_1081 = arith.addf %add3A_1072, %mul3A_1080 : vector<16xf32>
      %broadcast_in_dim3A_1082 = arith.constant 6 : i32
      %broadcast_in_dim3A_1083 = vector.broadcast %broadcast_in_dim3A_1082 : i32 to vector<16xi32>
      %mul3A_1084 = arith.constant 16 : i32
      %mul3A_1085 = arith.muli %scan3A_1028, %mul3A_1084 : i32
      %add3A_1086 = vector.broadcast %mul3A_1085 : i32 to vector<16xi32>
      %add3A_1087 = arith.addi %add3A_1086, %iota3A : vector<16xi32>
      %gather3A_1088 = tpu.vector_load_idx %arg30[%broadcast_in_dim3A_1083, %add3A_1087] : memref<16x256xf32, #tpu.memory_space<vmem>>[vector<16xi32>, vector<16xi32>], vector<16xf32>,
      %mul3A_1089 = arith.mulf %gather3A_45, %gather3A_1088 : vector<16xf32>
      %add3A_1090 = arith.addf %add3A_1081, %mul3A_1089 : vector<16xf32>
      %broadcast_in_dim3A_1091 = arith.constant 7 : i32
      %broadcast_in_dim3A_1092 = vector.broadcast %broadcast_in_dim3A_1091 : i32 to vector<16xi32>
      %mul3A_1093 = arith.constant 16 : i32
      %mul3A_1094 = arith.muli %scan3A_1028, %mul3A_1093 : i32
      %add3A_1095 = vector.broadcast %mul3A_1094 : i32 to vector<16xi32>
      %add3A_1096 = arith.addi %add3A_1095, %iota3A : vector<16xi32>
      %gather3A_1097 = tpu.vector_load_idx %arg30[%broadcast_in_dim3A_1092, %add3A_1096] : memref<16x256xf32, #tpu.memory_space<vmem>>[vector<16xi32>, vector<16xi32>], vector<16xf32>,
      %mul3A_1098 = arith.mulf %gather3A_48, %gather3A_1097 : vector<16xf32>
      %add3A_1099 = arith.addf %add3A_1090, %mul3A_1098 : vector<16xf32>
      %broadcast_in_dim3A_1100 = arith.constant 8 : i32
      %broadcast_in_dim3A_1101 = vector.broadcast %broadcast_in_dim3A_1100 : i32 to vector<16xi32>
      %mul3A_1102 = arith.constant 16 : i32
      %mul3A_1103 = arith.muli %scan3A_1028, %mul3A_1102 : i32
      %add3A_1104 = vector.broadcast %mul3A_1103 : i32 to vector<16xi32>
      %add3A_1105 = arith.addi %add3A_1104, %iota3A : vector<16xi32>
      %gather3A_1106 = tpu.vector_load_idx %arg30[%broadcast_in_dim3A_1101, %add3A_1105] : memref<16x256xf32, #tpu.memory_space<vmem>>[vector<16xi32>, vector<16xi32>], vector<16xf32>,
      %mul3A_1107 = arith.mulf %gather3A_51, %gather3A_1106 : vector<16xf32>
      %add3A_1108 = arith.addf %add3A_1099, %mul3A_1107 : vector<16xf32>
      %broadcast_in_dim3A_1109 = arith.constant 9 : i32
      %broadcast_in_dim3A_1110 = vector.broadcast %broadcast_in_dim3A_1109 : i32 to vector<16xi32>
      %mul3A_1111 = arith.constant 16 : i32
      %mul3A_1112 = arith.muli %scan3A_1028, %mul3A_1111 : i32
      %add3A_1113 = vector.broadcast %mul3A_1112 : i32 to vector<16xi32>
      %add3A_1114 = arith.addi %add3A_1113, %iota3A : vector<16xi32>
      %gather3A_1115 = tpu.vector_load_idx %arg30[%broadcast_in_dim3A_1110, %add3A_1114] : memref<16x256xf32, #tpu.memory_space<vmem>>[vector<16xi32>, vector<16xi32>], vector<16xf32>,
      %mul3A_1116 = arith.mulf %gather3A_54, %gather3A_1115 : vector<16xf32>
      %add3A_1117 = arith.addf %add3A_1108, %mul3A_1116 : vector<16xf32>
      %broadcast_in_dim3A_1118 = arith.constant 10 : i32
      %broadcast_in_dim3A_1119 = vector.broadcast %broadcast_in_dim3A_1118 : i32 to vector<16xi32>
      %mul3A_1120 = arith.constant 16 : i32
      %mul3A_1121 = arith.muli %scan3A_1028, %mul3A_1120 : i32
      %add3A_1122 = vector.broadcast %mul3A_1121 : i32 to vector<16xi32>
      %add3A_1123 = arith.addi %add3A_1122, %iota3A : vector<16xi32>
      %gather3A_1124 = tpu.vector_load_idx %arg30[%broadcast_in_dim3A_1119, %add3A_1123] : memref<16x256xf32, #tpu.memory_space<vmem>>[vector<16xi32>, vector<16xi32>], vector<16xf32>,
      %mul3A_1125 = arith.mulf %gather3A_57, %gather3A_1124 : vector<16xf32>
      %add3A_1126 = arith.addf %add3A_1117, %mul3A_1125 : vector<16xf32>
      %broadcast_in_dim3A_1127 = arith.constant 11 : i32
      %broadcast_in_dim3A_1128 = vector.broadcast %broadcast_in_dim3A_1127 : i32 to vector<16xi32>
      %mul3A_1129 = arith.constant 16 : i32
      %mul3A_1130 = arith.muli %scan3A_1028, %mul3A_1129 : i32
      %add3A_1131 = vector.broadcast %mul3A_1130 : i32 to vector<16xi32>
      %add3A_1132 = arith.addi %add3A_1131, %iota3A : vector<16xi32>
      %gather3A_1133 = tpu.vector_load_idx %arg30[%broadcast_in_dim3A_1128, %add3A_1132] : memref<16x256xf32, #tpu.memory_space<vmem>>[vector<16xi32>, vector<16xi32>], vector<16xf32>,
      %mul3A_1134 = arith.mulf %gather3A_60, %gather3A_1133 : vector<16xf32>
      %add3A_1135 = arith.addf %add3A_1126, %mul3A_1134 : vector<16xf32>
      %broadcast_in_dim3A_1136 = arith.constant 12 : i32
      %broadcast_in_dim3A_1137 = vector.broadcast %broadcast_in_dim3A_1136 : i32 to vector<16xi32>
      %mul3A_1138 = arith.constant 16 : i32
      %mul3A_1139 = arith.muli %scan3A_1028, %mul3A_1138 : i32
      %add3A_1140 = vector.broadcast %mul3A_1139 : i32 to vector<16xi32>
      %add3A_1141 = arith.addi %add3A_1140, %iota3A : vector<16xi32>
      %gather3A_1142 = tpu.vector_load_idx %arg30[%broadcast_in_dim3A_1137, %add3A_1141] : memref<16x256xf32, #tpu.memory_space<vmem>>[vector<16xi32>, vector<16xi32>], vector<16xf32>,
      %mul3A_1143 = arith.mulf %gather3A_63, %gather3A_1142 : vector<16xf32>
      %add3A_1144 = arith.addf %add3A_1135, %mul3A_1143 : vector<16xf32>
      %broadcast_in_dim3A_1145 = arith.constant 13 : i32
      %broadcast_in_dim3A_1146 = vector.broadcast %broadcast_in_dim3A_1145 : i32 to vector<16xi32>
      %mul3A_1147 = arith.constant 16 : i32
      %mul3A_1148 = arith.muli %scan3A_1028, %mul3A_1147 : i32
      %add3A_1149 = vector.broadcast %mul3A_1148 : i32 to vector<16xi32>
      %add3A_1150 = arith.addi %add3A_1149, %iota3A : vector<16xi32>
      %gather3A_1151 = tpu.vector_load_idx %arg30[%broadcast_in_dim3A_1146, %add3A_1150] : memref<16x256xf32, #tpu.memory_space<vmem>>[vector<16xi32>, vector<16xi32>], vector<16xf32>,
      %mul3A_1152 = arith.mulf %gather3A_66, %gather3A_1151 : vector<16xf32>
      %add3A_1153 = arith.addf %add3A_1144, %mul3A_1152 : vector<16xf32>
      %broadcast_in_dim3A_1154 = arith.constant 14 : i32
      %broadcast_in_dim3A_1155 = vector.broadcast %broadcast_in_dim3A_1154 : i32 to vector<16xi32>
      %mul3A_1156 = arith.constant 16 : i32
      %mul3A_1157 = arith.muli %scan3A_1028, %mul3A_1156 : i32
      %add3A_1158 = vector.broadcast %mul3A_1157 : i32 to vector<16xi32>
      %add3A_1159 = arith.addi %add3A_1158, %iota3A : vector<16xi32>
      %gather3A_1160 = tpu.vector_load_idx %arg30[%broadcast_in_dim3A_1155, %add3A_1159] : memref<16x256xf32, #tpu.memory_space<vmem>>[vector<16xi32>, vector<16xi32>], vector<16xf32>,
      %mul3A_1161 = arith.mulf %gather3A_69, %gather3A_1160 : vector<16xf32>
      %add3A_1162 = arith.addf %add3A_1153, %mul3A_1161 : vector<16xf32>
      %broadcast_in_dim3A_1163 = arith.constant 15 : i32
      %broadcast_in_dim3A_1164 = vector.broadcast %broadcast_in_dim3A_1163 : i32 to vector<16xi32>
      %mul3A_1165 = arith.constant 16 : i32
      %mul3A_1166 = arith.muli %scan3A_1028, %mul3A_1165 : i32
      %add3A_1167 = vector.broadcast %mul3A_1166 : i32 to vector<16xi32>
      %add3A_1168 = arith.addi %add3A_1167, %iota3A : vector<16xi32>
      %gather3A_1169 = tpu.vector_load_idx %arg30[%broadcast_in_dim3A_1164, %add3A_1168] : memref<16x256xf32, #tpu.memory_space<vmem>>[vector<16xi32>, vector<16xi32>], vector<16xf32>,
      %mul3A_1170 = arith.mulf %gather3A_72, %gather3A_1169 : vector<16xf32>
      %add3A_1171 = arith.addf %add3A_1162, %mul3A_1170 : vector<16xf32>
      %mul3A_1172 = arith.constant 16 : i32
      %mul3A_1173 = arith.muli %scan3A_1028, %mul3A_1172 : i32
      %swap3A_1174 = arith.index_cast %mul3A_1173 : i32 to index
      %swap3A_1175 = tpu.vector_load %arg33[%swap3A_1174] {strides = array<i32>} : memref<256xf32, #tpu.memory_space<vmem>>, vector<16xf32>,
      tpu.vector_store %arg33[%swap3A_1174], %add3A_1171 {strides = array<i32>} : memref<256xf32, #tpu.memory_space<vmem>>, vector<16xf32>,
    }
    %scan3A_77 = arith.constant 16 : i32
    %run_scoped3A = arith.constant 0 : i32
    "tpu.region"() ({
      %run_scoped3A_879 = tpu.sem_alloc : memref<!tpu.dma_semaphore, #tpu.memory_space<semaphore_mem>>
      %dma_start3A = arith.constant 0 : i32
      %dma_start3A_880 = tpu.memref_slice %arg33[%dma_start3A] : memref<256xf32, #tpu.memory_space<vmem>> -> memref<128xf32, #tpu.memory_space<vmem>>
      %dma_start3A_881 = arith.constant 0 : i32
      %dma_start3A_882 = tpu.memref_slice %arg28[%run_scoped3A, %dma_start3A_881] : memref<2x128xi32, #tpu.memory_space<vmem>> -> memref<1x128xi32, #tpu.memory_space<vmem>>
      %dma_start3A_883 = tpu.memref_squeeze %dma_start3A_882 : memref<1x128xi32, #tpu.memory_space<vmem>> -> memref<128xi32, #tpu.memory_space<vmem>>
      %dma_start3A_884 = arith.constant 0 : i32
      %dma_start3A_885 = tpu.memref_slice %arg41[%dma_start3A_884] : memref<256xf32, #tpu.memory_space<vmem_shared>> -> memref<256xf32, #tpu.memory_space<vmem_shared>>
      tpu.enqueue_indirect_dma source(%dma_start3A_880 : memref<128xf32, #tpu.memory_space<vmem>>) target(%dma_start3A_885 : memref<256xf32, #tpu.memory_space<vmem_shared>>) offsets(%dma_start3A_883 : memref<128xi32, #tpu.memory_space<vmem>>) semaphore(%run_scoped3A_879 : memref<!tpu.dma_semaphore, #tpu.memory_space<semaphore_mem>>) {add = true}
      %dma_wait3A = arith.constant 0 : i32
      %dma_wait3A_886 = tpu.memref_slice %arg33[%dma_wait3A] : memref<256xf32, #tpu.memory_space<vmem>> -> memref<128xf32, #tpu.memory_space<vmem>>
      %dma_wait3A_887 = arith.constant 0 : i32
      %dma_wait3A_888 = tpu.memref_slice %arg28[%run_scoped3A, %dma_wait3A_887] : memref<2x128xi32, #tpu.memory_space<vmem>> -> memref<1x128xi32, #tpu.memory_space<vmem>>
      %dma_wait3A_889 = tpu.memref_squeeze %dma_wait3A_888 : memref<1x128xi32, #tpu.memory_space<vmem>> -> memref<128xi32, #tpu.memory_space<vmem>>
      %dma_wait3A_890 = arith.constant 0 : i32
      %dma_wait3A_891 = tpu.memref_slice %arg41[%dma_wait3A_890] : memref<256xf32, #tpu.memory_space<vmem_shared>> -> memref<256xf32, #tpu.memory_space<vmem_shared>>
      tpu.wait_indirect_dma semaphore(%run_scoped3A_879 : memref<!tpu.dma_semaphore, #tpu.memory_space<semaphore_mem>>) src(%dma_wait3A_886 : memref<128xf32, #tpu.memory_space<vmem>>) dst(%dma_wait3A_891 : memref<256xf32, #tpu.memory_space<vmem_shared>>)
      tpu.yield
    }) : () -> ()
    %run_scoped3A_78 = arith.constant 1 : i32
    "tpu.region"() ({
      %run_scoped3A_879 = tpu.sem_alloc : memref<!tpu.dma_semaphore, #tpu.memory_space<semaphore_mem>>
      %dma_start3A = arith.constant 128 : i32
      %dma_start3A_880 = tpu.memref_slice %arg33[%dma_start3A] : memref<256xf32, #tpu.memory_space<vmem>> -> memref<128xf32, #tpu.memory_space<vmem>>
      %dma_start3A_881 = arith.constant 0 : i32
      %dma_start3A_882 = tpu.memref_slice %arg28[%run_scoped3A_78, %dma_start3A_881] : memref<2x128xi32, #tpu.memory_space<vmem>> -> memref<1x128xi32, #tpu.memory_space<vmem>>
      %dma_start3A_883 = tpu.memref_squeeze %dma_start3A_882 : memref<1x128xi32, #tpu.memory_space<vmem>> -> memref<128xi32, #tpu.memory_space<vmem>>
      %dma_start3A_884 = arith.constant 0 : i32
      %dma_start3A_885 = tpu.memref_slice %arg41[%dma_start3A_884] : memref<256xf32, #tpu.memory_space<vmem_shared>> -> memref<256xf32, #tpu.memory_space<vmem_shared>>
      tpu.enqueue_indirect_dma source(%dma_start3A_880 : memref<128xf32, #tpu.memory_space<vmem>>) target(%dma_start3A_885 : memref<256xf32, #tpu.memory_space<vmem_shared>>) offsets(%dma_start3A_883 : memref<128xi32, #tpu.memory_space<vmem>>) semaphore(%run_scoped3A_879 : memref<!tpu.dma_semaphore, #tpu.memory_space<semaphore_mem>>) {add = true}
      %dma_wait3A = arith.constant 128 : i32
      %dma_wait3A_886 = tpu.memref_slice %arg33[%dma_wait3A] : memref<256xf32, #tpu.memory_space<vmem>> -> memref<128xf32, #tpu.memory_space<vmem>>
      %dma_wait3A_887 = arith.constant 0 : i32
      %dma_wait3A_888 = tpu.memref_slice %arg28[%run_scoped3A_78, %dma_wait3A_887] : memref<2x128xi32, #tpu.memory_space<vmem>> -> memref<1x128xi32, #tpu.memory_space<vmem>>
      %dma_wait3A_889 = tpu.memref_squeeze %dma_wait3A_888 : memref<1x128xi32, #tpu.memory_space<vmem>> -> memref<128xi32, #tpu.memory_space<vmem>>
      %dma_wait3A_890 = arith.constant 0 : i32
      %dma_wait3A_891 = tpu.memref_slice %arg41[%dma_wait3A_890] : memref<256xf32, #tpu.memory_space<vmem_shared>> -> memref<256xf32, #tpu.memory_space<vmem_shared>>
      tpu.wait_indirect_dma semaphore(%run_scoped3A_879 : memref<!tpu.dma_semaphore, #tpu.memory_space<semaphore_mem>>) src(%dma_wait3A_886 : memref<128xf32, #tpu.memory_space<vmem>>) dst(%dma_wait3A_891 : memref<256xf32, #tpu.memory_space<vmem_shared>>)
      tpu.yield
    }) : () -> ()
    %barrier3A_79 = arith.constant 0 : index
    tpu.barrier barrier_id(%barrier3A_79)
    %mul3A_80 = arith.constant 16 : i32
    %mul3A_81 = arith.muli %arg1, %mul3A_80 : i32
    "tpu.region"() ({
      %run_scoped3A_879 = tpu.sem_alloc : memref<!tpu.dma_semaphore, #tpu.memory_space<semaphore_mem>>
      %dma_start3A = arith.constant 16 : i32
      %dma_start3A_880 = tpu.memref_slice %arg35[%dma_start3A] : memref<32xf32, #tpu.memory_space<vmem>> -> memref<16xf32, #tpu.memory_space<vmem>>
      %dma_start3A_881 = tpu.memref_slice %arg41[%mul3A_81] : memref<256xf32, #tpu.memory_space<vmem_shared>> -> memref<16xf32, #tpu.memory_space<vmem_shared>>
      %dma_start3A_882 = arith.constant 16 : i32
      %dma_start3A_883 = tpu.memref_slice %arg35[%dma_start3A_882] : memref<32xf32, #tpu.memory_space<vmem>> -> memref<16xf32, #tpu.memory_space<vmem>>
      %dma_start3A_884 = tpu.memref_slice %arg41[%mul3A_81] : memref<256xf32, #tpu.memory_space<vmem_shared>> -> memref<16xf32, #tpu.memory_space<vmem_shared>>
      tpu.enqueue_dma source(%dma_start3A_884 : memref<16xf32, #tpu.memory_space<vmem_shared>>) target(%dma_start3A_883 : memref<16xf32, #tpu.memory_space<vmem>>) target_semaphore(%run_scoped3A_879 : memref<!tpu.dma_semaphore, #tpu.memory_space<semaphore_mem>>)
      %dma_wait3A = arith.constant 16 : i32
      %dma_wait3A_885 = tpu.memref_slice %arg35[%dma_wait3A] : memref<32xf32, #tpu.memory_space<vmem>> -> memref<16xf32, #tpu.memory_space<vmem>>
      %dma_wait3A_886 = tpu.memref_slice %arg41[%mul3A_81] : memref<256xf32, #tpu.memory_space<vmem_shared>> -> memref<16xf32, #tpu.memory_space<vmem_shared>>
      %dma_wait3A_887 = arith.constant 16 : i32
      %dma_wait3A_888 = tpu.memref_slice %arg35[%dma_wait3A_887] : memref<32xf32, #tpu.memory_space<vmem>> -> memref<16xf32, #tpu.memory_space<vmem>>
      %dma_wait3A_889 = tpu.memref_slice %arg41[%mul3A_81] : memref<256xf32, #tpu.memory_space<vmem_shared>> -> memref<16xf32, #tpu.memory_space<vmem_shared>>
      tpu.wait_dma2 semaphore(%run_scoped3A_879 : memref<!tpu.dma_semaphore, #tpu.memory_space<semaphore_mem>>) src(%dma_wait3A_889 : memref<16xf32, #tpu.memory_space<vmem_shared>>) dst(%dma_wait3A_888 : memref<16xf32, #tpu.memory_space<vmem>>)
      tpu.yield
    }) : () -> ()
    %broadcast_in_dim3A_82 = arith.constant 16 : i32
    %broadcast_in_dim3A_83 = vector.broadcast %broadcast_in_dim3A_82 : i32 to vector<16xi32>
    %gather3A_84 = tpu.vector_load_idx %arg35[%broadcast_in_dim3A_83] : memref<32xf32, #tpu.memory_space<vmem>>[vector<16xi32>], vector<16xf32>,
    %max3A = arith.constant 0.000000e+00 : f32
    %max3A_85 = vector.broadcast %max3A : f32 to vector<16xf32>
    %max3A_86 = arith.maximumf %gather3A_84, %max3A_85 : vector<16xf32>
    %broadcast_in_dim3A_87 = arith.constant 17 : i32
    %broadcast_in_dim3A_88 = vector.broadcast %broadcast_in_dim3A_87 : i32 to vector<16xi32>
    %gather3A_89 = tpu.vector_load_idx %arg35[%broadcast_in_dim3A_88] : memref<32xf32, #tpu.memory_space<vmem>>[vector<16xi32>], vector<16xf32>,
    %max3A_90 = arith.constant 0.000000e+00 : f32
    %max3A_91 = vector.broadcast %max3A_90 : f32 to vector<16xf32>
    %max3A_92 = arith.maximumf %gather3A_89, %max3A_91 : vector<16xf32>
    %broadcast_in_dim3A_93 = arith.constant 18 : i32
    %broadcast_in_dim3A_94 = vector.broadcast %broadcast_in_dim3A_93 : i32 to vector<16xi32>
    %gather3A_95 = tpu.vector_load_idx %arg35[%broadcast_in_dim3A_94] : memref<32xf32, #tpu.memory_space<vmem>>[vector<16xi32>], vector<16xf32>,
    %max3A_96 = arith.constant 0.000000e+00 : f32
    %max3A_97 = vector.broadcast %max3A_96 : f32 to vector<16xf32>
    %max3A_98 = arith.maximumf %gather3A_95, %max3A_97 : vector<16xf32>
    %broadcast_in_dim3A_99 = arith.constant 19 : i32
    %broadcast_in_dim3A_100 = vector.broadcast %broadcast_in_dim3A_99 : i32 to vector<16xi32>
    %gather3A_101 = tpu.vector_load_idx %arg35[%broadcast_in_dim3A_100] : memref<32xf32, #tpu.memory_space<vmem>>[vector<16xi32>], vector<16xf32>,
    %max3A_102 = arith.constant 0.000000e+00 : f32
    %max3A_103 = vector.broadcast %max3A_102 : f32 to vector<16xf32>
    %max3A_104 = arith.maximumf %gather3A_101, %max3A_103 : vector<16xf32>
    %broadcast_in_dim3A_105 = arith.constant 20 : i32
    %broadcast_in_dim3A_106 = vector.broadcast %broadcast_in_dim3A_105 : i32 to vector<16xi32>
    %gather3A_107 = tpu.vector_load_idx %arg35[%broadcast_in_dim3A_106] : memref<32xf32, #tpu.memory_space<vmem>>[vector<16xi32>], vector<16xf32>,
    %max3A_108 = arith.constant 0.000000e+00 : f32
    %max3A_109 = vector.broadcast %max3A_108 : f32 to vector<16xf32>
    %max3A_110 = arith.maximumf %gather3A_107, %max3A_109 : vector<16xf32>
    %broadcast_in_dim3A_111 = arith.constant 21 : i32
    %broadcast_in_dim3A_112 = vector.broadcast %broadcast_in_dim3A_111 : i32 to vector<16xi32>
    %gather3A_113 = tpu.vector_load_idx %arg35[%broadcast_in_dim3A_112] : memref<32xf32, #tpu.memory_space<vmem>>[vector<16xi32>], vector<16xf32>,
    %max3A_114 = arith.constant 0.000000e+00 : f32
    %max3A_115 = vector.broadcast %max3A_114 : f32 to vector<16xf32>
    %max3A_116 = arith.maximumf %gather3A_113, %max3A_115 : vector<16xf32>
    %broadcast_in_dim3A_117 = arith.constant 22 : i32
    %broadcast_in_dim3A_118 = vector.broadcast %broadcast_in_dim3A_117 : i32 to vector<16xi32>
    %gather3A_119 = tpu.vector_load_idx %arg35[%broadcast_in_dim3A_118] : memref<32xf32, #tpu.memory_space<vmem>>[vector<16xi32>], vector<16xf32>,
    %max3A_120 = arith.constant 0.000000e+00 : f32
    %max3A_121 = vector.broadcast %max3A_120 : f32 to vector<16xf32>
    %max3A_122 = arith.maximumf %gather3A_119, %max3A_121 : vector<16xf32>
    %broadcast_in_dim3A_123 = arith.constant 23 : i32
    %broadcast_in_dim3A_124 = vector.broadcast %broadcast_in_dim3A_123 : i32 to vector<16xi32>
    %gather3A_125 = tpu.vector_load_idx %arg35[%broadcast_in_dim3A_124] : memref<32xf32, #tpu.memory_space<vmem>>[vector<16xi32>], vector<16xf32>,
    %max3A_126 = arith.constant 0.000000e+00 : f32
    %max3A_127 = vector.broadcast %max3A_126 : f32 to vector<16xf32>
    %max3A_128 = arith.maximumf %gather3A_125, %max3A_127 : vector<16xf32>
    %broadcast_in_dim3A_129 = arith.constant 24 : i32
    %broadcast_in_dim3A_130 = vector.broadcast %broadcast_in_dim3A_129 : i32 to vector<16xi32>
    %gather3A_131 = tpu.vector_load_idx %arg35[%broadcast_in_dim3A_130] : memref<32xf32, #tpu.memory_space<vmem>>[vector<16xi32>], vector<16xf32>,
    %max3A_132 = arith.constant 0.000000e+00 : f32
    %max3A_133 = vector.broadcast %max3A_132 : f32 to vector<16xf32>
    %max3A_134 = arith.maximumf %gather3A_131, %max3A_133 : vector<16xf32>
    %broadcast_in_dim3A_135 = arith.constant 25 : i32
    %broadcast_in_dim3A_136 = vector.broadcast %broadcast_in_dim3A_135 : i32 to vector<16xi32>
    %gather3A_137 = tpu.vector_load_idx %arg35[%broadcast_in_dim3A_136] : memref<32xf32, #tpu.memory_space<vmem>>[vector<16xi32>], vector<16xf32>,
    %max3A_138 = arith.constant 0.000000e+00 : f32
    %max3A_139 = vector.broadcast %max3A_138 : f32 to vector<16xf32>
    %max3A_140 = arith.maximumf %gather3A_137, %max3A_139 : vector<16xf32>
    %broadcast_in_dim3A_141 = arith.constant 26 : i32
    %broadcast_in_dim3A_142 = vector.broadcast %broadcast_in_dim3A_141 : i32 to vector<16xi32>
    %gather3A_143 = tpu.vector_load_idx %arg35[%broadcast_in_dim3A_142] : memref<32xf32, #tpu.memory_space<vmem>>[vector<16xi32>], vector<16xf32>,
    %max3A_144 = arith.constant 0.000000e+00 : f32
    %max3A_145 = vector.broadcast %max3A_144 : f32 to vector<16xf32>
    %max3A_146 = arith.maximumf %gather3A_143, %max3A_145 : vector<16xf32>
    %broadcast_in_dim3A_147 = arith.constant 27 : i32
    %broadcast_in_dim3A_148 = vector.broadcast %broadcast_in_dim3A_147 : i32 to vector<16xi32>
    %gather3A_149 = tpu.vector_load_idx %arg35[%broadcast_in_dim3A_148] : memref<32xf32, #tpu.memory_space<vmem>>[vector<16xi32>], vector<16xf32>,
    %max3A_150 = arith.constant 0.000000e+00 : f32
    %max3A_151 = vector.broadcast %max3A_150 : f32 to vector<16xf32>
    %max3A_152 = arith.maximumf %gather3A_149, %max3A_151 : vector<16xf32>
    %broadcast_in_dim3A_153 = arith.constant 28 : i32
    %broadcast_in_dim3A_154 = vector.broadcast %broadcast_in_dim3A_153 : i32 to vector<16xi32>
    %gather3A_155 = tpu.vector_load_idx %arg35[%broadcast_in_dim3A_154] : memref<32xf32, #tpu.memory_space<vmem>>[vector<16xi32>], vector<16xf32>,
    %max3A_156 = arith.constant 0.000000e+00 : f32
    %max3A_157 = vector.broadcast %max3A_156 : f32 to vector<16xf32>
    %max3A_158 = arith.maximumf %gather3A_155, %max3A_157 : vector<16xf32>
    %broadcast_in_dim3A_159 = arith.constant 29 : i32
    %broadcast_in_dim3A_160 = vector.broadcast %broadcast_in_dim3A_159 : i32 to vector<16xi32>
    %gather3A_161 = tpu.vector_load_idx %arg35[%broadcast_in_dim3A_160] : memref<32xf32, #tpu.memory_space<vmem>>[vector<16xi32>], vector<16xf32>,
    %max3A_162 = arith.constant 0.000000e+00 : f32
    %max3A_163 = vector.broadcast %max3A_162 : f32 to vector<16xf32>
    %max3A_164 = arith.maximumf %gather3A_161, %max3A_163 : vector<16xf32>
    %broadcast_in_dim3A_165 = arith.constant 30 : i32
    %broadcast_in_dim3A_166 = vector.broadcast %broadcast_in_dim3A_165 : i32 to vector<16xi32>
    %gather3A_167 = tpu.vector_load_idx %arg35[%broadcast_in_dim3A_166] : memref<32xf32, #tpu.memory_space<vmem>>[vector<16xi32>], vector<16xf32>,
    %max3A_168 = arith.constant 0.000000e+00 : f32
    %max3A_169 = vector.broadcast %max3A_168 : f32 to vector<16xf32>
    %max3A_170 = arith.maximumf %gather3A_167, %max3A_169 : vector<16xf32>
    %broadcast_in_dim3A_171 = arith.constant 31 : i32
    %broadcast_in_dim3A_172 = vector.broadcast %broadcast_in_dim3A_171 : i32 to vector<16xi32>
    %gather3A_173 = tpu.vector_load_idx %arg35[%broadcast_in_dim3A_172] : memref<32xf32, #tpu.memory_space<vmem>>[vector<16xi32>], vector<16xf32>,
    %max3A_174 = arith.constant 0.000000e+00 : f32
    %max3A_175 = vector.broadcast %max3A_174 : f32 to vector<16xf32>
    %max3A_176 = arith.maximumf %gather3A_173, %max3A_175 : vector<16xf32>
    %scan3A_177 = arith.constant 0 : i32
    %scan3A_178 = arith.constant 0 : i32
    %scan3A_179 = arith.constant 16 : i32
    %scan3A_180 = arith.addi %scan3A_178, %scan3A_179 : i32
    %scan3A_181 = arith.constant 2 : i32
    scf.for %scan3A_879 = %scan3A_178 to %scan3A_180 step %scan3A_181  : i32 {
      %broadcast_in_dim3A_880 = arith.constant 0 : i32
      %broadcast_in_dim3A_881 = vector.broadcast %broadcast_in_dim3A_880 : i32 to vector<16xi32>
      %mul3A_882 = arith.constant 16 : i32
      %mul3A_883 = arith.muli %scan3A_879, %mul3A_882 : i32
      %add3A_884 = vector.broadcast %mul3A_883 : i32 to vector<16xi32>
      %add3A_885 = arith.addi %add3A_884, %iota3A : vector<16xi32>
      %gather3A_886 = tpu.vector_load_idx %arg31[%broadcast_in_dim3A_881, %add3A_885] : memref<16x256xf32, #tpu.memory_space<vmem>>[vector<16xi32>, vector<16xi32>], vector<16xf32>,
      %mul3A_887 = arith.mulf %max3A_86, %gather3A_886 : vector<16xf32>
      %broadcast_in_dim3A_888 = arith.constant 1 : i32
      %broadcast_in_dim3A_889 = vector.broadcast %broadcast_in_dim3A_888 : i32 to vector<16xi32>
      %mul3A_890 = arith.constant 16 : i32
      %mul3A_891 = arith.muli %scan3A_879, %mul3A_890 : i32
      %add3A_892 = vector.broadcast %mul3A_891 : i32 to vector<16xi32>
      %add3A_893 = arith.addi %add3A_892, %iota3A : vector<16xi32>
      %gather3A_894 = tpu.vector_load_idx %arg31[%broadcast_in_dim3A_889, %add3A_893] : memref<16x256xf32, #tpu.memory_space<vmem>>[vector<16xi32>, vector<16xi32>], vector<16xf32>,
      %mul3A_895 = arith.mulf %max3A_92, %gather3A_894 : vector<16xf32>
      %add3A_896 = arith.addf %mul3A_887, %mul3A_895 : vector<16xf32>
      %broadcast_in_dim3A_897 = arith.constant 2 : i32
      %broadcast_in_dim3A_898 = vector.broadcast %broadcast_in_dim3A_897 : i32 to vector<16xi32>
      %mul3A_899 = arith.constant 16 : i32
      %mul3A_900 = arith.muli %scan3A_879, %mul3A_899 : i32
      %add3A_901 = vector.broadcast %mul3A_900 : i32 to vector<16xi32>
      %add3A_902 = arith.addi %add3A_901, %iota3A : vector<16xi32>
      %gather3A_903 = tpu.vector_load_idx %arg31[%broadcast_in_dim3A_898, %add3A_902] : memref<16x256xf32, #tpu.memory_space<vmem>>[vector<16xi32>, vector<16xi32>], vector<16xf32>,
      %mul3A_904 = arith.mulf %max3A_98, %gather3A_903 : vector<16xf32>
      %add3A_905 = arith.addf %add3A_896, %mul3A_904 : vector<16xf32>
      %broadcast_in_dim3A_906 = arith.constant 3 : i32
      %broadcast_in_dim3A_907 = vector.broadcast %broadcast_in_dim3A_906 : i32 to vector<16xi32>
      %mul3A_908 = arith.constant 16 : i32
      %mul3A_909 = arith.muli %scan3A_879, %mul3A_908 : i32
      %add3A_910 = vector.broadcast %mul3A_909 : i32 to vector<16xi32>
      %add3A_911 = arith.addi %add3A_910, %iota3A : vector<16xi32>
      %gather3A_912 = tpu.vector_load_idx %arg31[%broadcast_in_dim3A_907, %add3A_911] : memref<16x256xf32, #tpu.memory_space<vmem>>[vector<16xi32>, vector<16xi32>], vector<16xf32>,
      %mul3A_913 = arith.mulf %max3A_104, %gather3A_912 : vector<16xf32>
      %add3A_914 = arith.addf %add3A_905, %mul3A_913 : vector<16xf32>
      %broadcast_in_dim3A_915 = arith.constant 4 : i32
      %broadcast_in_dim3A_916 = vector.broadcast %broadcast_in_dim3A_915 : i32 to vector<16xi32>
      %mul3A_917 = arith.constant 16 : i32
      %mul3A_918 = arith.muli %scan3A_879, %mul3A_917 : i32
      %add3A_919 = vector.broadcast %mul3A_918 : i32 to vector<16xi32>
      %add3A_920 = arith.addi %add3A_919, %iota3A : vector<16xi32>
      %gather3A_921 = tpu.vector_load_idx %arg31[%broadcast_in_dim3A_916, %add3A_920] : memref<16x256xf32, #tpu.memory_space<vmem>>[vector<16xi32>, vector<16xi32>], vector<16xf32>,
      %mul3A_922 = arith.mulf %max3A_110, %gather3A_921 : vector<16xf32>
      %add3A_923 = arith.addf %add3A_914, %mul3A_922 : vector<16xf32>
      %broadcast_in_dim3A_924 = arith.constant 5 : i32
      %broadcast_in_dim3A_925 = vector.broadcast %broadcast_in_dim3A_924 : i32 to vector<16xi32>
      %mul3A_926 = arith.constant 16 : i32
      %mul3A_927 = arith.muli %scan3A_879, %mul3A_926 : i32
      %add3A_928 = vector.broadcast %mul3A_927 : i32 to vector<16xi32>
      %add3A_929 = arith.addi %add3A_928, %iota3A : vector<16xi32>
      %gather3A_930 = tpu.vector_load_idx %arg31[%broadcast_in_dim3A_925, %add3A_929] : memref<16x256xf32, #tpu.memory_space<vmem>>[vector<16xi32>, vector<16xi32>], vector<16xf32>,
      %mul3A_931 = arith.mulf %max3A_116, %gather3A_930 : vector<16xf32>
      %add3A_932 = arith.addf %add3A_923, %mul3A_931 : vector<16xf32>
      %broadcast_in_dim3A_933 = arith.constant 6 : i32
      %broadcast_in_dim3A_934 = vector.broadcast %broadcast_in_dim3A_933 : i32 to vector<16xi32>
      %mul3A_935 = arith.constant 16 : i32
      %mul3A_936 = arith.muli %scan3A_879, %mul3A_935 : i32
      %add3A_937 = vector.broadcast %mul3A_936 : i32 to vector<16xi32>
      %add3A_938 = arith.addi %add3A_937, %iota3A : vector<16xi32>
      %gather3A_939 = tpu.vector_load_idx %arg31[%broadcast_in_dim3A_934, %add3A_938] : memref<16x256xf32, #tpu.memory_space<vmem>>[vector<16xi32>, vector<16xi32>], vector<16xf32>,
      %mul3A_940 = arith.mulf %max3A_122, %gather3A_939 : vector<16xf32>
      %add3A_941 = arith.addf %add3A_932, %mul3A_940 : vector<16xf32>
      %broadcast_in_dim3A_942 = arith.constant 7 : i32
      %broadcast_in_dim3A_943 = vector.broadcast %broadcast_in_dim3A_942 : i32 to vector<16xi32>
      %mul3A_944 = arith.constant 16 : i32
      %mul3A_945 = arith.muli %scan3A_879, %mul3A_944 : i32
      %add3A_946 = vector.broadcast %mul3A_945 : i32 to vector<16xi32>
      %add3A_947 = arith.addi %add3A_946, %iota3A : vector<16xi32>
      %gather3A_948 = tpu.vector_load_idx %arg31[%broadcast_in_dim3A_943, %add3A_947] : memref<16x256xf32, #tpu.memory_space<vmem>>[vector<16xi32>, vector<16xi32>], vector<16xf32>,
      %mul3A_949 = arith.mulf %max3A_128, %gather3A_948 : vector<16xf32>
      %add3A_950 = arith.addf %add3A_941, %mul3A_949 : vector<16xf32>
      %broadcast_in_dim3A_951 = arith.constant 8 : i32
      %broadcast_in_dim3A_952 = vector.broadcast %broadcast_in_dim3A_951 : i32 to vector<16xi32>
      %mul3A_953 = arith.constant 16 : i32
      %mul3A_954 = arith.muli %scan3A_879, %mul3A_953 : i32
      %add3A_955 = vector.broadcast %mul3A_954 : i32 to vector<16xi32>
      %add3A_956 = arith.addi %add3A_955, %iota3A : vector<16xi32>
      %gather3A_957 = tpu.vector_load_idx %arg31[%broadcast_in_dim3A_952, %add3A_956] : memref<16x256xf32, #tpu.memory_space<vmem>>[vector<16xi32>, vector<16xi32>], vector<16xf32>,
      %mul3A_958 = arith.mulf %max3A_134, %gather3A_957 : vector<16xf32>
      %add3A_959 = arith.addf %add3A_950, %mul3A_958 : vector<16xf32>
      %broadcast_in_dim3A_960 = arith.constant 9 : i32
      %broadcast_in_dim3A_961 = vector.broadcast %broadcast_in_dim3A_960 : i32 to vector<16xi32>
      %mul3A_962 = arith.constant 16 : i32
      %mul3A_963 = arith.muli %scan3A_879, %mul3A_962 : i32
      %add3A_964 = vector.broadcast %mul3A_963 : i32 to vector<16xi32>
      %add3A_965 = arith.addi %add3A_964, %iota3A : vector<16xi32>
      %gather3A_966 = tpu.vector_load_idx %arg31[%broadcast_in_dim3A_961, %add3A_965] : memref<16x256xf32, #tpu.memory_space<vmem>>[vector<16xi32>, vector<16xi32>], vector<16xf32>,
      %mul3A_967 = arith.mulf %max3A_140, %gather3A_966 : vector<16xf32>
      %add3A_968 = arith.addf %add3A_959, %mul3A_967 : vector<16xf32>
      %broadcast_in_dim3A_969 = arith.constant 10 : i32
      %broadcast_in_dim3A_970 = vector.broadcast %broadcast_in_dim3A_969 : i32 to vector<16xi32>
      %mul3A_971 = arith.constant 16 : i32
      %mul3A_972 = arith.muli %scan3A_879, %mul3A_971 : i32
      %add3A_973 = vector.broadcast %mul3A_972 : i32 to vector<16xi32>
      %add3A_974 = arith.addi %add3A_973, %iota3A : vector<16xi32>
      %gather3A_975 = tpu.vector_load_idx %arg31[%broadcast_in_dim3A_970, %add3A_974] : memref<16x256xf32, #tpu.memory_space<vmem>>[vector<16xi32>, vector<16xi32>], vector<16xf32>,
      %mul3A_976 = arith.mulf %max3A_146, %gather3A_975 : vector<16xf32>
      %add3A_977 = arith.addf %add3A_968, %mul3A_976 : vector<16xf32>
      %broadcast_in_dim3A_978 = arith.constant 11 : i32
      %broadcast_in_dim3A_979 = vector.broadcast %broadcast_in_dim3A_978 : i32 to vector<16xi32>
      %mul3A_980 = arith.constant 16 : i32
      %mul3A_981 = arith.muli %scan3A_879, %mul3A_980 : i32
      %add3A_982 = vector.broadcast %mul3A_981 : i32 to vector<16xi32>
      %add3A_983 = arith.addi %add3A_982, %iota3A : vector<16xi32>
      %gather3A_984 = tpu.vector_load_idx %arg31[%broadcast_in_dim3A_979, %add3A_983] : memref<16x256xf32, #tpu.memory_space<vmem>>[vector<16xi32>, vector<16xi32>], vector<16xf32>,
      %mul3A_985 = arith.mulf %max3A_152, %gather3A_984 : vector<16xf32>
      %add3A_986 = arith.addf %add3A_977, %mul3A_985 : vector<16xf32>
      %broadcast_in_dim3A_987 = arith.constant 12 : i32
      %broadcast_in_dim3A_988 = vector.broadcast %broadcast_in_dim3A_987 : i32 to vector<16xi32>
      %mul3A_989 = arith.constant 16 : i32
      %mul3A_990 = arith.muli %scan3A_879, %mul3A_989 : i32
      %add3A_991 = vector.broadcast %mul3A_990 : i32 to vector<16xi32>
      %add3A_992 = arith.addi %add3A_991, %iota3A : vector<16xi32>
      %gather3A_993 = tpu.vector_load_idx %arg31[%broadcast_in_dim3A_988, %add3A_992] : memref<16x256xf32, #tpu.memory_space<vmem>>[vector<16xi32>, vector<16xi32>], vector<16xf32>,
      %mul3A_994 = arith.mulf %max3A_158, %gather3A_993 : vector<16xf32>
      %add3A_995 = arith.addf %add3A_986, %mul3A_994 : vector<16xf32>
      %broadcast_in_dim3A_996 = arith.constant 13 : i32
      %broadcast_in_dim3A_997 = vector.broadcast %broadcast_in_dim3A_996 : i32 to vector<16xi32>
      %mul3A_998 = arith.constant 16 : i32
      %mul3A_999 = arith.muli %scan3A_879, %mul3A_998 : i32
      %add3A_1000 = vector.broadcast %mul3A_999 : i32 to vector<16xi32>
      %add3A_1001 = arith.addi %add3A_1000, %iota3A : vector<16xi32>
      %gather3A_1002 = tpu.vector_load_idx %arg31[%broadcast_in_dim3A_997, %add3A_1001] : memref<16x256xf32, #tpu.memory_space<vmem>>[vector<16xi32>, vector<16xi32>], vector<16xf32>,
      %mul3A_1003 = arith.mulf %max3A_164, %gather3A_1002 : vector<16xf32>
      %add3A_1004 = arith.addf %add3A_995, %mul3A_1003 : vector<16xf32>
      %broadcast_in_dim3A_1005 = arith.constant 14 : i32
      %broadcast_in_dim3A_1006 = vector.broadcast %broadcast_in_dim3A_1005 : i32 to vector<16xi32>
      %mul3A_1007 = arith.constant 16 : i32
      %mul3A_1008 = arith.muli %scan3A_879, %mul3A_1007 : i32
      %add3A_1009 = vector.broadcast %mul3A_1008 : i32 to vector<16xi32>
      %add3A_1010 = arith.addi %add3A_1009, %iota3A : vector<16xi32>
      %gather3A_1011 = tpu.vector_load_idx %arg31[%broadcast_in_dim3A_1006, %add3A_1010] : memref<16x256xf32, #tpu.memory_space<vmem>>[vector<16xi32>, vector<16xi32>], vector<16xf32>,
      %mul3A_1012 = arith.mulf %max3A_170, %gather3A_1011 : vector<16xf32>
      %add3A_1013 = arith.addf %add3A_1004, %mul3A_1012 : vector<16xf32>
      %broadcast_in_dim3A_1014 = arith.constant 15 : i32
      %broadcast_in_dim3A_1015 = vector.broadcast %broadcast_in_dim3A_1014 : i32 to vector<16xi32>
      %mul3A_1016 = arith.constant 16 : i32
      %mul3A_1017 = arith.muli %scan3A_879, %mul3A_1016 : i32
      %add3A_1018 = vector.broadcast %mul3A_1017 : i32 to vector<16xi32>
      %add3A_1019 = arith.addi %add3A_1018, %iota3A : vector<16xi32>
      %gather3A_1020 = tpu.vector_load_idx %arg31[%broadcast_in_dim3A_1015, %add3A_1019] : memref<16x256xf32, #tpu.memory_space<vmem>>[vector<16xi32>, vector<16xi32>], vector<16xf32>,
      %mul3A_1021 = arith.mulf %max3A_176, %gather3A_1020 : vector<16xf32>
      %add3A_1022 = arith.addf %add3A_1013, %mul3A_1021 : vector<16xf32>
      %mul3A_1023 = arith.constant 16 : i32
      %mul3A_1024 = arith.muli %scan3A_879, %mul3A_1023 : i32
      %swap3A_1025 = arith.index_cast %mul3A_1024 : i32 to index
      %swap3A_1026 = tpu.vector_load %arg33[%swap3A_1025] {strides = array<i32>} : memref<256xf32, #tpu.memory_space<vmem>>, vector<16xf32>,
      tpu.vector_store %arg33[%swap3A_1025], %add3A_1022 {strides = array<i32>} : memref<256xf32, #tpu.memory_space<vmem>>, vector<16xf32>,
      %scan3A_1027 = arith.constant 1 : i32
      %scan3A_1028 = arith.addi %scan3A_879, %scan3A_1027 : i32
      %broadcast_in_dim3A_1029 = arith.constant 0 : i32
      %broadcast_in_dim3A_1030 = vector.broadcast %broadcast_in_dim3A_1029 : i32 to vector<16xi32>
      %mul3A_1031 = arith.constant 16 : i32
      %mul3A_1032 = arith.muli %scan3A_1028, %mul3A_1031 : i32
      %add3A_1033 = vector.broadcast %mul3A_1032 : i32 to vector<16xi32>
      %add3A_1034 = arith.addi %add3A_1033, %iota3A : vector<16xi32>
      %gather3A_1035 = tpu.vector_load_idx %arg31[%broadcast_in_dim3A_1030, %add3A_1034] : memref<16x256xf32, #tpu.memory_space<vmem>>[vector<16xi32>, vector<16xi32>], vector<16xf32>,
      %mul3A_1036 = arith.mulf %max3A_86, %gather3A_1035 : vector<16xf32>
      %broadcast_in_dim3A_1037 = arith.constant 1 : i32
      %broadcast_in_dim3A_1038 = vector.broadcast %broadcast_in_dim3A_1037 : i32 to vector<16xi32>
      %mul3A_1039 = arith.constant 16 : i32
      %mul3A_1040 = arith.muli %scan3A_1028, %mul3A_1039 : i32
      %add3A_1041 = vector.broadcast %mul3A_1040 : i32 to vector<16xi32>
      %add3A_1042 = arith.addi %add3A_1041, %iota3A : vector<16xi32>
      %gather3A_1043 = tpu.vector_load_idx %arg31[%broadcast_in_dim3A_1038, %add3A_1042] : memref<16x256xf32, #tpu.memory_space<vmem>>[vector<16xi32>, vector<16xi32>], vector<16xf32>,
      %mul3A_1044 = arith.mulf %max3A_92, %gather3A_1043 : vector<16xf32>
      %add3A_1045 = arith.addf %mul3A_1036, %mul3A_1044 : vector<16xf32>
      %broadcast_in_dim3A_1046 = arith.constant 2 : i32
      %broadcast_in_dim3A_1047 = vector.broadcast %broadcast_in_dim3A_1046 : i32 to vector<16xi32>
      %mul3A_1048 = arith.constant 16 : i32
      %mul3A_1049 = arith.muli %scan3A_1028, %mul3A_1048 : i32
      %add3A_1050 = vector.broadcast %mul3A_1049 : i32 to vector<16xi32>
      %add3A_1051 = arith.addi %add3A_1050, %iota3A : vector<16xi32>
      %gather3A_1052 = tpu.vector_load_idx %arg31[%broadcast_in_dim3A_1047, %add3A_1051] : memref<16x256xf32, #tpu.memory_space<vmem>>[vector<16xi32>, vector<16xi32>], vector<16xf32>,
      %mul3A_1053 = arith.mulf %max3A_98, %gather3A_1052 : vector<16xf32>
      %add3A_1054 = arith.addf %add3A_1045, %mul3A_1053 : vector<16xf32>
      %broadcast_in_dim3A_1055 = arith.constant 3 : i32
      %broadcast_in_dim3A_1056 = vector.broadcast %broadcast_in_dim3A_1055 : i32 to vector<16xi32>
      %mul3A_1057 = arith.constant 16 : i32
      %mul3A_1058 = arith.muli %scan3A_1028, %mul3A_1057 : i32
      %add3A_1059 = vector.broadcast %mul3A_1058 : i32 to vector<16xi32>
      %add3A_1060 = arith.addi %add3A_1059, %iota3A : vector<16xi32>
      %gather3A_1061 = tpu.vector_load_idx %arg31[%broadcast_in_dim3A_1056, %add3A_1060] : memref<16x256xf32, #tpu.memory_space<vmem>>[vector<16xi32>, vector<16xi32>], vector<16xf32>,
      %mul3A_1062 = arith.mulf %max3A_104, %gather3A_1061 : vector<16xf32>
      %add3A_1063 = arith.addf %add3A_1054, %mul3A_1062 : vector<16xf32>
      %broadcast_in_dim3A_1064 = arith.constant 4 : i32
      %broadcast_in_dim3A_1065 = vector.broadcast %broadcast_in_dim3A_1064 : i32 to vector<16xi32>
      %mul3A_1066 = arith.constant 16 : i32
      %mul3A_1067 = arith.muli %scan3A_1028, %mul3A_1066 : i32
      %add3A_1068 = vector.broadcast %mul3A_1067 : i32 to vector<16xi32>
      %add3A_1069 = arith.addi %add3A_1068, %iota3A : vector<16xi32>
      %gather3A_1070 = tpu.vector_load_idx %arg31[%broadcast_in_dim3A_1065, %add3A_1069] : memref<16x256xf32, #tpu.memory_space<vmem>>[vector<16xi32>, vector<16xi32>], vector<16xf32>,
      %mul3A_1071 = arith.mulf %max3A_110, %gather3A_1070 : vector<16xf32>
      %add3A_1072 = arith.addf %add3A_1063, %mul3A_1071 : vector<16xf32>
      %broadcast_in_dim3A_1073 = arith.constant 5 : i32
      %broadcast_in_dim3A_1074 = vector.broadcast %broadcast_in_dim3A_1073 : i32 to vector<16xi32>
      %mul3A_1075 = arith.constant 16 : i32
      %mul3A_1076 = arith.muli %scan3A_1028, %mul3A_1075 : i32
      %add3A_1077 = vector.broadcast %mul3A_1076 : i32 to vector<16xi32>
      %add3A_1078 = arith.addi %add3A_1077, %iota3A : vector<16xi32>
      %gather3A_1079 = tpu.vector_load_idx %arg31[%broadcast_in_dim3A_1074, %add3A_1078] : memref<16x256xf32, #tpu.memory_space<vmem>>[vector<16xi32>, vector<16xi32>], vector<16xf32>,
      %mul3A_1080 = arith.mulf %max3A_116, %gather3A_1079 : vector<16xf32>
      %add3A_1081 = arith.addf %add3A_1072, %mul3A_1080 : vector<16xf32>
      %broadcast_in_dim3A_1082 = arith.constant 6 : i32
      %broadcast_in_dim3A_1083 = vector.broadcast %broadcast_in_dim3A_1082 : i32 to vector<16xi32>
      %mul3A_1084 = arith.constant 16 : i32
      %mul3A_1085 = arith.muli %scan3A_1028, %mul3A_1084 : i32
      %add3A_1086 = vector.broadcast %mul3A_1085 : i32 to vector<16xi32>
      %add3A_1087 = arith.addi %add3A_1086, %iota3A : vector<16xi32>
      %gather3A_1088 = tpu.vector_load_idx %arg31[%broadcast_in_dim3A_1083, %add3A_1087] : memref<16x256xf32, #tpu.memory_space<vmem>>[vector<16xi32>, vector<16xi32>], vector<16xf32>,
      %mul3A_1089 = arith.mulf %max3A_122, %gather3A_1088 : vector<16xf32>
      %add3A_1090 = arith.addf %add3A_1081, %mul3A_1089 : vector<16xf32>
      %broadcast_in_dim3A_1091 = arith.constant 7 : i32
      %broadcast_in_dim3A_1092 = vector.broadcast %broadcast_in_dim3A_1091 : i32 to vector<16xi32>
      %mul3A_1093 = arith.constant 16 : i32
      %mul3A_1094 = arith.muli %scan3A_1028, %mul3A_1093 : i32
      %add3A_1095 = vector.broadcast %mul3A_1094 : i32 to vector<16xi32>
      %add3A_1096 = arith.addi %add3A_1095, %iota3A : vector<16xi32>
      %gather3A_1097 = tpu.vector_load_idx %arg31[%broadcast_in_dim3A_1092, %add3A_1096] : memref<16x256xf32, #tpu.memory_space<vmem>>[vector<16xi32>, vector<16xi32>], vector<16xf32>,
      %mul3A_1098 = arith.mulf %max3A_128, %gather3A_1097 : vector<16xf32>
      %add3A_1099 = arith.addf %add3A_1090, %mul3A_1098 : vector<16xf32>
      %broadcast_in_dim3A_1100 = arith.constant 8 : i32
      %broadcast_in_dim3A_1101 = vector.broadcast %broadcast_in_dim3A_1100 : i32 to vector<16xi32>
      %mul3A_1102 = arith.constant 16 : i32
      %mul3A_1103 = arith.muli %scan3A_1028, %mul3A_1102 : i32
      %add3A_1104 = vector.broadcast %mul3A_1103 : i32 to vector<16xi32>
      %add3A_1105 = arith.addi %add3A_1104, %iota3A : vector<16xi32>
      %gather3A_1106 = tpu.vector_load_idx %arg31[%broadcast_in_dim3A_1101, %add3A_1105] : memref<16x256xf32, #tpu.memory_space<vmem>>[vector<16xi32>, vector<16xi32>], vector<16xf32>,
      %mul3A_1107 = arith.mulf %max3A_134, %gather3A_1106 : vector<16xf32>
      %add3A_1108 = arith.addf %add3A_1099, %mul3A_1107 : vector<16xf32>
      %broadcast_in_dim3A_1109 = arith.constant 9 : i32
      %broadcast_in_dim3A_1110 = vector.broadcast %broadcast_in_dim3A_1109 : i32 to vector<16xi32>
      %mul3A_1111 = arith.constant 16 : i32
      %mul3A_1112 = arith.muli %scan3A_1028, %mul3A_1111 : i32
      %add3A_1113 = vector.broadcast %mul3A_1112 : i32 to vector<16xi32>
      %add3A_1114 = arith.addi %add3A_1113, %iota3A : vector<16xi32>
      %gather3A_1115 = tpu.vector_load_idx %arg31[%broadcast_in_dim3A_1110, %add3A_1114] : memref<16x256xf32, #tpu.memory_space<vmem>>[vector<16xi32>, vector<16xi32>], vector<16xf32>,
      %mul3A_1116 = arith.mulf %max3A_140, %gather3A_1115 : vector<16xf32>
      %add3A_1117 = arith.addf %add3A_1108, %mul3A_1116 : vector<16xf32>
      %broadcast_in_dim3A_1118 = arith.constant 10 : i32
      %broadcast_in_dim3A_1119 = vector.broadcast %broadcast_in_dim3A_1118 : i32 to vector<16xi32>
      %mul3A_1120 = arith.constant 16 : i32
      %mul3A_1121 = arith.muli %scan3A_1028, %mul3A_1120 : i32
      %add3A_1122 = vector.broadcast %mul3A_1121 : i32 to vector<16xi32>
      %add3A_1123 = arith.addi %add3A_1122, %iota3A : vector<16xi32>
      %gather3A_1124 = tpu.vector_load_idx %arg31[%broadcast_in_dim3A_1119, %add3A_1123] : memref<16x256xf32, #tpu.memory_space<vmem>>[vector<16xi32>, vector<16xi32>], vector<16xf32>,
      %mul3A_1125 = arith.mulf %max3A_146, %gather3A_1124 : vector<16xf32>
      %add3A_1126 = arith.addf %add3A_1117, %mul3A_1125 : vector<16xf32>
      %broadcast_in_dim3A_1127 = arith.constant 11 : i32
      %broadcast_in_dim3A_1128 = vector.broadcast %broadcast_in_dim3A_1127 : i32 to vector<16xi32>
      %mul3A_1129 = arith.constant 16 : i32
      %mul3A_1130 = arith.muli %scan3A_1028, %mul3A_1129 : i32
      %add3A_1131 = vector.broadcast %mul3A_1130 : i32 to vector<16xi32>
      %add3A_1132 = arith.addi %add3A_1131, %iota3A : vector<16xi32>
      %gather3A_1133 = tpu.vector_load_idx %arg31[%broadcast_in_dim3A_1128, %add3A_1132] : memref<16x256xf32, #tpu.memory_space<vmem>>[vector<16xi32>, vector<16xi32>], vector<16xf32>,
      %mul3A_1134 = arith.mulf %max3A_152, %gather3A_1133 : vector<16xf32>
      %add3A_1135 = arith.addf %add3A_1126, %mul3A_1134 : vector<16xf32>
      %broadcast_in_dim3A_1136 = arith.constant 12 : i32
      %broadcast_in_dim3A_1137 = vector.broadcast %broadcast_in_dim3A_1136 : i32 to vector<16xi32>
      %mul3A_1138 = arith.constant 16 : i32
      %mul3A_1139 = arith.muli %scan3A_1028, %mul3A_1138 : i32
      %add3A_1140 = vector.broadcast %mul3A_1139 : i32 to vector<16xi32>
      %add3A_1141 = arith.addi %add3A_1140, %iota3A : vector<16xi32>
      %gather3A_1142 = tpu.vector_load_idx %arg31[%broadcast_in_dim3A_1137, %add3A_1141] : memref<16x256xf32, #tpu.memory_space<vmem>>[vector<16xi32>, vector<16xi32>], vector<16xf32>,
      %mul3A_1143 = arith.mulf %max3A_158, %gather3A_1142 : vector<16xf32>
      %add3A_1144 = arith.addf %add3A_1135, %mul3A_1143 : vector<16xf32>
      %broadcast_in_dim3A_1145 = arith.constant 13 : i32
      %broadcast_in_dim3A_1146 = vector.broadcast %broadcast_in_dim3A_1145 : i32 to vector<16xi32>
      %mul3A_1147 = arith.constant 16 : i32
      %mul3A_1148 = arith.muli %scan3A_1028, %mul3A_1147 : i32
      %add3A_1149 = vector.broadcast %mul3A_1148 : i32 to vector<16xi32>
      %add3A_1150 = arith.addi %add3A_1149, %iota3A : vector<16xi32>
      %gather3A_1151 = tpu.vector_load_idx %arg31[%broadcast_in_dim3A_1146, %add3A_1150] : memref<16x256xf32, #tpu.memory_space<vmem>>[vector<16xi32>, vector<16xi32>], vector<16xf32>,
      %mul3A_1152 = arith.mulf %max3A_164, %gather3A_1151 : vector<16xf32>
      %add3A_1153 = arith.addf %add3A_1144, %mul3A_1152 : vector<16xf32>
      %broadcast_in_dim3A_1154 = arith.constant 14 : i32
      %broadcast_in_dim3A_1155 = vector.broadcast %broadcast_in_dim3A_1154 : i32 to vector<16xi32>
      %mul3A_1156 = arith.constant 16 : i32
      %mul3A_1157 = arith.muli %scan3A_1028, %mul3A_1156 : i32
      %add3A_1158 = vector.broadcast %mul3A_1157 : i32 to vector<16xi32>
      %add3A_1159 = arith.addi %add3A_1158, %iota3A : vector<16xi32>
      %gather3A_1160 = tpu.vector_load_idx %arg31[%broadcast_in_dim3A_1155, %add3A_1159] : memref<16x256xf32, #tpu.memory_space<vmem>>[vector<16xi32>, vector<16xi32>], vector<16xf32>,
      %mul3A_1161 = arith.mulf %max3A_170, %gather3A_1160 : vector<16xf32>
      %add3A_1162 = arith.addf %add3A_1153, %mul3A_1161 : vector<16xf32>
      %broadcast_in_dim3A_1163 = arith.constant 15 : i32
      %broadcast_in_dim3A_1164 = vector.broadcast %broadcast_in_dim3A_1163 : i32 to vector<16xi32>
      %mul3A_1165 = arith.constant 16 : i32
      %mul3A_1166 = arith.muli %scan3A_1028, %mul3A_1165 : i32
      %add3A_1167 = vector.broadcast %mul3A_1166 : i32 to vector<16xi32>
      %add3A_1168 = arith.addi %add3A_1167, %iota3A : vector<16xi32>
      %gather3A_1169 = tpu.vector_load_idx %arg31[%broadcast_in_dim3A_1164, %add3A_1168] : memref<16x256xf32, #tpu.memory_space<vmem>>[vector<16xi32>, vector<16xi32>], vector<16xf32>,
      %mul3A_1170 = arith.mulf %max3A_176, %gather3A_1169 : vector<16xf32>
      %add3A_1171 = arith.addf %add3A_1162, %mul3A_1170 : vector<16xf32>
      %mul3A_1172 = arith.constant 16 : i32
      %mul3A_1173 = arith.muli %scan3A_1028, %mul3A_1172 : i32
      %swap3A_1174 = arith.index_cast %mul3A_1173 : i32 to index
      %swap3A_1175 = tpu.vector_load %arg33[%swap3A_1174] {strides = array<i32>} : memref<256xf32, #tpu.memory_space<vmem>>, vector<16xf32>,
      tpu.vector_store %arg33[%swap3A_1174], %add3A_1171 {strides = array<i32>} : memref<256xf32, #tpu.memory_space<vmem>>, vector<16xf32>,
    }
    %scan3A_182 = arith.constant 16 : i32
    %run_scoped3A_183 = arith.constant 0 : i32
    "tpu.region"() ({
      %run_scoped3A_879 = tpu.sem_alloc : memref<!tpu.dma_semaphore, #tpu.memory_space<semaphore_mem>>
      %dma_start3A = arith.constant 0 : i32
      %dma_start3A_880 = tpu.memref_slice %arg33[%dma_start3A] : memref<256xf32, #tpu.memory_space<vmem>> -> memref<128xf32, #tpu.memory_space<vmem>>
      %dma_start3A_881 = arith.constant 0 : i32
      %dma_start3A_882 = tpu.memref_slice %arg28[%run_scoped3A_183, %dma_start3A_881] : memref<2x128xi32, #tpu.memory_space<vmem>> -> memref<1x128xi32, #tpu.memory_space<vmem>>
      %dma_start3A_883 = tpu.memref_squeeze %dma_start3A_882 : memref<1x128xi32, #tpu.memory_space<vmem>> -> memref<128xi32, #tpu.memory_space<vmem>>
      %dma_start3A_884 = arith.constant 0 : i32
      %dma_start3A_885 = tpu.memref_slice %arg42[%dma_start3A_884] : memref<256xf32, #tpu.memory_space<vmem_shared>> -> memref<256xf32, #tpu.memory_space<vmem_shared>>
      tpu.enqueue_indirect_dma source(%dma_start3A_880 : memref<128xf32, #tpu.memory_space<vmem>>) target(%dma_start3A_885 : memref<256xf32, #tpu.memory_space<vmem_shared>>) offsets(%dma_start3A_883 : memref<128xi32, #tpu.memory_space<vmem>>) semaphore(%run_scoped3A_879 : memref<!tpu.dma_semaphore, #tpu.memory_space<semaphore_mem>>) {add = true}
      %dma_wait3A = arith.constant 0 : i32
      %dma_wait3A_886 = tpu.memref_slice %arg33[%dma_wait3A] : memref<256xf32, #tpu.memory_space<vmem>> -> memref<128xf32, #tpu.memory_space<vmem>>
      %dma_wait3A_887 = arith.constant 0 : i32
      %dma_wait3A_888 = tpu.memref_slice %arg28[%run_scoped3A_183, %dma_wait3A_887] : memref<2x128xi32, #tpu.memory_space<vmem>> -> memref<1x128xi32, #tpu.memory_space<vmem>>
      %dma_wait3A_889 = tpu.memref_squeeze %dma_wait3A_888 : memref<1x128xi32, #tpu.memory_space<vmem>> -> memref<128xi32, #tpu.memory_space<vmem>>
      %dma_wait3A_890 = arith.constant 0 : i32
      %dma_wait3A_891 = tpu.memref_slice %arg42[%dma_wait3A_890] : memref<256xf32, #tpu.memory_space<vmem_shared>> -> memref<256xf32, #tpu.memory_space<vmem_shared>>
      tpu.wait_indirect_dma semaphore(%run_scoped3A_879 : memref<!tpu.dma_semaphore, #tpu.memory_space<semaphore_mem>>) src(%dma_wait3A_886 : memref<128xf32, #tpu.memory_space<vmem>>) dst(%dma_wait3A_891 : memref<256xf32, #tpu.memory_space<vmem_shared>>)
      tpu.yield
    }) : () -> ()
    %run_scoped3A_184 = arith.constant 1 : i32
    "tpu.region"() ({
      %run_scoped3A_879 = tpu.sem_alloc : memref<!tpu.dma_semaphore, #tpu.memory_space<semaphore_mem>>
      %dma_start3A = arith.constant 128 : i32
      %dma_start3A_880 = tpu.memref_slice %arg33[%dma_start3A] : memref<256xf32, #tpu.memory_space<vmem>> -> memref<128xf32, #tpu.memory_space<vmem>>
      %dma_start3A_881 = arith.constant 0 : i32
      %dma_start3A_882 = tpu.memref_slice %arg28[%run_scoped3A_184, %dma_start3A_881] : memref<2x128xi32, #tpu.memory_space<vmem>> -> memref<1x128xi32, #tpu.memory_space<vmem>>
      %dma_start3A_883 = tpu.memref_squeeze %dma_start3A_882 : memref<1x128xi32, #tpu.memory_space<vmem>> -> memref<128xi32, #tpu.memory_space<vmem>>
      %dma_start3A_884 = arith.constant 0 : i32
      %dma_start3A_885 = tpu.memref_slice %arg42[%dma_start3A_884] : memref<256xf32, #tpu.memory_space<vmem_shared>> -> memref<256xf32, #tpu.memory_space<vmem_shared>>
      tpu.enqueue_indirect_dma source(%dma_start3A_880 : memref<128xf32, #tpu.memory_space<vmem>>) target(%dma_start3A_885 : memref<256xf32, #tpu.memory_space<vmem_shared>>) offsets(%dma_start3A_883 : memref<128xi32, #tpu.memory_space<vmem>>) semaphore(%run_scoped3A_879 : memref<!tpu.dma_semaphore, #tpu.memory_space<semaphore_mem>>) {add = true}
      %dma_wait3A = arith.constant 128 : i32
      %dma_wait3A_886 = tpu.memref_slice %arg33[%dma_wait3A] : memref<256xf32, #tpu.memory_space<vmem>> -> memref<128xf32, #tpu.memory_space<vmem>>
      %dma_wait3A_887 = arith.constant 0 : i32
      %dma_wait3A_888 = tpu.memref_slice %arg28[%run_scoped3A_184, %dma_wait3A_887] : memref<2x128xi32, #tpu.memory_space<vmem>> -> memref<1x128xi32, #tpu.memory_space<vmem>>
      %dma_wait3A_889 = tpu.memref_squeeze %dma_wait3A_888 : memref<1x128xi32, #tpu.memory_space<vmem>> -> memref<128xi32, #tpu.memory_space<vmem>>
      %dma_wait3A_890 = arith.constant 0 : i32
      %dma_wait3A_891 = tpu.memref_slice %arg42[%dma_wait3A_890] : memref<256xf32, #tpu.memory_space<vmem_shared>> -> memref<256xf32, #tpu.memory_space<vmem_shared>>
      tpu.wait_indirect_dma semaphore(%run_scoped3A_879 : memref<!tpu.dma_semaphore, #tpu.memory_space<semaphore_mem>>) src(%dma_wait3A_886 : memref<128xf32, #tpu.memory_space<vmem>>) dst(%dma_wait3A_891 : memref<256xf32, #tpu.memory_space<vmem_shared>>)
      tpu.yield
    }) : () -> ()
    %barrier3A_185 = arith.constant 0 : index
    tpu.barrier barrier_id(%barrier3A_185)
    %mul3A_186 = arith.constant 16 : i32
    %mul3A_187 = arith.muli %arg1, %mul3A_186 : i32
    "tpu.region"() ({
      %run_scoped3A_879 = tpu.sem_alloc : memref<!tpu.dma_semaphore, #tpu.memory_space<semaphore_mem>>
      %dma_start3A = arith.constant 16 : i32
      %dma_start3A_880 = tpu.memref_slice %arg35[%dma_start3A] : memref<32xf32, #tpu.memory_space<vmem>> -> memref<16xf32, #tpu.memory_space<vmem>>
      %dma_start3A_881 = tpu.memref_slice %arg42[%mul3A_187] : memref<256xf32, #tpu.memory_space<vmem_shared>> -> memref<16xf32, #tpu.memory_space<vmem_shared>>
      %dma_start3A_882 = arith.constant 16 : i32
      %dma_start3A_883 = tpu.memref_slice %arg35[%dma_start3A_882] : memref<32xf32, #tpu.memory_space<vmem>> -> memref<16xf32, #tpu.memory_space<vmem>>
      %dma_start3A_884 = tpu.memref_slice %arg42[%mul3A_187] : memref<256xf32, #tpu.memory_space<vmem_shared>> -> memref<16xf32, #tpu.memory_space<vmem_shared>>
      tpu.enqueue_dma source(%dma_start3A_884 : memref<16xf32, #tpu.memory_space<vmem_shared>>) target(%dma_start3A_883 : memref<16xf32, #tpu.memory_space<vmem>>) target_semaphore(%run_scoped3A_879 : memref<!tpu.dma_semaphore, #tpu.memory_space<semaphore_mem>>)
      %dma_wait3A = arith.constant 16 : i32
      %dma_wait3A_885 = tpu.memref_slice %arg35[%dma_wait3A] : memref<32xf32, #tpu.memory_space<vmem>> -> memref<16xf32, #tpu.memory_space<vmem>>
      %dma_wait3A_886 = tpu.memref_slice %arg42[%mul3A_187] : memref<256xf32, #tpu.memory_space<vmem_shared>> -> memref<16xf32, #tpu.memory_space<vmem_shared>>
      %dma_wait3A_887 = arith.constant 16 : i32
      %dma_wait3A_888 = tpu.memref_slice %arg35[%dma_wait3A_887] : memref<32xf32, #tpu.memory_space<vmem>> -> memref<16xf32, #tpu.memory_space<vmem>>
      %dma_wait3A_889 = tpu.memref_slice %arg42[%mul3A_187] : memref<256xf32, #tpu.memory_space<vmem_shared>> -> memref<16xf32, #tpu.memory_space<vmem_shared>>
      tpu.wait_dma2 semaphore(%run_scoped3A_879 : memref<!tpu.dma_semaphore, #tpu.memory_space<semaphore_mem>>) src(%dma_wait3A_889 : memref<16xf32, #tpu.memory_space<vmem_shared>>) dst(%dma_wait3A_888 : memref<16xf32, #tpu.memory_space<vmem>>)
      tpu.yield
    }) : () -> ()
    %broadcast_in_dim3A_188 = arith.constant 16 : i32
    %broadcast_in_dim3A_189 = vector.broadcast %broadcast_in_dim3A_188 : i32 to vector<16xi32>
    %gather3A_190 = tpu.vector_load_idx %arg35[%broadcast_in_dim3A_189] : memref<32xf32, #tpu.memory_space<vmem>>[vector<16xi32>], vector<16xf32>,
    %max3A_191 = arith.constant 0.000000e+00 : f32
    %max3A_192 = vector.broadcast %max3A_191 : f32 to vector<16xf32>
    %max3A_193 = arith.maximumf %gather3A_190, %max3A_192 : vector<16xf32>
    %broadcast_in_dim3A_194 = arith.constant 17 : i32
    %broadcast_in_dim3A_195 = vector.broadcast %broadcast_in_dim3A_194 : i32 to vector<16xi32>
    %gather3A_196 = tpu.vector_load_idx %arg35[%broadcast_in_dim3A_195] : memref<32xf32, #tpu.memory_space<vmem>>[vector<16xi32>], vector<16xf32>,
    %max3A_197 = arith.constant 0.000000e+00 : f32
    %max3A_198 = vector.broadcast %max3A_197 : f32 to vector<16xf32>
    %max3A_199 = arith.maximumf %gather3A_196, %max3A_198 : vector<16xf32>
    %broadcast_in_dim3A_200 = arith.constant 18 : i32
    %broadcast_in_dim3A_201 = vector.broadcast %broadcast_in_dim3A_200 : i32 to vector<16xi32>
    %gather3A_202 = tpu.vector_load_idx %arg35[%broadcast_in_dim3A_201] : memref<32xf32, #tpu.memory_space<vmem>>[vector<16xi32>], vector<16xf32>,
    %max3A_203 = arith.constant 0.000000e+00 : f32
    %max3A_204 = vector.broadcast %max3A_203 : f32 to vector<16xf32>
    %max3A_205 = arith.maximumf %gather3A_202, %max3A_204 : vector<16xf32>
    %broadcast_in_dim3A_206 = arith.constant 19 : i32
    %broadcast_in_dim3A_207 = vector.broadcast %broadcast_in_dim3A_206 : i32 to vector<16xi32>
    %gather3A_208 = tpu.vector_load_idx %arg35[%broadcast_in_dim3A_207] : memref<32xf32, #tpu.memory_space<vmem>>[vector<16xi32>], vector<16xf32>,
    %max3A_209 = arith.constant 0.000000e+00 : f32
    %max3A_210 = vector.broadcast %max3A_209 : f32 to vector<16xf32>
    %max3A_211 = arith.maximumf %gather3A_208, %max3A_210 : vector<16xf32>
    %broadcast_in_dim3A_212 = arith.constant 20 : i32
    %broadcast_in_dim3A_213 = vector.broadcast %broadcast_in_dim3A_212 : i32 to vector<16xi32>
    %gather3A_214 = tpu.vector_load_idx %arg35[%broadcast_in_dim3A_213] : memref<32xf32, #tpu.memory_space<vmem>>[vector<16xi32>], vector<16xf32>,
    %max3A_215 = arith.constant 0.000000e+00 : f32
    %max3A_216 = vector.broadcast %max3A_215 : f32 to vector<16xf32>
    %max3A_217 = arith.maximumf %gather3A_214, %max3A_216 : vector<16xf32>
    %broadcast_in_dim3A_218 = arith.constant 21 : i32
    %broadcast_in_dim3A_219 = vector.broadcast %broadcast_in_dim3A_218 : i32 to vector<16xi32>
    %gather3A_220 = tpu.vector_load_idx %arg35[%broadcast_in_dim3A_219] : memref<32xf32, #tpu.memory_space<vmem>>[vector<16xi32>], vector<16xf32>,
    %max3A_221 = arith.constant 0.000000e+00 : f32
    %max3A_222 = vector.broadcast %max3A_221 : f32 to vector<16xf32>
    %max3A_223 = arith.maximumf %gather3A_220, %max3A_222 : vector<16xf32>
    %broadcast_in_dim3A_224 = arith.constant 22 : i32
    %broadcast_in_dim3A_225 = vector.broadcast %broadcast_in_dim3A_224 : i32 to vector<16xi32>
    %gather3A_226 = tpu.vector_load_idx %arg35[%broadcast_in_dim3A_225] : memref<32xf32, #tpu.memory_space<vmem>>[vector<16xi32>], vector<16xf32>,
    %max3A_227 = arith.constant 0.000000e+00 : f32
    %max3A_228 = vector.broadcast %max3A_227 : f32 to vector<16xf32>
    %max3A_229 = arith.maximumf %gather3A_226, %max3A_228 : vector<16xf32>
    %broadcast_in_dim3A_230 = arith.constant 23 : i32
    %broadcast_in_dim3A_231 = vector.broadcast %broadcast_in_dim3A_230 : i32 to vector<16xi32>
    %gather3A_232 = tpu.vector_load_idx %arg35[%broadcast_in_dim3A_231] : memref<32xf32, #tpu.memory_space<vmem>>[vector<16xi32>], vector<16xf32>,
    %max3A_233 = arith.constant 0.000000e+00 : f32
    %max3A_234 = vector.broadcast %max3A_233 : f32 to vector<16xf32>
    %max3A_235 = arith.maximumf %gather3A_232, %max3A_234 : vector<16xf32>
    %broadcast_in_dim3A_236 = arith.constant 24 : i32
    %broadcast_in_dim3A_237 = vector.broadcast %broadcast_in_dim3A_236 : i32 to vector<16xi32>
    %gather3A_238 = tpu.vector_load_idx %arg35[%broadcast_in_dim3A_237] : memref<32xf32, #tpu.memory_space<vmem>>[vector<16xi32>], vector<16xf32>,
    %max3A_239 = arith.constant 0.000000e+00 : f32
    %max3A_240 = vector.broadcast %max3A_239 : f32 to vector<16xf32>
    %max3A_241 = arith.maximumf %gather3A_238, %max3A_240 : vector<16xf32>
    %broadcast_in_dim3A_242 = arith.constant 25 : i32
    %broadcast_in_dim3A_243 = vector.broadcast %broadcast_in_dim3A_242 : i32 to vector<16xi32>
    %gather3A_244 = tpu.vector_load_idx %arg35[%broadcast_in_dim3A_243] : memref<32xf32, #tpu.memory_space<vmem>>[vector<16xi32>], vector<16xf32>,
    %max3A_245 = arith.constant 0.000000e+00 : f32
    %max3A_246 = vector.broadcast %max3A_245 : f32 to vector<16xf32>
    %max3A_247 = arith.maximumf %gather3A_244, %max3A_246 : vector<16xf32>
    %broadcast_in_dim3A_248 = arith.constant 26 : i32
    %broadcast_in_dim3A_249 = vector.broadcast %broadcast_in_dim3A_248 : i32 to vector<16xi32>
    %gather3A_250 = tpu.vector_load_idx %arg35[%broadcast_in_dim3A_249] : memref<32xf32, #tpu.memory_space<vmem>>[vector<16xi32>], vector<16xf32>,
    %max3A_251 = arith.constant 0.000000e+00 : f32
    %max3A_252 = vector.broadcast %max3A_251 : f32 to vector<16xf32>
    %max3A_253 = arith.maximumf %gather3A_250, %max3A_252 : vector<16xf32>
    %broadcast_in_dim3A_254 = arith.constant 27 : i32
    %broadcast_in_dim3A_255 = vector.broadcast %broadcast_in_dim3A_254 : i32 to vector<16xi32>
    %gather3A_256 = tpu.vector_load_idx %arg35[%broadcast_in_dim3A_255] : memref<32xf32, #tpu.memory_space<vmem>>[vector<16xi32>], vector<16xf32>,
    %max3A_257 = arith.constant 0.000000e+00 : f32
    %max3A_258 = vector.broadcast %max3A_257 : f32 to vector<16xf32>
    %max3A_259 = arith.maximumf %gather3A_256, %max3A_258 : vector<16xf32>
    %broadcast_in_dim3A_260 = arith.constant 28 : i32
    %broadcast_in_dim3A_261 = vector.broadcast %broadcast_in_dim3A_260 : i32 to vector<16xi32>
    %gather3A_262 = tpu.vector_load_idx %arg35[%broadcast_in_dim3A_261] : memref<32xf32, #tpu.memory_space<vmem>>[vector<16xi32>], vector<16xf32>,
    %max3A_263 = arith.constant 0.000000e+00 : f32
    %max3A_264 = vector.broadcast %max3A_263 : f32 to vector<16xf32>
    %max3A_265 = arith.maximumf %gather3A_262, %max3A_264 : vector<16xf32>
    %broadcast_in_dim3A_266 = arith.constant 29 : i32
    %broadcast_in_dim3A_267 = vector.broadcast %broadcast_in_dim3A_266 : i32 to vector<16xi32>
    %gather3A_268 = tpu.vector_load_idx %arg35[%broadcast_in_dim3A_267] : memref<32xf32, #tpu.memory_space<vmem>>[vector<16xi32>], vector<16xf32>,
    %max3A_269 = arith.constant 0.000000e+00 : f32
    %max3A_270 = vector.broadcast %max3A_269 : f32 to vector<16xf32>
    %max3A_271 = arith.maximumf %gather3A_268, %max3A_270 : vector<16xf32>
    %broadcast_in_dim3A_272 = arith.constant 30 : i32
    %broadcast_in_dim3A_273 = vector.broadcast %broadcast_in_dim3A_272 : i32 to vector<16xi32>
    %gather3A_274 = tpu.vector_load_idx %arg35[%broadcast_in_dim3A_273] : memref<32xf32, #tpu.memory_space<vmem>>[vector<16xi32>], vector<16xf32>,
    %max3A_275 = arith.constant 0.000000e+00 : f32
    %max3A_276 = vector.broadcast %max3A_275 : f32 to vector<16xf32>
    %max3A_277 = arith.maximumf %gather3A_274, %max3A_276 : vector<16xf32>
    %broadcast_in_dim3A_278 = arith.constant 31 : i32
    %broadcast_in_dim3A_279 = vector.broadcast %broadcast_in_dim3A_278 : i32 to vector<16xi32>
    %gather3A_280 = tpu.vector_load_idx %arg35[%broadcast_in_dim3A_279] : memref<32xf32, #tpu.memory_space<vmem>>[vector<16xi32>], vector<16xf32>,
    %max3A_281 = arith.constant 0.000000e+00 : f32
    %max3A_282 = vector.broadcast %max3A_281 : f32 to vector<16xf32>
    %max3A_283 = arith.maximumf %gather3A_280, %max3A_282 : vector<16xf32>
    %broadcast_in_dim3A_284 = arith.constant 0 : i32
    %broadcast_in_dim3A_285 = vector.broadcast %broadcast_in_dim3A_284 : i32 to vector<16xi32>
    %gather3A_286 = tpu.vector_load_idx %arg32[%broadcast_in_dim3A_285, %iota3A] : memref<16x16xf32, #tpu.memory_space<vmem>>[vector<16xi32>, vector<16xi32>], vector<16xf32>,
    %mul3A_287 = arith.mulf %max3A_193, %gather3A_286 : vector<16xf32>
    %broadcast_in_dim3A_288 = arith.constant 1 : i32
    %broadcast_in_dim3A_289 = vector.broadcast %broadcast_in_dim3A_288 : i32 to vector<16xi32>
    %gather3A_290 = tpu.vector_load_idx %arg32[%broadcast_in_dim3A_289, %iota3A] : memref<16x16xf32, #tpu.memory_space<vmem>>[vector<16xi32>, vector<16xi32>], vector<16xf32>,
    %mul3A_291 = arith.mulf %max3A_199, %gather3A_290 : vector<16xf32>
    %add3A_292 = arith.addf %mul3A_287, %mul3A_291 : vector<16xf32>
    %broadcast_in_dim3A_293 = arith.constant 2 : i32
    %broadcast_in_dim3A_294 = vector.broadcast %broadcast_in_dim3A_293 : i32 to vector<16xi32>
    %gather3A_295 = tpu.vector_load_idx %arg32[%broadcast_in_dim3A_294, %iota3A] : memref<16x16xf32, #tpu.memory_space<vmem>>[vector<16xi32>, vector<16xi32>], vector<16xf32>,
    %mul3A_296 = arith.mulf %max3A_205, %gather3A_295 : vector<16xf32>
    %add3A_297 = arith.addf %add3A_292, %mul3A_296 : vector<16xf32>
    %broadcast_in_dim3A_298 = arith.constant 3 : i32
    %broadcast_in_dim3A_299 = vector.broadcast %broadcast_in_dim3A_298 : i32 to vector<16xi32>
    %gather3A_300 = tpu.vector_load_idx %arg32[%broadcast_in_dim3A_299, %iota3A] : memref<16x16xf32, #tpu.memory_space<vmem>>[vector<16xi32>, vector<16xi32>], vector<16xf32>,
    %mul3A_301 = arith.mulf %max3A_211, %gather3A_300 : vector<16xf32>
    %add3A_302 = arith.addf %add3A_297, %mul3A_301 : vector<16xf32>
    %broadcast_in_dim3A_303 = arith.constant 4 : i32
    %broadcast_in_dim3A_304 = vector.broadcast %broadcast_in_dim3A_303 : i32 to vector<16xi32>
    %gather3A_305 = tpu.vector_load_idx %arg32[%broadcast_in_dim3A_304, %iota3A] : memref<16x16xf32, #tpu.memory_space<vmem>>[vector<16xi32>, vector<16xi32>], vector<16xf32>,
    %mul3A_306 = arith.mulf %max3A_217, %gather3A_305 : vector<16xf32>
    %add3A_307 = arith.addf %add3A_302, %mul3A_306 : vector<16xf32>
    %broadcast_in_dim3A_308 = arith.constant 5 : i32
    %broadcast_in_dim3A_309 = vector.broadcast %broadcast_in_dim3A_308 : i32 to vector<16xi32>
    %gather3A_310 = tpu.vector_load_idx %arg32[%broadcast_in_dim3A_309, %iota3A] : memref<16x16xf32, #tpu.memory_space<vmem>>[vector<16xi32>, vector<16xi32>], vector<16xf32>,
    %mul3A_311 = arith.mulf %max3A_223, %gather3A_310 : vector<16xf32>
    %add3A_312 = arith.addf %add3A_307, %mul3A_311 : vector<16xf32>
    %broadcast_in_dim3A_313 = arith.constant 6 : i32
    %broadcast_in_dim3A_314 = vector.broadcast %broadcast_in_dim3A_313 : i32 to vector<16xi32>
    %gather3A_315 = tpu.vector_load_idx %arg32[%broadcast_in_dim3A_314, %iota3A] : memref<16x16xf32, #tpu.memory_space<vmem>>[vector<16xi32>, vector<16xi32>], vector<16xf32>,
    %mul3A_316 = arith.mulf %max3A_229, %gather3A_315 : vector<16xf32>
    %add3A_317 = arith.addf %add3A_312, %mul3A_316 : vector<16xf32>
    %broadcast_in_dim3A_318 = arith.constant 7 : i32
    %broadcast_in_dim3A_319 = vector.broadcast %broadcast_in_dim3A_318 : i32 to vector<16xi32>
    %gather3A_320 = tpu.vector_load_idx %arg32[%broadcast_in_dim3A_319, %iota3A] : memref<16x16xf32, #tpu.memory_space<vmem>>[vector<16xi32>, vector<16xi32>], vector<16xf32>,
    %mul3A_321 = arith.mulf %max3A_235, %gather3A_320 : vector<16xf32>
    %add3A_322 = arith.addf %add3A_317, %mul3A_321 : vector<16xf32>
    %broadcast_in_dim3A_323 = arith.constant 8 : i32
    %broadcast_in_dim3A_324 = vector.broadcast %broadcast_in_dim3A_323 : i32 to vector<16xi32>
    %gather3A_325 = tpu.vector_load_idx %arg32[%broadcast_in_dim3A_324, %iota3A] : memref<16x16xf32, #tpu.memory_space<vmem>>[vector<16xi32>, vector<16xi32>], vector<16xf32>,
    %mul3A_326 = arith.mulf %max3A_241, %gather3A_325 : vector<16xf32>
    %add3A_327 = arith.addf %add3A_322, %mul3A_326 : vector<16xf32>
    %broadcast_in_dim3A_328 = arith.constant 9 : i32
    %broadcast_in_dim3A_329 = vector.broadcast %broadcast_in_dim3A_328 : i32 to vector<16xi32>
    %gather3A_330 = tpu.vector_load_idx %arg32[%broadcast_in_dim3A_329, %iota3A] : memref<16x16xf32, #tpu.memory_space<vmem>>[vector<16xi32>, vector<16xi32>], vector<16xf32>,
    %mul3A_331 = arith.mulf %max3A_247, %gather3A_330 : vector<16xf32>
    %add3A_332 = arith.addf %add3A_327, %mul3A_331 : vector<16xf32>
    %broadcast_in_dim3A_333 = arith.constant 10 : i32
    %broadcast_in_dim3A_334 = vector.broadcast %broadcast_in_dim3A_333 : i32 to vector<16xi32>
    %gather3A_335 = tpu.vector_load_idx %arg32[%broadcast_in_dim3A_334, %iota3A] : memref<16x16xf32, #tpu.memory_space<vmem>>[vector<16xi32>, vector<16xi32>], vector<16xf32>,
    %mul3A_336 = arith.mulf %max3A_253, %gather3A_335 : vector<16xf32>
    %add3A_337 = arith.addf %add3A_332, %mul3A_336 : vector<16xf32>
    %broadcast_in_dim3A_338 = arith.constant 11 : i32
    %broadcast_in_dim3A_339 = vector.broadcast %broadcast_in_dim3A_338 : i32 to vector<16xi32>
    %gather3A_340 = tpu.vector_load_idx %arg32[%broadcast_in_dim3A_339, %iota3A] : memref<16x16xf32, #tpu.memory_space<vmem>>[vector<16xi32>, vector<16xi32>], vector<16xf32>,
    %mul3A_341 = arith.mulf %max3A_259, %gather3A_340 : vector<16xf32>
    %add3A_342 = arith.addf %add3A_337, %mul3A_341 : vector<16xf32>
    %broadcast_in_dim3A_343 = arith.constant 12 : i32
    %broadcast_in_dim3A_344 = vector.broadcast %broadcast_in_dim3A_343 : i32 to vector<16xi32>
    %gather3A_345 = tpu.vector_load_idx %arg32[%broadcast_in_dim3A_344, %iota3A] : memref<16x16xf32, #tpu.memory_space<vmem>>[vector<16xi32>, vector<16xi32>], vector<16xf32>,
    %mul3A_346 = arith.mulf %max3A_265, %gather3A_345 : vector<16xf32>
    %add3A_347 = arith.addf %add3A_342, %mul3A_346 : vector<16xf32>
    %broadcast_in_dim3A_348 = arith.constant 13 : i32
    %broadcast_in_dim3A_349 = vector.broadcast %broadcast_in_dim3A_348 : i32 to vector<16xi32>
    %gather3A_350 = tpu.vector_load_idx %arg32[%broadcast_in_dim3A_349, %iota3A] : memref<16x16xf32, #tpu.memory_space<vmem>>[vector<16xi32>, vector<16xi32>], vector<16xf32>,
    %mul3A_351 = arith.mulf %max3A_271, %gather3A_350 : vector<16xf32>
    %add3A_352 = arith.addf %add3A_347, %mul3A_351 : vector<16xf32>
    %broadcast_in_dim3A_353 = arith.constant 14 : i32
    %broadcast_in_dim3A_354 = vector.broadcast %broadcast_in_dim3A_353 : i32 to vector<16xi32>
    %gather3A_355 = tpu.vector_load_idx %arg32[%broadcast_in_dim3A_354, %iota3A] : memref<16x16xf32, #tpu.memory_space<vmem>>[vector<16xi32>, vector<16xi32>], vector<16xf32>,
    %mul3A_356 = arith.mulf %max3A_277, %gather3A_355 : vector<16xf32>
    %add3A_357 = arith.addf %add3A_352, %mul3A_356 : vector<16xf32>
    %broadcast_in_dim3A_358 = arith.constant 15 : i32
    %broadcast_in_dim3A_359 = vector.broadcast %broadcast_in_dim3A_358 : i32 to vector<16xi32>
    %gather3A_360 = tpu.vector_load_idx %arg32[%broadcast_in_dim3A_359, %iota3A] : memref<16x16xf32, #tpu.memory_space<vmem>>[vector<16xi32>, vector<16xi32>], vector<16xf32>,
    %mul3A_361 = arith.mulf %max3A_283, %gather3A_360 : vector<16xf32>
    %add3A_362 = arith.addf %add3A_357, %mul3A_361 : vector<16xf32>
    %swap3A_363 = arith.constant 0 : index
    %swap3A_364 = tpu.vector_load %arg34[%swap3A_363] {strides = array<i32>} : memref<16xf32, #tpu.memory_space<vmem>>, vector<16xf32>,
    tpu.vector_store %arg34[%swap3A_363], %add3A_362 {strides = array<i32>} : memref<16xf32, #tpu.memory_space<vmem>>, vector<16xf32>,
    %run_scoped3A_365 = arith.constant 7 : i32
    "tpu.region"() ({
      %run_scoped3A_879 = tpu.sem_alloc : memref<!tpu.dma_semaphore, #tpu.memory_space<semaphore_mem>>
      %dma_start3A = arith.constant 0 : i32
      %dma_start3A_880 = tpu.memref_slice %arg26[%run_scoped3A_365, %dma_start3A] : memref<8x16xi32, #tpu.memory_space<vmem>> -> memref<1x16xi32, #tpu.memory_space<vmem>>
      %dma_start3A_881 = tpu.memref_squeeze %dma_start3A_880 : memref<1x16xi32, #tpu.memory_space<vmem>> -> memref<16xi32, #tpu.memory_space<vmem>>
      %dma_start3A_882 = arith.constant 0 : i32
      %dma_start3A_883 = tpu.memref_slice %arg43[%dma_start3A_882] : memref<16xf32, #tpu.memory_space<vmem_shared>> -> memref<16xf32, #tpu.memory_space<vmem_shared>>
      tpu.enqueue_indirect_dma source(%arg34 : memref<16xf32, #tpu.memory_space<vmem>>) target(%dma_start3A_883 : memref<16xf32, #tpu.memory_space<vmem_shared>>) offsets(%dma_start3A_881 : memref<16xi32, #tpu.memory_space<vmem>>) semaphore(%run_scoped3A_879 : memref<!tpu.dma_semaphore, #tpu.memory_space<semaphore_mem>>) {add = true}
      %dma_wait3A = arith.constant 0 : i32
      %dma_wait3A_884 = tpu.memref_slice %arg26[%run_scoped3A_365, %dma_wait3A] : memref<8x16xi32, #tpu.memory_space<vmem>> -> memref<1x16xi32, #tpu.memory_space<vmem>>
      %dma_wait3A_885 = tpu.memref_squeeze %dma_wait3A_884 : memref<1x16xi32, #tpu.memory_space<vmem>> -> memref<16xi32, #tpu.memory_space<vmem>>
      %dma_wait3A_886 = arith.constant 0 : i32
      %dma_wait3A_887 = tpu.memref_slice %arg43[%dma_wait3A_886] : memref<16xf32, #tpu.memory_space<vmem_shared>> -> memref<16xf32, #tpu.memory_space<vmem_shared>>
      tpu.wait_indirect_dma semaphore(%run_scoped3A_879 : memref<!tpu.dma_semaphore, #tpu.memory_space<semaphore_mem>>) src(%arg34 : memref<16xf32, #tpu.memory_space<vmem>>) dst(%dma_wait3A_887 : memref<16xf32, #tpu.memory_space<vmem_shared>>)
      tpu.yield
    }) : () -> ()
    "tpu.region"() ({
      %run_scoped3A_879 = tpu.sem_alloc : memref<!tpu.dma_semaphore, #tpu.memory_space<semaphore_mem>>
      %dma_start3A = arith.constant 0 : i32
      %dma_start3A_880 = arith.constant 0 : i32
      %dma_start3A_881 = tpu.memref_slice %arg10[%dma_start3A, %dma_start3A_880] : memref<100001x256xf32, #tpu.memory_space<hbm>> -> memref<100001x256xf32, #tpu.memory_space<hbm>>
      tpu.enqueue_indirect_dma source(%dma_start3A_881 : memref<100001x256xf32, #tpu.memory_space<hbm>>) target(%arg29 : memref<16x256xf32, #tpu.memory_space<vmem>>) offsets(%arg25 : memref<16xi32, #tpu.memory_space<vmem>>) semaphore(%run_scoped3A_879 : memref<!tpu.dma_semaphore, #tpu.memory_space<semaphore_mem>>)
      %dma_wait3A = arith.constant 0 : i32
      %dma_wait3A_882 = arith.constant 0 : i32
      %dma_wait3A_883 = tpu.memref_slice %arg10[%dma_wait3A, %dma_wait3A_882] : memref<100001x256xf32, #tpu.memory_space<hbm>> -> memref<100001x256xf32, #tpu.memory_space<hbm>>
      tpu.wait_indirect_dma semaphore(%run_scoped3A_879 : memref<!tpu.dma_semaphore, #tpu.memory_space<semaphore_mem>>) src(%dma_wait3A_883 : memref<100001x256xf32, #tpu.memory_space<hbm>>) dst(%arg29 : memref<16x256xf32, #tpu.memory_space<vmem>>)
      tpu.yield
    }) : () -> ()
    %mul3A_366 = arith.constant 16 : i32
    %mul3A_367 = arith.muli %arg1, %mul3A_366 : i32
    "tpu.region"() ({
      %run_scoped3A_879 = tpu.sem_alloc : memref<!tpu.dma_semaphore, #tpu.memory_space<semaphore_mem>>
      %dma_start3A = arith.constant 0 : i32
      %dma_start3A_880 = tpu.memref_slice %arg11[%mul3A_367, %dma_start3A] : memref<256x256xf32, #tpu.memory_space<hbm>> -> memref<16x256xf32, #tpu.memory_space<hbm>>
      %dma_start3A_881 = arith.constant 0 : i32
      %dma_start3A_882 = tpu.memref_slice %arg11[%mul3A_367, %dma_start3A_881] : memref<256x256xf32, #tpu.memory_space<hbm>> -> memref<16x256xf32, #tpu.memory_space<hbm>>
      tpu.enqueue_dma source(%dma_start3A_882 : memref<16x256xf32, #tpu.memory_space<hbm>>) target(%arg30 : memref<16x256xf32, #tpu.memory_space<vmem>>) target_semaphore(%run_scoped3A_879 : memref<!tpu.dma_semaphore, #tpu.memory_space<semaphore_mem>>)
      %dma_wait3A = arith.constant 0 : i32
      %dma_wait3A_883 = tpu.memref_slice %arg11[%mul3A_367, %dma_wait3A] : memref<256x256xf32, #tpu.memory_space<hbm>> -> memref<16x256xf32, #tpu.memory_space<hbm>>
      %dma_wait3A_884 = arith.constant 0 : i32
      %dma_wait3A_885 = tpu.memref_slice %arg11[%mul3A_367, %dma_wait3A_884] : memref<256x256xf32, #tpu.memory_space<hbm>> -> memref<16x256xf32, #tpu.memory_space<hbm>>
      tpu.wait_dma2 semaphore(%run_scoped3A_879 : memref<!tpu.dma_semaphore, #tpu.memory_space<semaphore_mem>>) src(%dma_wait3A_885 : memref<16x256xf32, #tpu.memory_space<hbm>>) dst(%arg30 : memref<16x256xf32, #tpu.memory_space<vmem>>)
      tpu.yield
    }) : () -> ()
    %mul3A_368 = arith.constant 16 : i32
    %mul3A_369 = arith.muli %arg1, %mul3A_368 : i32
    "tpu.region"() ({
      %run_scoped3A_879 = tpu.sem_alloc : memref<!tpu.dma_semaphore, #tpu.memory_space<semaphore_mem>>
      %dma_start3A = arith.constant 0 : i32
      %dma_start3A_880 = tpu.memref_slice %arg13[%mul3A_369, %dma_start3A] : memref<256x256xf32, #tpu.memory_space<hbm>> -> memref<16x256xf32, #tpu.memory_space<hbm>>
      %dma_start3A_881 = arith.constant 0 : i32
      %dma_start3A_882 = tpu.memref_slice %arg13[%mul3A_369, %dma_start3A_881] : memref<256x256xf32, #tpu.memory_space<hbm>> -> memref<16x256xf32, #tpu.memory_space<hbm>>
      tpu.enqueue_dma source(%dma_start3A_882 : memref<16x256xf32, #tpu.memory_space<hbm>>) target(%arg31 : memref<16x256xf32, #tpu.memory_space<vmem>>) target_semaphore(%run_scoped3A_879 : memref<!tpu.dma_semaphore, #tpu.memory_space<semaphore_mem>>)
      %dma_wait3A = arith.constant 0 : i32
      %dma_wait3A_883 = tpu.memref_slice %arg13[%mul3A_369, %dma_wait3A] : memref<256x256xf32, #tpu.memory_space<hbm>> -> memref<16x256xf32, #tpu.memory_space<hbm>>
      %dma_wait3A_884 = arith.constant 0 : i32
      %dma_wait3A_885 = tpu.memref_slice %arg13[%mul3A_369, %dma_wait3A_884] : memref<256x256xf32, #tpu.memory_space<hbm>> -> memref<16x256xf32, #tpu.memory_space<hbm>>
      tpu.wait_dma2 semaphore(%run_scoped3A_879 : memref<!tpu.dma_semaphore, #tpu.memory_space<semaphore_mem>>) src(%dma_wait3A_885 : memref<16x256xf32, #tpu.memory_space<hbm>>) dst(%arg31 : memref<16x256xf32, #tpu.memory_space<vmem>>)
      tpu.yield
    }) : () -> ()
    %mul3A_370 = arith.constant 16 : i32
    %mul3A_371 = arith.muli %arg1, %mul3A_370 : i32
    "tpu.region"() ({
      %run_scoped3A_879 = tpu.sem_alloc : memref<!tpu.dma_semaphore, #tpu.memory_space<semaphore_mem>>
      %dma_start3A = arith.constant 0 : i32
      %dma_start3A_880 = tpu.memref_slice %arg15[%mul3A_371, %dma_start3A] : memref<256x16xf32, #tpu.memory_space<hbm>> -> memref<16x16xf32, #tpu.memory_space<hbm>>
      %dma_start3A_881 = arith.constant 0 : i32
      %dma_start3A_882 = tpu.memref_slice %arg15[%mul3A_371, %dma_start3A_881] : memref<256x16xf32, #tpu.memory_space<hbm>> -> memref<16x16xf32, #tpu.memory_space<hbm>>
      tpu.enqueue_dma source(%dma_start3A_882 : memref<16x16xf32, #tpu.memory_space<hbm>>) target(%arg32 : memref<16x16xf32, #tpu.memory_space<vmem>>) target_semaphore(%run_scoped3A_879 : memref<!tpu.dma_semaphore, #tpu.memory_space<semaphore_mem>>)
      %dma_wait3A = arith.constant 0 : i32
      %dma_wait3A_883 = tpu.memref_slice %arg15[%mul3A_371, %dma_wait3A] : memref<256x16xf32, #tpu.memory_space<hbm>> -> memref<16x16xf32, #tpu.memory_space<hbm>>
      %dma_wait3A_884 = arith.constant 0 : i32
      %dma_wait3A_885 = tpu.memref_slice %arg15[%mul3A_371, %dma_wait3A_884] : memref<256x16xf32, #tpu.memory_space<hbm>> -> memref<16x16xf32, #tpu.memory_space<hbm>>
      tpu.wait_dma2 semaphore(%run_scoped3A_879 : memref<!tpu.dma_semaphore, #tpu.memory_space<semaphore_mem>>) src(%dma_wait3A_885 : memref<16x16xf32, #tpu.memory_space<hbm>>) dst(%arg32 : memref<16x16xf32, #tpu.memory_space<vmem>>)
      tpu.yield
    }) : () -> ()
    %mul3A_372 = arith.constant 16 : i32
    %mul3A_373 = arith.muli %arg1, %mul3A_372 : i32
    %add3A_374 = vector.broadcast %mul3A_373 : i32 to vector<16xi32>
    %add3A_375 = arith.addi %add3A_374, %iota3A : vector<16xi32>
    %gather3A_376 = tpu.vector_load_idx %arg29[%broadcast_in_dim3A_0, %add3A_375] : memref<16x256xf32, #tpu.memory_space<vmem>>[vector<16xi32>, vector<16xi32>], vector<16xf32>,
    %swap3A_377 = arith.constant 16 : index
    %swap3A_378 = tpu.vector_load %arg35[%swap3A_377] {strides = array<i32>} : memref<32xf32, #tpu.memory_space<vmem>>, vector<16xf32>,
    tpu.vector_store %arg35[%swap3A_377], %gather3A_376 {strides = array<i32>} : memref<32xf32, #tpu.memory_space<vmem>>, vector<16xf32>,
    %broadcast_in_dim3A_379 = arith.constant 16 : i32
    %broadcast_in_dim3A_380 = vector.broadcast %broadcast_in_dim3A_379 : i32 to vector<16xi32>
    %gather3A_381 = tpu.vector_load_idx %arg35[%broadcast_in_dim3A_380] : memref<32xf32, #tpu.memory_space<vmem>>[vector<16xi32>], vector<16xf32>,
    %broadcast_in_dim3A_382 = arith.constant 17 : i32
    %broadcast_in_dim3A_383 = vector.broadcast %broadcast_in_dim3A_382 : i32 to vector<16xi32>
    %gather3A_384 = tpu.vector_load_idx %arg35[%broadcast_in_dim3A_383] : memref<32xf32, #tpu.memory_space<vmem>>[vector<16xi32>], vector<16xf32>,
    %broadcast_in_dim3A_385 = arith.constant 18 : i32
    %broadcast_in_dim3A_386 = vector.broadcast %broadcast_in_dim3A_385 : i32 to vector<16xi32>
    %gather3A_387 = tpu.vector_load_idx %arg35[%broadcast_in_dim3A_386] : memref<32xf32, #tpu.memory_space<vmem>>[vector<16xi32>], vector<16xf32>,
    %broadcast_in_dim3A_388 = arith.constant 19 : i32
    %broadcast_in_dim3A_389 = vector.broadcast %broadcast_in_dim3A_388 : i32 to vector<16xi32>
    %gather3A_390 = tpu.vector_load_idx %arg35[%broadcast_in_dim3A_389] : memref<32xf32, #tpu.memory_space<vmem>>[vector<16xi32>], vector<16xf32>,
    %broadcast_in_dim3A_391 = arith.constant 20 : i32
    %broadcast_in_dim3A_392 = vector.broadcast %broadcast_in_dim3A_391 : i32 to vector<16xi32>
    %gather3A_393 = tpu.vector_load_idx %arg35[%broadcast_in_dim3A_392] : memref<32xf32, #tpu.memory_space<vmem>>[vector<16xi32>], vector<16xf32>,
    %broadcast_in_dim3A_394 = arith.constant 21 : i32
    %broadcast_in_dim3A_395 = vector.broadcast %broadcast_in_dim3A_394 : i32 to vector<16xi32>
    %gather3A_396 = tpu.vector_load_idx %arg35[%broadcast_in_dim3A_395] : memref<32xf32, #tpu.memory_space<vmem>>[vector<16xi32>], vector<16xf32>,
    %broadcast_in_dim3A_397 = arith.constant 22 : i32
    %broadcast_in_dim3A_398 = vector.broadcast %broadcast_in_dim3A_397 : i32 to vector<16xi32>
    %gather3A_399 = tpu.vector_load_idx %arg35[%broadcast_in_dim3A_398] : memref<32xf32, #tpu.memory_space<vmem>>[vector<16xi32>], vector<16xf32>,
    %broadcast_in_dim3A_400 = arith.constant 23 : i32
    %broadcast_in_dim3A_401 = vector.broadcast %broadcast_in_dim3A_400 : i32 to vector<16xi32>
    %gather3A_402 = tpu.vector_load_idx %arg35[%broadcast_in_dim3A_401] : memref<32xf32, #tpu.memory_space<vmem>>[vector<16xi32>], vector<16xf32>,
    %broadcast_in_dim3A_403 = arith.constant 24 : i32
    %broadcast_in_dim3A_404 = vector.broadcast %broadcast_in_dim3A_403 : i32 to vector<16xi32>
    %gather3A_405 = tpu.vector_load_idx %arg35[%broadcast_in_dim3A_404] : memref<32xf32, #tpu.memory_space<vmem>>[vector<16xi32>], vector<16xf32>,
    %broadcast_in_dim3A_406 = arith.constant 25 : i32
    %broadcast_in_dim3A_407 = vector.broadcast %broadcast_in_dim3A_406 : i32 to vector<16xi32>
    %gather3A_408 = tpu.vector_load_idx %arg35[%broadcast_in_dim3A_407] : memref<32xf32, #tpu.memory_space<vmem>>[vector<16xi32>], vector<16xf32>,
    %broadcast_in_dim3A_409 = arith.constant 26 : i32
    %broadcast_in_dim3A_410 = vector.broadcast %broadcast_in_dim3A_409 : i32 to vector<16xi32>
    %gather3A_411 = tpu.vector_load_idx %arg35[%broadcast_in_dim3A_410] : memref<32xf32, #tpu.memory_space<vmem>>[vector<16xi32>], vector<16xf32>,
    %broadcast_in_dim3A_412 = arith.constant 27 : i32
    %broadcast_in_dim3A_413 = vector.broadcast %broadcast_in_dim3A_412 : i32 to vector<16xi32>
    %gather3A_414 = tpu.vector_load_idx %arg35[%broadcast_in_dim3A_413] : memref<32xf32, #tpu.memory_space<vmem>>[vector<16xi32>], vector<16xf32>,
    %broadcast_in_dim3A_415 = arith.constant 28 : i32
    %broadcast_in_dim3A_416 = vector.broadcast %broadcast_in_dim3A_415 : i32 to vector<16xi32>
    %gather3A_417 = tpu.vector_load_idx %arg35[%broadcast_in_dim3A_416] : memref<32xf32, #tpu.memory_space<vmem>>[vector<16xi32>], vector<16xf32>,
    %broadcast_in_dim3A_418 = arith.constant 29 : i32
    %broadcast_in_dim3A_419 = vector.broadcast %broadcast_in_dim3A_418 : i32 to vector<16xi32>
    %gather3A_420 = tpu.vector_load_idx %arg35[%broadcast_in_dim3A_419] : memref<32xf32, #tpu.memory_space<vmem>>[vector<16xi32>], vector<16xf32>,
    %broadcast_in_dim3A_421 = arith.constant 30 : i32
    %broadcast_in_dim3A_422 = vector.broadcast %broadcast_in_dim3A_421 : i32 to vector<16xi32>
    %gather3A_423 = tpu.vector_load_idx %arg35[%broadcast_in_dim3A_422] : memref<32xf32, #tpu.memory_space<vmem>>[vector<16xi32>], vector<16xf32>,
    %broadcast_in_dim3A_424 = arith.constant 31 : i32
    %broadcast_in_dim3A_425 = vector.broadcast %broadcast_in_dim3A_424 : i32 to vector<16xi32>
    %gather3A_426 = tpu.vector_load_idx %arg35[%broadcast_in_dim3A_425] : memref<32xf32, #tpu.memory_space<vmem>>[vector<16xi32>], vector<16xf32>,
    %scan3A_427 = arith.constant 0 : i32
    %scan3A_428 = arith.constant 0 : i32
    %scan3A_429 = arith.constant 16 : i32
    %scan3A_430 = arith.addi %scan3A_428, %scan3A_429 : i32
    %scan3A_431 = arith.constant 2 : i32
    scf.for %scan3A_879 = %scan3A_428 to %scan3A_430 step %scan3A_431  : i32 {
      %broadcast_in_dim3A_880 = arith.constant 0 : i32
      %broadcast_in_dim3A_881 = vector.broadcast %broadcast_in_dim3A_880 : i32 to vector<16xi32>
      %mul3A_882 = arith.constant 16 : i32
      %mul3A_883 = arith.muli %scan3A_879, %mul3A_882 : i32
      %add3A_884 = vector.broadcast %mul3A_883 : i32 to vector<16xi32>
      %add3A_885 = arith.addi %add3A_884, %iota3A : vector<16xi32>
      %gather3A_886 = tpu.vector_load_idx %arg30[%broadcast_in_dim3A_881, %add3A_885] : memref<16x256xf32, #tpu.memory_space<vmem>>[vector<16xi32>, vector<16xi32>], vector<16xf32>,
      %mul3A_887 = arith.mulf %gather3A_381, %gather3A_886 : vector<16xf32>
      %broadcast_in_dim3A_888 = arith.constant 1 : i32
      %broadcast_in_dim3A_889 = vector.broadcast %broadcast_in_dim3A_888 : i32 to vector<16xi32>
      %mul3A_890 = arith.constant 16 : i32
      %mul3A_891 = arith.muli %scan3A_879, %mul3A_890 : i32
      %add3A_892 = vector.broadcast %mul3A_891 : i32 to vector<16xi32>
      %add3A_893 = arith.addi %add3A_892, %iota3A : vector<16xi32>
      %gather3A_894 = tpu.vector_load_idx %arg30[%broadcast_in_dim3A_889, %add3A_893] : memref<16x256xf32, #tpu.memory_space<vmem>>[vector<16xi32>, vector<16xi32>], vector<16xf32>,
      %mul3A_895 = arith.mulf %gather3A_384, %gather3A_894 : vector<16xf32>
      %add3A_896 = arith.addf %mul3A_887, %mul3A_895 : vector<16xf32>
      %broadcast_in_dim3A_897 = arith.constant 2 : i32
      %broadcast_in_dim3A_898 = vector.broadcast %broadcast_in_dim3A_897 : i32 to vector<16xi32>
      %mul3A_899 = arith.constant 16 : i32
      %mul3A_900 = arith.muli %scan3A_879, %mul3A_899 : i32
      %add3A_901 = vector.broadcast %mul3A_900 : i32 to vector<16xi32>
      %add3A_902 = arith.addi %add3A_901, %iota3A : vector<16xi32>
      %gather3A_903 = tpu.vector_load_idx %arg30[%broadcast_in_dim3A_898, %add3A_902] : memref<16x256xf32, #tpu.memory_space<vmem>>[vector<16xi32>, vector<16xi32>], vector<16xf32>,
      %mul3A_904 = arith.mulf %gather3A_387, %gather3A_903 : vector<16xf32>
      %add3A_905 = arith.addf %add3A_896, %mul3A_904 : vector<16xf32>
      %broadcast_in_dim3A_906 = arith.constant 3 : i32
      %broadcast_in_dim3A_907 = vector.broadcast %broadcast_in_dim3A_906 : i32 to vector<16xi32>
      %mul3A_908 = arith.constant 16 : i32
      %mul3A_909 = arith.muli %scan3A_879, %mul3A_908 : i32
      %add3A_910 = vector.broadcast %mul3A_909 : i32 to vector<16xi32>
      %add3A_911 = arith.addi %add3A_910, %iota3A : vector<16xi32>
      %gather3A_912 = tpu.vector_load_idx %arg30[%broadcast_in_dim3A_907, %add3A_911] : memref<16x256xf32, #tpu.memory_space<vmem>>[vector<16xi32>, vector<16xi32>], vector<16xf32>,
      %mul3A_913 = arith.mulf %gather3A_390, %gather3A_912 : vector<16xf32>
      %add3A_914 = arith.addf %add3A_905, %mul3A_913 : vector<16xf32>
      %broadcast_in_dim3A_915 = arith.constant 4 : i32
      %broadcast_in_dim3A_916 = vector.broadcast %broadcast_in_dim3A_915 : i32 to vector<16xi32>
      %mul3A_917 = arith.constant 16 : i32
      %mul3A_918 = arith.muli %scan3A_879, %mul3A_917 : i32
      %add3A_919 = vector.broadcast %mul3A_918 : i32 to vector<16xi32>
      %add3A_920 = arith.addi %add3A_919, %iota3A : vector<16xi32>
      %gather3A_921 = tpu.vector_load_idx %arg30[%broadcast_in_dim3A_916, %add3A_920] : memref<16x256xf32, #tpu.memory_space<vmem>>[vector<16xi32>, vector<16xi32>], vector<16xf32>,
      %mul3A_922 = arith.mulf %gather3A_393, %gather3A_921 : vector<16xf32>
      %add3A_923 = arith.addf %add3A_914, %mul3A_922 : vector<16xf32>
      %broadcast_in_dim3A_924 = arith.constant 5 : i32
      %broadcast_in_dim3A_925 = vector.broadcast %broadcast_in_dim3A_924 : i32 to vector<16xi32>
      %mul3A_926 = arith.constant 16 : i32
      %mul3A_927 = arith.muli %scan3A_879, %mul3A_926 : i32
      %add3A_928 = vector.broadcast %mul3A_927 : i32 to vector<16xi32>
      %add3A_929 = arith.addi %add3A_928, %iota3A : vector<16xi32>
      %gather3A_930 = tpu.vector_load_idx %arg30[%broadcast_in_dim3A_925, %add3A_929] : memref<16x256xf32, #tpu.memory_space<vmem>>[vector<16xi32>, vector<16xi32>], vector<16xf32>,
      %mul3A_931 = arith.mulf %gather3A_396, %gather3A_930 : vector<16xf32>
      %add3A_932 = arith.addf %add3A_923, %mul3A_931 : vector<16xf32>
      %broadcast_in_dim3A_933 = arith.constant 6 : i32
      %broadcast_in_dim3A_934 = vector.broadcast %broadcast_in_dim3A_933 : i32 to vector<16xi32>
      %mul3A_935 = arith.constant 16 : i32
      %mul3A_936 = arith.muli %scan3A_879, %mul3A_935 : i32
      %add3A_937 = vector.broadcast %mul3A_936 : i32 to vector<16xi32>
      %add3A_938 = arith.addi %add3A_937, %iota3A : vector<16xi32>
      %gather3A_939 = tpu.vector_load_idx %arg30[%broadcast_in_dim3A_934, %add3A_938] : memref<16x256xf32, #tpu.memory_space<vmem>>[vector<16xi32>, vector<16xi32>], vector<16xf32>,
      %mul3A_940 = arith.mulf %gather3A_399, %gather3A_939 : vector<16xf32>
      %add3A_941 = arith.addf %add3A_932, %mul3A_940 : vector<16xf32>
      %broadcast_in_dim3A_942 = arith.constant 7 : i32
      %broadcast_in_dim3A_943 = vector.broadcast %broadcast_in_dim3A_942 : i32 to vector<16xi32>
      %mul3A_944 = arith.constant 16 : i32
      %mul3A_945 = arith.muli %scan3A_879, %mul3A_944 : i32
      %add3A_946 = vector.broadcast %mul3A_945 : i32 to vector<16xi32>
      %add3A_947 = arith.addi %add3A_946, %iota3A : vector<16xi32>
      %gather3A_948 = tpu.vector_load_idx %arg30[%broadcast_in_dim3A_943, %add3A_947] : memref<16x256xf32, #tpu.memory_space<vmem>>[vector<16xi32>, vector<16xi32>], vector<16xf32>,
      %mul3A_949 = arith.mulf %gather3A_402, %gather3A_948 : vector<16xf32>
      %add3A_950 = arith.addf %add3A_941, %mul3A_949 : vector<16xf32>
      %broadcast_in_dim3A_951 = arith.constant 8 : i32
      %broadcast_in_dim3A_952 = vector.broadcast %broadcast_in_dim3A_951 : i32 to vector<16xi32>
      %mul3A_953 = arith.constant 16 : i32
      %mul3A_954 = arith.muli %scan3A_879, %mul3A_953 : i32
      %add3A_955 = vector.broadcast %mul3A_954 : i32 to vector<16xi32>
      %add3A_956 = arith.addi %add3A_955, %iota3A : vector<16xi32>
      %gather3A_957 = tpu.vector_load_idx %arg30[%broadcast_in_dim3A_952, %add3A_956] : memref<16x256xf32, #tpu.memory_space<vmem>>[vector<16xi32>, vector<16xi32>], vector<16xf32>,
      %mul3A_958 = arith.mulf %gather3A_405, %gather3A_957 : vector<16xf32>
      %add3A_959 = arith.addf %add3A_950, %mul3A_958 : vector<16xf32>
      %broadcast_in_dim3A_960 = arith.constant 9 : i32
      %broadcast_in_dim3A_961 = vector.broadcast %broadcast_in_dim3A_960 : i32 to vector<16xi32>
      %mul3A_962 = arith.constant 16 : i32
      %mul3A_963 = arith.muli %scan3A_879, %mul3A_962 : i32
      %add3A_964 = vector.broadcast %mul3A_963 : i32 to vector<16xi32>
      %add3A_965 = arith.addi %add3A_964, %iota3A : vector<16xi32>
      %gather3A_966 = tpu.vector_load_idx %arg30[%broadcast_in_dim3A_961, %add3A_965] : memref<16x256xf32, #tpu.memory_space<vmem>>[vector<16xi32>, vector<16xi32>], vector<16xf32>,
      %mul3A_967 = arith.mulf %gather3A_408, %gather3A_966 : vector<16xf32>
      %add3A_968 = arith.addf %add3A_959, %mul3A_967 : vector<16xf32>
      %broadcast_in_dim3A_969 = arith.constant 10 : i32
      %broadcast_in_dim3A_970 = vector.broadcast %broadcast_in_dim3A_969 : i32 to vector<16xi32>
      %mul3A_971 = arith.constant 16 : i32
      %mul3A_972 = arith.muli %scan3A_879, %mul3A_971 : i32
      %add3A_973 = vector.broadcast %mul3A_972 : i32 to vector<16xi32>
      %add3A_974 = arith.addi %add3A_973, %iota3A : vector<16xi32>
      %gather3A_975 = tpu.vector_load_idx %arg30[%broadcast_in_dim3A_970, %add3A_974] : memref<16x256xf32, #tpu.memory_space<vmem>>[vector<16xi32>, vector<16xi32>], vector<16xf32>,
      %mul3A_976 = arith.mulf %gather3A_411, %gather3A_975 : vector<16xf32>
      %add3A_977 = arith.addf %add3A_968, %mul3A_976 : vector<16xf32>
      %broadcast_in_dim3A_978 = arith.constant 11 : i32
      %broadcast_in_dim3A_979 = vector.broadcast %broadcast_in_dim3A_978 : i32 to vector<16xi32>
      %mul3A_980 = arith.constant 16 : i32
      %mul3A_981 = arith.muli %scan3A_879, %mul3A_980 : i32
      %add3A_982 = vector.broadcast %mul3A_981 : i32 to vector<16xi32>
      %add3A_983 = arith.addi %add3A_982, %iota3A : vector<16xi32>
      %gather3A_984 = tpu.vector_load_idx %arg30[%broadcast_in_dim3A_979, %add3A_983] : memref<16x256xf32, #tpu.memory_space<vmem>>[vector<16xi32>, vector<16xi32>], vector<16xf32>,
      %mul3A_985 = arith.mulf %gather3A_414, %gather3A_984 : vector<16xf32>
      %add3A_986 = arith.addf %add3A_977, %mul3A_985 : vector<16xf32>
      %broadcast_in_dim3A_987 = arith.constant 12 : i32
      %broadcast_in_dim3A_988 = vector.broadcast %broadcast_in_dim3A_987 : i32 to vector<16xi32>
      %mul3A_989 = arith.constant 16 : i32
      %mul3A_990 = arith.muli %scan3A_879, %mul3A_989 : i32
      %add3A_991 = vector.broadcast %mul3A_990 : i32 to vector<16xi32>
      %add3A_992 = arith.addi %add3A_991, %iota3A : vector<16xi32>
      %gather3A_993 = tpu.vector_load_idx %arg30[%broadcast_in_dim3A_988, %add3A_992] : memref<16x256xf32, #tpu.memory_space<vmem>>[vector<16xi32>, vector<16xi32>], vector<16xf32>,
      %mul3A_994 = arith.mulf %gather3A_417, %gather3A_993 : vector<16xf32>
      %add3A_995 = arith.addf %add3A_986, %mul3A_994 : vector<16xf32>
      %broadcast_in_dim3A_996 = arith.constant 13 : i32
      %broadcast_in_dim3A_997 = vector.broadcast %broadcast_in_dim3A_996 : i32 to vector<16xi32>
      %mul3A_998 = arith.constant 16 : i32
      %mul3A_999 = arith.muli %scan3A_879, %mul3A_998 : i32
      %add3A_1000 = vector.broadcast %mul3A_999 : i32 to vector<16xi32>
      %add3A_1001 = arith.addi %add3A_1000, %iota3A : vector<16xi32>
      %gather3A_1002 = tpu.vector_load_idx %arg30[%broadcast_in_dim3A_997, %add3A_1001] : memref<16x256xf32, #tpu.memory_space<vmem>>[vector<16xi32>, vector<16xi32>], vector<16xf32>,
      %mul3A_1003 = arith.mulf %gather3A_420, %gather3A_1002 : vector<16xf32>
      %add3A_1004 = arith.addf %add3A_995, %mul3A_1003 : vector<16xf32>
      %broadcast_in_dim3A_1005 = arith.constant 14 : i32
      %broadcast_in_dim3A_1006 = vector.broadcast %broadcast_in_dim3A_1005 : i32 to vector<16xi32>
      %mul3A_1007 = arith.constant 16 : i32
      %mul3A_1008 = arith.muli %scan3A_879, %mul3A_1007 : i32
      %add3A_1009 = vector.broadcast %mul3A_1008 : i32 to vector<16xi32>
      %add3A_1010 = arith.addi %add3A_1009, %iota3A : vector<16xi32>
      %gather3A_1011 = tpu.vector_load_idx %arg30[%broadcast_in_dim3A_1006, %add3A_1010] : memref<16x256xf32, #tpu.memory_space<vmem>>[vector<16xi32>, vector<16xi32>], vector<16xf32>,
      %mul3A_1012 = arith.mulf %gather3A_423, %gather3A_1011 : vector<16xf32>
      %add3A_1013 = arith.addf %add3A_1004, %mul3A_1012 : vector<16xf32>
      %broadcast_in_dim3A_1014 = arith.constant 15 : i32
      %broadcast_in_dim3A_1015 = vector.broadcast %broadcast_in_dim3A_1014 : i32 to vector<16xi32>
      %mul3A_1016 = arith.constant 16 : i32
      %mul3A_1017 = arith.muli %scan3A_879, %mul3A_1016 : i32
      %add3A_1018 = vector.broadcast %mul3A_1017 : i32 to vector<16xi32>
      %add3A_1019 = arith.addi %add3A_1018, %iota3A : vector<16xi32>
      %gather3A_1020 = tpu.vector_load_idx %arg30[%broadcast_in_dim3A_1015, %add3A_1019] : memref<16x256xf32, #tpu.memory_space<vmem>>[vector<16xi32>, vector<16xi32>], vector<16xf32>,
      %mul3A_1021 = arith.mulf %gather3A_426, %gather3A_1020 : vector<16xf32>
      %add3A_1022 = arith.addf %add3A_1013, %mul3A_1021 : vector<16xf32>
      %mul3A_1023 = arith.constant 16 : i32
      %mul3A_1024 = arith.muli %scan3A_879, %mul3A_1023 : i32
      %swap3A_1025 = arith.index_cast %mul3A_1024 : i32 to index
      %swap3A_1026 = tpu.vector_load %arg33[%swap3A_1025] {strides = array<i32>} : memref<256xf32, #tpu.memory_space<vmem>>, vector<16xf32>,
      tpu.vector_store %arg33[%swap3A_1025], %add3A_1022 {strides = array<i32>} : memref<256xf32, #tpu.memory_space<vmem>>, vector<16xf32>,
      %scan3A_1027 = arith.constant 1 : i32
      %scan3A_1028 = arith.addi %scan3A_879, %scan3A_1027 : i32
      %broadcast_in_dim3A_1029 = arith.constant 0 : i32
      %broadcast_in_dim3A_1030 = vector.broadcast %broadcast_in_dim3A_1029 : i32 to vector<16xi32>
      %mul3A_1031 = arith.constant 16 : i32
      %mul3A_1032 = arith.muli %scan3A_1028, %mul3A_1031 : i32
      %add3A_1033 = vector.broadcast %mul3A_1032 : i32 to vector<16xi32>
      %add3A_1034 = arith.addi %add3A_1033, %iota3A : vector<16xi32>
      %gather3A_1035 = tpu.vector_load_idx %arg30[%broadcast_in_dim3A_1030, %add3A_1034] : memref<16x256xf32, #tpu.memory_space<vmem>>[vector<16xi32>, vector<16xi32>], vector<16xf32>,
      %mul3A_1036 = arith.mulf %gather3A_381, %gather3A_1035 : vector<16xf32>
      %broadcast_in_dim3A_1037 = arith.constant 1 : i32
      %broadcast_in_dim3A_1038 = vector.broadcast %broadcast_in_dim3A_1037 : i32 to vector<16xi32>
      %mul3A_1039 = arith.constant 16 : i32
      %mul3A_1040 = arith.muli %scan3A_1028, %mul3A_1039 : i32
      %add3A_1041 = vector.broadcast %mul3A_1040 : i32 to vector<16xi32>
      %add3A_1042 = arith.addi %add3A_1041, %iota3A : vector<16xi32>
      %gather3A_1043 = tpu.vector_load_idx %arg30[%broadcast_in_dim3A_1038, %add3A_1042] : memref<16x256xf32, #tpu.memory_space<vmem>>[vector<16xi32>, vector<16xi32>], vector<16xf32>,
      %mul3A_1044 = arith.mulf %gather3A_384, %gather3A_1043 : vector<16xf32>
      %add3A_1045 = arith.addf %mul3A_1036, %mul3A_1044 : vector<16xf32>
      %broadcast_in_dim3A_1046 = arith.constant 2 : i32
      %broadcast_in_dim3A_1047 = vector.broadcast %broadcast_in_dim3A_1046 : i32 to vector<16xi32>
      %mul3A_1048 = arith.constant 16 : i32
      %mul3A_1049 = arith.muli %scan3A_1028, %mul3A_1048 : i32
      %add3A_1050 = vector.broadcast %mul3A_1049 : i32 to vector<16xi32>
      %add3A_1051 = arith.addi %add3A_1050, %iota3A : vector<16xi32>
      %gather3A_1052 = tpu.vector_load_idx %arg30[%broadcast_in_dim3A_1047, %add3A_1051] : memref<16x256xf32, #tpu.memory_space<vmem>>[vector<16xi32>, vector<16xi32>], vector<16xf32>,
      %mul3A_1053 = arith.mulf %gather3A_387, %gather3A_1052 : vector<16xf32>
      %add3A_1054 = arith.addf %add3A_1045, %mul3A_1053 : vector<16xf32>
      %broadcast_in_dim3A_1055 = arith.constant 3 : i32
      %broadcast_in_dim3A_1056 = vector.broadcast %broadcast_in_dim3A_1055 : i32 to vector<16xi32>
      %mul3A_1057 = arith.constant 16 : i32
      %mul3A_1058 = arith.muli %scan3A_1028, %mul3A_1057 : i32
      %add3A_1059 = vector.broadcast %mul3A_1058 : i32 to vector<16xi32>
      %add3A_1060 = arith.addi %add3A_1059, %iota3A : vector<16xi32>
      %gather3A_1061 = tpu.vector_load_idx %arg30[%broadcast_in_dim3A_1056, %add3A_1060] : memref<16x256xf32, #tpu.memory_space<vmem>>[vector<16xi32>, vector<16xi32>], vector<16xf32>,
      %mul3A_1062 = arith.mulf %gather3A_390, %gather3A_1061 : vector<16xf32>
      %add3A_1063 = arith.addf %add3A_1054, %mul3A_1062 : vector<16xf32>
      %broadcast_in_dim3A_1064 = arith.constant 4 : i32
      %broadcast_in_dim3A_1065 = vector.broadcast %broadcast_in_dim3A_1064 : i32 to vector<16xi32>
      %mul3A_1066 = arith.constant 16 : i32
      %mul3A_1067 = arith.muli %scan3A_1028, %mul3A_1066 : i32
      %add3A_1068 = vector.broadcast %mul3A_1067 : i32 to vector<16xi32>
      %add3A_1069 = arith.addi %add3A_1068, %iota3A : vector<16xi32>
      %gather3A_1070 = tpu.vector_load_idx %arg30[%broadcast_in_dim3A_1065, %add3A_1069] : memref<16x256xf32, #tpu.memory_space<vmem>>[vector<16xi32>, vector<16xi32>], vector<16xf32>,
      %mul3A_1071 = arith.mulf %gather3A_393, %gather3A_1070 : vector<16xf32>
      %add3A_1072 = arith.addf %add3A_1063, %mul3A_1071 : vector<16xf32>
      %broadcast_in_dim3A_1073 = arith.constant 5 : i32
      %broadcast_in_dim3A_1074 = vector.broadcast %broadcast_in_dim3A_1073 : i32 to vector<16xi32>
      %mul3A_1075 = arith.constant 16 : i32
      %mul3A_1076 = arith.muli %scan3A_1028, %mul3A_1075 : i32
      %add3A_1077 = vector.broadcast %mul3A_1076 : i32 to vector<16xi32>
      %add3A_1078 = arith.addi %add3A_1077, %iota3A : vector<16xi32>
      %gather3A_1079 = tpu.vector_load_idx %arg30[%broadcast_in_dim3A_1074, %add3A_1078] : memref<16x256xf32, #tpu.memory_space<vmem>>[vector<16xi32>, vector<16xi32>], vector<16xf32>,
      %mul3A_1080 = arith.mulf %gather3A_396, %gather3A_1079 : vector<16xf32>
      %add3A_1081 = arith.addf %add3A_1072, %mul3A_1080 : vector<16xf32>
      %broadcast_in_dim3A_1082 = arith.constant 6 : i32
      %broadcast_in_dim3A_1083 = vector.broadcast %broadcast_in_dim3A_1082 : i32 to vector<16xi32>
      %mul3A_1084 = arith.constant 16 : i32
      %mul3A_1085 = arith.muli %scan3A_1028, %mul3A_1084 : i32
      %add3A_1086 = vector.broadcast %mul3A_1085 : i32 to vector<16xi32>
      %add3A_1087 = arith.addi %add3A_1086, %iota3A : vector<16xi32>
      %gather3A_1088 = tpu.vector_load_idx %arg30[%broadcast_in_dim3A_1083, %add3A_1087] : memref<16x256xf32, #tpu.memory_space<vmem>>[vector<16xi32>, vector<16xi32>], vector<16xf32>,
      %mul3A_1089 = arith.mulf %gather3A_399, %gather3A_1088 : vector<16xf32>
      %add3A_1090 = arith.addf %add3A_1081, %mul3A_1089 : vector<16xf32>
      %broadcast_in_dim3A_1091 = arith.constant 7 : i32
      %broadcast_in_dim3A_1092 = vector.broadcast %broadcast_in_dim3A_1091 : i32 to vector<16xi32>
      %mul3A_1093 = arith.constant 16 : i32
      %mul3A_1094 = arith.muli %scan3A_1028, %mul3A_1093 : i32
      %add3A_1095 = vector.broadcast %mul3A_1094 : i32 to vector<16xi32>
      %add3A_1096 = arith.addi %add3A_1095, %iota3A : vector<16xi32>
      %gather3A_1097 = tpu.vector_load_idx %arg30[%broadcast_in_dim3A_1092, %add3A_1096] : memref<16x256xf32, #tpu.memory_space<vmem>>[vector<16xi32>, vector<16xi32>], vector<16xf32>,
      %mul3A_1098 = arith.mulf %gather3A_402, %gather3A_1097 : vector<16xf32>
      %add3A_1099 = arith.addf %add3A_1090, %mul3A_1098 : vector<16xf32>
      %broadcast_in_dim3A_1100 = arith.constant 8 : i32
      %broadcast_in_dim3A_1101 = vector.broadcast %broadcast_in_dim3A_1100 : i32 to vector<16xi32>
      %mul3A_1102 = arith.constant 16 : i32
      %mul3A_1103 = arith.muli %scan3A_1028, %mul3A_1102 : i32
      %add3A_1104 = vector.broadcast %mul3A_1103 : i32 to vector<16xi32>
      %add3A_1105 = arith.addi %add3A_1104, %iota3A : vector<16xi32>
      %gather3A_1106 = tpu.vector_load_idx %arg30[%broadcast_in_dim3A_1101, %add3A_1105] : memref<16x256xf32, #tpu.memory_space<vmem>>[vector<16xi32>, vector<16xi32>], vector<16xf32>,
      %mul3A_1107 = arith.mulf %gather3A_405, %gather3A_1106 : vector<16xf32>
      %add3A_1108 = arith.addf %add3A_1099, %mul3A_1107 : vector<16xf32>
      %broadcast_in_dim3A_1109 = arith.constant 9 : i32
      %broadcast_in_dim3A_1110 = vector.broadcast %broadcast_in_dim3A_1109 : i32 to vector<16xi32>
      %mul3A_1111 = arith.constant 16 : i32
      %mul3A_1112 = arith.muli %scan3A_1028, %mul3A_1111 : i32
      %add3A_1113 = vector.broadcast %mul3A_1112 : i32 to vector<16xi32>
      %add3A_1114 = arith.addi %add3A_1113, %iota3A : vector<16xi32>
      %gather3A_1115 = tpu.vector_load_idx %arg30[%broadcast_in_dim3A_1110, %add3A_1114] : memref<16x256xf32, #tpu.memory_space<vmem>>[vector<16xi32>, vector<16xi32>], vector<16xf32>,
      %mul3A_1116 = arith.mulf %gather3A_408, %gather3A_1115 : vector<16xf32>
      %add3A_1117 = arith.addf %add3A_1108, %mul3A_1116 : vector<16xf32>
      %broadcast_in_dim3A_1118 = arith.constant 10 : i32
      %broadcast_in_dim3A_1119 = vector.broadcast %broadcast_in_dim3A_1118 : i32 to vector<16xi32>
      %mul3A_1120 = arith.constant 16 : i32
      %mul3A_1121 = arith.muli %scan3A_1028, %mul3A_1120 : i32
      %add3A_1122 = vector.broadcast %mul3A_1121 : i32 to vector<16xi32>
      %add3A_1123 = arith.addi %add3A_1122, %iota3A : vector<16xi32>
      %gather3A_1124 = tpu.vector_load_idx %arg30[%broadcast_in_dim3A_1119, %add3A_1123] : memref<16x256xf32, #tpu.memory_space<vmem>>[vector<16xi32>, vector<16xi32>], vector<16xf32>,
      %mul3A_1125 = arith.mulf %gather3A_411, %gather3A_1124 : vector<16xf32>
      %add3A_1126 = arith.addf %add3A_1117, %mul3A_1125 : vector<16xf32>
      %broadcast_in_dim3A_1127 = arith.constant 11 : i32
      %broadcast_in_dim3A_1128 = vector.broadcast %broadcast_in_dim3A_1127 : i32 to vector<16xi32>
      %mul3A_1129 = arith.constant 16 : i32
      %mul3A_1130 = arith.muli %scan3A_1028, %mul3A_1129 : i32
      %add3A_1131 = vector.broadcast %mul3A_1130 : i32 to vector<16xi32>
      %add3A_1132 = arith.addi %add3A_1131, %iota3A : vector<16xi32>
      %gather3A_1133 = tpu.vector_load_idx %arg30[%broadcast_in_dim3A_1128, %add3A_1132] : memref<16x256xf32, #tpu.memory_space<vmem>>[vector<16xi32>, vector<16xi32>], vector<16xf32>,
      %mul3A_1134 = arith.mulf %gather3A_414, %gather3A_1133 : vector<16xf32>
      %add3A_1135 = arith.addf %add3A_1126, %mul3A_1134 : vector<16xf32>
      %broadcast_in_dim3A_1136 = arith.constant 12 : i32
      %broadcast_in_dim3A_1137 = vector.broadcast %broadcast_in_dim3A_1136 : i32 to vector<16xi32>
      %mul3A_1138 = arith.constant 16 : i32
      %mul3A_1139 = arith.muli %scan3A_1028, %mul3A_1138 : i32
      %add3A_1140 = vector.broadcast %mul3A_1139 : i32 to vector<16xi32>
      %add3A_1141 = arith.addi %add3A_1140, %iota3A : vector<16xi32>
      %gather3A_1142 = tpu.vector_load_idx %arg30[%broadcast_in_dim3A_1137, %add3A_1141] : memref<16x256xf32, #tpu.memory_space<vmem>>[vector<16xi32>, vector<16xi32>], vector<16xf32>,
      %mul3A_1143 = arith.mulf %gather3A_417, %gather3A_1142 : vector<16xf32>
      %add3A_1144 = arith.addf %add3A_1135, %mul3A_1143 : vector<16xf32>
      %broadcast_in_dim3A_1145 = arith.constant 13 : i32
      %broadcast_in_dim3A_1146 = vector.broadcast %broadcast_in_dim3A_1145 : i32 to vector<16xi32>
      %mul3A_1147 = arith.constant 16 : i32
      %mul3A_1148 = arith.muli %scan3A_1028, %mul3A_1147 : i32
      %add3A_1149 = vector.broadcast %mul3A_1148 : i32 to vector<16xi32>
      %add3A_1150 = arith.addi %add3A_1149, %iota3A : vector<16xi32>
      %gather3A_1151 = tpu.vector_load_idx %arg30[%broadcast_in_dim3A_1146, %add3A_1150] : memref<16x256xf32, #tpu.memory_space<vmem>>[vector<16xi32>, vector<16xi32>], vector<16xf32>,
      %mul3A_1152 = arith.mulf %gather3A_420, %gather3A_1151 : vector<16xf32>
      %add3A_1153 = arith.addf %add3A_1144, %mul3A_1152 : vector<16xf32>
      %broadcast_in_dim3A_1154 = arith.constant 14 : i32
      %broadcast_in_dim3A_1155 = vector.broadcast %broadcast_in_dim3A_1154 : i32 to vector<16xi32>
      %mul3A_1156 = arith.constant 16 : i32
      %mul3A_1157 = arith.muli %scan3A_1028, %mul3A_1156 : i32
      %add3A_1158 = vector.broadcast %mul3A_1157 : i32 to vector<16xi32>
      %add3A_1159 = arith.addi %add3A_1158, %iota3A : vector<16xi32>
      %gather3A_1160 = tpu.vector_load_idx %arg30[%broadcast_in_dim3A_1155, %add3A_1159] : memref<16x256xf32, #tpu.memory_space<vmem>>[vector<16xi32>, vector<16xi32>], vector<16xf32>,
      %mul3A_1161 = arith.mulf %gather3A_423, %gather3A_1160 : vector<16xf32>
      %add3A_1162 = arith.addf %add3A_1153, %mul3A_1161 : vector<16xf32>
      %broadcast_in_dim3A_1163 = arith.constant 15 : i32
      %broadcast_in_dim3A_1164 = vector.broadcast %broadcast_in_dim3A_1163 : i32 to vector<16xi32>
      %mul3A_1165 = arith.constant 16 : i32
      %mul3A_1166 = arith.muli %scan3A_1028, %mul3A_1165 : i32
      %add3A_1167 = vector.broadcast %mul3A_1166 : i32 to vector<16xi32>
      %add3A_1168 = arith.addi %add3A_1167, %iota3A : vector<16xi32>
      %gather3A_1169 = tpu.vector_load_idx %arg30[%broadcast_in_dim3A_1164, %add3A_1168] : memref<16x256xf32, #tpu.memory_space<vmem>>[vector<16xi32>, vector<16xi32>], vector<16xf32>,
      %mul3A_1170 = arith.mulf %gather3A_426, %gather3A_1169 : vector<16xf32>
      %add3A_1171 = arith.addf %add3A_1162, %mul3A_1170 : vector<16xf32>
      %mul3A_1172 = arith.constant 16 : i32
      %mul3A_1173 = arith.muli %scan3A_1028, %mul3A_1172 : i32
      %swap3A_1174 = arith.index_cast %mul3A_1173 : i32 to index
      %swap3A_1175 = tpu.vector_load %arg33[%swap3A_1174] {strides = array<i32>} : memref<256xf32, #tpu.memory_space<vmem>>, vector<16xf32>,
      tpu.vector_store %arg33[%swap3A_1174], %add3A_1171 {strides = array<i32>} : memref<256xf32, #tpu.memory_space<vmem>>, vector<16xf32>,
    }
    %scan3A_432 = arith.constant 16 : i32
    %run_scoped3A_433 = arith.constant 0 : i32
    "tpu.region"() ({
      %run_scoped3A_879 = tpu.sem_alloc : memref<!tpu.dma_semaphore, #tpu.memory_space<semaphore_mem>>
      %dma_start3A = arith.constant 0 : i32
      %dma_start3A_880 = tpu.memref_slice %arg33[%dma_start3A] : memref<256xf32, #tpu.memory_space<vmem>> -> memref<128xf32, #tpu.memory_space<vmem>>
      %dma_start3A_881 = arith.constant 0 : i32
      %dma_start3A_882 = tpu.memref_slice %arg28[%run_scoped3A_433, %dma_start3A_881] : memref<2x128xi32, #tpu.memory_space<vmem>> -> memref<1x128xi32, #tpu.memory_space<vmem>>
      %dma_start3A_883 = tpu.memref_squeeze %dma_start3A_882 : memref<1x128xi32, #tpu.memory_space<vmem>> -> memref<128xi32, #tpu.memory_space<vmem>>
      %dma_start3A_884 = arith.constant 0 : i32
      %dma_start3A_885 = tpu.memref_slice %arg44[%dma_start3A_884] : memref<256xf32, #tpu.memory_space<vmem_shared>> -> memref<256xf32, #tpu.memory_space<vmem_shared>>
      tpu.enqueue_indirect_dma source(%dma_start3A_880 : memref<128xf32, #tpu.memory_space<vmem>>) target(%dma_start3A_885 : memref<256xf32, #tpu.memory_space<vmem_shared>>) offsets(%dma_start3A_883 : memref<128xi32, #tpu.memory_space<vmem>>) semaphore(%run_scoped3A_879 : memref<!tpu.dma_semaphore, #tpu.memory_space<semaphore_mem>>) {add = true}
      %dma_wait3A = arith.constant 0 : i32
      %dma_wait3A_886 = tpu.memref_slice %arg33[%dma_wait3A] : memref<256xf32, #tpu.memory_space<vmem>> -> memref<128xf32, #tpu.memory_space<vmem>>
      %dma_wait3A_887 = arith.constant 0 : i32
      %dma_wait3A_888 = tpu.memref_slice %arg28[%run_scoped3A_433, %dma_wait3A_887] : memref<2x128xi32, #tpu.memory_space<vmem>> -> memref<1x128xi32, #tpu.memory_space<vmem>>
      %dma_wait3A_889 = tpu.memref_squeeze %dma_wait3A_888 : memref<1x128xi32, #tpu.memory_space<vmem>> -> memref<128xi32, #tpu.memory_space<vmem>>
      %dma_wait3A_890 = arith.constant 0 : i32
      %dma_wait3A_891 = tpu.memref_slice %arg44[%dma_wait3A_890] : memref<256xf32, #tpu.memory_space<vmem_shared>> -> memref<256xf32, #tpu.memory_space<vmem_shared>>
      tpu.wait_indirect_dma semaphore(%run_scoped3A_879 : memref<!tpu.dma_semaphore, #tpu.memory_space<semaphore_mem>>) src(%dma_wait3A_886 : memref<128xf32, #tpu.memory_space<vmem>>) dst(%dma_wait3A_891 : memref<256xf32, #tpu.memory_space<vmem_shared>>)
      tpu.yield
    }) : () -> ()
    %run_scoped3A_434 = arith.constant 1 : i32
    "tpu.region"() ({
      %run_scoped3A_879 = tpu.sem_alloc : memref<!tpu.dma_semaphore, #tpu.memory_space<semaphore_mem>>
      %dma_start3A = arith.constant 128 : i32
      %dma_start3A_880 = tpu.memref_slice %arg33[%dma_start3A] : memref<256xf32, #tpu.memory_space<vmem>> -> memref<128xf32, #tpu.memory_space<vmem>>
      %dma_start3A_881 = arith.constant 0 : i32
      %dma_start3A_882 = tpu.memref_slice %arg28[%run_scoped3A_434, %dma_start3A_881] : memref<2x128xi32, #tpu.memory_space<vmem>> -> memref<1x128xi32, #tpu.memory_space<vmem>>
      %dma_start3A_883 = tpu.memref_squeeze %dma_start3A_882 : memref<1x128xi32, #tpu.memory_space<vmem>> -> memref<128xi32, #tpu.memory_space<vmem>>
      %dma_start3A_884 = arith.constant 0 : i32
      %dma_start3A_885 = tpu.memref_slice %arg44[%dma_start3A_884] : memref<256xf32, #tpu.memory_space<vmem_shared>> -> memref<256xf32, #tpu.memory_space<vmem_shared>>
      tpu.enqueue_indirect_dma source(%dma_start3A_880 : memref<128xf32, #tpu.memory_space<vmem>>) target(%dma_start3A_885 : memref<256xf32, #tpu.memory_space<vmem_shared>>) offsets(%dma_start3A_883 : memref<128xi32, #tpu.memory_space<vmem>>) semaphore(%run_scoped3A_879 : memref<!tpu.dma_semaphore, #tpu.memory_space<semaphore_mem>>) {add = true}
      %dma_wait3A = arith.constant 128 : i32
      %dma_wait3A_886 = tpu.memref_slice %arg33[%dma_wait3A] : memref<256xf32, #tpu.memory_space<vmem>> -> memref<128xf32, #tpu.memory_space<vmem>>
      %dma_wait3A_887 = arith.constant 0 : i32
      %dma_wait3A_888 = tpu.memref_slice %arg28[%run_scoped3A_434, %dma_wait3A_887] : memref<2x128xi32, #tpu.memory_space<vmem>> -> memref<1x128xi32, #tpu.memory_space<vmem>>
      %dma_wait3A_889 = tpu.memref_squeeze %dma_wait3A_888 : memref<1x128xi32, #tpu.memory_space<vmem>> -> memref<128xi32, #tpu.memory_space<vmem>>
      %dma_wait3A_890 = arith.constant 0 : i32
      %dma_wait3A_891 = tpu.memref_slice %arg44[%dma_wait3A_890] : memref<256xf32, #tpu.memory_space<vmem_shared>> -> memref<256xf32, #tpu.memory_space<vmem_shared>>
      tpu.wait_indirect_dma semaphore(%run_scoped3A_879 : memref<!tpu.dma_semaphore, #tpu.memory_space<semaphore_mem>>) src(%dma_wait3A_886 : memref<128xf32, #tpu.memory_space<vmem>>) dst(%dma_wait3A_891 : memref<256xf32, #tpu.memory_space<vmem_shared>>)
      tpu.yield
    }) : () -> ()
    %barrier3A_435 = arith.constant 0 : index
    tpu.barrier barrier_id(%barrier3A_435)
    %mul3A_436 = arith.constant 16 : i32
    %mul3A_437 = arith.muli %arg1, %mul3A_436 : i32
    "tpu.region"() ({
      %run_scoped3A_879 = tpu.sem_alloc : memref<!tpu.dma_semaphore, #tpu.memory_space<semaphore_mem>>
      %dma_start3A = arith.constant 16 : i32
      %dma_start3A_880 = tpu.memref_slice %arg35[%dma_start3A] : memref<32xf32, #tpu.memory_space<vmem>> -> memref<16xf32, #tpu.memory_space<vmem>>
      %dma_start3A_881 = tpu.memref_slice %arg44[%mul3A_437] : memref<256xf32, #tpu.memory_space<vmem_shared>> -> memref<16xf32, #tpu.memory_space<vmem_shared>>
      %dma_start3A_882 = arith.constant 16 : i32
      %dma_start3A_883 = tpu.memref_slice %arg35[%dma_start3A_882] : memref<32xf32, #tpu.memory_space<vmem>> -> memref<16xf32, #tpu.memory_space<vmem>>
      %dma_start3A_884 = tpu.memref_slice %arg44[%mul3A_437] : memref<256xf32, #tpu.memory_space<vmem_shared>> -> memref<16xf32, #tpu.memory_space<vmem_shared>>
      tpu.enqueue_dma source(%dma_start3A_884 : memref<16xf32, #tpu.memory_space<vmem_shared>>) target(%dma_start3A_883 : memref<16xf32, #tpu.memory_space<vmem>>) target_semaphore(%run_scoped3A_879 : memref<!tpu.dma_semaphore, #tpu.memory_space<semaphore_mem>>)
      %dma_wait3A = arith.constant 16 : i32
      %dma_wait3A_885 = tpu.memref_slice %arg35[%dma_wait3A] : memref<32xf32, #tpu.memory_space<vmem>> -> memref<16xf32, #tpu.memory_space<vmem>>
      %dma_wait3A_886 = tpu.memref_slice %arg44[%mul3A_437] : memref<256xf32, #tpu.memory_space<vmem_shared>> -> memref<16xf32, #tpu.memory_space<vmem_shared>>
      %dma_wait3A_887 = arith.constant 16 : i32
      %dma_wait3A_888 = tpu.memref_slice %arg35[%dma_wait3A_887] : memref<32xf32, #tpu.memory_space<vmem>> -> memref<16xf32, #tpu.memory_space<vmem>>
      %dma_wait3A_889 = tpu.memref_slice %arg44[%mul3A_437] : memref<256xf32, #tpu.memory_space<vmem_shared>> -> memref<16xf32, #tpu.memory_space<vmem_shared>>
      tpu.wait_dma2 semaphore(%run_scoped3A_879 : memref<!tpu.dma_semaphore, #tpu.memory_space<semaphore_mem>>) src(%dma_wait3A_889 : memref<16xf32, #tpu.memory_space<vmem_shared>>) dst(%dma_wait3A_888 : memref<16xf32, #tpu.memory_space<vmem>>)
      tpu.yield
    }) : () -> ()
    %broadcast_in_dim3A_438 = arith.constant 16 : i32
    %broadcast_in_dim3A_439 = vector.broadcast %broadcast_in_dim3A_438 : i32 to vector<16xi32>
    %gather3A_440 = tpu.vector_load_idx %arg35[%broadcast_in_dim3A_439] : memref<32xf32, #tpu.memory_space<vmem>>[vector<16xi32>], vector<16xf32>,
    %max3A_441 = arith.constant 0.000000e+00 : f32
    %max3A_442 = vector.broadcast %max3A_441 : f32 to vector<16xf32>
    %max3A_443 = arith.maximumf %gather3A_440, %max3A_442 : vector<16xf32>
    %broadcast_in_dim3A_444 = arith.constant 17 : i32
    %broadcast_in_dim3A_445 = vector.broadcast %broadcast_in_dim3A_444 : i32 to vector<16xi32>
    %gather3A_446 = tpu.vector_load_idx %arg35[%broadcast_in_dim3A_445] : memref<32xf32, #tpu.memory_space<vmem>>[vector<16xi32>], vector<16xf32>,
    %max3A_447 = arith.constant 0.000000e+00 : f32
    %max3A_448 = vector.broadcast %max3A_447 : f32 to vector<16xf32>
    %max3A_449 = arith.maximumf %gather3A_446, %max3A_448 : vector<16xf32>
    %broadcast_in_dim3A_450 = arith.constant 18 : i32
    %broadcast_in_dim3A_451 = vector.broadcast %broadcast_in_dim3A_450 : i32 to vector<16xi32>
    %gather3A_452 = tpu.vector_load_idx %arg35[%broadcast_in_dim3A_451] : memref<32xf32, #tpu.memory_space<vmem>>[vector<16xi32>], vector<16xf32>,
    %max3A_453 = arith.constant 0.000000e+00 : f32
    %max3A_454 = vector.broadcast %max3A_453 : f32 to vector<16xf32>
    %max3A_455 = arith.maximumf %gather3A_452, %max3A_454 : vector<16xf32>
    %broadcast_in_dim3A_456 = arith.constant 19 : i32
    %broadcast_in_dim3A_457 = vector.broadcast %broadcast_in_dim3A_456 : i32 to vector<16xi32>
    %gather3A_458 = tpu.vector_load_idx %arg35[%broadcast_in_dim3A_457] : memref<32xf32, #tpu.memory_space<vmem>>[vector<16xi32>], vector<16xf32>,
    %max3A_459 = arith.constant 0.000000e+00 : f32
    %max3A_460 = vector.broadcast %max3A_459 : f32 to vector<16xf32>
    %max3A_461 = arith.maximumf %gather3A_458, %max3A_460 : vector<16xf32>
    %broadcast_in_dim3A_462 = arith.constant 20 : i32
    %broadcast_in_dim3A_463 = vector.broadcast %broadcast_in_dim3A_462 : i32 to vector<16xi32>
    %gather3A_464 = tpu.vector_load_idx %arg35[%broadcast_in_dim3A_463] : memref<32xf32, #tpu.memory_space<vmem>>[vector<16xi32>], vector<16xf32>,
    %max3A_465 = arith.constant 0.000000e+00 : f32
    %max3A_466 = vector.broadcast %max3A_465 : f32 to vector<16xf32>
    %max3A_467 = arith.maximumf %gather3A_464, %max3A_466 : vector<16xf32>
    %broadcast_in_dim3A_468 = arith.constant 21 : i32
    %broadcast_in_dim3A_469 = vector.broadcast %broadcast_in_dim3A_468 : i32 to vector<16xi32>
    %gather3A_470 = tpu.vector_load_idx %arg35[%broadcast_in_dim3A_469] : memref<32xf32, #tpu.memory_space<vmem>>[vector<16xi32>], vector<16xf32>,
    %max3A_471 = arith.constant 0.000000e+00 : f32
    %max3A_472 = vector.broadcast %max3A_471 : f32 to vector<16xf32>
    %max3A_473 = arith.maximumf %gather3A_470, %max3A_472 : vector<16xf32>
    %broadcast_in_dim3A_474 = arith.constant 22 : i32
    %broadcast_in_dim3A_475 = vector.broadcast %broadcast_in_dim3A_474 : i32 to vector<16xi32>
    %gather3A_476 = tpu.vector_load_idx %arg35[%broadcast_in_dim3A_475] : memref<32xf32, #tpu.memory_space<vmem>>[vector<16xi32>], vector<16xf32>,
    %max3A_477 = arith.constant 0.000000e+00 : f32
    %max3A_478 = vector.broadcast %max3A_477 : f32 to vector<16xf32>
    %max3A_479 = arith.maximumf %gather3A_476, %max3A_478 : vector<16xf32>
    %broadcast_in_dim3A_480 = arith.constant 23 : i32
    %broadcast_in_dim3A_481 = vector.broadcast %broadcast_in_dim3A_480 : i32 to vector<16xi32>
    %gather3A_482 = tpu.vector_load_idx %arg35[%broadcast_in_dim3A_481] : memref<32xf32, #tpu.memory_space<vmem>>[vector<16xi32>], vector<16xf32>,
    %max3A_483 = arith.constant 0.000000e+00 : f32
    %max3A_484 = vector.broadcast %max3A_483 : f32 to vector<16xf32>
    %max3A_485 = arith.maximumf %gather3A_482, %max3A_484 : vector<16xf32>
    %broadcast_in_dim3A_486 = arith.constant 24 : i32
    %broadcast_in_dim3A_487 = vector.broadcast %broadcast_in_dim3A_486 : i32 to vector<16xi32>
    %gather3A_488 = tpu.vector_load_idx %arg35[%broadcast_in_dim3A_487] : memref<32xf32, #tpu.memory_space<vmem>>[vector<16xi32>], vector<16xf32>,
    %max3A_489 = arith.constant 0.000000e+00 : f32
    %max3A_490 = vector.broadcast %max3A_489 : f32 to vector<16xf32>
    %max3A_491 = arith.maximumf %gather3A_488, %max3A_490 : vector<16xf32>
    %broadcast_in_dim3A_492 = arith.constant 25 : i32
    %broadcast_in_dim3A_493 = vector.broadcast %broadcast_in_dim3A_492 : i32 to vector<16xi32>
    %gather3A_494 = tpu.vector_load_idx %arg35[%broadcast_in_dim3A_493] : memref<32xf32, #tpu.memory_space<vmem>>[vector<16xi32>], vector<16xf32>,
    %max3A_495 = arith.constant 0.000000e+00 : f32
    %max3A_496 = vector.broadcast %max3A_495 : f32 to vector<16xf32>
    %max3A_497 = arith.maximumf %gather3A_494, %max3A_496 : vector<16xf32>
    %broadcast_in_dim3A_498 = arith.constant 26 : i32
    %broadcast_in_dim3A_499 = vector.broadcast %broadcast_in_dim3A_498 : i32 to vector<16xi32>
    %gather3A_500 = tpu.vector_load_idx %arg35[%broadcast_in_dim3A_499] : memref<32xf32, #tpu.memory_space<vmem>>[vector<16xi32>], vector<16xf32>,
    %max3A_501 = arith.constant 0.000000e+00 : f32
    %max3A_502 = vector.broadcast %max3A_501 : f32 to vector<16xf32>
    %max3A_503 = arith.maximumf %gather3A_500, %max3A_502 : vector<16xf32>
    %broadcast_in_dim3A_504 = arith.constant 27 : i32
    %broadcast_in_dim3A_505 = vector.broadcast %broadcast_in_dim3A_504 : i32 to vector<16xi32>
    %gather3A_506 = tpu.vector_load_idx %arg35[%broadcast_in_dim3A_505] : memref<32xf32, #tpu.memory_space<vmem>>[vector<16xi32>], vector<16xf32>,
    %max3A_507 = arith.constant 0.000000e+00 : f32
    %max3A_508 = vector.broadcast %max3A_507 : f32 to vector<16xf32>
    %max3A_509 = arith.maximumf %gather3A_506, %max3A_508 : vector<16xf32>
    %broadcast_in_dim3A_510 = arith.constant 28 : i32
    %broadcast_in_dim3A_511 = vector.broadcast %broadcast_in_dim3A_510 : i32 to vector<16xi32>
    %gather3A_512 = tpu.vector_load_idx %arg35[%broadcast_in_dim3A_511] : memref<32xf32, #tpu.memory_space<vmem>>[vector<16xi32>], vector<16xf32>,
    %max3A_513 = arith.constant 0.000000e+00 : f32
    %max3A_514 = vector.broadcast %max3A_513 : f32 to vector<16xf32>
    %max3A_515 = arith.maximumf %gather3A_512, %max3A_514 : vector<16xf32>
    %broadcast_in_dim3A_516 = arith.constant 29 : i32
    %broadcast_in_dim3A_517 = vector.broadcast %broadcast_in_dim3A_516 : i32 to vector<16xi32>
    %gather3A_518 = tpu.vector_load_idx %arg35[%broadcast_in_dim3A_517] : memref<32xf32, #tpu.memory_space<vmem>>[vector<16xi32>], vector<16xf32>,
    %max3A_519 = arith.constant 0.000000e+00 : f32
    %max3A_520 = vector.broadcast %max3A_519 : f32 to vector<16xf32>
    %max3A_521 = arith.maximumf %gather3A_518, %max3A_520 : vector<16xf32>
    %broadcast_in_dim3A_522 = arith.constant 30 : i32
    %broadcast_in_dim3A_523 = vector.broadcast %broadcast_in_dim3A_522 : i32 to vector<16xi32>
    %gather3A_524 = tpu.vector_load_idx %arg35[%broadcast_in_dim3A_523] : memref<32xf32, #tpu.memory_space<vmem>>[vector<16xi32>], vector<16xf32>,
    %max3A_525 = arith.constant 0.000000e+00 : f32
    %max3A_526 = vector.broadcast %max3A_525 : f32 to vector<16xf32>
    %max3A_527 = arith.maximumf %gather3A_524, %max3A_526 : vector<16xf32>
    %broadcast_in_dim3A_528 = arith.constant 31 : i32
    %broadcast_in_dim3A_529 = vector.broadcast %broadcast_in_dim3A_528 : i32 to vector<16xi32>
    %gather3A_530 = tpu.vector_load_idx %arg35[%broadcast_in_dim3A_529] : memref<32xf32, #tpu.memory_space<vmem>>[vector<16xi32>], vector<16xf32>,
    %max3A_531 = arith.constant 0.000000e+00 : f32
    %max3A_532 = vector.broadcast %max3A_531 : f32 to vector<16xf32>
    %max3A_533 = arith.maximumf %gather3A_530, %max3A_532 : vector<16xf32>
    %scan3A_534 = arith.constant 0 : i32
    %scan3A_535 = arith.constant 0 : i32
    %scan3A_536 = arith.constant 16 : i32
    %scan3A_537 = arith.addi %scan3A_535, %scan3A_536 : i32
    %scan3A_538 = arith.constant 2 : i32
    scf.for %scan3A_879 = %scan3A_535 to %scan3A_537 step %scan3A_538  : i32 {
      %broadcast_in_dim3A_880 = arith.constant 0 : i32
      %broadcast_in_dim3A_881 = vector.broadcast %broadcast_in_dim3A_880 : i32 to vector<16xi32>
      %mul3A_882 = arith.constant 16 : i32
      %mul3A_883 = arith.muli %scan3A_879, %mul3A_882 : i32
      %add3A_884 = vector.broadcast %mul3A_883 : i32 to vector<16xi32>
      %add3A_885 = arith.addi %add3A_884, %iota3A : vector<16xi32>
      %gather3A_886 = tpu.vector_load_idx %arg31[%broadcast_in_dim3A_881, %add3A_885] : memref<16x256xf32, #tpu.memory_space<vmem>>[vector<16xi32>, vector<16xi32>], vector<16xf32>,
      %mul3A_887 = arith.mulf %max3A_443, %gather3A_886 : vector<16xf32>
      %broadcast_in_dim3A_888 = arith.constant 1 : i32
      %broadcast_in_dim3A_889 = vector.broadcast %broadcast_in_dim3A_888 : i32 to vector<16xi32>
      %mul3A_890 = arith.constant 16 : i32
      %mul3A_891 = arith.muli %scan3A_879, %mul3A_890 : i32
      %add3A_892 = vector.broadcast %mul3A_891 : i32 to vector<16xi32>
      %add3A_893 = arith.addi %add3A_892, %iota3A : vector<16xi32>
      %gather3A_894 = tpu.vector_load_idx %arg31[%broadcast_in_dim3A_889, %add3A_893] : memref<16x256xf32, #tpu.memory_space<vmem>>[vector<16xi32>, vector<16xi32>], vector<16xf32>,
      %mul3A_895 = arith.mulf %max3A_449, %gather3A_894 : vector<16xf32>
      %add3A_896 = arith.addf %mul3A_887, %mul3A_895 : vector<16xf32>
      %broadcast_in_dim3A_897 = arith.constant 2 : i32
      %broadcast_in_dim3A_898 = vector.broadcast %broadcast_in_dim3A_897 : i32 to vector<16xi32>
      %mul3A_899 = arith.constant 16 : i32
      %mul3A_900 = arith.muli %scan3A_879, %mul3A_899 : i32
      %add3A_901 = vector.broadcast %mul3A_900 : i32 to vector<16xi32>
      %add3A_902 = arith.addi %add3A_901, %iota3A : vector<16xi32>
      %gather3A_903 = tpu.vector_load_idx %arg31[%broadcast_in_dim3A_898, %add3A_902] : memref<16x256xf32, #tpu.memory_space<vmem>>[vector<16xi32>, vector<16xi32>], vector<16xf32>,
      %mul3A_904 = arith.mulf %max3A_455, %gather3A_903 : vector<16xf32>
      %add3A_905 = arith.addf %add3A_896, %mul3A_904 : vector<16xf32>
      %broadcast_in_dim3A_906 = arith.constant 3 : i32
      %broadcast_in_dim3A_907 = vector.broadcast %broadcast_in_dim3A_906 : i32 to vector<16xi32>
      %mul3A_908 = arith.constant 16 : i32
      %mul3A_909 = arith.muli %scan3A_879, %mul3A_908 : i32
      %add3A_910 = vector.broadcast %mul3A_909 : i32 to vector<16xi32>
      %add3A_911 = arith.addi %add3A_910, %iota3A : vector<16xi32>
      %gather3A_912 = tpu.vector_load_idx %arg31[%broadcast_in_dim3A_907, %add3A_911] : memref<16x256xf32, #tpu.memory_space<vmem>>[vector<16xi32>, vector<16xi32>], vector<16xf32>,
      %mul3A_913 = arith.mulf %max3A_461, %gather3A_912 : vector<16xf32>
      %add3A_914 = arith.addf %add3A_905, %mul3A_913 : vector<16xf32>
      %broadcast_in_dim3A_915 = arith.constant 4 : i32
      %broadcast_in_dim3A_916 = vector.broadcast %broadcast_in_dim3A_915 : i32 to vector<16xi32>
      %mul3A_917 = arith.constant 16 : i32
      %mul3A_918 = arith.muli %scan3A_879, %mul3A_917 : i32
      %add3A_919 = vector.broadcast %mul3A_918 : i32 to vector<16xi32>
      %add3A_920 = arith.addi %add3A_919, %iota3A : vector<16xi32>
      %gather3A_921 = tpu.vector_load_idx %arg31[%broadcast_in_dim3A_916, %add3A_920] : memref<16x256xf32, #tpu.memory_space<vmem>>[vector<16xi32>, vector<16xi32>], vector<16xf32>,
      %mul3A_922 = arith.mulf %max3A_467, %gather3A_921 : vector<16xf32>
      %add3A_923 = arith.addf %add3A_914, %mul3A_922 : vector<16xf32>
      %broadcast_in_dim3A_924 = arith.constant 5 : i32
      %broadcast_in_dim3A_925 = vector.broadcast %broadcast_in_dim3A_924 : i32 to vector<16xi32>
      %mul3A_926 = arith.constant 16 : i32
      %mul3A_927 = arith.muli %scan3A_879, %mul3A_926 : i32
      %add3A_928 = vector.broadcast %mul3A_927 : i32 to vector<16xi32>
      %add3A_929 = arith.addi %add3A_928, %iota3A : vector<16xi32>
      %gather3A_930 = tpu.vector_load_idx %arg31[%broadcast_in_dim3A_925, %add3A_929] : memref<16x256xf32, #tpu.memory_space<vmem>>[vector<16xi32>, vector<16xi32>], vector<16xf32>,
      %mul3A_931 = arith.mulf %max3A_473, %gather3A_930 : vector<16xf32>
      %add3A_932 = arith.addf %add3A_923, %mul3A_931 : vector<16xf32>
      %broadcast_in_dim3A_933 = arith.constant 6 : i32
      %broadcast_in_dim3A_934 = vector.broadcast %broadcast_in_dim3A_933 : i32 to vector<16xi32>
      %mul3A_935 = arith.constant 16 : i32
      %mul3A_936 = arith.muli %scan3A_879, %mul3A_935 : i32
      %add3A_937 = vector.broadcast %mul3A_936 : i32 to vector<16xi32>
      %add3A_938 = arith.addi %add3A_937, %iota3A : vector<16xi32>
      %gather3A_939 = tpu.vector_load_idx %arg31[%broadcast_in_dim3A_934, %add3A_938] : memref<16x256xf32, #tpu.memory_space<vmem>>[vector<16xi32>, vector<16xi32>], vector<16xf32>,
      %mul3A_940 = arith.mulf %max3A_479, %gather3A_939 : vector<16xf32>
      %add3A_941 = arith.addf %add3A_932, %mul3A_940 : vector<16xf32>
      %broadcast_in_dim3A_942 = arith.constant 7 : i32
      %broadcast_in_dim3A_943 = vector.broadcast %broadcast_in_dim3A_942 : i32 to vector<16xi32>
      %mul3A_944 = arith.constant 16 : i32
      %mul3A_945 = arith.muli %scan3A_879, %mul3A_944 : i32
      %add3A_946 = vector.broadcast %mul3A_945 : i32 to vector<16xi32>
      %add3A_947 = arith.addi %add3A_946, %iota3A : vector<16xi32>
      %gather3A_948 = tpu.vector_load_idx %arg31[%broadcast_in_dim3A_943, %add3A_947] : memref<16x256xf32, #tpu.memory_space<vmem>>[vector<16xi32>, vector<16xi32>], vector<16xf32>,
      %mul3A_949 = arith.mulf %max3A_485, %gather3A_948 : vector<16xf32>
      %add3A_950 = arith.addf %add3A_941, %mul3A_949 : vector<16xf32>
      %broadcast_in_dim3A_951 = arith.constant 8 : i32
      %broadcast_in_dim3A_952 = vector.broadcast %broadcast_in_dim3A_951 : i32 to vector<16xi32>
      %mul3A_953 = arith.constant 16 : i32
      %mul3A_954 = arith.muli %scan3A_879, %mul3A_953 : i32
      %add3A_955 = vector.broadcast %mul3A_954 : i32 to vector<16xi32>
      %add3A_956 = arith.addi %add3A_955, %iota3A : vector<16xi32>
      %gather3A_957 = tpu.vector_load_idx %arg31[%broadcast_in_dim3A_952, %add3A_956] : memref<16x256xf32, #tpu.memory_space<vmem>>[vector<16xi32>, vector<16xi32>], vector<16xf32>,
      %mul3A_958 = arith.mulf %max3A_491, %gather3A_957 : vector<16xf32>
      %add3A_959 = arith.addf %add3A_950, %mul3A_958 : vector<16xf32>
      %broadcast_in_dim3A_960 = arith.constant 9 : i32
      %broadcast_in_dim3A_961 = vector.broadcast %broadcast_in_dim3A_960 : i32 to vector<16xi32>
      %mul3A_962 = arith.constant 16 : i32
      %mul3A_963 = arith.muli %scan3A_879, %mul3A_962 : i32
      %add3A_964 = vector.broadcast %mul3A_963 : i32 to vector<16xi32>
      %add3A_965 = arith.addi %add3A_964, %iota3A : vector<16xi32>
      %gather3A_966 = tpu.vector_load_idx %arg31[%broadcast_in_dim3A_961, %add3A_965] : memref<16x256xf32, #tpu.memory_space<vmem>>[vector<16xi32>, vector<16xi32>], vector<16xf32>,
      %mul3A_967 = arith.mulf %max3A_497, %gather3A_966 : vector<16xf32>
      %add3A_968 = arith.addf %add3A_959, %mul3A_967 : vector<16xf32>
      %broadcast_in_dim3A_969 = arith.constant 10 : i32
      %broadcast_in_dim3A_970 = vector.broadcast %broadcast_in_dim3A_969 : i32 to vector<16xi32>
      %mul3A_971 = arith.constant 16 : i32
      %mul3A_972 = arith.muli %scan3A_879, %mul3A_971 : i32
      %add3A_973 = vector.broadcast %mul3A_972 : i32 to vector<16xi32>
      %add3A_974 = arith.addi %add3A_973, %iota3A : vector<16xi32>
      %gather3A_975 = tpu.vector_load_idx %arg31[%broadcast_in_dim3A_970, %add3A_974] : memref<16x256xf32, #tpu.memory_space<vmem>>[vector<16xi32>, vector<16xi32>], vector<16xf32>,
      %mul3A_976 = arith.mulf %max3A_503, %gather3A_975 : vector<16xf32>
      %add3A_977 = arith.addf %add3A_968, %mul3A_976 : vector<16xf32>
      %broadcast_in_dim3A_978 = arith.constant 11 : i32
      %broadcast_in_dim3A_979 = vector.broadcast %broadcast_in_dim3A_978 : i32 to vector<16xi32>
      %mul3A_980 = arith.constant 16 : i32
      %mul3A_981 = arith.muli %scan3A_879, %mul3A_980 : i32
      %add3A_982 = vector.broadcast %mul3A_981 : i32 to vector<16xi32>
      %add3A_983 = arith.addi %add3A_982, %iota3A : vector<16xi32>
      %gather3A_984 = tpu.vector_load_idx %arg31[%broadcast_in_dim3A_979, %add3A_983] : memref<16x256xf32, #tpu.memory_space<vmem>>[vector<16xi32>, vector<16xi32>], vector<16xf32>,
      %mul3A_985 = arith.mulf %max3A_509, %gather3A_984 : vector<16xf32>
      %add3A_986 = arith.addf %add3A_977, %mul3A_985 : vector<16xf32>
      %broadcast_in_dim3A_987 = arith.constant 12 : i32
      %broadcast_in_dim3A_988 = vector.broadcast %broadcast_in_dim3A_987 : i32 to vector<16xi32>
      %mul3A_989 = arith.constant 16 : i32
      %mul3A_990 = arith.muli %scan3A_879, %mul3A_989 : i32
      %add3A_991 = vector.broadcast %mul3A_990 : i32 to vector<16xi32>
      %add3A_992 = arith.addi %add3A_991, %iota3A : vector<16xi32>
      %gather3A_993 = tpu.vector_load_idx %arg31[%broadcast_in_dim3A_988, %add3A_992] : memref<16x256xf32, #tpu.memory_space<vmem>>[vector<16xi32>, vector<16xi32>], vector<16xf32>,
      %mul3A_994 = arith.mulf %max3A_515, %gather3A_993 : vector<16xf32>
      %add3A_995 = arith.addf %add3A_986, %mul3A_994 : vector<16xf32>
      %broadcast_in_dim3A_996 = arith.constant 13 : i32
      %broadcast_in_dim3A_997 = vector.broadcast %broadcast_in_dim3A_996 : i32 to vector<16xi32>
      %mul3A_998 = arith.constant 16 : i32
      %mul3A_999 = arith.muli %scan3A_879, %mul3A_998 : i32
      %add3A_1000 = vector.broadcast %mul3A_999 : i32 to vector<16xi32>
      %add3A_1001 = arith.addi %add3A_1000, %iota3A : vector<16xi32>
      %gather3A_1002 = tpu.vector_load_idx %arg31[%broadcast_in_dim3A_997, %add3A_1001] : memref<16x256xf32, #tpu.memory_space<vmem>>[vector<16xi32>, vector<16xi32>], vector<16xf32>,
      %mul3A_1003 = arith.mulf %max3A_521, %gather3A_1002 : vector<16xf32>
      %add3A_1004 = arith.addf %add3A_995, %mul3A_1003 : vector<16xf32>
      %broadcast_in_dim3A_1005 = arith.constant 14 : i32
      %broadcast_in_dim3A_1006 = vector.broadcast %broadcast_in_dim3A_1005 : i32 to vector<16xi32>
      %mul3A_1007 = arith.constant 16 : i32
      %mul3A_1008 = arith.muli %scan3A_879, %mul3A_1007 : i32
      %add3A_1009 = vector.broadcast %mul3A_1008 : i32 to vector<16xi32>
      %add3A_1010 = arith.addi %add3A_1009, %iota3A : vector<16xi32>
      %gather3A_1011 = tpu.vector_load_idx %arg31[%broadcast_in_dim3A_1006, %add3A_1010] : memref<16x256xf32, #tpu.memory_space<vmem>>[vector<16xi32>, vector<16xi32>], vector<16xf32>,
      %mul3A_1012 = arith.mulf %max3A_527, %gather3A_1011 : vector<16xf32>
      %add3A_1013 = arith.addf %add3A_1004, %mul3A_1012 : vector<16xf32>
      %broadcast_in_dim3A_1014 = arith.constant 15 : i32
      %broadcast_in_dim3A_1015 = vector.broadcast %broadcast_in_dim3A_1014 : i32 to vector<16xi32>
      %mul3A_1016 = arith.constant 16 : i32
      %mul3A_1017 = arith.muli %scan3A_879, %mul3A_1016 : i32
      %add3A_1018 = vector.broadcast %mul3A_1017 : i32 to vector<16xi32>
      %add3A_1019 = arith.addi %add3A_1018, %iota3A : vector<16xi32>
      %gather3A_1020 = tpu.vector_load_idx %arg31[%broadcast_in_dim3A_1015, %add3A_1019] : memref<16x256xf32, #tpu.memory_space<vmem>>[vector<16xi32>, vector<16xi32>], vector<16xf32>,
      %mul3A_1021 = arith.mulf %max3A_533, %gather3A_1020 : vector<16xf32>
      %add3A_1022 = arith.addf %add3A_1013, %mul3A_1021 : vector<16xf32>
      %mul3A_1023 = arith.constant 16 : i32
      %mul3A_1024 = arith.muli %scan3A_879, %mul3A_1023 : i32
      %swap3A_1025 = arith.index_cast %mul3A_1024 : i32 to index
      %swap3A_1026 = tpu.vector_load %arg33[%swap3A_1025] {strides = array<i32>} : memref<256xf32, #tpu.memory_space<vmem>>, vector<16xf32>,
      tpu.vector_store %arg33[%swap3A_1025], %add3A_1022 {strides = array<i32>} : memref<256xf32, #tpu.memory_space<vmem>>, vector<16xf32>,
      %scan3A_1027 = arith.constant 1 : i32
      %scan3A_1028 = arith.addi %scan3A_879, %scan3A_1027 : i32
      %broadcast_in_dim3A_1029 = arith.constant 0 : i32
      %broadcast_in_dim3A_1030 = vector.broadcast %broadcast_in_dim3A_1029 : i32 to vector<16xi32>
      %mul3A_1031 = arith.constant 16 : i32
      %mul3A_1032 = arith.muli %scan3A_1028, %mul3A_1031 : i32
      %add3A_1033 = vector.broadcast %mul3A_1032 : i32 to vector<16xi32>
      %add3A_1034 = arith.addi %add3A_1033, %iota3A : vector<16xi32>
      %gather3A_1035 = tpu.vector_load_idx %arg31[%broadcast_in_dim3A_1030, %add3A_1034] : memref<16x256xf32, #tpu.memory_space<vmem>>[vector<16xi32>, vector<16xi32>], vector<16xf32>,
      %mul3A_1036 = arith.mulf %max3A_443, %gather3A_1035 : vector<16xf32>
      %broadcast_in_dim3A_1037 = arith.constant 1 : i32
      %broadcast_in_dim3A_1038 = vector.broadcast %broadcast_in_dim3A_1037 : i32 to vector<16xi32>
      %mul3A_1039 = arith.constant 16 : i32
      %mul3A_1040 = arith.muli %scan3A_1028, %mul3A_1039 : i32
      %add3A_1041 = vector.broadcast %mul3A_1040 : i32 to vector<16xi32>
      %add3A_1042 = arith.addi %add3A_1041, %iota3A : vector<16xi32>
      %gather3A_1043 = tpu.vector_load_idx %arg31[%broadcast_in_dim3A_1038, %add3A_1042] : memref<16x256xf32, #tpu.memory_space<vmem>>[vector<16xi32>, vector<16xi32>], vector<16xf32>,
      %mul3A_1044 = arith.mulf %max3A_449, %gather3A_1043 : vector<16xf32>
      %add3A_1045 = arith.addf %mul3A_1036, %mul3A_1044 : vector<16xf32>
      %broadcast_in_dim3A_1046 = arith.constant 2 : i32
      %broadcast_in_dim3A_1047 = vector.broadcast %broadcast_in_dim3A_1046 : i32 to vector<16xi32>
      %mul3A_1048 = arith.constant 16 : i32
      %mul3A_1049 = arith.muli %scan3A_1028, %mul3A_1048 : i32
      %add3A_1050 = vector.broadcast %mul3A_1049 : i32 to vector<16xi32>
      %add3A_1051 = arith.addi %add3A_1050, %iota3A : vector<16xi32>
      %gather3A_1052 = tpu.vector_load_idx %arg31[%broadcast_in_dim3A_1047, %add3A_1051] : memref<16x256xf32, #tpu.memory_space<vmem>>[vector<16xi32>, vector<16xi32>], vector<16xf32>,
      %mul3A_1053 = arith.mulf %max3A_455, %gather3A_1052 : vector<16xf32>
      %add3A_1054 = arith.addf %add3A_1045, %mul3A_1053 : vector<16xf32>
      %broadcast_in_dim3A_1055 = arith.constant 3 : i32
      %broadcast_in_dim3A_1056 = vector.broadcast %broadcast_in_dim3A_1055 : i32 to vector<16xi32>
      %mul3A_1057 = arith.constant 16 : i32
      %mul3A_1058 = arith.muli %scan3A_1028, %mul3A_1057 : i32
      %add3A_1059 = vector.broadcast %mul3A_1058 : i32 to vector<16xi32>
      %add3A_1060 = arith.addi %add3A_1059, %iota3A : vector<16xi32>
      %gather3A_1061 = tpu.vector_load_idx %arg31[%broadcast_in_dim3A_1056, %add3A_1060] : memref<16x256xf32, #tpu.memory_space<vmem>>[vector<16xi32>, vector<16xi32>], vector<16xf32>,
      %mul3A_1062 = arith.mulf %max3A_461, %gather3A_1061 : vector<16xf32>
      %add3A_1063 = arith.addf %add3A_1054, %mul3A_1062 : vector<16xf32>
      %broadcast_in_dim3A_1064 = arith.constant 4 : i32
      %broadcast_in_dim3A_1065 = vector.broadcast %broadcast_in_dim3A_1064 : i32 to vector<16xi32>
      %mul3A_1066 = arith.constant 16 : i32
      %mul3A_1067 = arith.muli %scan3A_1028, %mul3A_1066 : i32
      %add3A_1068 = vector.broadcast %mul3A_1067 : i32 to vector<16xi32>
      %add3A_1069 = arith.addi %add3A_1068, %iota3A : vector<16xi32>
      %gather3A_1070 = tpu.vector_load_idx %arg31[%broadcast_in_dim3A_1065, %add3A_1069] : memref<16x256xf32, #tpu.memory_space<vmem>>[vector<16xi32>, vector<16xi32>], vector<16xf32>,
      %mul3A_1071 = arith.mulf %max3A_467, %gather3A_1070 : vector<16xf32>
      %add3A_1072 = arith.addf %add3A_1063, %mul3A_1071 : vector<16xf32>
      %broadcast_in_dim3A_1073 = arith.constant 5 : i32
      %broadcast_in_dim3A_1074 = vector.broadcast %broadcast_in_dim3A_1073 : i32 to vector<16xi32>
      %mul3A_1075 = arith.constant 16 : i32
      %mul3A_1076 = arith.muli %scan3A_1028, %mul3A_1075 : i32
      %add3A_1077 = vector.broadcast %mul3A_1076 : i32 to vector<16xi32>
      %add3A_1078 = arith.addi %add3A_1077, %iota3A : vector<16xi32>
      %gather3A_1079 = tpu.vector_load_idx %arg31[%broadcast_in_dim3A_1074, %add3A_1078] : memref<16x256xf32, #tpu.memory_space<vmem>>[vector<16xi32>, vector<16xi32>], vector<16xf32>,
      %mul3A_1080 = arith.mulf %max3A_473, %gather3A_1079 : vector<16xf32>
      %add3A_1081 = arith.addf %add3A_1072, %mul3A_1080 : vector<16xf32>
      %broadcast_in_dim3A_1082 = arith.constant 6 : i32
      %broadcast_in_dim3A_1083 = vector.broadcast %broadcast_in_dim3A_1082 : i32 to vector<16xi32>
      %mul3A_1084 = arith.constant 16 : i32
      %mul3A_1085 = arith.muli %scan3A_1028, %mul3A_1084 : i32
      %add3A_1086 = vector.broadcast %mul3A_1085 : i32 to vector<16xi32>
      %add3A_1087 = arith.addi %add3A_1086, %iota3A : vector<16xi32>
      %gather3A_1088 = tpu.vector_load_idx %arg31[%broadcast_in_dim3A_1083, %add3A_1087] : memref<16x256xf32, #tpu.memory_space<vmem>>[vector<16xi32>, vector<16xi32>], vector<16xf32>,
      %mul3A_1089 = arith.mulf %max3A_479, %gather3A_1088 : vector<16xf32>
      %add3A_1090 = arith.addf %add3A_1081, %mul3A_1089 : vector<16xf32>
      %broadcast_in_dim3A_1091 = arith.constant 7 : i32
      %broadcast_in_dim3A_1092 = vector.broadcast %broadcast_in_dim3A_1091 : i32 to vector<16xi32>
      %mul3A_1093 = arith.constant 16 : i32
      %mul3A_1094 = arith.muli %scan3A_1028, %mul3A_1093 : i32
      %add3A_1095 = vector.broadcast %mul3A_1094 : i32 to vector<16xi32>
      %add3A_1096 = arith.addi %add3A_1095, %iota3A : vector<16xi32>
      %gather3A_1097 = tpu.vector_load_idx %arg31[%broadcast_in_dim3A_1092, %add3A_1096] : memref<16x256xf32, #tpu.memory_space<vmem>>[vector<16xi32>, vector<16xi32>], vector<16xf32>,
      %mul3A_1098 = arith.mulf %max3A_485, %gather3A_1097 : vector<16xf32>
      %add3A_1099 = arith.addf %add3A_1090, %mul3A_1098 : vector<16xf32>
      %broadcast_in_dim3A_1100 = arith.constant 8 : i32
      %broadcast_in_dim3A_1101 = vector.broadcast %broadcast_in_dim3A_1100 : i32 to vector<16xi32>
      %mul3A_1102 = arith.constant 16 : i32
      %mul3A_1103 = arith.muli %scan3A_1028, %mul3A_1102 : i32
      %add3A_1104 = vector.broadcast %mul3A_1103 : i32 to vector<16xi32>
      %add3A_1105 = arith.addi %add3A_1104, %iota3A : vector<16xi32>
      %gather3A_1106 = tpu.vector_load_idx %arg31[%broadcast_in_dim3A_1101, %add3A_1105] : memref<16x256xf32, #tpu.memory_space<vmem>>[vector<16xi32>, vector<16xi32>], vector<16xf32>,
      %mul3A_1107 = arith.mulf %max3A_491, %gather3A_1106 : vector<16xf32>
      %add3A_1108 = arith.addf %add3A_1099, %mul3A_1107 : vector<16xf32>
      %broadcast_in_dim3A_1109 = arith.constant 9 : i32
      %broadcast_in_dim3A_1110 = vector.broadcast %broadcast_in_dim3A_1109 : i32 to vector<16xi32>
      %mul3A_1111 = arith.constant 16 : i32
      %mul3A_1112 = arith.muli %scan3A_1028, %mul3A_1111 : i32
      %add3A_1113 = vector.broadcast %mul3A_1112 : i32 to vector<16xi32>
      %add3A_1114 = arith.addi %add3A_1113, %iota3A : vector<16xi32>
      %gather3A_1115 = tpu.vector_load_idx %arg31[%broadcast_in_dim3A_1110, %add3A_1114] : memref<16x256xf32, #tpu.memory_space<vmem>>[vector<16xi32>, vector<16xi32>], vector<16xf32>,
      %mul3A_1116 = arith.mulf %max3A_497, %gather3A_1115 : vector<16xf32>
      %add3A_1117 = arith.addf %add3A_1108, %mul3A_1116 : vector<16xf32>
      %broadcast_in_dim3A_1118 = arith.constant 10 : i32
      %broadcast_in_dim3A_1119 = vector.broadcast %broadcast_in_dim3A_1118 : i32 to vector<16xi32>
      %mul3A_1120 = arith.constant 16 : i32
      %mul3A_1121 = arith.muli %scan3A_1028, %mul3A_1120 : i32
      %add3A_1122 = vector.broadcast %mul3A_1121 : i32 to vector<16xi32>
      %add3A_1123 = arith.addi %add3A_1122, %iota3A : vector<16xi32>
      %gather3A_1124 = tpu.vector_load_idx %arg31[%broadcast_in_dim3A_1119, %add3A_1123] : memref<16x256xf32, #tpu.memory_space<vmem>>[vector<16xi32>, vector<16xi32>], vector<16xf32>,
      %mul3A_1125 = arith.mulf %max3A_503, %gather3A_1124 : vector<16xf32>
      %add3A_1126 = arith.addf %add3A_1117, %mul3A_1125 : vector<16xf32>
      %broadcast_in_dim3A_1127 = arith.constant 11 : i32
      %broadcast_in_dim3A_1128 = vector.broadcast %broadcast_in_dim3A_1127 : i32 to vector<16xi32>
      %mul3A_1129 = arith.constant 16 : i32
      %mul3A_1130 = arith.muli %scan3A_1028, %mul3A_1129 : i32
      %add3A_1131 = vector.broadcast %mul3A_1130 : i32 to vector<16xi32>
      %add3A_1132 = arith.addi %add3A_1131, %iota3A : vector<16xi32>
      %gather3A_1133 = tpu.vector_load_idx %arg31[%broadcast_in_dim3A_1128, %add3A_1132] : memref<16x256xf32, #tpu.memory_space<vmem>>[vector<16xi32>, vector<16xi32>], vector<16xf32>,
      %mul3A_1134 = arith.mulf %max3A_509, %gather3A_1133 : vector<16xf32>
      %add3A_1135 = arith.addf %add3A_1126, %mul3A_1134 : vector<16xf32>
      %broadcast_in_dim3A_1136 = arith.constant 12 : i32
      %broadcast_in_dim3A_1137 = vector.broadcast %broadcast_in_dim3A_1136 : i32 to vector<16xi32>
      %mul3A_1138 = arith.constant 16 : i32
      %mul3A_1139 = arith.muli %scan3A_1028, %mul3A_1138 : i32
      %add3A_1140 = vector.broadcast %mul3A_1139 : i32 to vector<16xi32>
      %add3A_1141 = arith.addi %add3A_1140, %iota3A : vector<16xi32>
      %gather3A_1142 = tpu.vector_load_idx %arg31[%broadcast_in_dim3A_1137, %add3A_1141] : memref<16x256xf32, #tpu.memory_space<vmem>>[vector<16xi32>, vector<16xi32>], vector<16xf32>,
      %mul3A_1143 = arith.mulf %max3A_515, %gather3A_1142 : vector<16xf32>
      %add3A_1144 = arith.addf %add3A_1135, %mul3A_1143 : vector<16xf32>
      %broadcast_in_dim3A_1145 = arith.constant 13 : i32
      %broadcast_in_dim3A_1146 = vector.broadcast %broadcast_in_dim3A_1145 : i32 to vector<16xi32>
      %mul3A_1147 = arith.constant 16 : i32
      %mul3A_1148 = arith.muli %scan3A_1028, %mul3A_1147 : i32
      %add3A_1149 = vector.broadcast %mul3A_1148 : i32 to vector<16xi32>
      %add3A_1150 = arith.addi %add3A_1149, %iota3A : vector<16xi32>
      %gather3A_1151 = tpu.vector_load_idx %arg31[%broadcast_in_dim3A_1146, %add3A_1150] : memref<16x256xf32, #tpu.memory_space<vmem>>[vector<16xi32>, vector<16xi32>], vector<16xf32>,
      %mul3A_1152 = arith.mulf %max3A_521, %gather3A_1151 : vector<16xf32>
      %add3A_1153 = arith.addf %add3A_1144, %mul3A_1152 : vector<16xf32>
      %broadcast_in_dim3A_1154 = arith.constant 14 : i32
      %broadcast_in_dim3A_1155 = vector.broadcast %broadcast_in_dim3A_1154 : i32 to vector<16xi32>
      %mul3A_1156 = arith.constant 16 : i32
      %mul3A_1157 = arith.muli %scan3A_1028, %mul3A_1156 : i32
      %add3A_1158 = vector.broadcast %mul3A_1157 : i32 to vector<16xi32>
      %add3A_1159 = arith.addi %add3A_1158, %iota3A : vector<16xi32>
      %gather3A_1160 = tpu.vector_load_idx %arg31[%broadcast_in_dim3A_1155, %add3A_1159] : memref<16x256xf32, #tpu.memory_space<vmem>>[vector<16xi32>, vector<16xi32>], vector<16xf32>,
      %mul3A_1161 = arith.mulf %max3A_527, %gather3A_1160 : vector<16xf32>
      %add3A_1162 = arith.addf %add3A_1153, %mul3A_1161 : vector<16xf32>
      %broadcast_in_dim3A_1163 = arith.constant 15 : i32
      %broadcast_in_dim3A_1164 = vector.broadcast %broadcast_in_dim3A_1163 : i32 to vector<16xi32>
      %mul3A_1165 = arith.constant 16 : i32
      %mul3A_1166 = arith.muli %scan3A_1028, %mul3A_1165 : i32
      %add3A_1167 = vector.broadcast %mul3A_1166 : i32 to vector<16xi32>
      %add3A_1168 = arith.addi %add3A_1167, %iota3A : vector<16xi32>
      %gather3A_1169 = tpu.vector_load_idx %arg31[%broadcast_in_dim3A_1164, %add3A_1168] : memref<16x256xf32, #tpu.memory_space<vmem>>[vector<16xi32>, vector<16xi32>], vector<16xf32>,
      %mul3A_1170 = arith.mulf %max3A_533, %gather3A_1169 : vector<16xf32>
      %add3A_1171 = arith.addf %add3A_1162, %mul3A_1170 : vector<16xf32>
      %mul3A_1172 = arith.constant 16 : i32
      %mul3A_1173 = arith.muli %scan3A_1028, %mul3A_1172 : i32
      %swap3A_1174 = arith.index_cast %mul3A_1173 : i32 to index
      %swap3A_1175 = tpu.vector_load %arg33[%swap3A_1174] {strides = array<i32>} : memref<256xf32, #tpu.memory_space<vmem>>, vector<16xf32>,
      tpu.vector_store %arg33[%swap3A_1174], %add3A_1171 {strides = array<i32>} : memref<256xf32, #tpu.memory_space<vmem>>, vector<16xf32>,
    }
    %scan3A_539 = arith.constant 16 : i32
    %run_scoped3A_540 = arith.constant 0 : i32
    "tpu.region"() ({
      %run_scoped3A_879 = tpu.sem_alloc : memref<!tpu.dma_semaphore, #tpu.memory_space<semaphore_mem>>
      %dma_start3A = arith.constant 0 : i32
      %dma_start3A_880 = tpu.memref_slice %arg33[%dma_start3A] : memref<256xf32, #tpu.memory_space<vmem>> -> memref<128xf32, #tpu.memory_space<vmem>>
      %dma_start3A_881 = arith.constant 0 : i32
      %dma_start3A_882 = tpu.memref_slice %arg28[%run_scoped3A_540, %dma_start3A_881] : memref<2x128xi32, #tpu.memory_space<vmem>> -> memref<1x128xi32, #tpu.memory_space<vmem>>
      %dma_start3A_883 = tpu.memref_squeeze %dma_start3A_882 : memref<1x128xi32, #tpu.memory_space<vmem>> -> memref<128xi32, #tpu.memory_space<vmem>>
      %dma_start3A_884 = arith.constant 0 : i32
      %dma_start3A_885 = tpu.memref_slice %arg45[%dma_start3A_884] : memref<256xf32, #tpu.memory_space<vmem_shared>> -> memref<256xf32, #tpu.memory_space<vmem_shared>>
      tpu.enqueue_indirect_dma source(%dma_start3A_880 : memref<128xf32, #tpu.memory_space<vmem>>) target(%dma_start3A_885 : memref<256xf32, #tpu.memory_space<vmem_shared>>) offsets(%dma_start3A_883 : memref<128xi32, #tpu.memory_space<vmem>>) semaphore(%run_scoped3A_879 : memref<!tpu.dma_semaphore, #tpu.memory_space<semaphore_mem>>) {add = true}
      %dma_wait3A = arith.constant 0 : i32
      %dma_wait3A_886 = tpu.memref_slice %arg33[%dma_wait3A] : memref<256xf32, #tpu.memory_space<vmem>> -> memref<128xf32, #tpu.memory_space<vmem>>
      %dma_wait3A_887 = arith.constant 0 : i32
      %dma_wait3A_888 = tpu.memref_slice %arg28[%run_scoped3A_540, %dma_wait3A_887] : memref<2x128xi32, #tpu.memory_space<vmem>> -> memref<1x128xi32, #tpu.memory_space<vmem>>
      %dma_wait3A_889 = tpu.memref_squeeze %dma_wait3A_888 : memref<1x128xi32, #tpu.memory_space<vmem>> -> memref<128xi32, #tpu.memory_space<vmem>>
      %dma_wait3A_890 = arith.constant 0 : i32
      %dma_wait3A_891 = tpu.memref_slice %arg45[%dma_wait3A_890] : memref<256xf32, #tpu.memory_space<vmem_shared>> -> memref<256xf32, #tpu.memory_space<vmem_shared>>
      tpu.wait_indirect_dma semaphore(%run_scoped3A_879 : memref<!tpu.dma_semaphore, #tpu.memory_space<semaphore_mem>>) src(%dma_wait3A_886 : memref<128xf32, #tpu.memory_space<vmem>>) dst(%dma_wait3A_891 : memref<256xf32, #tpu.memory_space<vmem_shared>>)
      tpu.yield
    }) : () -> ()
    %run_scoped3A_541 = arith.constant 1 : i32
    "tpu.region"() ({
      %run_scoped3A_879 = tpu.sem_alloc : memref<!tpu.dma_semaphore, #tpu.memory_space<semaphore_mem>>
      %dma_start3A = arith.constant 128 : i32
      %dma_start3A_880 = tpu.memref_slice %arg33[%dma_start3A] : memref<256xf32, #tpu.memory_space<vmem>> -> memref<128xf32, #tpu.memory_space<vmem>>
      %dma_start3A_881 = arith.constant 0 : i32
      %dma_start3A_882 = tpu.memref_slice %arg28[%run_scoped3A_541, %dma_start3A_881] : memref<2x128xi32, #tpu.memory_space<vmem>> -> memref<1x128xi32, #tpu.memory_space<vmem>>
      %dma_start3A_883 = tpu.memref_squeeze %dma_start3A_882 : memref<1x128xi32, #tpu.memory_space<vmem>> -> memref<128xi32, #tpu.memory_space<vmem>>
      %dma_start3A_884 = arith.constant 0 : i32
      %dma_start3A_885 = tpu.memref_slice %arg45[%dma_start3A_884] : memref<256xf32, #tpu.memory_space<vmem_shared>> -> memref<256xf32, #tpu.memory_space<vmem_shared>>
      tpu.enqueue_indirect_dma source(%dma_start3A_880 : memref<128xf32, #tpu.memory_space<vmem>>) target(%dma_start3A_885 : memref<256xf32, #tpu.memory_space<vmem_shared>>) offsets(%dma_start3A_883 : memref<128xi32, #tpu.memory_space<vmem>>) semaphore(%run_scoped3A_879 : memref<!tpu.dma_semaphore, #tpu.memory_space<semaphore_mem>>) {add = true}
      %dma_wait3A = arith.constant 128 : i32
      %dma_wait3A_886 = tpu.memref_slice %arg33[%dma_wait3A] : memref<256xf32, #tpu.memory_space<vmem>> -> memref<128xf32, #tpu.memory_space<vmem>>
      %dma_wait3A_887 = arith.constant 0 : i32
      %dma_wait3A_888 = tpu.memref_slice %arg28[%run_scoped3A_541, %dma_wait3A_887] : memref<2x128xi32, #tpu.memory_space<vmem>> -> memref<1x128xi32, #tpu.memory_space<vmem>>
      %dma_wait3A_889 = tpu.memref_squeeze %dma_wait3A_888 : memref<1x128xi32, #tpu.memory_space<vmem>> -> memref<128xi32, #tpu.memory_space<vmem>>
      %dma_wait3A_890 = arith.constant 0 : i32
      %dma_wait3A_891 = tpu.memref_slice %arg45[%dma_wait3A_890] : memref<256xf32, #tpu.memory_space<vmem_shared>> -> memref<256xf32, #tpu.memory_space<vmem_shared>>
      tpu.wait_indirect_dma semaphore(%run_scoped3A_879 : memref<!tpu.dma_semaphore, #tpu.memory_space<semaphore_mem>>) src(%dma_wait3A_886 : memref<128xf32, #tpu.memory_space<vmem>>) dst(%dma_wait3A_891 : memref<256xf32, #tpu.memory_space<vmem_shared>>)
      tpu.yield
    }) : () -> ()
    %barrier3A_542 = arith.constant 0 : index
    tpu.barrier barrier_id(%barrier3A_542)
    %mul3A_543 = arith.constant 16 : i32
    %mul3A_544 = arith.muli %arg1, %mul3A_543 : i32
    "tpu.region"() ({
      %run_scoped3A_879 = tpu.sem_alloc : memref<!tpu.dma_semaphore, #tpu.memory_space<semaphore_mem>>
      %dma_start3A = arith.constant 16 : i32
      %dma_start3A_880 = tpu.memref_slice %arg35[%dma_start3A] : memref<32xf32, #tpu.memory_space<vmem>> -> memref<16xf32, #tpu.memory_space<vmem>>
      %dma_start3A_881 = tpu.memref_slice %arg45[%mul3A_544] : memref<256xf32, #tpu.memory_space<vmem_shared>> -> memref<16xf32, #tpu.memory_space<vmem_shared>>
      %dma_start3A_882 = arith.constant 16 : i32
      %dma_start3A_883 = tpu.memref_slice %arg35[%dma_start3A_882] : memref<32xf32, #tpu.memory_space<vmem>> -> memref<16xf32, #tpu.memory_space<vmem>>
      %dma_start3A_884 = tpu.memref_slice %arg45[%mul3A_544] : memref<256xf32, #tpu.memory_space<vmem_shared>> -> memref<16xf32, #tpu.memory_space<vmem_shared>>
      tpu.enqueue_dma source(%dma_start3A_884 : memref<16xf32, #tpu.memory_space<vmem_shared>>) target(%dma_start3A_883 : memref<16xf32, #tpu.memory_space<vmem>>) target_semaphore(%run_scoped3A_879 : memref<!tpu.dma_semaphore, #tpu.memory_space<semaphore_mem>>)
      %dma_wait3A = arith.constant 16 : i32
      %dma_wait3A_885 = tpu.memref_slice %arg35[%dma_wait3A] : memref<32xf32, #tpu.memory_space<vmem>> -> memref<16xf32, #tpu.memory_space<vmem>>
      %dma_wait3A_886 = tpu.memref_slice %arg45[%mul3A_544] : memref<256xf32, #tpu.memory_space<vmem_shared>> -> memref<16xf32, #tpu.memory_space<vmem_shared>>
      %dma_wait3A_887 = arith.constant 16 : i32
      %dma_wait3A_888 = tpu.memref_slice %arg35[%dma_wait3A_887] : memref<32xf32, #tpu.memory_space<vmem>> -> memref<16xf32, #tpu.memory_space<vmem>>
      %dma_wait3A_889 = tpu.memref_slice %arg45[%mul3A_544] : memref<256xf32, #tpu.memory_space<vmem_shared>> -> memref<16xf32, #tpu.memory_space<vmem_shared>>
      tpu.wait_dma2 semaphore(%run_scoped3A_879 : memref<!tpu.dma_semaphore, #tpu.memory_space<semaphore_mem>>) src(%dma_wait3A_889 : memref<16xf32, #tpu.memory_space<vmem_shared>>) dst(%dma_wait3A_888 : memref<16xf32, #tpu.memory_space<vmem>>)
      tpu.yield
    }) : () -> ()
    %broadcast_in_dim3A_545 = arith.constant 16 : i32
    %broadcast_in_dim3A_546 = vector.broadcast %broadcast_in_dim3A_545 : i32 to vector<16xi32>
    %gather3A_547 = tpu.vector_load_idx %arg35[%broadcast_in_dim3A_546] : memref<32xf32, #tpu.memory_space<vmem>>[vector<16xi32>], vector<16xf32>,
    %max3A_548 = arith.constant 0.000000e+00 : f32
    %max3A_549 = vector.broadcast %max3A_548 : f32 to vector<16xf32>
    %max3A_550 = arith.maximumf %gather3A_547, %max3A_549 : vector<16xf32>
    %broadcast_in_dim3A_551 = arith.constant 17 : i32
    %broadcast_in_dim3A_552 = vector.broadcast %broadcast_in_dim3A_551 : i32 to vector<16xi32>
    %gather3A_553 = tpu.vector_load_idx %arg35[%broadcast_in_dim3A_552] : memref<32xf32, #tpu.memory_space<vmem>>[vector<16xi32>], vector<16xf32>,
    %max3A_554 = arith.constant 0.000000e+00 : f32
    %max3A_555 = vector.broadcast %max3A_554 : f32 to vector<16xf32>
    %max3A_556 = arith.maximumf %gather3A_553, %max3A_555 : vector<16xf32>
    %broadcast_in_dim3A_557 = arith.constant 18 : i32
    %broadcast_in_dim3A_558 = vector.broadcast %broadcast_in_dim3A_557 : i32 to vector<16xi32>
    %gather3A_559 = tpu.vector_load_idx %arg35[%broadcast_in_dim3A_558] : memref<32xf32, #tpu.memory_space<vmem>>[vector<16xi32>], vector<16xf32>,
    %max3A_560 = arith.constant 0.000000e+00 : f32
    %max3A_561 = vector.broadcast %max3A_560 : f32 to vector<16xf32>
    %max3A_562 = arith.maximumf %gather3A_559, %max3A_561 : vector<16xf32>
    %broadcast_in_dim3A_563 = arith.constant 19 : i32
    %broadcast_in_dim3A_564 = vector.broadcast %broadcast_in_dim3A_563 : i32 to vector<16xi32>
    %gather3A_565 = tpu.vector_load_idx %arg35[%broadcast_in_dim3A_564] : memref<32xf32, #tpu.memory_space<vmem>>[vector<16xi32>], vector<16xf32>,
    %max3A_566 = arith.constant 0.000000e+00 : f32
    %max3A_567 = vector.broadcast %max3A_566 : f32 to vector<16xf32>
    %max3A_568 = arith.maximumf %gather3A_565, %max3A_567 : vector<16xf32>
    %broadcast_in_dim3A_569 = arith.constant 20 : i32
    %broadcast_in_dim3A_570 = vector.broadcast %broadcast_in_dim3A_569 : i32 to vector<16xi32>
    %gather3A_571 = tpu.vector_load_idx %arg35[%broadcast_in_dim3A_570] : memref<32xf32, #tpu.memory_space<vmem>>[vector<16xi32>], vector<16xf32>,
    %max3A_572 = arith.constant 0.000000e+00 : f32
    %max3A_573 = vector.broadcast %max3A_572 : f32 to vector<16xf32>
    %max3A_574 = arith.maximumf %gather3A_571, %max3A_573 : vector<16xf32>
    %broadcast_in_dim3A_575 = arith.constant 21 : i32
    %broadcast_in_dim3A_576 = vector.broadcast %broadcast_in_dim3A_575 : i32 to vector<16xi32>
    %gather3A_577 = tpu.vector_load_idx %arg35[%broadcast_in_dim3A_576] : memref<32xf32, #tpu.memory_space<vmem>>[vector<16xi32>], vector<16xf32>,
    %max3A_578 = arith.constant 0.000000e+00 : f32
    %max3A_579 = vector.broadcast %max3A_578 : f32 to vector<16xf32>
    %max3A_580 = arith.maximumf %gather3A_577, %max3A_579 : vector<16xf32>
    %broadcast_in_dim3A_581 = arith.constant 22 : i32
    %broadcast_in_dim3A_582 = vector.broadcast %broadcast_in_dim3A_581 : i32 to vector<16xi32>
    %gather3A_583 = tpu.vector_load_idx %arg35[%broadcast_in_dim3A_582] : memref<32xf32, #tpu.memory_space<vmem>>[vector<16xi32>], vector<16xf32>,
    %max3A_584 = arith.constant 0.000000e+00 : f32
    %max3A_585 = vector.broadcast %max3A_584 : f32 to vector<16xf32>
    %max3A_586 = arith.maximumf %gather3A_583, %max3A_585 : vector<16xf32>
    %broadcast_in_dim3A_587 = arith.constant 23 : i32
    %broadcast_in_dim3A_588 = vector.broadcast %broadcast_in_dim3A_587 : i32 to vector<16xi32>
    %gather3A_589 = tpu.vector_load_idx %arg35[%broadcast_in_dim3A_588] : memref<32xf32, #tpu.memory_space<vmem>>[vector<16xi32>], vector<16xf32>,
    %max3A_590 = arith.constant 0.000000e+00 : f32
    %max3A_591 = vector.broadcast %max3A_590 : f32 to vector<16xf32>
    %max3A_592 = arith.maximumf %gather3A_589, %max3A_591 : vector<16xf32>
    %broadcast_in_dim3A_593 = arith.constant 24 : i32
    %broadcast_in_dim3A_594 = vector.broadcast %broadcast_in_dim3A_593 : i32 to vector<16xi32>
    %gather3A_595 = tpu.vector_load_idx %arg35[%broadcast_in_dim3A_594] : memref<32xf32, #tpu.memory_space<vmem>>[vector<16xi32>], vector<16xf32>,
    %max3A_596 = arith.constant 0.000000e+00 : f32
    %max3A_597 = vector.broadcast %max3A_596 : f32 to vector<16xf32>
    %max3A_598 = arith.maximumf %gather3A_595, %max3A_597 : vector<16xf32>
    %broadcast_in_dim3A_599 = arith.constant 25 : i32
    %broadcast_in_dim3A_600 = vector.broadcast %broadcast_in_dim3A_599 : i32 to vector<16xi32>
    %gather3A_601 = tpu.vector_load_idx %arg35[%broadcast_in_dim3A_600] : memref<32xf32, #tpu.memory_space<vmem>>[vector<16xi32>], vector<16xf32>,
    %max3A_602 = arith.constant 0.000000e+00 : f32
    %max3A_603 = vector.broadcast %max3A_602 : f32 to vector<16xf32>
    %max3A_604 = arith.maximumf %gather3A_601, %max3A_603 : vector<16xf32>
    %broadcast_in_dim3A_605 = arith.constant 26 : i32
    %broadcast_in_dim3A_606 = vector.broadcast %broadcast_in_dim3A_605 : i32 to vector<16xi32>
    %gather3A_607 = tpu.vector_load_idx %arg35[%broadcast_in_dim3A_606] : memref<32xf32, #tpu.memory_space<vmem>>[vector<16xi32>], vector<16xf32>,
    %max3A_608 = arith.constant 0.000000e+00 : f32
    %max3A_609 = vector.broadcast %max3A_608 : f32 to vector<16xf32>
    %max3A_610 = arith.maximumf %gather3A_607, %max3A_609 : vector<16xf32>
    %broadcast_in_dim3A_611 = arith.constant 27 : i32
    %broadcast_in_dim3A_612 = vector.broadcast %broadcast_in_dim3A_611 : i32 to vector<16xi32>
    %gather3A_613 = tpu.vector_load_idx %arg35[%broadcast_in_dim3A_612] : memref<32xf32, #tpu.memory_space<vmem>>[vector<16xi32>], vector<16xf32>,
    %max3A_614 = arith.constant 0.000000e+00 : f32
    %max3A_615 = vector.broadcast %max3A_614 : f32 to vector<16xf32>
    %max3A_616 = arith.maximumf %gather3A_613, %max3A_615 : vector<16xf32>
    %broadcast_in_dim3A_617 = arith.constant 28 : i32
    %broadcast_in_dim3A_618 = vector.broadcast %broadcast_in_dim3A_617 : i32 to vector<16xi32>
    %gather3A_619 = tpu.vector_load_idx %arg35[%broadcast_in_dim3A_618] : memref<32xf32, #tpu.memory_space<vmem>>[vector<16xi32>], vector<16xf32>,
    %max3A_620 = arith.constant 0.000000e+00 : f32
    %max3A_621 = vector.broadcast %max3A_620 : f32 to vector<16xf32>
    %max3A_622 = arith.maximumf %gather3A_619, %max3A_621 : vector<16xf32>
    %broadcast_in_dim3A_623 = arith.constant 29 : i32
    %broadcast_in_dim3A_624 = vector.broadcast %broadcast_in_dim3A_623 : i32 to vector<16xi32>
    %gather3A_625 = tpu.vector_load_idx %arg35[%broadcast_in_dim3A_624] : memref<32xf32, #tpu.memory_space<vmem>>[vector<16xi32>], vector<16xf32>,
    %max3A_626 = arith.constant 0.000000e+00 : f32
    %max3A_627 = vector.broadcast %max3A_626 : f32 to vector<16xf32>
    %max3A_628 = arith.maximumf %gather3A_625, %max3A_627 : vector<16xf32>
    %broadcast_in_dim3A_629 = arith.constant 30 : i32
    %broadcast_in_dim3A_630 = vector.broadcast %broadcast_in_dim3A_629 : i32 to vector<16xi32>
    %gather3A_631 = tpu.vector_load_idx %arg35[%broadcast_in_dim3A_630] : memref<32xf32, #tpu.memory_space<vmem>>[vector<16xi32>], vector<16xf32>,
    %max3A_632 = arith.constant 0.000000e+00 : f32
    %max3A_633 = vector.broadcast %max3A_632 : f32 to vector<16xf32>
    %max3A_634 = arith.maximumf %gather3A_631, %max3A_633 : vector<16xf32>
    %broadcast_in_dim3A_635 = arith.constant 31 : i32
    %broadcast_in_dim3A_636 = vector.broadcast %broadcast_in_dim3A_635 : i32 to vector<16xi32>
    %gather3A_637 = tpu.vector_load_idx %arg35[%broadcast_in_dim3A_636] : memref<32xf32, #tpu.memory_space<vmem>>[vector<16xi32>], vector<16xf32>,
    %max3A_638 = arith.constant 0.000000e+00 : f32
    %max3A_639 = vector.broadcast %max3A_638 : f32 to vector<16xf32>
    %max3A_640 = arith.maximumf %gather3A_637, %max3A_639 : vector<16xf32>
    %broadcast_in_dim3A_641 = arith.constant 0 : i32
    %broadcast_in_dim3A_642 = vector.broadcast %broadcast_in_dim3A_641 : i32 to vector<16xi32>
    %gather3A_643 = tpu.vector_load_idx %arg32[%broadcast_in_dim3A_642, %iota3A] : memref<16x16xf32, #tpu.memory_space<vmem>>[vector<16xi32>, vector<16xi32>], vector<16xf32>,
    %mul3A_644 = arith.mulf %max3A_550, %gather3A_643 : vector<16xf32>
    %broadcast_in_dim3A_645 = arith.constant 1 : i32
    %broadcast_in_dim3A_646 = vector.broadcast %broadcast_in_dim3A_645 : i32 to vector<16xi32>
    %gather3A_647 = tpu.vector_load_idx %arg32[%broadcast_in_dim3A_646, %iota3A] : memref<16x16xf32, #tpu.memory_space<vmem>>[vector<16xi32>, vector<16xi32>], vector<16xf32>,
    %mul3A_648 = arith.mulf %max3A_556, %gather3A_647 : vector<16xf32>
    %add3A_649 = arith.addf %mul3A_644, %mul3A_648 : vector<16xf32>
    %broadcast_in_dim3A_650 = arith.constant 2 : i32
    %broadcast_in_dim3A_651 = vector.broadcast %broadcast_in_dim3A_650 : i32 to vector<16xi32>
    %gather3A_652 = tpu.vector_load_idx %arg32[%broadcast_in_dim3A_651, %iota3A] : memref<16x16xf32, #tpu.memory_space<vmem>>[vector<16xi32>, vector<16xi32>], vector<16xf32>,
    %mul3A_653 = arith.mulf %max3A_562, %gather3A_652 : vector<16xf32>
    %add3A_654 = arith.addf %add3A_649, %mul3A_653 : vector<16xf32>
    %broadcast_in_dim3A_655 = arith.constant 3 : i32
    %broadcast_in_dim3A_656 = vector.broadcast %broadcast_in_dim3A_655 : i32 to vector<16xi32>
    %gather3A_657 = tpu.vector_load_idx %arg32[%broadcast_in_dim3A_656, %iota3A] : memref<16x16xf32, #tpu.memory_space<vmem>>[vector<16xi32>, vector<16xi32>], vector<16xf32>,
    %mul3A_658 = arith.mulf %max3A_568, %gather3A_657 : vector<16xf32>
    %add3A_659 = arith.addf %add3A_654, %mul3A_658 : vector<16xf32>
    %broadcast_in_dim3A_660 = arith.constant 4 : i32
    %broadcast_in_dim3A_661 = vector.broadcast %broadcast_in_dim3A_660 : i32 to vector<16xi32>
    %gather3A_662 = tpu.vector_load_idx %arg32[%broadcast_in_dim3A_661, %iota3A] : memref<16x16xf32, #tpu.memory_space<vmem>>[vector<16xi32>, vector<16xi32>], vector<16xf32>,
    %mul3A_663 = arith.mulf %max3A_574, %gather3A_662 : vector<16xf32>
    %add3A_664 = arith.addf %add3A_659, %mul3A_663 : vector<16xf32>
    %broadcast_in_dim3A_665 = arith.constant 5 : i32
    %broadcast_in_dim3A_666 = vector.broadcast %broadcast_in_dim3A_665 : i32 to vector<16xi32>
    %gather3A_667 = tpu.vector_load_idx %arg32[%broadcast_in_dim3A_666, %iota3A] : memref<16x16xf32, #tpu.memory_space<vmem>>[vector<16xi32>, vector<16xi32>], vector<16xf32>,
    %mul3A_668 = arith.mulf %max3A_580, %gather3A_667 : vector<16xf32>
    %add3A_669 = arith.addf %add3A_664, %mul3A_668 : vector<16xf32>
    %broadcast_in_dim3A_670 = arith.constant 6 : i32
    %broadcast_in_dim3A_671 = vector.broadcast %broadcast_in_dim3A_670 : i32 to vector<16xi32>
    %gather3A_672 = tpu.vector_load_idx %arg32[%broadcast_in_dim3A_671, %iota3A] : memref<16x16xf32, #tpu.memory_space<vmem>>[vector<16xi32>, vector<16xi32>], vector<16xf32>,
    %mul3A_673 = arith.mulf %max3A_586, %gather3A_672 : vector<16xf32>
    %add3A_674 = arith.addf %add3A_669, %mul3A_673 : vector<16xf32>
    %broadcast_in_dim3A_675 = arith.constant 7 : i32
    %broadcast_in_dim3A_676 = vector.broadcast %broadcast_in_dim3A_675 : i32 to vector<16xi32>
    %gather3A_677 = tpu.vector_load_idx %arg32[%broadcast_in_dim3A_676, %iota3A] : memref<16x16xf32, #tpu.memory_space<vmem>>[vector<16xi32>, vector<16xi32>], vector<16xf32>,
    %mul3A_678 = arith.mulf %max3A_592, %gather3A_677 : vector<16xf32>
    %add3A_679 = arith.addf %add3A_674, %mul3A_678 : vector<16xf32>
    %broadcast_in_dim3A_680 = arith.constant 8 : i32
    %broadcast_in_dim3A_681 = vector.broadcast %broadcast_in_dim3A_680 : i32 to vector<16xi32>
    %gather3A_682 = tpu.vector_load_idx %arg32[%broadcast_in_dim3A_681, %iota3A] : memref<16x16xf32, #tpu.memory_space<vmem>>[vector<16xi32>, vector<16xi32>], vector<16xf32>,
    %mul3A_683 = arith.mulf %max3A_598, %gather3A_682 : vector<16xf32>
    %add3A_684 = arith.addf %add3A_679, %mul3A_683 : vector<16xf32>
    %broadcast_in_dim3A_685 = arith.constant 9 : i32
    %broadcast_in_dim3A_686 = vector.broadcast %broadcast_in_dim3A_685 : i32 to vector<16xi32>
    %gather3A_687 = tpu.vector_load_idx %arg32[%broadcast_in_dim3A_686, %iota3A] : memref<16x16xf32, #tpu.memory_space<vmem>>[vector<16xi32>, vector<16xi32>], vector<16xf32>,
    %mul3A_688 = arith.mulf %max3A_604, %gather3A_687 : vector<16xf32>
    %add3A_689 = arith.addf %add3A_684, %mul3A_688 : vector<16xf32>
    %broadcast_in_dim3A_690 = arith.constant 10 : i32
    %broadcast_in_dim3A_691 = vector.broadcast %broadcast_in_dim3A_690 : i32 to vector<16xi32>
    %gather3A_692 = tpu.vector_load_idx %arg32[%broadcast_in_dim3A_691, %iota3A] : memref<16x16xf32, #tpu.memory_space<vmem>>[vector<16xi32>, vector<16xi32>], vector<16xf32>,
    %mul3A_693 = arith.mulf %max3A_610, %gather3A_692 : vector<16xf32>
    %add3A_694 = arith.addf %add3A_689, %mul3A_693 : vector<16xf32>
    %broadcast_in_dim3A_695 = arith.constant 11 : i32
    %broadcast_in_dim3A_696 = vector.broadcast %broadcast_in_dim3A_695 : i32 to vector<16xi32>
    %gather3A_697 = tpu.vector_load_idx %arg32[%broadcast_in_dim3A_696, %iota3A] : memref<16x16xf32, #tpu.memory_space<vmem>>[vector<16xi32>, vector<16xi32>], vector<16xf32>,
    %mul3A_698 = arith.mulf %max3A_616, %gather3A_697 : vector<16xf32>
    %add3A_699 = arith.addf %add3A_694, %mul3A_698 : vector<16xf32>
    %broadcast_in_dim3A_700 = arith.constant 12 : i32
    %broadcast_in_dim3A_701 = vector.broadcast %broadcast_in_dim3A_700 : i32 to vector<16xi32>
    %gather3A_702 = tpu.vector_load_idx %arg32[%broadcast_in_dim3A_701, %iota3A] : memref<16x16xf32, #tpu.memory_space<vmem>>[vector<16xi32>, vector<16xi32>], vector<16xf32>,
    %mul3A_703 = arith.mulf %max3A_622, %gather3A_702 : vector<16xf32>
    %add3A_704 = arith.addf %add3A_699, %mul3A_703 : vector<16xf32>
    %broadcast_in_dim3A_705 = arith.constant 13 : i32
    %broadcast_in_dim3A_706 = vector.broadcast %broadcast_in_dim3A_705 : i32 to vector<16xi32>
    %gather3A_707 = tpu.vector_load_idx %arg32[%broadcast_in_dim3A_706, %iota3A] : memref<16x16xf32, #tpu.memory_space<vmem>>[vector<16xi32>, vector<16xi32>], vector<16xf32>,
    %mul3A_708 = arith.mulf %max3A_628, %gather3A_707 : vector<16xf32>
    %add3A_709 = arith.addf %add3A_704, %mul3A_708 : vector<16xf32>
    %broadcast_in_dim3A_710 = arith.constant 14 : i32
    %broadcast_in_dim3A_711 = vector.broadcast %broadcast_in_dim3A_710 : i32 to vector<16xi32>
    %gather3A_712 = tpu.vector_load_idx %arg32[%broadcast_in_dim3A_711, %iota3A] : memref<16x16xf32, #tpu.memory_space<vmem>>[vector<16xi32>, vector<16xi32>], vector<16xf32>,
    %mul3A_713 = arith.mulf %max3A_634, %gather3A_712 : vector<16xf32>
    %add3A_714 = arith.addf %add3A_709, %mul3A_713 : vector<16xf32>
    %broadcast_in_dim3A_715 = arith.constant 15 : i32
    %broadcast_in_dim3A_716 = vector.broadcast %broadcast_in_dim3A_715 : i32 to vector<16xi32>
    %gather3A_717 = tpu.vector_load_idx %arg32[%broadcast_in_dim3A_716, %iota3A] : memref<16x16xf32, #tpu.memory_space<vmem>>[vector<16xi32>, vector<16xi32>], vector<16xf32>,
    %mul3A_718 = arith.mulf %max3A_640, %gather3A_717 : vector<16xf32>
    %add3A_719 = arith.addf %add3A_714, %mul3A_718 : vector<16xf32>
    %swap3A_720 = arith.constant 0 : index
    %swap3A_721 = tpu.vector_load %arg34[%swap3A_720] {strides = array<i32>} : memref<16xf32, #tpu.memory_space<vmem>>, vector<16xf32>,
    tpu.vector_store %arg34[%swap3A_720], %add3A_719 {strides = array<i32>} : memref<16xf32, #tpu.memory_space<vmem>>, vector<16xf32>,
    %run_scoped3A_722 = arith.constant 7 : i32
    "tpu.region"() ({
      %run_scoped3A_879 = tpu.sem_alloc : memref<!tpu.dma_semaphore, #tpu.memory_space<semaphore_mem>>
      %dma_start3A = arith.constant 0 : i32
      %dma_start3A_880 = tpu.memref_slice %arg26[%run_scoped3A_722, %dma_start3A] : memref<8x16xi32, #tpu.memory_space<vmem>> -> memref<1x16xi32, #tpu.memory_space<vmem>>
      %dma_start3A_881 = tpu.memref_squeeze %dma_start3A_880 : memref<1x16xi32, #tpu.memory_space<vmem>> -> memref<16xi32, #tpu.memory_space<vmem>>
      %dma_start3A_882 = arith.constant 0 : i32
      %dma_start3A_883 = tpu.memref_slice %arg46[%dma_start3A_882] : memref<16xf32, #tpu.memory_space<vmem_shared>> -> memref<16xf32, #tpu.memory_space<vmem_shared>>
      tpu.enqueue_indirect_dma source(%arg34 : memref<16xf32, #tpu.memory_space<vmem>>) target(%dma_start3A_883 : memref<16xf32, #tpu.memory_space<vmem_shared>>) offsets(%dma_start3A_881 : memref<16xi32, #tpu.memory_space<vmem>>) semaphore(%run_scoped3A_879 : memref<!tpu.dma_semaphore, #tpu.memory_space<semaphore_mem>>) {add = true}
      %dma_wait3A = arith.constant 0 : i32
      %dma_wait3A_884 = tpu.memref_slice %arg26[%run_scoped3A_722, %dma_wait3A] : memref<8x16xi32, #tpu.memory_space<vmem>> -> memref<1x16xi32, #tpu.memory_space<vmem>>
      %dma_wait3A_885 = tpu.memref_squeeze %dma_wait3A_884 : memref<1x16xi32, #tpu.memory_space<vmem>> -> memref<16xi32, #tpu.memory_space<vmem>>
      %dma_wait3A_886 = arith.constant 0 : i32
      %dma_wait3A_887 = tpu.memref_slice %arg46[%dma_wait3A_886] : memref<16xf32, #tpu.memory_space<vmem_shared>> -> memref<16xf32, #tpu.memory_space<vmem_shared>>
      tpu.wait_indirect_dma semaphore(%run_scoped3A_879 : memref<!tpu.dma_semaphore, #tpu.memory_space<semaphore_mem>>) src(%arg34 : memref<16xf32, #tpu.memory_space<vmem>>) dst(%dma_wait3A_887 : memref<16xf32, #tpu.memory_space<vmem_shared>>)
      tpu.yield
    }) : () -> ()
    %barrier3A_723 = arith.constant 0 : index
    tpu.barrier barrier_id(%barrier3A_723)
    "tpu.region"() ({
      %run_scoped3A_879 = tpu.sem_alloc : memref<!tpu.dma_semaphore, #tpu.memory_space<semaphore_mem>>
      tpu.enqueue_dma source(%arg43 : memref<16xf32, #tpu.memory_space<vmem_shared>>) target(%arg37 : memref<16xf32, #tpu.memory_space<vmem>>) target_semaphore(%run_scoped3A_879 : memref<!tpu.dma_semaphore, #tpu.memory_space<semaphore_mem>>)
      tpu.wait_dma2 semaphore(%run_scoped3A_879 : memref<!tpu.dma_semaphore, #tpu.memory_space<semaphore_mem>>) src(%arg43 : memref<16xf32, #tpu.memory_space<vmem_shared>>) dst(%arg37 : memref<16xf32, #tpu.memory_space<vmem>>)
      tpu.yield
    }) : () -> ()
    "tpu.region"() ({
      %run_scoped3A_879 = tpu.sem_alloc : memref<!tpu.dma_semaphore, #tpu.memory_space<semaphore_mem>>
      tpu.enqueue_dma source(%arg46 : memref<16xf32, #tpu.memory_space<vmem_shared>>) target(%arg38 : memref<16xf32, #tpu.memory_space<vmem>>) target_semaphore(%run_scoped3A_879 : memref<!tpu.dma_semaphore, #tpu.memory_space<semaphore_mem>>)
      tpu.wait_dma2 semaphore(%run_scoped3A_879 : memref<!tpu.dma_semaphore, #tpu.memory_space<semaphore_mem>>) src(%arg46 : memref<16xf32, #tpu.memory_space<vmem_shared>>) dst(%arg38 : memref<16xf32, #tpu.memory_space<vmem>>)
      tpu.yield
    }) : () -> ()
    %get3A = arith.constant 0 : index
    %get3A_724 = tpu.vector_load %arg38[%get3A] {strides = array<i32>} : memref<16xf32, #tpu.memory_space<vmem>>, vector<16xf32>,
    %lt3A = arith.constant 4 : i32
    %lt3A_725 = vector.broadcast %lt3A : i32 to vector<16xi32>
    %lt3A_726 = arith.cmpi slt, %iota3A, %lt3A_725 : vector<16xi32>
    %mul3A_727 = arith.mulf %get3A_724, %get3A_724 : vector<16xf32>
    %jit3A = arith.constant 0.000000e+00 : f32
    %broadcast_in_dim3A_728 = vector.broadcast %jit3A : f32 to vector<16xf32>
    %select_n3A = arith.select %lt3A_726, %mul3A_727, %broadcast_in_dim3A_728 : vector<16xi1>, vector<16xf32>
    %reduce_sum3A = arith.constant true
    %reduce_sum3A_729 = vector.broadcast %reduce_sum3A : i1 to vector<16xi1>
    %reduce_sum3A_730 = tpu.scan <sum>, %select_n3A masked %reduce_sum3A_729 : vector<16xf32>, vector<16xi1> -> vector<16xf32>
    %reduce_sum3A_731 = vector.extract %reduce_sum3A_730[15] : f32 from vector<16xf32>
    %broadcast_in_dim3A_732 = vector.broadcast %reduce_sum3A_731 : f32 to vector<16xf32>
    %max3A_733 = arith.constant 9.99999991E-38 : f32
    %max3A_734 = vector.broadcast %max3A_733 : f32 to vector<16xf32>
    %max3A_735 = arith.maximumf %broadcast_in_dim3A_732, %max3A_734 : vector<16xf32>
    %bitcast_convert_type3A = tpu.bitcast %max3A_735 : vector<16xf32> -> vector<16xi32>
    %broadcast_in_dim3A_736 = arith.constant 1597463007 : i32
    %broadcast_in_dim3A_737 = vector.broadcast %broadcast_in_dim3A_736 : i32 to vector<16xi32>
    %shift_right_arithmetic3A = arith.constant 1 : i32
    %shift_right_arithmetic3A_738 = vector.broadcast %shift_right_arithmetic3A : i32 to vector<16xi32>
    %shift_right_arithmetic3A_739 = arith.shrsi %bitcast_convert_type3A, %shift_right_arithmetic3A_738 : vector<16xi32>
    %sub3A = arith.subi %broadcast_in_dim3A_737, %shift_right_arithmetic3A_739 : vector<16xi32>
    %bitcast_convert_type3A_740 = tpu.bitcast %sub3A : vector<16xi32> -> vector<16xf32>
    %mul3A_741 = arith.constant 5.000000e-01 : f32
    %mul3A_742 = vector.broadcast %mul3A_741 : f32 to vector<16xf32>
    %mul3A_743 = arith.mulf %mul3A_742, %max3A_735 : vector<16xf32>
    %mul3A_744 = arith.mulf %mul3A_743, %bitcast_convert_type3A_740 : vector<16xf32>
    %mul3A_745 = arith.mulf %mul3A_744, %bitcast_convert_type3A_740 : vector<16xf32>
    %sub3A_746 = arith.constant 1.500000e+00 : f32
    %sub3A_747 = vector.broadcast %sub3A_746 : f32 to vector<16xf32>
    %sub3A_748 = arith.subf %sub3A_747, %mul3A_745 : vector<16xf32>
    %mul3A_749 = arith.mulf %bitcast_convert_type3A_740, %sub3A_748 : vector<16xf32>
    %mul3A_750 = arith.constant 5.000000e-01 : f32
    %mul3A_751 = vector.broadcast %mul3A_750 : f32 to vector<16xf32>
    %mul3A_752 = arith.mulf %mul3A_751, %max3A_735 : vector<16xf32>
    %mul3A_753 = arith.mulf %mul3A_752, %mul3A_749 : vector<16xf32>
    %mul3A_754 = arith.mulf %mul3A_753, %mul3A_749 : vector<16xf32>
    %sub3A_755 = arith.constant 1.500000e+00 : f32
    %sub3A_756 = vector.broadcast %sub3A_755 : f32 to vector<16xf32>
    %sub3A_757 = arith.subf %sub3A_756, %mul3A_754 : vector<16xf32>
    %mul3A_758 = arith.mulf %mul3A_749, %sub3A_757 : vector<16xf32>
    %mul3A_759 = arith.constant 5.000000e-01 : f32
    %mul3A_760 = vector.broadcast %mul3A_759 : f32 to vector<16xf32>
    %mul3A_761 = arith.mulf %mul3A_760, %max3A_735 : vector<16xf32>
    %mul3A_762 = arith.mulf %mul3A_761, %mul3A_758 : vector<16xf32>
    %mul3A_763 = arith.mulf %mul3A_762, %mul3A_758 : vector<16xf32>
    %sub3A_764 = arith.constant 1.500000e+00 : f32
    %sub3A_765 = vector.broadcast %sub3A_764 : f32 to vector<16xf32>
    %sub3A_766 = arith.subf %sub3A_765, %mul3A_763 : vector<16xf32>
    %mul3A_767 = arith.mulf %mul3A_758, %sub3A_766 : vector<16xf32>
    %mul3A_768 = arith.constant 5.000000e-01 : f32
    %mul3A_769 = vector.broadcast %mul3A_768 : f32 to vector<16xf32>
    %mul3A_770 = arith.mulf %mul3A_769, %max3A_735 : vector<16xf32>
    %mul3A_771 = arith.mulf %mul3A_770, %mul3A_767 : vector<16xf32>
    %mul3A_772 = arith.mulf %mul3A_771, %mul3A_767 : vector<16xf32>
    %sub3A_773 = arith.constant 1.500000e+00 : f32
    %sub3A_774 = vector.broadcast %sub3A_773 : f32 to vector<16xf32>
    %sub3A_775 = arith.subf %sub3A_774, %mul3A_772 : vector<16xf32>
    %mul3A_776 = arith.mulf %mul3A_767, %sub3A_775 : vector<16xf32>
    %mul3A_777 = arith.mulf %broadcast_in_dim3A_732, %mul3A_776 : vector<16xf32>
    %add3A_778 = arith.constant 9.99999993E-9 : f32
    %add3A_779 = vector.broadcast %add3A_778 : f32 to vector<16xf32>
    %add3A_780 = arith.addf %mul3A_777, %add3A_779 : vector<16xf32>
    %div3A = arith.constant 1.000000e+00 : f32
    %div3A_781 = vector.broadcast %div3A : f32 to vector<16xf32>
    %div3A_782 = arith.divf %div3A_781, %add3A_780 : vector<16xf32>
    %mul3A_783 = arith.mulf %get3A_724, %div3A_782 : vector<16xf32>
    %swap3A_784 = arith.constant 0 : index
    %swap3A_785 = tpu.vector_load %arg38[%swap3A_784] {strides = array<i32>} : memref<16xf32, #tpu.memory_space<vmem>>, vector<16xf32>,
    tpu.vector_store %arg38[%swap3A_784], %mul3A_783 {strides = array<i32>} : memref<16xf32, #tpu.memory_space<vmem>>, vector<16xf32>,
    %get3A_786 = arith.constant 0 : i32
    %get3A_787 = arith.index_cast %get3A_786 : i32 to index
    %get3A_788 = arith.constant 0 : index
    %get3A_789 = tpu.vector_load %arg26[%get3A_787, %get3A_788] {strides = array<i32>} : memref<8x16xi32, #tpu.memory_space<vmem>>, vector<16xi32>,
    %gather3A_790 = tpu.vector_load_idx %arg38[%get3A_789] : memref<16xf32, #tpu.memory_space<vmem>>[vector<16xi32>], vector<16xf32>,
    %get3A_791 = arith.constant 1 : i32
    %get3A_792 = arith.index_cast %get3A_791 : i32 to index
    %get3A_793 = arith.constant 0 : index
    %get3A_794 = tpu.vector_load %arg26[%get3A_792, %get3A_793] {strides = array<i32>} : memref<8x16xi32, #tpu.memory_space<vmem>>, vector<16xi32>,
    %gather3A_795 = tpu.vector_load_idx %arg38[%get3A_794] : memref<16xf32, #tpu.memory_space<vmem>>[vector<16xi32>], vector<16xf32>,
    %get3A_796 = arith.constant 2 : i32
    %get3A_797 = arith.index_cast %get3A_796 : i32 to index
    %get3A_798 = arith.constant 0 : index
    %get3A_799 = tpu.vector_load %arg26[%get3A_797, %get3A_798] {strides = array<i32>} : memref<8x16xi32, #tpu.memory_space<vmem>>, vector<16xi32>,
    %gather3A_800 = tpu.vector_load_idx %arg38[%get3A_799] : memref<16xf32, #tpu.memory_space<vmem>>[vector<16xi32>], vector<16xf32>,
    %get3A_801 = arith.constant 3 : i32
    %get3A_802 = arith.index_cast %get3A_801 : i32 to index
    %get3A_803 = arith.constant 0 : index
    %get3A_804 = tpu.vector_load %arg26[%get3A_802, %get3A_803] {strides = array<i32>} : memref<8x16xi32, #tpu.memory_space<vmem>>, vector<16xi32>,
    %gather3A_805 = tpu.vector_load_idx %arg38[%get3A_804] : memref<16xf32, #tpu.memory_space<vmem>>[vector<16xi32>], vector<16xf32>,
    %get3A_806 = arith.constant 4 : i32
    %get3A_807 = arith.index_cast %get3A_806 : i32 to index
    %get3A_808 = arith.constant 0 : index
    %get3A_809 = tpu.vector_load %arg26[%get3A_807, %get3A_808] {strides = array<i32>} : memref<8x16xi32, #tpu.memory_space<vmem>>, vector<16xi32>,
    %gather3A_810 = tpu.vector_load_idx %arg37[%get3A_809] : memref<16xf32, #tpu.memory_space<vmem>>[vector<16xi32>], vector<16xf32>,
    %get3A_811 = arith.constant 0 : i32
    %get3A_812 = arith.index_cast %get3A_811 : i32 to index
    %get3A_813 = arith.constant 0 : index
    %get3A_814 = tpu.vector_load %arg27[%get3A_812, %get3A_813] {strides = array<i32>} : memref<4x16xf32, #tpu.memory_space<vmem>>, vector<16xf32>,
    %get3A_815 = arith.constant 1 : i32
    %get3A_816 = arith.index_cast %get3A_815 : i32 to index
    %get3A_817 = arith.constant 0 : index
    %get3A_818 = tpu.vector_load %arg27[%get3A_816, %get3A_817] {strides = array<i32>} : memref<4x16xf32, #tpu.memory_space<vmem>>, vector<16xf32>,
    %mul3A_819 = arith.mulf %get3A_818, %gather3A_790 : vector<16xf32>
    %mul3A_820 = arith.mulf %mul3A_819, %gather3A_795 : vector<16xf32>
    %add3A_821 = arith.addf %get3A_814, %mul3A_820 : vector<16xf32>
    %get3A_822 = arith.constant 2 : i32
    %get3A_823 = arith.index_cast %get3A_822 : i32 to index
    %get3A_824 = arith.constant 0 : index
    %get3A_825 = tpu.vector_load %arg27[%get3A_823, %get3A_824] {strides = array<i32>} : memref<4x16xf32, #tpu.memory_space<vmem>>, vector<16xf32>,
    %mul3A_826 = arith.mulf %get3A_825, %gather3A_800 : vector<16xf32>
    %mul3A_827 = arith.mulf %mul3A_826, %gather3A_805 : vector<16xf32>
    %add3A_828 = arith.addf %add3A_821, %mul3A_827 : vector<16xf32>
    %get3A_829 = arith.constant 3 : i32
    %get3A_830 = arith.index_cast %get3A_829 : i32 to index
    %get3A_831 = arith.constant 0 : index
    %get3A_832 = tpu.vector_load %arg27[%get3A_830, %get3A_831] {strides = array<i32>} : memref<4x16xf32, #tpu.memory_space<vmem>>, vector<16xf32>,
    %mul3A_833 = arith.mulf %get3A_832, %gather3A_810 : vector<16xf32>
    %add3A_834 = arith.addf %add3A_828, %mul3A_833 : vector<16xf32>
    %swap3A_835 = arith.constant 0 : index
    %swap3A_836 = tpu.vector_load %arg36[%swap3A_835] {strides = array<i32>} : memref<256xf32, #tpu.memory_space<vmem>>, vector<16xf32>,
    tpu.vector_store %arg36[%swap3A_835], %add3A_834 {strides = array<i32>} : memref<256xf32, #tpu.memory_space<vmem>>, vector<16xf32>,
    %eq3A_837 = arith.constant 0 : i32
    %eq3A_838 = arith.cmpi eq, %arg0, %eq3A_837 : i32
    %convert_element_type3A_839 = arith.extui %eq3A_838 : i1 to i32
    %cond3A_840 = arith.constant 0 : i32
    %cond3A_841 = arith.cmpi ne, %convert_element_type3A_839, %cond3A_840 : i32
    scf.if %cond3A_841 {
      %dma_wait3A = arith.constant 0 : i32
      %dma_wait3A_879 = tpu.memref_slice %arg23[%multiple_of3A, %dma_wait3A] : memref<100000x3xf32, #tpu.memory_space<hbm>> -> memref<6256x3xf32, #tpu.memory_space<hbm>>
      %dma_wait3A_880 = arith.constant 0 : i32
      %dma_wait3A_881 = tpu.memref_slice %arg17[%multiple_of3A, %dma_wait3A_880] : memref<100000x3xf32, #tpu.memory_space<hbm>> -> memref<6256x3xf32, #tpu.memory_space<hbm>>
      tpu.wait_dma2 semaphore(%arg47 : memref<!tpu.dma_semaphore, #tpu.memory_space<semaphore_mem>>) src(%dma_wait3A_881 : memref<6256x3xf32, #tpu.memory_space<hbm>>) dst(%dma_wait3A_879 : memref<6256x3xf32, #tpu.memory_space<hbm>>)
    } else {
    }
    %eq3A_842 = arith.constant 1 : i32
    %eq3A_843 = arith.cmpi eq, %arg0, %eq3A_842 : i32
    %convert_element_type3A_844 = arith.extui %eq3A_843 : i1 to i32
    %cond3A_845 = arith.constant 0 : i32
    %cond3A_846 = arith.cmpi ne, %convert_element_type3A_844, %cond3A_845 : i32
    scf.if %cond3A_846 {
      %dma_wait3A = arith.constant 0 : i32
      %dma_wait3A_879 = tpu.memref_slice %arg24[%multiple_of3A, %dma_wait3A] : memref<100000x4xf32, #tpu.memory_space<hbm>> -> memref<6256x4xf32, #tpu.memory_space<hbm>>
      %dma_wait3A_880 = arith.constant 0 : i32
      %dma_wait3A_881 = tpu.memref_slice %arg18[%multiple_of3A, %dma_wait3A_880] : memref<100000x4xf32, #tpu.memory_space<hbm>> -> memref<6256x4xf32, #tpu.memory_space<hbm>>
      tpu.wait_dma2 semaphore(%arg47 : memref<!tpu.dma_semaphore, #tpu.memory_space<semaphore_mem>>) src(%dma_wait3A_881 : memref<6256x4xf32, #tpu.memory_space<hbm>>) dst(%dma_wait3A_879 : memref<6256x4xf32, #tpu.memory_space<hbm>>)
    } else {
    }
    %barrier3A_847 = arith.constant 0 : index
    tpu.barrier barrier_id(%barrier3A_847)
    %get3A_848 = arith.constant 0 : index
    %get3A_849 = tpu.vector_load %arg25[%get3A_848] {strides = array<i32>} : memref<16xi32, #tpu.memory_space<vmem>>, vector<16xi32>,
    %reduce_max3A = arith.constant true
    %reduce_max3A_850 = vector.broadcast %reduce_max3A : i1 to vector<16xi1>
    %reduce_max3A_851 = arith.constant -2147483648 : i32
    %reduce_max3A_852 = vector.broadcast %reduce_max3A_851 : i32 to vector<16xi32>
    %reduce_max3A_853 = arith.xori %get3A_849, %reduce_max3A_852 : vector<16xi32>
    %reduce_max3A_854 = tpu.scan <max>, %reduce_max3A_853 masked %reduce_max3A_850 : vector<16xi32>, vector<16xi1> -> vector<16xi32>
    %reduce_max3A_855 = arith.xori %reduce_max3A_854, %reduce_max3A_852 : vector<16xi32>
    %reduce_max3A_856 = vector.extract %reduce_max3A_855[15] : i32 from vector<16xi32>
    %rem3A = arith.constant 8 : i32
    %rem3A_857 = arith.remsi %reduce_max3A_856, %rem3A : i32
    %sub3A_858 = arith.subi %reduce_max3A_856, %rem3A_857 : i32
    %multiple_of3A_859 = tpu.assume_multiple %sub3A_858, 8 : i32
    %get3A_860 = arith.constant 0 : index
    %get3A_861 = tpu.vector_load %arg25[%get3A_860] {strides = array<i32>} : memref<16xi32, #tpu.memory_space<vmem>>, vector<16xi32>,
    %sub3A_862 = vector.broadcast %multiple_of3A_859 : i32 to vector<16xi32>
    %sub3A_863 = arith.subi %get3A_861, %sub3A_862 : vector<16xi32>
    %eq3A_864 = arith.constant 0 : i32
    %eq3A_865 = arith.cmpi eq, %arg0, %eq3A_864 : i32
    %eq3A_866 = arith.constant 0 : i32
    %eq3A_867 = arith.cmpi eq, %arg1, %eq3A_866 : i32
    %and3A = arith.andi %eq3A_865, %eq3A_867 : i1
    %convert_element_type3A_868 = arith.extui %and3A : i1 to i32
    %cond3A_869 = arith.constant 0 : i32
    %cond3A_870 = arith.cmpi ne, %convert_element_type3A_868, %cond3A_869 : i32
    scf.if %cond3A_870 {
      "tpu.region"() ({
        %run_scoped3A_884 = tpu.sem_alloc : memref<!tpu.dma_semaphore, #tpu.memory_space<semaphore_mem>>
        %dma_start3A = arith.constant 0 : i32
        %dma_start3A_885 = tpu.memref_slice %arg36[%dma_start3A] : memref<256xf32, #tpu.memory_space<vmem>> -> memref<16xf32, #tpu.memory_space<vmem>>
        %dma_start3A_886 = arith.constant 0 : i32
        %dma_start3A_887 = tpu.memref_slice %arg36[%dma_start3A_886] : memref<256xf32, #tpu.memory_space<vmem>> -> memref<16xf32, #tpu.memory_space<vmem>>
        tpu.enqueue_dma source(%dma_start3A_887 : memref<16xf32, #tpu.memory_space<vmem>>) target(%arg22 : memref<16xf32, #tpu.memory_space<hbm>>) target_semaphore(%run_scoped3A_884 : memref<!tpu.dma_semaphore, #tpu.memory_space<semaphore_mem>>)
        %dma_wait3A = arith.constant 0 : i32
        %dma_wait3A_888 = tpu.memref_slice %arg36[%dma_wait3A] : memref<256xf32, #tpu.memory_space<vmem>> -> memref<16xf32, #tpu.memory_space<vmem>>
        %dma_wait3A_889 = arith.constant 0 : i32
        %dma_wait3A_890 = tpu.memref_slice %arg36[%dma_wait3A_889] : memref<256xf32, #tpu.memory_space<vmem>> -> memref<16xf32, #tpu.memory_space<vmem>>
        tpu.wait_dma2 semaphore(%run_scoped3A_884 : memref<!tpu.dma_semaphore, #tpu.memory_space<semaphore_mem>>) src(%dma_wait3A_890 : memref<16xf32, #tpu.memory_space<vmem>>) dst(%arg22 : memref<16xf32, #tpu.memory_space<hbm>>)
        tpu.yield
      }) : () -> ()
      "tpu.region"() ({
        %run_scoped3A_884 = tpu.sem_alloc : memref<!tpu.dma_semaphore, #tpu.memory_space<semaphore_mem>>
        %dma_start3A = arith.constant 0 : i32
        %dma_start3A_885 = tpu.memref_slice %arg23[%multiple_of3A_859, %dma_start3A] : memref<100000x3xf32, #tpu.memory_space<hbm>> -> memref<8x3xf32, #tpu.memory_space<hbm>>
        %dma_start3A_886 = arith.constant 0 : i32
        %dma_start3A_887 = tpu.memref_slice %arg23[%multiple_of3A_859, %dma_start3A_886] : memref<100000x3xf32, #tpu.memory_space<hbm>> -> memref<8x3xf32, #tpu.memory_space<hbm>>
        tpu.enqueue_dma source(%dma_start3A_887 : memref<8x3xf32, #tpu.memory_space<hbm>>) target(%arg39 : memref<8x3xf32, #tpu.memory_space<vmem>>) target_semaphore(%run_scoped3A_884 : memref<!tpu.dma_semaphore, #tpu.memory_space<semaphore_mem>>)
        %dma_wait3A = arith.constant 0 : i32
        %dma_wait3A_888 = tpu.memref_slice %arg23[%multiple_of3A_859, %dma_wait3A] : memref<100000x3xf32, #tpu.memory_space<hbm>> -> memref<8x3xf32, #tpu.memory_space<hbm>>
        %dma_wait3A_889 = arith.constant 0 : i32
        %dma_wait3A_890 = tpu.memref_slice %arg23[%multiple_of3A_859, %dma_wait3A_889] : memref<100000x3xf32, #tpu.memory_space<hbm>> -> memref<8x3xf32, #tpu.memory_space<hbm>>
        tpu.wait_dma2 semaphore(%run_scoped3A_884 : memref<!tpu.dma_semaphore, #tpu.memory_space<semaphore_mem>>) src(%dma_wait3A_890 : memref<8x3xf32, #tpu.memory_space<hbm>>) dst(%arg39 : memref<8x3xf32, #tpu.memory_space<vmem>>)
        tpu.yield
      }) : () -> ()
      %get3A_879 = arith.constant 0 : index
      %get3A_880 = tpu.vector_load %arg37[%get3A_879] {strides = array<i32>} : memref<16xf32, #tpu.memory_space<vmem>>, vector<16xf32>,
      %lt3A_881 = arith.constant 3 : i32
      %lt3A_882 = vector.broadcast %lt3A_881 : i32 to vector<16xi32>
      %lt3A_883 = arith.cmpi slt, %iota3A, %lt3A_882 : vector<16xi32>
      tpu.vector_store_idx %arg39[%sub3A_863, %iota3A], %get3A_880 masked %lt3A_883 : memref<8x3xf32, #tpu.memory_space<vmem>>[vector<16xi32>, vector<16xi32>], vector<16xf32>, vector<16xi1>
      "tpu.region"() ({
        %run_scoped3A_884 = tpu.sem_alloc : memref<!tpu.dma_semaphore, #tpu.memory_space<semaphore_mem>>
        %dma_start3A = arith.constant 0 : i32
        %dma_start3A_885 = tpu.memref_slice %arg23[%multiple_of3A_859, %dma_start3A] : memref<100000x3xf32, #tpu.memory_space<hbm>> -> memref<8x3xf32, #tpu.memory_space<hbm>>
        %dma_start3A_886 = arith.constant 0 : i32
        %dma_start3A_887 = tpu.memref_slice %arg23[%multiple_of3A_859, %dma_start3A_886] : memref<100000x3xf32, #tpu.memory_space<hbm>> -> memref<8x3xf32, #tpu.memory_space<hbm>>
        tpu.enqueue_dma source(%arg39 : memref<8x3xf32, #tpu.memory_space<vmem>>) target(%dma_start3A_887 : memref<8x3xf32, #tpu.memory_space<hbm>>) target_semaphore(%run_scoped3A_884 : memref<!tpu.dma_semaphore, #tpu.memory_space<semaphore_mem>>)
        %dma_wait3A = arith.constant 0 : i32
        %dma_wait3A_888 = tpu.memref_slice %arg23[%multiple_of3A_859, %dma_wait3A] : memref<100000x3xf32, #tpu.memory_space<hbm>> -> memref<8x3xf32, #tpu.memory_space<hbm>>
        %dma_wait3A_889 = arith.constant 0 : i32
        %dma_wait3A_890 = tpu.memref_slice %arg23[%multiple_of3A_859, %dma_wait3A_889] : memref<100000x3xf32, #tpu.memory_space<hbm>> -> memref<8x3xf32, #tpu.memory_space<hbm>>
        tpu.wait_dma2 semaphore(%run_scoped3A_884 : memref<!tpu.dma_semaphore, #tpu.memory_space<semaphore_mem>>) src(%arg39 : memref<8x3xf32, #tpu.memory_space<vmem>>) dst(%dma_wait3A_890 : memref<8x3xf32, #tpu.memory_space<hbm>>)
        tpu.yield
      }) : () -> ()
    } else {
    }
    %eq3A_871 = arith.constant 1 : i32
    %eq3A_872 = arith.cmpi eq, %arg0, %eq3A_871 : i32
    %eq3A_873 = arith.constant 0 : i32
    %eq3A_874 = arith.cmpi eq, %arg1, %eq3A_873 : i32
    %and3A_875 = arith.andi %eq3A_872, %eq3A_874 : i1
    %convert_element_type3A_876 = arith.extui %and3A_875 : i1 to i32
    %cond3A_877 = arith.constant 0 : i32
    %cond3A_878 = arith.cmpi ne, %convert_element_type3A_876, %cond3A_877 : i32
    scf.if %cond3A_878 {
      "tpu.region"() ({
        %run_scoped3A_884 = tpu.sem_alloc : memref<!tpu.dma_semaphore, #tpu.memory_space<semaphore_mem>>
        %dma_start3A = arith.constant 0 : i32
        %dma_start3A_885 = tpu.memref_slice %arg24[%multiple_of3A_859, %dma_start3A] : memref<100000x4xf32, #tpu.memory_space<hbm>> -> memref<8x4xf32, #tpu.memory_space<hbm>>
        %dma_start3A_886 = arith.constant 0 : i32
        %dma_start3A_887 = tpu.memref_slice %arg24[%multiple_of3A_859, %dma_start3A_886] : memref<100000x4xf32, #tpu.memory_space<hbm>> -> memref<8x4xf32, #tpu.memory_space<hbm>>
        tpu.enqueue_dma source(%dma_start3A_887 : memref<8x4xf32, #tpu.memory_space<hbm>>) target(%arg40 : memref<8x4xf32, #tpu.memory_space<vmem>>) target_semaphore(%run_scoped3A_884 : memref<!tpu.dma_semaphore, #tpu.memory_space<semaphore_mem>>)
        %dma_wait3A = arith.constant 0 : i32
        %dma_wait3A_888 = tpu.memref_slice %arg24[%multiple_of3A_859, %dma_wait3A] : memref<100000x4xf32, #tpu.memory_space<hbm>> -> memref<8x4xf32, #tpu.memory_space<hbm>>
        %dma_wait3A_889 = arith.constant 0 : i32
        %dma_wait3A_890 = tpu.memref_slice %arg24[%multiple_of3A_859, %dma_wait3A_889] : memref<100000x4xf32, #tpu.memory_space<hbm>> -> memref<8x4xf32, #tpu.memory_space<hbm>>
        tpu.wait_dma2 semaphore(%run_scoped3A_884 : memref<!tpu.dma_semaphore, #tpu.memory_space<semaphore_mem>>) src(%dma_wait3A_890 : memref<8x4xf32, #tpu.memory_space<hbm>>) dst(%arg40 : memref<8x4xf32, #tpu.memory_space<vmem>>)
        tpu.yield
      }) : () -> ()
      %get3A_879 = arith.constant 0 : index
      %get3A_880 = tpu.vector_load %arg38[%get3A_879] {strides = array<i32>} : memref<16xf32, #tpu.memory_space<vmem>>, vector<16xf32>,
      %lt3A_881 = arith.constant 4 : i32
      %lt3A_882 = vector.broadcast %lt3A_881 : i32 to vector<16xi32>
      %lt3A_883 = arith.cmpi slt, %iota3A, %lt3A_882 : vector<16xi32>
      tpu.vector_store_idx %arg40[%sub3A_863, %iota3A], %get3A_880 masked %lt3A_883 : memref<8x4xf32, #tpu.memory_space<vmem>>[vector<16xi32>, vector<16xi32>], vector<16xf32>, vector<16xi1>
      "tpu.region"() ({
        %run_scoped3A_884 = tpu.sem_alloc : memref<!tpu.dma_semaphore, #tpu.memory_space<semaphore_mem>>
        %dma_start3A = arith.constant 0 : i32
        %dma_start3A_885 = tpu.memref_slice %arg24[%multiple_of3A_859, %dma_start3A] : memref<100000x4xf32, #tpu.memory_space<hbm>> -> memref<8x4xf32, #tpu.memory_space<hbm>>
        %dma_start3A_886 = arith.constant 0 : i32
        %dma_start3A_887 = tpu.memref_slice %arg24[%multiple_of3A_859, %dma_start3A_886] : memref<100000x4xf32, #tpu.memory_space<hbm>> -> memref<8x4xf32, #tpu.memory_space<hbm>>
        tpu.enqueue_dma source(%arg40 : memref<8x4xf32, #tpu.memory_space<vmem>>) target(%dma_start3A_887 : memref<8x4xf32, #tpu.memory_space<hbm>>) target_semaphore(%run_scoped3A_884 : memref<!tpu.dma_semaphore, #tpu.memory_space<semaphore_mem>>)
        %dma_wait3A = arith.constant 0 : i32
        %dma_wait3A_888 = tpu.memref_slice %arg24[%multiple_of3A_859, %dma_wait3A] : memref<100000x4xf32, #tpu.memory_space<hbm>> -> memref<8x4xf32, #tpu.memory_space<hbm>>
        %dma_wait3A_889 = arith.constant 0 : i32
        %dma_wait3A_890 = tpu.memref_slice %arg24[%multiple_of3A_859, %dma_wait3A_889] : memref<100000x4xf32, #tpu.memory_space<hbm>> -> memref<8x4xf32, #tpu.memory_space<hbm>>
        tpu.wait_dma2 semaphore(%run_scoped3A_884 : memref<!tpu.dma_semaphore, #tpu.memory_space<semaphore_mem>>) src(%arg40 : memref<8x4xf32, #tpu.memory_space<vmem>>) dst(%dma_wait3A_890 : memref<8x4xf32, #tpu.memory_space<hbm>>)
        tpu.yield
      }) : () -> ()
    } else {
    }
    return
  }
}

</mosaic_0001>

<sc_bundles>
// kernel: kernel.3.cloned.1.call-start
scs
__scs_entry_jumppad:
0x0: {  	(pc) =	sbr.rel $0x88, $3  }
0x1: {  	(tag) =	ssettag $0x0;
	lr =	simm.s32 $0x1  }
0x2: {  	[smem:$0x3F90] =	sst lr;
	_ =	strace $0xD0000000  }
0x3: {  	_ = 	snop  }
0x4: {  	_ = 	snop  }
0x5: {  	_ = 	snop  }
0x6: {  	_ = 	snop  }
0x7: {  	_ = 	snop  }
__scs_overlays_trampoline_lowered:
0x8: {  	[smem:$0x3F9F] =	sst s0  }
0x9: {  	[smem:$0x3FA0] =	sst s1  }
0xa: {  	[smem:$0x3FA1] =	sst s2  }
0xb: {  	[smem:$0x3FA2] =	sst s3  }
0xc: {  	[smem:$0x3FA3] =	sst s4  }
0xd: {  	[smem:$0x3FA4] =	sst s5  }
0xe: {  	[smem:$0x3FA5] =	sst s6  }
0xf: {  	[smem:$0x3FA6] =	sst s7  }
0x10: {  	[smem:$0x3FA7] =	sst s8  }
0x11: {  	[smem:$0x3FA8] =	sst s9;
	s0 =	simm.s32 @!p0 $0x0  }
0x12: {  	s1 =	sld [smem:$0x3F8E];
	s0 =	simm.s32 @p0 $0x1  }
0x13: {  	[smem:$0x3FA9] =	sst s0;
	s0 =	simm.s32 @!p1 $0x0  }
0x14: {  	s2 =	sld [smem:$0x3F8D];
	s0 =	simm.s32 @p1 $0x1  }
0x15: {  	[smem:$0x3FAA] =	sst s0;
	s0 =	simm.s32 @!p2 $0x0  }
0x16: {  	s3 =	sld [smem:$0x3FDB];
	s0 =	simm.s32 @p2 $0x1  }
0x17: {  	s4 =	simm.s32 $0x1BF5;
	[smem:$0x3FAC] =	sst s0  }
0x18: {  	s0 =	sld [smem:$0x3F8F];
	_ =	swait.ge [sflag:s4], $0x0  }
0x19: {  	s7 =	sld [smem:$0x3F90]  }
0x1a: {  	s8 =	sadd.s32 $0xFFFFE003, lr  }
0x1b: {  	s9 =	sadd.s32 $0xFFFFFEF7, lr;
	s5 =	simm.s32 $0xFFFFFFFF;
	p2 =	slt.u32 s8, $0xFFFFF086  }
0x1c: {  	p1 =	slt.u32 s9, $0xF7A;
	s5 =	simm.s32 @!p2 $0x0  }
0x1d: {  	s5 =	simm.s32 @p1 $0x1;
	p0 =	seq.s32 s7, s2  }
0x1e: {  	s7 =	smul.u32 @!p0 $0xF7A, s2;
	p2 =	seq.s32 @!p0 s5, $0x0  }
0x1f: {  	s9 =	smul.u32 $0xF7A, s1;
	s8 =	simm.s32 @!p0 $0x1BF5;
	p2 =	por !p2, p0  }
0x20: {  	[sflag:s8] =	ssyncset.s32 @!p0 $0xFFFFF086;
	s6 =	sadd.s32 @!p0 s3, s7;
	s7 =	simm.s32 @!p0 $0x108  }
0x21: {  	s3 =	sadd.s32 s3, s9;
	s6 =	sadd.s32 @!p0 $0x88, s6;
	s7 =	simm.s32 @p2 $0x1082  }
0x22: {  	[simem:s7], [sflag:s8] =	dma.local @!p0 [hbm:s6], $0xF7A  }
0x23: {  	s9 =	sor.u32 $0xD0000000, s2;
	s6 =	simm.s32 $0x108;
	_ =	swait.ge @!p0 [sflag:s8], $0x0  }
0x24: {  	s3 =	sadd.s32 $0x88, s3;
	s6 =	simm.s32 @!p1 $0x1082;
	[sflag:s4] =	ssyncset.s32 $0xFFFFF086  }
0x25: {  	[simem:s6], [sflag:s4] =	dma.local [hbm:s3], $0xF7A  }
0x26: {  	[smem:$0x3F90] =	sst s1;
	(tag) =	ssettag s2;
	_ =	strace s9  }
0x27: {  	s1 =	sld [smem:$0x3FA0]  }
0x28: {  	s2 =	sld [smem:$0x3FA1]  }
0x29: {  	s4 =	sld [smem:$0x3FA3]  }
0x2a: {  	p0 =	seq.s32 s5, $0x0;
	s5 =	sld [smem:$0x3FA4]  }
0x2b: {  	s6 =	sld [smem:$0x3FA5]  }
0x2c: {  	s7 =	sld [smem:$0x3FA6]  }
0x2d: {  	s3 =	simm.s32 $0x108;
	s8 =	sld [smem:$0x3FA7]  }
0x2e: {  	s3 =	simm.s32 @!p0 $0x1082;
	s9 =	sld [smem:$0x3FA8]  }
0x2f: {  	lr =	sadd.s32 s0, s3;
	s0 =	sld [smem:$0x3F9F]  }
0x30: {  	s3 =	sld [smem:$0x3FA2]  }
0x31: {  	[smem:$0x3FAB] =	sst s10  }
0x32: {  	s10 =	sld [smem:$0x3FA9];
	_ =	sdelay $0x3  }
0x33: {  	p0 =	seq.s32 s10, $0x1;
	s10 =	sld [smem:$0x3FAB];
	_ =	sdelay $0x3  }
0x34: {  	[smem:$0x3FAB] =	sst s10  }
0x35: {  	s10 =	sld [smem:$0x3FAA];
	_ =	sdelay $0x3  }
0x36: {  	p1 =	seq.s32 s10, $0x1;
	s10 =	sld [smem:$0x3FAB];
	_ =	sdelay $0x3  }
0x37: {  	[smem:$0x3FAB] =	sst s10  }
0x38: {  	s10 =	sld [smem:$0x3FAC]  }
0x39: {  	_ = 	snop;
	(pc) =	sbr.ind lr, $3  }
0x3a: {  	_ = 	snop  }
0x3b: {  	_ = 	snop  }
0x3c: {  	p2 =	seq.s32 s10, $0x1;
	s10 =	sld [smem:$0x3FAB]  }
0x3d: {  	_ =	shalt  }
0x3e: {  	_ =	shalt  }
0x3f: {  	_ =	shalt  }
0x40: {  	_ =	shalt  }
0x41: {  	_ =	shalt  }
0x42: {  	_ =	shalt  }
0x43: {  	_ =	shalt  }
0x44: {  	_ =	shalt  }
0x45: {  	_ =	shalt  }
0x46: {  	_ =	shalt  }
0x47: {  	_ =	shalt  }
0x48: {  	_ =	shalt  }
0x49: {  	_ =	shalt  }
0x4a: {  	_ =	shalt  }
0x4b: {  	_ =	shalt  }
0x4c: {  	_ =	shalt  }
0x4d: {  	_ =	shalt  }
0x4e: {  	_ =	shalt  }
0x4f: {  	_ =	shalt  }
0x50: {  	_ =	shalt  }
0x51: {  	_ =	shalt  }
0x52: {  	_ =	shalt  }
0x53: {  	_ =	shalt  }
0x54: {  	_ =	shalt  }
0x55: {  	_ =	shalt  }
0x56: {  	_ =	shalt  }
0x57: {  	_ =	shalt  }
0x58: {  	_ =	shalt  }
0x59: {  	_ =	shalt  }
0x5a: {  	_ =	shalt  }
0x5b: {  	_ =	shalt  }
0x5c: {  	_ =	shalt  }
0x5d: {  	_ =	shalt  }
0x5e: {  	_ =	shalt  }
0x5f: {  	_ =	shalt  }
0x60: {  	_ =	shalt  }
0x61: {  	_ =	shalt  }
0x62: {  	_ =	shalt  }
0x63: {  	_ =	shalt  }
0x64: {  	_ =	shalt  }
0x65: {  	_ =	shalt  }
0x66: {  	_ =	shalt  }
0x67: {  	_ =	shalt  }
0x68: {  	_ =	shalt  }
0x69: {  	_ =	shalt  }
0x6a: {  	_ =	shalt  }
0x6b: {  	_ =	shalt  }
0x6c: {  	_ =	shalt  }
0x6d: {  	_ =	shalt  }
0x6e: {  	_ =	shalt  }
0x6f: {  	_ =	shalt  }
0x70: {  	_ =	shalt  }
0x71: {  	_ =	shalt  }
0x72: {  	_ =	shalt  }
0x73: {  	_ =	shalt  }
0x74: {  	_ =	shalt  }
0x75: {  	_ =	shalt  }
0x76: {  	_ =	shalt  }
0x77: {  	_ =	shalt  }
0x78: {  	_ =	shalt  }
0x79: {  	_ =	shalt  }
0x7a: {  	_ =	shalt  }
0x7b: {  	_ =	shalt  }
0x7c: {  	_ =	shalt  }
0x7d: {  	_ =	shalt  }
0x7e: {  	_ =	shalt  }
0x7f: {  	_ =	shalt  }
0x80: {  	_ =	shalt  }
0x81: {  	_ =	shalt  }
0x82: {  	_ =	shalt  }
0x83: {  	_ =	shalt  }
0x84: {  	_ =	shalt  }
0x85: {  	_ =	shalt  }
0x86: {  	_ =	shalt  }
0x87: {  	_ =	shalt  }
.Lfunc_end0:
.L_simem_size_0:
called_computation_lowered:
.L_overlay_start_0:
0x88: {  	s2 =	sld [smem:$0x3FD9]  }
0x89: {  	s3 =	sld [smem:$0x3FFE];
	_ =	sdelay $0x1  }
0x8a: {  	s1 =	srdreg.scid  }
0x8b: {  	s0 =	sand.u32 $0x1, s1  }
0x8c: {  	s25 =	sshll.u32 s0, $0xA;
	s2 =	sadd.s32 s3, s2  }
0x8d: {  	s2 =	sadd.s32 s2, s25  }
0x8e: {  	[smem:$0x3FB7] =	sst s2  }
0x8f: {  	_ = 	snop  }
0x90: {  	s4 =	sld [smem:$0x3FC8]  }
0x91: {  	s5 =	sld [smem:$0x3FC7]  }
0x92: {  	s6 =	sld [smem:$0x3FC6]  }
0x93: {  	s7 =	sld [smem:$0x3FC5]  }
0x94: {  	s8 =	sld [smem:$0x3FC4]  }
0x95: {  	s2 =	sld [smem:$0x3FC1]  }
0x96: {  	s3 =	sld [smem:$0x3FC0]  }
0x97: {  	s12 =	sld [smem:$0x3FD0]  }
0x98: {  	s9 =	sld [smem:$0x3FBF]  }
0x99: {  	s10 =	sld [smem:$0x3FBE]  }
0x9a: {  	s14 =	simm.s32 $0xA;
	s13 =	simm.s32 $0x10;
	s11 =	sld [smem:$0x3FBD]  }
0x9b: {  	[smem:s13], [sflag:s14] =	dma.local [hbm:s12], $0x1  }
0x9c: {  	_ =	swait.eq [sflag:s14], $0x1  }
0x9d: {  	s12 =	sld [smem:$0x10];
	[sflag:s14] =	ssyncset.done $0x0  }
0x9e: {  	s13 =	sld [smem:$0x11];
	[sflag:s14] =	ssyncadd.s32 $0xFFFFFFFF  }
0x9f: {  	s14 =	sld [smem:$0x12];
	(tm) =	ssettm $0x1  }
0xa0: {  	s15 =	sld [smem:$0x3FFB];
	_ =	sdelay $0x3  }
0xa1: {  	_ =	strace s15  }
0xa2: {  	s15 =	sld [smem:$0x3FFC];
	_ =	sdelay $0x3  }
0xa3: {  	_ =	strace s15  }
0xa4: {  	s15 =	sld [smem:$0x3FFD];
	_ =	sdelay $0x3  }
0xa5: {  	_ =	strace s15  }
0xa6: {  	_ =	strace $0x8FFFFFFF  }
0xa7: {  	s26 =	sld [smem:$0x3FDB];
	_ =	sdelay $0x1  }
0xa8: {  	s16 =	simm.s32 $_scs_section_size  }
0xa9: {  	s17 =	simm.s32 $_size__tile_task_arg_handler_lowered;
	s18 =	simm.s32 $_tile_task_arg_handler_lowered  }
0xaa: {  	s30 =	simm.s32 $0x1BFF;
	s29 =	sshll.u32 s18, $0x1;
	s16 =	sadd.s32 s16, s26  }
0xab: {  	s19 =	simm.s32 $0x60;
	s28 =	sshll.u32 s17, $0x1;
	s17 =	sadd.s32 s29, s16  }
0xac: {  	[timem:s19], [sflag:s30] =	dma.local [hbm:s17], s28  }
0xad: {  	_ =	swait.ge [sflag:s30], s28  }
0xae: {  	s31 =	simm.s32 $_tile_overlayer_lowered;
	s15 =	ssub.s32 $0x0, s28;
	[sflag:s30] =	ssyncset.done $0x0  }
0xaf: {  	s19 =	simm.s32 $_size__tile_overlayer_lowered;
	s17 =	sshll.u32 s31, $0x1;
	[sflag:s30] =	ssyncadd.s32 s15  }
0xb0: {  	s21 =	simm.s32 $0x0;
	s20 =	sshll.u32 s19, $0x1;
	s17 =	sadd.s32 s17, s16  }
0xb1: {  	[timem:s21], [sflag:s30] =	dma.local [hbm:s17], s20  }
0xb2: {  	_ =	swait.ge [sflag:s30], s20  }
0xb3: {  	s22 =	ssub.s32 $0x0, s20;
	[sflag:s30] =	ssyncset.done $0x0  }
0xb4: {  	[sflag:s30] =	ssyncadd.s32 s22;
	_ =	sdelay $0x1  }
0xb5: {  	s23 =	simm.s32 $0x1B8B  }
0xb6: {  	_ =	swait.ge [sflag:s23], $0x1  }
0xb7: {  	[sflag:s23] =	ssyncset.done $0x0  }
0xb8: {  	s25 =	simm.s32 $0x1B8E;
	s24 =	sld [smem:$0x3FFE];
	[sflag:s23] =	ssyncadd.s32 $0xFFFFFFFF  }
0xb9: {  	s26 =	simm.s32 $execute0_lowered;
	[smem:$0x3FD2] =	sst s25  }
0xba: {  	s18 =	sshll.u32 s26, $0x1;
	_ =	strace $0x80000046;
	[dreg:$0x1] =	wrdreg $0xFFFFFFFF  }
0xbb: {  	s16 =	sadd.s32 s16, s18;
	s28 =	simm.s32 $_size_execute0_lowered;
	[dreg:$0x0] =	wrdreg $0x0  }
0xbc: {  	s18 =	sshll.u32 s28, $0x1;
	[dreg:$0x2] =	wrdreg s16  }
0xbd: {  	[dreg:$0x3] =	wrdreg s18  }
0xbe: {  	[dreg:$0x4] =	wrdreg $0xC0  }
0xbf: {  	_ =	task [dreg:s21], $0x5FFFF  }
0xc0: {  	[dreg:$0x1] =	wrdreg $0xFFFFFFFF  }
0xc1: {  	[dreg:$0x0] =	wrdreg $0x30  }
0xc2: {  	[dreg:$0x2] =	wrdreg $0x0  }
0xc3: {  	[dreg:$0x3] =	wrdreg $0x4B800  }
0xc4: {  	[dreg:$0x4] =	wrdreg $0x4B900  }
0xc5: {  	[dreg:$0x5] =	wrdreg $0x4BA80  }
0xc6: {  	[dreg:$0x6] =	wrdreg $0x4BB80  }
0xc7: {  	[dreg:$0x7] =	wrdreg $0x4BA00  }
0xc8: {  	[dreg:$0x8] =	wrdreg $0x4BC80  }
0xc9: {  	[dreg:$0x9] =	wrdreg $0x9  }
0xca: {  	_ =	task [dreg:s21], $0xAFFFF  }
0xcb: {  	[dreg:$0x1] =	wrdreg $0xFFFFFFFF  }
0xcc: {  	[dreg:$0x0] =	wrdreg $0x60  }
0xcd: {  	[dreg:$0x2] =	wrdreg s24  }
0xce: {  	[dreg:$0x3] =	wrdreg s4  }
0xcf: {  	[dreg:$0x4] =	wrdreg s5  }
0xd0: {  	[dreg:$0x5] =	wrdreg s6  }
0xd1: {  	[dreg:$0x6] =	wrdreg s7  }
0xd2: {  	[dreg:$0x7] =	wrdreg s8  }
0xd3: {  	[dreg:$0x8] =	wrdreg s14  }
0xd4: {  	[dreg:$0x9] =	wrdreg s2  }
0xd5: {  	[dreg:$0xa] =	wrdreg s3  }
0xd6: {  	[dreg:$0xb] =	wrdreg s9  }
0xd7: {  	[dreg:$0xc] =	wrdreg s10  }
0xd8: {  	[dreg:$0xd] =	wrdreg s11  }
0xd9: {  	[dreg:$0xe] =	wrdreg s13  }
0xda: {  	[dreg:$0xf] =	wrdreg s12  }
0xdb: {  	_ =	task.clear_ibuf [dreg:s21], $0x10FFFF;
	_ =	strace $0x90000046  }
0xdc: {  	s29 =	simm.s32 $0x9;
	_ =	strace $0x80000048  }
0xdd: {  	_ =	swait.ge [sflag:s29], $0x1  }
0xde: {  	[sflag:s29] =	ssyncadd.s32 $0xFFFFFFFF  }
0xdf: {  	_ =	strace $0x90000048  }
0xe0: {  	_ =	sfence  }
0xe1: {  	s30 =	sld [smem:$0x0];
	_ =	sdelay $0x2  }
0xe2: {  	s31 =	sshll.u32 s1, $0xD;
	s1 =	sshrl.u32 s1, $0x2  }
0xe3: {  	s3 =	sand.u32 $0x4000, s31;
	s1 =	sadd.s32 s1, s30  }
0xe4: {  	s0 =	sor.u32 s3, s0;
	s1 =	sshll.u32 s1, $0x11  }
0xe5: {  	s0 =	sor.u32 s1, s0  }
0xe6: {  	s0 =	sadd.s32 $0x8F2B, s0  }
0xe7: {  	[sflag:s0] =	ssyncadd.remote.s32 $0x1  }
0xe8: {  	_ =	sfence.sel $0xFFFF  }
0xe9: {  	[dreg:$0x0] =	wrdreg $0xFFFFFFFF;
	(pc) =	sbr.abs _section_cstart, $3  }
0xea: {  	[dreg:$0x1] =	wrdreg $0xFFFFFFFF  }
0xeb: {  	_ =	task.clear_ibuf [dreg:s21], $0x2FFFF;
	_ =	strace $0x9FFFFFFF  }
0xec: {  	(tm) =	ssettm $0x7FFFFFFF  }
0xed: {  	_ =	shalt  }
tec
_tile_task_arg_handler_lowered:
.L_overlay_start_1:
0x0: {  	(tag) =	ssettag $0x1  }
0x1: {  	s0 =	rddreg [dreg:$0x0]  }
0x2: {  	s1 =	rddreg [dreg:$0x1]  }
0x3: {  	s2 =	rddreg [dreg:$0x2]  }
0x4: {  	s3 =	rddreg [dreg:$0x3]  }
0x5: {  	s4 =	rddreg [dreg:$0x4]  }
0x6: {  	s5 =	rddreg [dreg:$0x5]  }
0x7: {  	s6 =	rddreg [dreg:$0x6]  }
0x8: {  	s7 =	rddreg [dreg:$0x7]  }
0x9: {  	s8 =	rddreg [dreg:$0x8]  }
0xa: {  	s9 =	rddreg [dreg:$0x9]  }
0xb: {  	s10 =	rddreg [dreg:$0xa]  }
0xc: {  	s11 =	rddreg [dreg:$0xb]  }
0xd: {  	s12 =	rddreg [dreg:$0xc]  }
0xe: {  	s13 =	rddreg [dreg:$0xd]  }
0xf: {  	[smem:s0] =	sst s1  }
0x10: {  	[smem:s0+$0x1] =	sst s2  }
0x11: {  	[smem:s0+$0x2] =	sst s3  }
0x12: {  	[smem:s0+$0x3] =	sst s4  }
0x13: {  	[smem:s0+$0x4] =	sst s5  }
0x14: {  	[smem:s0+$0x5] =	sst s6  }
0x15: {  	[smem:s0+$0x6] =	sst s7  }
0x16: {  	[smem:s0+$0x7] =	sst s8  }
0x17: {  	[smem:s0+$0x8] =	sst s9  }
0x18: {  	[smem:s0+$0x9] =	sst s10  }
0x19: {  	[smem:s0+$0xA] =	sst s11  }
0x1a: {  	[smem:s0+$0xB] =	sst s12  }
0x1b: {  	[smem:s0+$0xC] =	sst s13;
	_ =	shalt  }
.Lfunc_end2:
execute0_lowered:
.L_overlay_start_2:
0x1c: {  	(tag) =	ssettag $0x2  }
0x1d: {  	s0 =	rddreg [dreg:$0x0]  }
0x1e: {  	s1 =	rddreg [dreg:$0x2]  }
0x1f: {  	s2 =	rddreg [dreg:$0x4]  }
0x20: {  	s3 =	rddreg [dreg:$0x6]  }
0x21: {  	s4 =	rddreg [dreg:$0x8]  }
0x22: {  	s5 =	rddreg [dreg:$0xa]  }
0x23: {  	s6 =	rddreg [dreg:$0xc];
	s7 =	simm.s32 $0x0  }
0x24: {  	[smem:$0x7FF] =	sst s7  }
0x25: {  	s8 =	sld [smem:$0x0]  }
0x26: {  	s12 =	srdreg.scid;
	s9 =	sld [smem:$0x1]  }
0x27: {  	s13 =	stileid.u32;
	s28 =	simm.s32 $0x4000;
	s10 =	sld [smem:$0x2]  }
0x28: {  	s31 =	simm.s32 $0x0;
	s14 =	sand.u32 $0x1, s12;
	s11 =	sld [smem:$0x3]  }
0x29: {  	s18 =	sshll.u32 s13, $0x9;
	s20 =	sshll.u32 s13, $0x8;
	s12 =	sld [smem:$0x4]  }
0x2a: {  	s23 =	smul.u32 $0x1870, s13;
	s25 =	sadd.s32 $0x30E800, s0;
	s15 =	sld [smem:$0x5]  }
0x2b: {  	s29 =	sadd.s32 $0x30F000, s0;
	s26 =	sld [smem:$0x6];
	s1 =	sadd.s32 s1, s18  }
0x2c: {  	s30 =	sadd.s32 $0x495A00, s0;
	s19 =	sadd.s32 s4, s18;
	[dreg:$0xf] =	wrdreg s1  }
0x2d: {  	s16 =	ssub.s32 $0x2, s14;
	s21 =	sadd.s32 s5, s18;
	[dreg:$0x11] =	wrdreg s19  }
0x2e: {  	p3 =	seq.s32 s13, $0x0;
	s17 =	sshrl.u32 s16, $0x1;
	[dreg:$0x12] =	wrdreg s21  }
0x2f: {  	s16 =	ssub.s32 s16, s17;
	s17 =	sadd.s32 s2, s18;
	[dreg:$0xe] =	wrdreg s26  }
0x30: {  	s22 =	sadd.s32 s3, s20;
	p0 =	seq.s32 s14, $0x1;
	[dreg:$0x10] =	wrdreg s17  }
0x31: {  	s1 =	sadd.s32 s6, s20;
	_ =	strace $0x80000047;
	[dreg:$0x13] =	wrdreg s22  }
0x32: {  	p1 =	sne.s32 s14, $0x0;
	s24 =	sor.u32 s13, s14;
	[dreg:$0x14] =	wrdreg s1  }
0x33: {  	s3 =	sshll.u32 s13, $0x4;
	s26 =	sadd.s32 $0x1000, s0;
	[dreg:$0x15] =	wrdreg s25  }
0x34: {  	s4 =	sadd.s32 $0x1200, s0;
	s5 =	sadd.s32 $0x30EC00, s0;
	[dreg:$0x16] =	wrdreg s26  }
0x35: {  	v0 =	vlaneseq.u32;
	s14 =	sadd.s32 $0x30EE00, s0;
	p2 =	sne.s32 s24, $0x0;
	[dreg:$0x17] =	wrdreg s4  }
0x36: {  	vm0 =	vmmov $0xffff;
	v5 =	vimm.s32 $0x10;
	v6 =	vimm.s32 $0x11;
	s6 =	sadd.s32 $0x30EA00, s0;
	p3 =	por !p3, !p0;
	[dreg:$0x18] =	wrdreg s5  }
0x37: {  	v7 =	vimm.s32 $0x12;
	v8 =	vimm.s32 $0x13;
	v9 =	vimm.s32 $0x14;
	p4 =	por !p3, !p3;
	p3 =	sne.s32 s13, $0x0;
	[dreg:$0x19] =	wrdreg s6  }
0x38: {  	v10 =	vimm.s32 $0x15;
	v11 =	vimm.s32 $0x16;
	v12 =	vimm.s32 $0x17;
	s2 =	simm.s32 $0x4280;
	s24 =	sadd.s32 s3, s10;
	[dreg:$0x1a] =	wrdreg s14  }
0x39: {  	v13 =	vimm.s32 $0x18;
	v14 =	vimm.s32 $0x19;
	v15 =	vimm.s32 $0x1A;
	s1 =	smin.u32 s23, $0x16E30;
	s22 =	sadd.s32 s3, s8;
	[smem:$0x7FB] =	sst s24  }
0x3a: {  	v16 =	vimm.s32 $0x1B;
	v17 =	vimm.s32 $0x1C;
	v18 =	vimm.s32 $0x1D;
	s23 =	sadd.s32 s3, s9;
	s25 =	sadd.s32 s3, s11;
	[dreg:$0x1f] =	wrdreg s22  }
0x3b: {  	v19 =	vimm.s32 $0x1E;
	v20 =	vimm.s32 $0x1F;
	vm1 =	vmmov $0xf;
	s26 =	smax.u32 s16, $0x1;
	s16 =	simm.s32 $0x2;
	[smem:$0x7FA] =	sst s23  }
0x3c: {  	v22 =	vand.u32 $0x7, v0;
	v3 =	vshrl.u32 v0, $0x3;
	v1 =	vmov s3;
	s24 =	simm.s32 $0x4100;
	s4 =	simm.s32 $0x4300;
	[smem:$0x7FC] =	sst s25  }
0x3d: {  	v24 =	vor.u32 $0x200, v0;
	v2 =	vor.u32 s3, v0;
	v1 =	vshll.u32 v1, $0x3;
	s1 =	sshll.u32 s1, $0x4;
	[smem:$0x7FD] =	sst s26;
	s22 =	simm.s32 $0x2780  }
0x3e: {  	v25 =	vor.u32 $0x280, v0;
	v2 =	vand.u32 $0x7F, v2;
	v1 =	vand.u32 $0x400, v1;
	s23 =	simm.s32 $0x3780;
	s25 =	simm.s32 $0x3F80;
	s26 =	simm.s32 $0x700  }
0x3f: {  	v26 =	vor.u32 $0x300, v0;
	v21 =	vor.u32 v2, v1;
	v1 =	vor.u32 $0x8, v0;
	s17 =	sadd.s32 s1, s0;
	s20 =	sadd.s32 s29, s1;
	s21 =	sadd.s32 s30, s1  }
0x40: {  	v27 =	vor.u32 $0x380, v0;
	v28 =	vor.u32 $0x400, v0;
	[tilespmem:$0x1FFC0] =	vst v1;
	v1 =	vor.u32 $0x80, v0;
	s1 =	simm.s32 $0x10;
	s18 =	sadd.s32 $0x1400, s17;
	[dreg:$0x1d] =	wrdreg s20  }
0x41: {  	v29 =	vor.u32 $0x480, v0;
	v30 =	vor.u32 $0x500, v0;
	[tilespmem:$0x1FFD0] =	vst v1;
	v1 =	vor.u32 $0x100, v0;
	s19 =	sadd.s32 $0x187E00, s17;
	[dreg:$0x1e] =	wrdreg s21;
	s17 =	simm.s32 $0x80  }
0x42: {  	v31 =	vor.u32 $0x580, v0;
	v32 =	vor.u32 $0x600, v0;
	[tilespmem:$0x1FFE0] =	vst v1;
	s21 =	simm.s32 $0x1780;
	v1 =	vor.u32 $0x180, v0;
	s20 =	simm.s32 $0x4110;
	[dreg:$0x1b] =	wrdreg s18  }
0x43: {  	v33 =	vor.u32 $0x680, v0;
	v34 =	vor.u32 $0x700, v0;
	v3 =	vmul.u32 $0x8, v3;
	[dreg:$0x1c] =	wrdreg s19;
	s18 =	simm.s32 $0x680;
	s19 =	simm.s32 $0x780;
	[tilespmem:$0x1FFF0] =	vst v1  }
.LBB3_1:
0x44: {  	s0 =	sshll.u32 @!p1 s13, $0x6;
	s3 =	rddreg [dreg:$0x1b]  }
0x45: {  	s5 =	rddreg [dreg:$0x1d];
	s0 =	sor.u32 @!p1 $0x1C01, s0  }
0x46: {  	[hbm:s5], [sflag:s0] =	dma.local @!p1 [hbm:s3], $0x18700  }
0x47: {  	s0 =	sshll.u32 @p0 s13, $0x6;
	s3 =	rddreg [dreg:$0x1c]  }
0x48: {  	s0 =	sor.u32 @p0 $0x1C01, s0;
	s5 =	rddreg [dreg:$0x1e]  }
0x49: {  	[hbm:s5], [sflag:s0] =	dma.local @p0 [hbm:s3], $0x18700  }
0x4a: {  	s0 =	rddreg [dreg:$0x15]  }
0x4b: {  	[tilespmem:s7], [sflag:$0x2] =	stream.linear.gather [hbm4b:s0+s7], $0x80, $0x38;
	[tilespmem:$0x4BD0] =	vst v63  }
0x4c: {  	_ =	swait.ge [sflag:s16], $0x80  }
0x4d: {  	[sflag:s16] =	ssyncset.done $0x0  }
0x4e: {  	s5 =	rddreg [dreg:$0x18];
	[sflag:s16] =	ssyncadd.s32 $0xFFFFFF80  }
0x4f: {  	[tilespmem:s17], [sflag:$0x2] =	stream.linear.gather [hbm4b:s5+s7], $0x400, $0x38;
	[tilespmem:$0x4BD0] =	vst v63  }
0x50: {  	_ =	swait.ge [sflag:s16], $0x400  }
0x51: {  	[sflag:s16] =	ssyncset.done $0x0  }
0x52: {  	[sflag:s16] =	ssyncadd.s32 $0xFFFFFC00  }
0x53: {  	s14 =	simm.s32 $0x480;
	s6 =	rddreg [dreg:$0xd]  }
0x54: {  	[tilespmem:s14], [sflag:$0x2] =	stream.linear.gather [hbm4b:s6+s7], $0x200, $0x38;
	[tilespmem:$0x4BD0] =	vst v63  }
0x55: {  	_ =	swait.ge [sflag:s16], $0x200  }
0x56: {  	[sflag:s16] =	ssyncset.done $0x0  }
0x57: {  	s3 =	rddreg [dreg:$0x19];
	[sflag:s16] =	ssyncadd.s32 $0xFFFFFE00  }
0x58: {  	[tilespmem:s18], [sflag:$0x2] =	stream.linear.gather [hbm4b:s3+s7], $0x100, $0x38;
	[tilespmem:$0x4BD0] =	vst v63  }
0x59: {  	_ =	swait.ge [sflag:s16], $0x100  }
0x5a: {  	[sflag:s16] =	ssyncset.done $0x0  }
0x5b: {  	s0 =	simm.s32 @!p3 $0x0;
	[sflag:s16] =	ssyncadd.s32 $0xFFFFFF00  }
0x5c: {  	s5 =	simm.s32 @!p3 $0x4180;
	s6 =	simm.s32 @!p3 $0x2;
	s3 =	rddreg [dreg:$0x3]  }
0x5d: {  	[tilespmem:s5], [sflag:$0x2] =	stream.linear.gather @!p3 [hbm4b:s3+s0], $0x100, $0x38;
	[tilespmem:$0x4BD0] =	vst v63  }
0x5e: {  	_ =	swait.ge @!p3 [sflag:s6], $0x100  }
0x5f: {  	[sflag:s6] =	ssyncset.done @!p3 $0x0  }
0x60: {  	[sflag:s6] =	ssyncadd.s32 @!p3 $0xFFFFFF00  }
0x61: {  	[spmem:s8] =	stream.linear.scatter @!p3 [tilespmem:s5], [sflag:$0x2], $0x100, $0x38;
	[tilespmem:$0x4BD0] =	vst v63  }
0x62: {  	_ =	swait.ge @!p3 [sflag:s6], $0x100  }
0x63: {  	[sflag:s6] =	ssyncset.done @!p3 $0x0  }
0x64: {  	[sflag:s6] =	ssyncadd.s32 @!p3 $0xFFFFFF00  }
0x65: {  	s3 =	rddreg [dreg:$0x5]  }
0x66: {  	[tilespmem:s5], [sflag:$0x2] =	stream.linear.gather @!p3 [hbm4b:s3+s0], $0x100, $0x38;
	[tilespmem:$0x4BD0] =	vst v63  }
0x67: {  	_ =	swait.ge @!p3 [sflag:s6], $0x100  }
0x68: {  	[sflag:s6] =	ssyncset.done @!p3 $0x0  }
0x69: {  	[sflag:s6] =	ssyncadd.s32 @!p3 $0xFFFFFF00  }
0x6a: {  	[spmem:s9] =	stream.linear.scatter @!p3 [tilespmem:s5], [sflag:$0x2], $0x100, $0x38;
	[tilespmem:$0x4BD0] =	vst v63  }
0x6b: {  	_ =	swait.ge @!p3 [sflag:s6], $0x100  }
0x6c: {  	[sflag:s6] =	ssyncset.done @!p3 $0x0  }
0x6d: {  	[sflag:s6] =	ssyncadd.s32 @!p3 $0xFFFFFF00  }
0x6e: {  	s3 =	rddreg [dreg:$0x9]  }
0x6f: {  	[tilespmem:s5], [sflag:$0x2] =	stream.linear.gather @!p3 [hbm4b:s3+s0], $0x100, $0x38;
	[tilespmem:$0x4BD0] =	vst v63  }
0x70: {  	_ =	swait.ge @!p3 [sflag:s6], $0x100  }
0x71: {  	[sflag:s6] =	ssyncset.done @!p3 $0x0  }
0x72: {  	[sflag:s6] =	ssyncadd.s32 @!p3 $0xFFFFFF00  }
0x73: {  	[spmem:s10] =	stream.linear.scatter @!p3 [tilespmem:s5], [sflag:$0x2], $0x100, $0x38;
	[tilespmem:$0x4BD0] =	vst v63  }
0x74: {  	_ =	swait.ge @!p3 [sflag:s6], $0x100  }
0x75: {  	[sflag:s6] =	ssyncset.done @!p3 $0x0  }
0x76: {  	[sflag:s6] =	ssyncadd.s32 @!p3 $0xFFFFFF00  }
0x77: {  	s3 =	rddreg [dreg:$0xb]  }
0x78: {  	[tilespmem:s5], [sflag:$0x2] =	stream.linear.gather @!p3 [hbm4b:s3+s0], $0x100, $0x38;
	[tilespmem:$0x4BD0] =	vst v63  }
0x79: {  	_ =	swait.ge @!p3 [sflag:s6], $0x100  }
0x7a: {  	[sflag:s6] =	ssyncset.done @!p3 $0x0  }
0x7b: {  	[sflag:s6] =	ssyncadd.s32 @!p3 $0xFFFFFF00  }
0x7c: {  	[spmem:s11] =	stream.linear.scatter @!p3 [tilespmem:s5], [sflag:$0x2], $0x100, $0x38;
	[tilespmem:$0x4BD0] =	vst v63  }
0x7d: {  	_ =	swait.ge @!p3 [sflag:s6], $0x100  }
0x7e: {  	[sflag:s6] =	ssyncset.done @!p3 $0x0  }
0x7f: {  	s5 =	simm.s32 @!p3 $0x4080;
	s3 =	rddreg [dreg:$0x16];
	[sflag:s6] =	ssyncadd.s32 @!p3 $0xFFFFFF00  }
0x80: {  	[tilespmem:s5], [sflag:$0x2] =	stream.linear.gather @!p3 [hbm4b:s3+s0], $0x80, $0x38;
	[tilespmem:$0x4BD0] =	vst v63  }
0x81: {  	_ =	swait.ge @!p3 [sflag:s6], $0x80  }
0x82: {  	[sflag:s6] =	ssyncset.done @!p3 $0x0  }
0x83: {  	[sflag:s6] =	ssyncadd.s32 @!p3 $0xFFFFFF80  }
0x84: {  	[spmem:s12] =	stream.linear.scatter @!p3 [tilespmem:s5], [sflag:$0x2], $0x80, $0x38;
	[tilespmem:$0x4BD0] =	vst v63  }
0x85: {  	_ =	swait.ge @!p3 [sflag:s6], $0x80  }
0x86: {  	[sflag:s6] =	ssyncset.done @!p3 $0x0  }
0x87: {  	s3 =	rddreg [dreg:$0x17];
	[sflag:s6] =	ssyncadd.s32 @!p3 $0xFFFFFF80  }
0x88: {  	[tilespmem:s5], [sflag:$0x2] =	stream.linear.gather @!p3 [hbm4b:s3+s0], $0x80, $0x38;
	[tilespmem:$0x4BD0] =	vst v63  }
0x89: {  	_ =	swait.ge @!p3 [sflag:s6], $0x80  }
0x8a: {  	[sflag:s6] =	ssyncset.done @!p3 $0x0  }
0x8b: {  	[sflag:s6] =	ssyncadd.s32 @!p3 $0xFFFFFF80  }
0x8c: {  	[spmem:s15] =	stream.linear.scatter @!p3 [tilespmem:s5], [sflag:$0x2], $0x80, $0x38;
	[tilespmem:$0x4BD0] =	vst v63  }
0x8d: {  	_ =	swait.ge @!p3 [sflag:s6], $0x80  }
0x8e: {  	[sflag:s6] =	ssyncset.done @!p3 $0x0  }
0x8f: {  	[sflag:s6] =	ssyncadd.s32 @!p3 $0xFFFFFF80  }
0x90: {  	v35 =	vld [tilespmem:$0x0];
	_ =	sdelay $0x4  }
0x91: {  	v1 =	vld [tilespmem:$0x1FFC0];
	v36 =	vshll.u32 v35, $0x1  }
0x92: {  	v35 =	vand.u32 $0x7, v35;
	v36 =	vand.u32 $0xFFFFFFF0, v36  }
0x93: {  	v35 =	vor.u32 v35, v36  }
0x94: {  	v36 =	vperm.xlane v35, v22;
	_ =	sdelay $0x1  }
0x95: {  	v35 =	vperm.xlane v35, v1;
	v36 =	vadd.s32 v3, v36;
	_ =	sdelay $0x1  }
0x96: {  	v35 =	vadd.s32 v3, v35;
	_ =	sdelay $0x1  }
0x97: {  	s5 =	rddreg [dreg:$0x1]  }
0x98: {  	[tilespmem:s19], [sflag:$0x2] =	stream.indirect_vreg.gather [hbm4b:s5+s7], $0x80, v36, vm0, $0xb8;
	[tilespmem:$0x4BD0] =	vst v63  }
0x99: {  	s6 =	simm.s32 $0xF80  }
0x9a: {  	[tilespmem:s6], [sflag:$0x2] =	stream.indirect_vreg.gather [hbm4b:s5+s7], $0x80, v35, vm0, $0xb8;
	[tilespmem:$0x4BD0] =	vst v63  }
0x9b: {  	_ =	swait.ge [sflag:s16], $0x1000  }
0x9c: {  	[sflag:s16] =	ssyncset.done $0x0  }
0x9d: {  	s14 =	rddreg [dreg:$0xf];
	[sflag:s16] =	ssyncadd.s32 $0xFFFFF000  }
0x9e: {  	[tilespmem:s21], [sflag:$0x2] =	stream.linear.gather [hbm4b:s14+s7], $0x1000, $0x38;
	[tilespmem:$0x4BD0] =	vst v63  }
0x9f: {  	_ =	swait.ge [sflag:s16], $0x1000  }
0xa0: {  	[sflag:s16] =	ssyncset.done $0x0  }
0xa1: {  	s3 =	rddreg [dreg:$0x10];
	[sflag:s16] =	ssyncadd.s32 $0xFFFFF000  }
0xa2: {  	[tilespmem:s22], [sflag:$0x2] =	stream.linear.gather [hbm4b:s3+s7], $0x1000, $0x38;
	[tilespmem:$0x4BD0] =	vst v63  }
0xa3: {  	_ =	swait.ge [sflag:s16], $0x1000  }
0xa4: {  	[sflag:s16] =	ssyncset.done $0x0  }
0xa5: {  	s5 =	rddreg [dreg:$0x13];
	[sflag:s16] =	ssyncadd.s32 $0xFFFFF000  }
0xa6: {  	[tilespmem:s23], [sflag:$0x2] =	stream.linear.gather [hbm4b:s5+s7], $0x800, $0x38;
	[tilespmem:$0x4BD0] =	vst v63  }
0xa7: {  	_ =	swait.ge [sflag:s16], $0x800  }
0xa8: {  	[sflag:s16] =	ssyncset.done $0x0  }
0xa9: {  	[sflag:s16] =	ssyncadd.s32 $0xFFFFF800  }
0xaa: {  	s6 =	simm.s32 $0x0;
	[bflag:$0x0] =	sbarrier.arrive $0xFFFF  }
0xab: {  	v52 =	vmov s6;
	v51 =	vld.idx.msk [tilespmem:v21+s19+$0x0], $0xffff  }
0xac: {  	v37 =	vor.u32 s6, v0;
	v36 =	vshll.u32 v52, $0x3  }
0xad: {  	v39 =	vand.u32 $0x6F, v37;
	v53 =	vand.u32 $0x400, v36  }
0xae: {  	v47 =	vor.u32 v39, v53  }
0xaf: {  	v38 =	vor.u32 $0x80, v47  }
0xb0: {  	[tilespmem:$0x4110] =	vst v51  }
0xb1: {  	v54 =	vor.u32 $0x100, v47;
	v37 =	vld.idx.msk [tilespmem:v5+s24+$0x0], $0xffff  }
0xb2: {  	v40 =	vld.idx.msk [tilespmem:v6+s24+$0x0], $0xffff  }
0xb3: {  	v41 =	vor.u32 $0x180, v47;
	v42 =	vld.idx.msk [tilespmem:v47+s21+$0x0], $0xffff  }
0xb4: {  	v43 =	vld.idx.msk [tilespmem:v38+s21+$0x0], $0xffff  }
0xb5: {  	v44 =	vor.u32 $0x200, v47;
	v38 =	vld.idx.msk [tilespmem:v7+s24+$0x0], $0xffff  }
0xb6: {  	v45 =	vld.idx.msk [tilespmem:v54+s21+$0x0], $0xffff  }
0xb7: {  	v46 =	vor.u32 $0x280, v47;
	v35 =	vld.idx.msk [tilespmem:v8+s24+$0x0], $0xffff  }
0xb8: {  	v49 =	vor.u32 v36, v39;
	v48 =	vld.idx.msk [tilespmem:v41+s21+$0x0], $0xffff  }
0xb9: {  	v50 =	vor.u32 $0x300, v49;
	v36 =	vld.idx.msk [tilespmem:v9+s24+$0x0], $0xffff;
	v55 =	vmul.f32 v42, v37;
	v56 =	vmul.f32 v43, v40  }
0xba: {  	v58 =	vor.u32 $0x380, v49;
	v57 =	vld.idx.msk [tilespmem:v44+s21+$0x0], $0xffff  }
0xbb: {  	v39 =	vld.idx.msk [tilespmem:v10+s24+$0x0], $0xffff;
	v45 =	vmul.f32 v45, v38;
	v42 =	vadd.f32 v56, v55  }
0xbc: {  	v51 =	vor.u32 $0x800, v47;
	v46 =	vld.idx.msk [tilespmem:v46+s21+$0x0], $0xffff  }
0xbd: {  	v41 =	vld.idx.msk [tilespmem:v11+s24+$0x0], $0xffff;
	v48 =	vmul.f32 v48, v35;
	v45 =	vadd.f32 v45, v42  }
0xbe: {  	v50 =	vld.idx.msk [tilespmem:v50+s21+$0x0], $0xffff  }
0xbf: {  	v52 =	vor.u32 $0x880, v47;
	v53 =	vld.idx.msk [tilespmem:v58+s21+$0x0], $0xffff;
	v59 =	vmul.f32 v57, v36;
	v45 =	vadd.f32 v48, v45  }
0xc0: {  	v54 =	vor.u32 $0x900, v47;
	v42 =	vld.idx.msk [tilespmem:v12+s24+$0x0], $0xffff  }
0xc1: {  	v60 =	vld.idx.msk [tilespmem:v51+s21+$0x0], $0xffff;
	v46 =	vmul.f32 v46, v39;
	v45 =	vadd.f32 v59, v45  }
0xc2: {  	v61 =	vor.u32 $0x980, v47;
	v43 =	vld.idx.msk [tilespmem:v13+s24+$0x0], $0xffff  }
0xc3: {  	v44 =	vld.idx.msk [tilespmem:v14+s24+$0x0], $0xffff;
	v50 =	vmul.f32 v50, v41;
	v46 =	vadd.f32 v46, v45  }
0xc4: {  	v52 =	vld.idx.msk [tilespmem:v52+s21+$0x0], $0xffff  }
0xc5: {  	v54 =	vld.idx.msk [tilespmem:v54+s21+$0x0], $0xffff;
	v55 =	vor.u32 $0xA00, v47;
	v53 =	vmul.f32 v53, v42;
	v50 =	vadd.f32 v50, v46  }
0xc6: {  	v56 =	vor.u32 $0xA80, v47;
	v45 =	vld.idx.msk [tilespmem:v15+s24+$0x0], $0xffff  }
0xc7: {  	v51 =	vld.idx.msk [tilespmem:v61+s21+$0x0], $0xffff;
	v48 =	vmul.f32 v60, v43;
	v50 =	vadd.f32 v53, v50  }
0xc8: {  	v46 =	vld.idx.msk [tilespmem:v16+s24+$0x0], $0xffff  }
0xc9: {  	v62 =	vor.u32 $0xB00, v49;
	v52 =	vmul.f32 v52, v44;
	v47 =	vld.idx.msk [tilespmem:v17+s24+$0x0], $0xffff;
	v50 =	vadd.f32 v48, v50  }
0xca: {  	v57 =	vor.u32 $0xB80, v49;
	v55 =	vld.idx.msk [tilespmem:v55+s21+$0x0], $0xffff  }
0xcb: {  	v58 =	vld.idx.msk [tilespmem:v56+s21+$0x0], $0xffff;
	v63 =	vmul.f32 v54, v45;
	v50 =	vadd.f32 v52, v50  }
0xcc: {  	v48 =	vld.idx.msk [tilespmem:v18+s24+$0x0], $0xffff  }
0xcd: {  	v49 =	vld.idx.msk [tilespmem:v19+s24+$0x0], $0xffff;
	v51 =	vmul.f32 v51, v46;
	v52 =	vadd.f32 v63, v50  }
0xce: {  	v53 =	vld.idx.msk [tilespmem:v62+s21+$0x0], $0xffff  }
0xcf: {  	v59 =	vmul.f32 v55, v47;
	v55 =	vld.idx.msk [tilespmem:v57+s21+$0x0], $0xffff;
	v51 =	vadd.f32 v51, v52  }
0xd0: {  	v50 =	vld.idx.msk [tilespmem:v20+s24+$0x0], $0xffff  }
0xd1: {  	v60 =	vmul.f32 v58, v48;
	v51 =	vadd.f32 v59, v51  }
0xd2: {  	v61 =	vmov s1;
	v62 =	vor.u32 s1, v0  }
0xd3: {  	v54 =	vshll.u32 v61, $0x3;
	v63 =	vmul.f32 v53, v49;
	v51 =	vadd.f32 v60, v51  }
0xd4: {  	v56 =	vand.u32 $0x7F, v62;
	v60 =	vand.u32 $0x400, v54  }
0xd5: {  	v61 =	vmul.f32 v55, v50;
	v53 =	vor.u32 v56, v60;
	v51 =	vadd.f32 v63, v51  }
0xd6: {  	v62 =	vor.u32 $0x80, v53  }
0xd7: {  	v51 =	vadd.f32 v61, v51  }
0xd8: {  	s5 =	simm.s32 $0x3F90;
	v63 =	vor.u32 $0x100, v53  }
0xd9: {  	[tilespmem:s5+$0xFFFFFFF0] =	vst v51  }
0xda: {  	v60 =	vor.u32 $0x180, v53;
	v57 =	vld.idx.msk [tilespmem:v53+s21+$0x0], $0xffff  }
0xdb: {  	v55 =	vld.idx.msk [tilespmem:v62+s21+$0x0], $0xffff  }
0xdc: {  	v58 =	vor.u32 $0x200, v53  }
0xdd: {  	v52 =	vld.idx.msk [tilespmem:v63+s21+$0x0], $0xffff  }
0xde: {  	v59 =	vor.u32 $0x280, v53  }
0xdf: {  	v51 =	vld.idx.msk [tilespmem:v60+s21+$0x0], $0xffff  }
0xe0: {  	v60 =	vor.u32 $0x300, v53;
	v57 =	vmul.f32 v57, v37;
	v55 =	vmul.f32 v55, v40  }
0xe1: {  	v54 =	vor.u32 v56, v54;
	v56 =	vld.idx.msk [tilespmem:v58+s21+$0x0], $0xffff  }
0xe2: {  	v54 =	vor.u32 $0x380, v54;
	v52 =	vmul.f32 v52, v38;
	v55 =	vadd.f32 v55, v57  }
0xe3: {  	v61 =	vld.idx.msk [tilespmem:v59+s21+$0x0], $0xffff  }
0xe4: {  	v58 =	vor.u32 $0x800, v53;
	v51 =	vmul.f32 v51, v35;
	v52 =	vadd.f32 v52, v55  }
0xe5: {  	v62 =	vld.idx.msk [tilespmem:v60+s21+$0x0], $0xffff  }
0xe6: {  	v63 =	vor.u32 $0x880, v53;
	v60 =	vmul.f32 v56, v36;
	v51 =	vadd.f32 v51, v52  }
0xe7: {  	v54 =	vld.idx.msk [tilespmem:v54+s21+$0x0], $0xffff  }
0xe8: {  	v56 =	vor.u32 $0x900, v53;
	v61 =	vmul.f32 v61, v39;
	v51 =	vadd.f32 v60, v51  }
0xe9: {  	v57 =	vld.idx.msk [tilespmem:v58+s21+$0x0], $0xffff  }
0xea: {  	v58 =	vor.u32 $0x980, v53;
	v62 =	vmul.f32 v62, v41;
	v51 =	vadd.f32 v61, v51  }
0xeb: {  	v63 =	vld.idx.msk [tilespmem:v63+s21+$0x0], $0xffff  }
0xec: {  	v59 =	vor.u32 $0xA00, v53;
	v60 =	vmul.f32 v54, v42;
	v51 =	vadd.f32 v62, v51  }
0xed: {  	v61 =	vld.idx.msk [tilespmem:v56+s21+$0x0], $0xffff  }
0xee: {  	v56 =	vor.u32 $0xA80, v53;
	v62 =	vmul.f32 v57, v43;
	v51 =	vadd.f32 v60, v51  }
0xef: {  	v57 =	vld.idx.msk [tilespmem:v58+s21+$0x0], $0xffff  }
0xf0: {  	v63 =	vmul.f32 v63, v44;
	v58 =	vor.u32 $0xB00, v53;
	v51 =	vadd.f32 v62, v51  }
0xf1: {  	v53 =	vor.u32 $0xB80, v53;
	v60 =	vld.idx.msk [tilespmem:v59+s21+$0x0], $0xffff  }
0xf2: {  	v61 =	vmul.f32 v61, v45;
	v51 =	vadd.f32 v63, v51  }
0xf3: {  	v62 =	vld.idx.msk [tilespmem:v56+s21+$0x0], $0xffff  }
0xf4: {  	v63 =	vmul.f32 v57, v46;
	v51 =	vadd.f32 v61, v51  }
0xf5: {  	v56 =	vld.idx.msk [tilespmem:v58+s21+$0x0], $0xffff  }
0xf6: {  	v53 =	vld.idx.msk [tilespmem:v53+s21+$0x0], $0xffff;
	v59 =	vmul.f32 v60, v47;
	v51 =	vadd.f32 v63, v51;
	_ =	sdelay $0x1  }
0xf7: {  	s14 =	simm.s32 $0x20;
	v60 =	vmul.f32 v62, v48;
	v51 =	vadd.f32 v59, v51  }
0xf8: {  	v61 =	vmov s14;
	v62 =	vor.u32 s14, v0  }
0xf9: {  	v54 =	vshll.u32 v61, $0x3;
	v56 =	vmul.f32 v56, v49;
	v63 =	vadd.f32 v60, v51  }
0xfa: {  	v61 =	vand.u32 $0x400, v54;
	v60 =	vand.u32 $0x6F, v62;
	v62 =	vmul.f32 v53, v50  }
0xfb: {  	v52 =	vor.u32 v60, v61;
	v51 =	vor.u32 v54, v60;
	v63 =	vadd.f32 v56, v63  }
0xfc: {  	v57 =	vor.u32 $0x80, v52;
	v56 =	vor.u32 $0x100, v52;
	v55 =	vor.u32 $0x180, v52  }
0xfd: {  	s0 =	simm.s32 $0x3F90;
	s6 =	simm.s32 $0x2;
	s14 =	simm.s32 $0x30;
	v54 =	vor.u32 $0x200, v52;
	v53 =	vor.u32 $0x280, v52;
	v58 =	vadd.f32 v62, v63  }
.LBB3_2:
0xfe: {  	s6 =	sadd.s32 $0x2, s6;
	v59 =	vor.u32 $0x300, v51;
	v60 =	vor.u32 $0x380, v51;
	v61 =	vor.u32 $0x800, v52;
	s5 =	sadd.s32 $0x20, s5  }
0xff: {  	v62 =	vor.u32 $0x880, v52;
	v63 =	vor.u32 $0x900, v52;
	v1 =	vor.u32 $0x980, v52;
	p5 =	slt.u32 s6, $0xE;
	[tilespmem:s0+$0x0] =	vst v58;
	s0 =	smov.u32 s5  }
0x100: {  	v2 =	vor.u32 $0xA00, v52;
	v4 =	vor.u32 $0xB00, v51;
	v58 =	vld.idx.msk [tilespmem:v52+s21+$0x0], $0xffff;
	v52 =	vor.u32 $0xA80, v52  }
0x101: {  	v51 =	vor.u32 $0xB80, v51;
	v57 =	vld.idx.msk [tilespmem:v57+s21+$0x0], $0xffff;
	_ =	sdelay $0x1  }
0x102: {  	v56 =	vld.idx.msk [tilespmem:v56+s21+$0x0], $0xffff;
	_ =	sdelay $0x1  }
0x103: {  	v55 =	vld.idx.msk [tilespmem:v55+s21+$0x0], $0xffff;
	_ =	sdelay $0x1  }
0x104: {  	v58 =	vmul.f32 v58, v37;
	v57 =	vmul.f32 v57, v40;
	v54 =	vld.idx.msk [tilespmem:v54+s21+$0x0], $0xffff;
	_ =	sdelay $0x1  }
0x105: {  	v57 =	vadd.f32 v57, v58;
	v56 =	vmul.f32 v56, v38;
	v53 =	vld.idx.msk [tilespmem:v53+s21+$0x0], $0xffff;
	_ =	sdelay $0x1  }
0x106: {  	v56 =	vadd.f32 v56, v57;
	v55 =	vmul.f32 v55, v35;
	v57 =	vld.idx.msk [tilespmem:v59+s21+$0x0], $0xffff;
	_ =	sdelay $0x1  }
0x107: {  	v55 =	vadd.f32 v55, v56;
	v54 =	vmul.f32 v54, v36;
	v56 =	vld.idx.msk [tilespmem:v60+s21+$0x0], $0xffff;
	_ =	sdelay $0x1  }
0x108: {  	v54 =	vadd.f32 v54, v55;
	v53 =	vmul.f32 v53, v39;
	v55 =	vld.idx.msk [tilespmem:v61+s21+$0x0], $0xffff;
	_ =	sdelay $0x1  }
0x109: {  	v53 =	vadd.f32 v53, v54;
	v54 =	vmul.f32 v57, v41;
	v57 =	vld.idx.msk [tilespmem:v62+s21+$0x0], $0xffff;
	_ =	sdelay $0x1  }
0x10a: {  	v53 =	vadd.f32 v54, v53;
	v54 =	vmul.f32 v56, v42;
	v56 =	vld.idx.msk [tilespmem:v63+s21+$0x0], $0xffff;
	_ =	sdelay $0x1  }
0x10b: {  	v53 =	vadd.f32 v54, v53;
	v54 =	vmul.f32 v55, v43;
	v1 =	vld.idx.msk [tilespmem:v1+s21+$0x0], $0xffff;
	_ =	sdelay $0x1  }
0x10c: {  	v53 =	vadd.f32 v54, v53;
	v54 =	vmul.f32 v57, v44;
	v2 =	vld.idx.msk [tilespmem:v2+s21+$0x0], $0xffff;
	_ =	sdelay $0x1  }
0x10d: {  	v53 =	vadd.f32 v54, v53;
	v54 =	vmul.f32 v56, v45;
	v52 =	vld.idx.msk [tilespmem:v52+s21+$0x0], $0xffff;
	_ =	sdelay $0x1  }
0x10e: {  	v53 =	vadd.f32 v54, v53;
	v1 =	vmul.f32 v1, v46;
	v4 =	vld.idx.msk [tilespmem:v4+s21+$0x0], $0xffff;
	_ =	sdelay $0x1  }
0x10f: {  	v1 =	vadd.f32 v1, v53;
	v2 =	vmul.f32 v2, v47;
	v51 =	vld.idx.msk [tilespmem:v51+s21+$0x0], $0xffff;
	_ =	sdelay $0x1  }
0x110: {  	v1 =	vadd.f32 v2, v1;
	v2 =	vmul.f32 v52, v48;
	v52 =	vmov s14  }
0x111: {  	v53 =	vor.u32 s14, v0;
	v52 =	vshll.u32 v52, $0x3  }
0x112: {  	v1 =	vadd.f32 v2, v1;
	v2 =	vmul.f32 v4, v49;
	v4 =	vand.u32 $0x400, v52  }
0x113: {  	v53 =	vand.u32 $0x7F, v53  }
0x114: {  	v4 =	vor.u32 v53, v4;
	v1 =	vadd.f32 v2, v1;
	v2 =	vmul.f32 v51, v50  }
0x115: {  	v51 =	vor.u32 $0x80, v4;
	v54 =	vor.u32 $0x100, v4;
	v55 =	vor.u32 $0x180, v4  }
0x116: {  	v56 =	vor.u32 $0x280, v4;
	v1 =	vadd.f32 v2, v1;
	v2 =	vor.u32 $0x200, v4  }
0x117: {  	v52 =	vor.u32 v53, v52;
	v57 =	vor.u32 $0x300, v4;
	v53 =	vor.u32 $0x800, v4  }
0x118: {  	v58 =	vor.u32 $0x900, v4;
	[tilespmem:s5+$0xFFFFFFF0] =	vst v1;
	v1 =	vor.u32 $0x380, v52;
	v52 =	vor.u32 $0x880, v4  }
0x119: {  	v60 =	vor.u32 $0x980, v4;
	v61 =	vor.u32 $0xA00, v4;
	v62 =	vor.u32 $0xA80, v4;
	v59 =	vld.idx.msk [tilespmem:v4+s21+$0x0], $0xffff  }
0x11a: {  	v63 =	vor.u32 $0xB00, v4;
	v4 =	vor.u32 $0xB80, v4;
	v51 =	vld.idx.msk [tilespmem:v51+s21+$0x0], $0xffff  }
0x11b: {  	v54 =	vld.idx.msk [tilespmem:v54+s21+$0x0], $0xffff  }
0x11c: {  	v55 =	vld.idx.msk [tilespmem:v55+s21+$0x0], $0xffff  }
0x11d: {  	v2 =	vld.idx.msk [tilespmem:v2+s21+$0x0], $0xffff  }
0x11e: {  	v56 =	vld.idx.msk [tilespmem:v56+s21+$0x0], $0xffff  }
0x11f: {  	v57 =	vld.idx.msk [tilespmem:v57+s21+$0x0], $0xffff  }
0x120: {  	v59 =	vmul.f32 v59, v37;
	v51 =	vmul.f32 v51, v40;
	v1 =	vld.idx.msk [tilespmem:v1+s21+$0x0], $0xffff  }
0x121: {  	v53 =	vld.idx.msk [tilespmem:v53+s21+$0x0], $0xffff  }
0x122: {  	v54 =	vmul.f32 v54, v38;
	v51 =	vadd.f32 v51, v59;
	v52 =	vld.idx.msk [tilespmem:v52+s21+$0x0], $0xffff  }
0x123: {  	v58 =	vld.idx.msk [tilespmem:v58+s21+$0x0], $0xffff  }
0x124: {  	v51 =	vadd.f32 v54, v51;
	v54 =	vmul.f32 v55, v35;
	v55 =	vld.idx.msk [tilespmem:v60+s21+$0x0], $0xffff  }
0x125: {  	v59 =	vld.idx.msk [tilespmem:v61+s21+$0x0], $0xffff  }
0x126: {  	v2 =	vmul.f32 v2, v36;
	v51 =	vadd.f32 v54, v51;
	v54 =	vld.idx.msk [tilespmem:v62+s21+$0x0], $0xffff  }
0x127: {  	v60 =	vld.idx.msk [tilespmem:v63+s21+$0x0], $0xffff  }
0x128: {  	v2 =	vadd.f32 v2, v51;
	v51 =	vmul.f32 v56, v39;
	v4 =	vld.idx.msk [tilespmem:v4+s21+$0x0], $0xffff;
	_ =	sdelay $0x1  }
0x129: {  	v2 =	vadd.f32 v51, v2;
	v51 =	vmul.f32 v57, v41;
	_ =	sdelay $0x1  }
0x12a: {  	v1 =	vmul.f32 v1, v42;
	v2 =	vadd.f32 v51, v2;
	_ =	sdelay $0x1  }
0x12b: {  	v1 =	vadd.f32 v1, v2;
	v2 =	vmul.f32 v53, v43;
	_ =	sdelay $0x1  }
0x12c: {  	v1 =	vadd.f32 v2, v1;
	v2 =	vmul.f32 v52, v44;
	_ =	sdelay $0x1  }
0x12d: {  	v1 =	vadd.f32 v2, v1;
	v2 =	vmul.f32 v58, v45;
	_ =	sdelay $0x1  }
0x12e: {  	v1 =	vadd.f32 v2, v1;
	v2 =	vmul.f32 v55, v46;
	_ =	sdelay $0x1  }
0x12f: {  	v1 =	vadd.f32 v2, v1;
	v2 =	vmul.f32 v59, v47  }
0x130: {  	s14 =	sadd.s32 $0x20, s14  }
0x131: {  	s3 =	sadd.s32 $0xFFFFFFF0, s14;
	v1 =	vadd.f32 v2, v1;
	v2 =	vmul.f32 v54, v48  }
0x132: {  	v51 =	vmov s3;
	v52 =	vor.u32 s3, v0  }
.Ltmp0:
0x133: {  	v51 =	vshll.u32 v51, $0x3;
	v1 =	vadd.f32 v2, v1;
	v2 =	vmul.f32 v60, v49;
	(pc) =	sbr.rel @p5 .LBB3_2-.Ltmp0, $4  }
0x134: {  	v4 =	vmul.f32 v4, v50;
	v53 =	vand.u32 $0x6F, v52;
	v52 =	vand.u32 $0x400, v51  }
0x135: {  	v52 =	vor.u32 v53, v52;
	v51 =	vor.u32 v51, v53;
	v1 =	vadd.f32 v2, v1  }
0x136: {  	v57 =	vor.u32 $0x80, v52;
	v56 =	vor.u32 $0x100, v52;
	v55 =	vor.u32 $0x180, v52  }
0x137: {  	v53 =	vor.u32 $0x280, v52;
	v54 =	vor.u32 $0x200, v52;
	v58 =	vadd.f32 v4, v1  }
0x138: {  	_ =	sdelay $0x2  }
0x139: {  	[tilespmem:s0+$0x0] =	vst v58  }
0x13a: {  	v1 =	vld.idx.msk [tilespmem:v52+s21+$0x0], $0xffff  }
0x13b: {  	v2 =	vld.idx.msk [tilespmem:v57+s21+$0x0], $0xffff;
	_ =	sdelay $0x1  }
0x13c: {  	v4 =	vld.idx.msk [tilespmem:v56+s21+$0x0], $0xffff;
	_ =	sdelay $0x1  }
0x13d: {  	v55 =	vld.idx.msk [tilespmem:v55+s21+$0x0], $0xffff  }
0x13e: {  	v60 =	vor.u32 $0x300, v51;
	v1 =	vmul.f32 v1, v37;
	v2 =	vmul.f32 v2, v40  }
0x13f: {  	v54 =	vld.idx.msk [tilespmem:v54+s21+$0x0], $0xffff  }
0x140: {  	v61 =	vor.u32 $0x380, v51;
	v1 =	vadd.f32 v2, v1;
	v2 =	vmul.f32 v4, v38  }
0x141: {  	v4 =	vld.idx.msk [tilespmem:v53+s21+$0x0], $0xffff  }
0x142: {  	v62 =	vor.u32 $0x800, v52;
	v1 =	vadd.f32 v2, v1;
	v2 =	vmul.f32 v55, v35  }
0x143: {  	v55 =	vld.idx.msk [tilespmem:v60+s21+$0x0], $0xffff  }
0x144: {  	v63 =	vor.u32 $0x880, v52;
	v1 =	vadd.f32 v2, v1;
	v2 =	vmul.f32 v54, v36  }
0x145: {  	v60 =	vld.idx.msk [tilespmem:v61+s21+$0x0], $0xffff  }
0x146: {  	v61 =	vor.u32 $0x900, v52;
	v1 =	vadd.f32 v2, v1;
	v2 =	vmul.f32 v4, v39  }
0x147: {  	v4 =	vld.idx.msk [tilespmem:v62+s21+$0x0], $0xffff  }
0x148: {  	v62 =	vor.u32 $0x980, v52;
	v1 =	vadd.f32 v2, v1;
	v2 =	vmul.f32 v55, v41  }
0x149: {  	v55 =	vld.idx.msk [tilespmem:v63+s21+$0x0], $0xffff  }
0x14a: {  	v63 =	vor.u32 $0xA00, v52;
	v1 =	vadd.f32 v2, v1;
	v2 =	vmul.f32 v60, v42  }
0x14b: {  	v60 =	vld.idx.msk [tilespmem:v61+s21+$0x0], $0xffff  }
0x14c: {  	v61 =	vor.u32 $0xA80, v52;
	v1 =	vadd.f32 v2, v1;
	v2 =	vmul.f32 v4, v43  }
0x14d: {  	v4 =	vld.idx.msk [tilespmem:v62+s21+$0x0], $0xffff  }
0x14e: {  	v62 =	vor.u32 $0xB00, v51;
	v1 =	vadd.f32 v2, v1;
	v2 =	vmul.f32 v55, v44  }
0x14f: {  	v63 =	vld.idx.msk [tilespmem:v63+s21+$0x0], $0xffff  }
0x150: {  	v57 =	vor.u32 $0xB80, v51;
	v1 =	vadd.f32 v2, v1;
	v2 =	vmul.f32 v60, v45  }
0x151: {  	v52 =	vld.idx.msk [tilespmem:v61+s21+$0x0], $0xffff  }
0x152: {  	v1 =	vadd.f32 v2, v1;
	v2 =	vmul.f32 v4, v46  }
0x153: {  	v4 =	vld.idx.msk [tilespmem:v62+s21+$0x0], $0xffff  }
0x154: {  	v1 =	vadd.f32 v2, v1;
	v2 =	vmul.f32 v63, v47  }
0x155: {  	v51 =	vld.idx.msk [tilespmem:v57+s21+$0x0], $0xffff  }
0x156: {  	v1 =	vadd.f32 v2, v1;
	v2 =	vmul.f32 v52, v48  }
0x157: {  	v59 =	vor.u32 s14, v0;
	v58 =	vmov s14  }
0x158: {  	v52 =	vshll.u32 v58, $0x3;
	v1 =	vadd.f32 v2, v1;
	v2 =	vmul.f32 v4, v49  }
0x159: {  	v53 =	vand.u32 $0x7F, v59;
	v4 =	vand.u32 $0x400, v52  }
0x15a: {  	v4 =	vor.u32 v53, v4;
	v1 =	vadd.f32 v2, v1;
	v2 =	vmul.f32 v51, v50  }
0x15b: {  	v60 =	vor.u32 $0x80, v4  }
0x15c: {  	v1 =	vadd.f32 v2, v1  }
0x15d: {  	s14 =	sadd.s32 $0x20, s5;
	v2 =	vor.u32 $0x100, v4  }
0x15e: {  	[tilespmem:s14+$0xFFFFFFF0] =	vst v1  }
0x15f: {  	v1 =	vor.u32 $0x180, v4;
	v61 =	vld.idx.msk [tilespmem:v4+s21+$0x0], $0xffff  }
0x160: {  	v51 =	vld.idx.msk [tilespmem:v60+s21+$0x0], $0xffff  }
0x161: {  	v62 =	vor.u32 $0x200, v4  }
0x162: {  	v2 =	vld.idx.msk [tilespmem:v2+s21+$0x0], $0xffff  }
0x163: {  	v63 =	vor.u32 $0x280, v4  }
0x164: {  	v1 =	vld.idx.msk [tilespmem:v1+s21+$0x0], $0xffff  }
0x165: {  	v57 =	vor.u32 $0x300, v4;
	v58 =	vmul.f32 v61, v37;
	v59 =	vmul.f32 v51, v40  }
0x166: {  	v60 =	vor.u32 v53, v52;
	v61 =	vld.idx.msk [tilespmem:v62+s21+$0x0], $0xffff  }
0x167: {  	v51 =	vor.u32 $0x380, v60;
	v37 =	vadd.f32 v59, v58;
	v2 =	vmul.f32 v2, v38  }
0x168: {  	v62 =	vld.idx.msk [tilespmem:v63+s21+$0x0], $0xffff  }
0x169: {  	v63 =	vor.u32 $0x800, v4;
	v2 =	vadd.f32 v2, v37;
	v1 =	vmul.f32 v1, v35  }
0x16a: {  	v54 =	vld.idx.msk [tilespmem:v57+s21+$0x0], $0xffff  }
0x16b: {  	v55 =	vor.u32 $0x880, v4;
	v1 =	vadd.f32 v1, v2;
	v2 =	vmul.f32 v61, v36  }
0x16c: {  	v56 =	vld.idx.msk [tilespmem:v51+s21+$0x0], $0xffff  }
0x16d: {  	v57 =	vor.u32 $0x900, v4;
	v1 =	vadd.f32 v2, v1;
	v2 =	vmul.f32 v62, v39  }
0x16e: {  	v58 =	vld.idx.msk [tilespmem:v63+s21+$0x0], $0xffff  }
0x16f: {  	v59 =	vor.u32 $0x980, v4;
	v1 =	vadd.f32 v2, v1;
	v2 =	vmul.f32 v54, v41  }
0x170: {  	v60 =	vld.idx.msk [tilespmem:v55+s21+$0x0], $0xffff  }
0x171: {  	v61 =	vor.u32 $0xA00, v4;
	v1 =	vadd.f32 v2, v1;
	v2 =	vmul.f32 v56, v42  }
0x172: {  	v62 =	vld.idx.msk [tilespmem:v57+s21+$0x0], $0xffff  }
0x173: {  	v63 =	vor.u32 $0xA80, v4;
	v1 =	vadd.f32 v2, v1;
	v2 =	vmul.f32 v58, v43  }
0x174: {  	v42 =	vld.idx.msk [tilespmem:v59+s21+$0x0], $0xffff  }
0x175: {  	v43 =	vor.u32 $0xB00, v4;
	v1 =	vadd.f32 v2, v1;
	v2 =	vmul.f32 v60, v44  }
0x176: {  	v44 =	vld.idx.msk [tilespmem:v61+s21+$0x0], $0xffff  }
0x177: {  	v4 =	vor.u32 $0xB80, v4;
	v1 =	vadd.f32 v2, v1;
	v2 =	vmul.f32 v62, v45  }
0x178: {  	v45 =	vld.idx.msk [tilespmem:v63+s21+$0x0], $0xffff  }
0x179: {  	v1 =	vadd.f32 v2, v1;
	v2 =	vmul.f32 v42, v46  }
0x17a: {  	v46 =	vld.idx.msk [tilespmem:v43+s21+$0x0], $0xffff  }
0x17b: {  	v1 =	vadd.f32 v2, v1;
	v2 =	vmul.f32 v44, v47  }
0x17c: {  	v4 =	vld.idx.msk [tilespmem:v4+s21+$0x0], $0xffff  }
0x17d: {  	v1 =	vadd.f32 v2, v1;
	v2 =	vmul.f32 v45, v48;
	_ =	sdelay $0x1  }
0x17e: {  	v1 =	vadd.f32 v2, v1;
	v2 =	vmul.f32 v46, v49;
	_ =	sdelay $0x1  }
0x17f: {  	v4 =	vmul.f32 v4, v50;
	v1 =	vadd.f32 v2, v1;
	_ =	sdelay $0x1  }
0x180: {  	v1 =	vadd.f32 v4, v1;
	_ =	sdelay $0x1  }
0x181: {  	[tilespmem:s14+$0x0] =	vst v1  }
0x182: {  	[spmem:s8] =	stream.indirect.scatter.add.f32 [tilespmem:s25], [sflag:$0x2], $0x1, s18, s17, $0xb8;
	[tilespmem:$0x4BD0] =	vst v63  }
0x183: {  	_ =	swait.ge [sflag:s16], $0x80  }
0x184: {  	[sflag:s16] =	ssyncset.done $0x0  }
0x185: {  	[sflag:s16] =	ssyncadd.s32 $0xFFFFFF80  }
0x186: {  	[spmem:s8] =	stream.indirect.scatter.add.f32 [tilespmem:s28], [sflag:$0x2], $0x1, s26, s17, $0xb8;
	[tilespmem:$0x4BD0] =	vst v63  }
0x187: {  	_ =	swait.ge [sflag:s16], $0x80  }
0x188: {  	[sflag:s16] =	ssyncset.done $0x0  }
0x189: {  	s3 =	simm.s32 $0x0;
	[sflag:s16] =	ssyncadd.s32 $0xFFFFFF80  }
0x18a: {  	v1 =	vmov s3;
	[bflag:$0x0] =	sbarrier.arrive $0xFFFF  }
0x18b: {  	v2 =	vor.u32 s3, v0;
	v1 =	vshll.u32 v1, $0x3;
	s5 =	rddreg [dreg:$0x1f]  }
0x18c: {  	v2 =	vand.u32 $0x6F, v2;
	v4 =	vand.u32 $0x400, v1;
	[tilespmem:s20], [sflag:$0x2] =	stream.linear.gather [spmem:s5], $0x10, $0x38;
	[tilespmem:$0x4BD0] =	vst v63  }
0x18d: {  	v4 =	vor.u32 v2, v4;
	_ =	swait.ge [sflag:s16], $0x10  }
0x18e: {  	v50 =	vor.u32 $0x80, v4;
	[sflag:s16] =	ssyncset.done $0x0  }
0x18f: {  	[sflag:s16] =	ssyncadd.s32 $0xFFFFFFF0  }
0x190: {  	v52 =	vor.u32 $0x100, v4;
	v51 =	vld.idx.msk [tilespmem:v5+s24+$0x0], $0xffff  }
0x191: {  	v53 =	vld.idx.msk [tilespmem:v6+s24+$0x0], $0xffff  }
0x192: {  	v54 =	vor.u32 $0x180, v4;
	v55 =	vld.idx.msk [tilespmem:v4+s22+$0x0], $0xffff  }
0x193: {  	v56 =	vld.idx.msk [tilespmem:v50+s22+$0x0], $0xffff  }
0x194: {  	v58 =	vor.u32 $0x200, v4;
	v57 =	vld.idx.msk [tilespmem:v7+s24+$0x0], $0xffff  }
0x195: {  	v59 =	vld.idx.msk [tilespmem:v52+s22+$0x0], $0xffff  }
0x196: {  	v61 =	vor.u32 $0x280, v4;
	v60 =	vld.idx.msk [tilespmem:v8+s24+$0x0], $0xffff  }
0x197: {  	v1 =	vor.u32 v1, v2;
	v2 =	vld.idx.msk [tilespmem:v54+s22+$0x0], $0xffff;
	v35 =	vmax.f32 v51, $0.0e+00;
	v36 =	vmax.f32 v53, $0.0e+00  }
0x198: {  	v63 =	vor.u32 $0x300, v1;
	v62 =	vld.idx.msk [tilespmem:v9+s24+$0x0], $0xffff;
	v51 =	vmul.f32 v55, v35;
	v52 =	vmul.f32 v56, v36  }
0x199: {  	v37 =	vmax.f32 v57, $0.0e+00;
	v53 =	vld.idx.msk [tilespmem:v58+s22+$0x0], $0xffff  }
0x19a: {  	v54 =	vld.idx.msk [tilespmem:v10+s24+$0x0], $0xffff;
	v55 =	vor.u32 $0x380, v1;
	v44 =	vmul.f32 v59, v37;
	v40 =	vadd.f32 v52, v51  }
0x19b: {  	v38 =	vmax.f32 v60, $0.0e+00;
	v56 =	vld.idx.msk [tilespmem:v61+s22+$0x0], $0xffff  }
0x19c: {  	v57 =	vld.idx.msk [tilespmem:v11+s24+$0x0], $0xffff;
	v58 =	vor.u32 $0x800, v4;
	v2 =	vmul.f32 v2, v38;
	v40 =	vadd.f32 v44, v40  }
0x19d: {  	v39 =	vmax.f32 v62, $0.0e+00;
	v59 =	vld.idx.msk [tilespmem:v63+s22+$0x0], $0xffff  }
0x19e: {  	v60 =	vld.idx.msk [tilespmem:v12+s24+$0x0], $0xffff;
	v61 =	vor.u32 $0x880, v4;
	v41 =	vmul.f32 v53, v39;
	v2 =	vadd.f32 v2, v40  }
0x19f: {  	v43 =	vld.idx.msk [tilespmem:v55+s22+$0x0], $0xffff;
	v40 =	vmax.f32 v54, $0.0e+00  }
0x1a0: {  	v62 =	vld.idx.msk [tilespmem:v13+s24+$0x0], $0xffff;
	v63 =	vor.u32 $0x900, v4;
	v42 =	vmul.f32 v56, v40;
	v2 =	vadd.f32 v41, v2  }
0x1a1: {  	v56 =	vld.idx.msk [tilespmem:v58+s22+$0x0], $0xffff;
	v41 =	vmax.f32 v57, $0.0e+00  }
0x1a2: {  	v58 =	vor.u32 $0x980, v4;
	v57 =	vld.idx.msk [tilespmem:v14+s24+$0x0], $0xffff;
	v44 =	vmul.f32 v59, v41;
	v2 =	vadd.f32 v42, v2  }
0x1a3: {  	v47 =	vld.idx.msk [tilespmem:v61+s22+$0x0], $0xffff;
	v42 =	vmax.f32 v60, $0.0e+00  }
0x1a4: {  	v59 =	vld.idx.msk [tilespmem:v15+s24+$0x0], $0xffff;
	v60 =	vor.u32 $0xA00, v4;
	v61 =	vmul.f32 v43, v42;
	v2 =	vadd.f32 v44, v2  }
0x1a5: {  	v43 =	vmax.f32 v62, $0.0e+00;
	v62 =	vld.idx.msk [tilespmem:v63+s22+$0x0], $0xffff  }
0x1a6: {  	v4 =	vor.u32 $0xA80, v4;
	v63 =	vld.idx.msk [tilespmem:v16+s24+$0x0], $0xffff;
	v45 =	vmul.f32 v56, v43;
	v2 =	vadd.f32 v61, v2  }
0x1a7: {  	v48 =	vld.idx.msk [tilespmem:v58+s22+$0x0], $0xffff;
	v44 =	vmax.f32 v57, $0.0e+00  }
0x1a8: {  	v58 =	vor.u32 $0xB00, v1;
	v57 =	vld.idx.msk [tilespmem:v17+s24+$0x0], $0xffff;
	v46 =	vmul.f32 v47, v44;
	v2 =	vadd.f32 v45, v2  }
0x1a9: {  	v45 =	vmax.f32 v59, $0.0e+00;
	v59 =	vld.idx.msk [tilespmem:v60+s22+$0x0], $0xffff  }
0x1aa: {  	v1 =	vor.u32 $0xB80, v1;
	v60 =	vld.idx.msk [tilespmem:v18+s24+$0x0], $0xffff;
	v61 =	vmul.f32 v62, v45;
	v2 =	vadd.f32 v46, v2  }
0x1ab: {  	v4 =	vld.idx.msk [tilespmem:v4+s22+$0x0], $0xffff;
	v46 =	vmax.f32 v63, $0.0e+00  }
0x1ac: {  	v62 =	vld.idx.msk [tilespmem:v19+s24+$0x0], $0xffff;
	v48 =	vmul.f32 v48, v46;
	v2 =	vadd.f32 v61, v2  }
0x1ad: {  	v47 =	vmax.f32 v57, $0.0e+00;
	v63 =	vld.idx.msk [tilespmem:v58+s22+$0x0], $0xffff  }
0x1ae: {  	v57 =	vld.idx.msk [tilespmem:v20+s24+$0x0], $0xffff;
	v49 =	vmul.f32 v59, v47;
	v2 =	vadd.f32 v48, v2  }
0x1af: {  	s6 =	simm.s32 $0x10;
	v1 =	vld.idx.msk [tilespmem:v1+s22+$0x0], $0xffff;
	v48 =	vmax.f32 v60, $0.0e+00  }
0x1b0: {  	v58 =	vmov s6;
	v4 =	vmul.f32 v4, v48;
	v2 =	vadd.f32 v49, v2  }
0x1b1: {  	v54 =	vshll.u32 v58, $0x3;
	v49 =	vmax.f32 v62, $0.0e+00  }
0x1b2: {  	v59 =	vor.u32 s6, v0;
	v2 =	vadd.f32 v4, v2;
	v4 =	vmul.f32 v63, v49  }
0x1b3: {  	v60 =	vand.u32 $0x400, v54;
	v52 =	vand.u32 $0x7F, v59;
	v50 =	vmax.f32 v57, $0.0e+00  }
0x1b4: {  	v1 =	vmul.f32 v1, v50;
	v2 =	vadd.f32 v4, v2;
	v4 =	vor.u32 v52, v60  }
0x1b5: {  	v51 =	vor.u32 $0x80, v4  }
0x1b6: {  	v1 =	vadd.f32 v1, v2  }
0x1b7: {  	s5 =	simm.s32 $0x3F90;
	v2 =	vor.u32 $0x100, v4  }
0x1b8: {  	[tilespmem:s5+$0xFFFFFFF0] =	vst v1  }
0x1b9: {  	v1 =	vor.u32 $0x180, v4;
	v61 =	vld.idx.msk [tilespmem:v4+s22+$0x0], $0xffff  }
0x1ba: {  	v51 =	vld.idx.msk [tilespmem:v51+s22+$0x0], $0xffff  }
0x1bb: {  	v62 =	vor.u32 $0x200, v4  }
0x1bc: {  	v2 =	vld.idx.msk [tilespmem:v2+s22+$0x0], $0xffff  }
0x1bd: {  	v63 =	vor.u32 $0x280, v4  }
0x1be: {  	v1 =	vld.idx.msk [tilespmem:v1+s22+$0x0], $0xffff  }
0x1bf: {  	v60 =	vor.u32 $0x300, v4;
	v53 =	vmul.f32 v61, v35;
	v51 =	vmul.f32 v51, v36  }
0x1c0: {  	v52 =	vor.u32 v52, v54;
	v61 =	vld.idx.msk [tilespmem:v62+s22+$0x0], $0xffff  }
0x1c1: {  	v52 =	vor.u32 $0x380, v52;
	v2 =	vmul.f32 v2, v37;
	v51 =	vadd.f32 v51, v53  }
0x1c2: {  	v62 =	vld.idx.msk [tilespmem:v63+s22+$0x0], $0xffff  }
0x1c3: {  	v63 =	vor.u32 $0x800, v4;
	v1 =	vmul.f32 v1, v38;
	v2 =	vadd.f32 v2, v51  }
0x1c4: {  	v51 =	vld.idx.msk [tilespmem:v60+s22+$0x0], $0xffff  }
0x1c5: {  	v60 =	vor.u32 $0x880, v4;
	v1 =	vadd.f32 v1, v2;
	v2 =	vmul.f32 v61, v39  }
0x1c6: {  	v52 =	vld.idx.msk [tilespmem:v52+s22+$0x0], $0xffff  }
0x1c7: {  	v61 =	vor.u32 $0x900, v4;
	v1 =	vadd.f32 v2, v1;
	v2 =	vmul.f32 v62, v40  }
0x1c8: {  	v62 =	vld.idx.msk [tilespmem:v63+s22+$0x0], $0xffff  }
0x1c9: {  	v63 =	vor.u32 $0x980, v4;
	v1 =	vadd.f32 v2, v1;
	v2 =	vmul.f32 v51, v41  }
0x1ca: {  	v51 =	vld.idx.msk [tilespmem:v60+s22+$0x0], $0xffff  }
0x1cb: {  	v56 =	vor.u32 $0xA00, v4;
	v1 =	vadd.f32 v2, v1;
	v2 =	vmul.f32 v52, v42  }
0x1cc: {  	v60 =	vld.idx.msk [tilespmem:v61+s22+$0x0], $0xffff  }
0x1cd: {  	v61 =	vor.u32 $0xA80, v4;
	v1 =	vadd.f32 v2, v1;
	v2 =	vmul.f32 v62, v43  }
0x1ce: {  	v62 =	vld.idx.msk [tilespmem:v63+s22+$0x0], $0xffff  }
0x1cf: {  	v63 =	vor.u32 $0xB00, v4;
	v1 =	vadd.f32 v2, v1;
	v2 =	vmul.f32 v51, v44  }
0x1d0: {  	v57 =	vld.idx.msk [tilespmem:v56+s22+$0x0], $0xffff  }
0x1d1: {  	v4 =	vor.u32 $0xB80, v4;
	v1 =	vadd.f32 v2, v1;
	v2 =	vmul.f32 v60, v45  }
0x1d2: {  	v58 =	vld.idx.msk [tilespmem:v61+s22+$0x0], $0xffff  }
0x1d3: {  	v1 =	vadd.f32 v2, v1;
	v2 =	vmul.f32 v62, v46  }
0x1d4: {  	v59 =	vld.idx.msk [tilespmem:v63+s22+$0x0], $0xffff  }
0x1d5: {  	s14 =	simm.s32 $0x20;
	v1 =	vadd.f32 v2, v1;
	v2 =	vmul.f32 v57, v47  }
0x1d6: {  	v61 =	vor.u32 s14, v0;
	v4 =	vld.idx.msk [tilespmem:v4+s22+$0x0], $0xffff  }
0x1d7: {  	v60 =	vmov s14;
	v1 =	vadd.f32 v2, v1;
	v2 =	vmul.f32 v58, v48  }
0x1d8: {  	v51 =	vshll.u32 v60, $0x3;
	v62 =	vand.u32 $0x6F, v61  }
0x1d9: {  	v63 =	vand.u32 $0x400, v51;
	v1 =	vadd.f32 v2, v1;
	v2 =	vmul.f32 v59, v49  }
0x1da: {  	v52 =	vor.u32 v62, v63  }
0x1db: {  	v51 =	vor.u32 v51, v62;
	v4 =	vmul.f32 v4, v50;
	v1 =	vadd.f32 v2, v1  }
0x1dc: {  	v57 =	vor.u32 $0x80, v52;
	v56 =	vor.u32 $0x100, v52;
	v55 =	vor.u32 $0x180, v52  }
0x1dd: {  	s0 =	simm.s32 $0x3F90;
	s6 =	simm.s32 $0x2;
	s14 =	simm.s32 $0x30;
	v54 =	vor.u32 $0x200, v52;
	v53 =	vor.u32 $0x280, v52;
	v58 =	vadd.f32 v4, v1  }
.LBB3_4:
0x1de: {  	s6 =	sadd.s32 $0x2, s6;
	v1 =	vor.u32 $0x300, v51;
	v2 =	vor.u32 $0x380, v51;
	v4 =	vor.u32 $0x800, v52;
	s5 =	sadd.s32 $0x20, s5  }
0x1df: {  	v59 =	vor.u32 $0x880, v52;
	v60 =	vor.u32 $0x900, v52;
	v61 =	vor.u32 $0x980, v52;
	p5 =	slt.u32 s6, $0xE;
	[tilespmem:s0+$0x0] =	vst v58;
	s0 =	smov.u32 s5  }
0x1e0: {  	v62 =	vor.u32 $0xA00, v52;
	v63 =	vor.u32 $0xB00, v51;
	v58 =	vld.idx.msk [tilespmem:v52+s22+$0x0], $0xffff;
	v52 =	vor.u32 $0xA80, v52  }
0x1e1: {  	v51 =	vor.u32 $0xB80, v51;
	v57 =	vld.idx.msk [tilespmem:v57+s22+$0x0], $0xffff;
	_ =	sdelay $0x1  }
0x1e2: {  	v56 =	vld.idx.msk [tilespmem:v56+s22+$0x0], $0xffff;
	_ =	sdelay $0x1  }
0x1e3: {  	v55 =	vld.idx.msk [tilespmem:v55+s22+$0x0], $0xffff;
	_ =	sdelay $0x1  }
0x1e4: {  	v58 =	vmul.f32 v58, v35;
	v57 =	vmul.f32 v57, v36;
	v54 =	vld.idx.msk [tilespmem:v54+s22+$0x0], $0xffff;
	_ =	sdelay $0x1  }
0x1e5: {  	v57 =	vadd.f32 v57, v58;
	v56 =	vmul.f32 v56, v37;
	v53 =	vld.idx.msk [tilespmem:v53+s22+$0x0], $0xffff;
	_ =	sdelay $0x1  }
0x1e6: {  	v56 =	vadd.f32 v56, v57;
	v55 =	vmul.f32 v55, v38;
	v1 =	vld.idx.msk [tilespmem:v1+s22+$0x0], $0xffff;
	_ =	sdelay $0x1  }
0x1e7: {  	v55 =	vadd.f32 v55, v56;
	v54 =	vmul.f32 v54, v39;
	v2 =	vld.idx.msk [tilespmem:v2+s22+$0x0], $0xffff;
	_ =	sdelay $0x1  }
0x1e8: {  	v54 =	vadd.f32 v54, v55;
	v53 =	vmul.f32 v53, v40;
	v4 =	vld.idx.msk [tilespmem:v4+s22+$0x0], $0xffff;
	_ =	sdelay $0x1  }
0x1e9: {  	v53 =	vadd.f32 v53, v54;
	v1 =	vmul.f32 v1, v41;
	v54 =	vld.idx.msk [tilespmem:v59+s22+$0x0], $0xffff;
	_ =	sdelay $0x1  }
0x1ea: {  	v1 =	vadd.f32 v1, v53;
	v2 =	vmul.f32 v2, v42;
	v53 =	vld.idx.msk [tilespmem:v60+s22+$0x0], $0xffff;
	_ =	sdelay $0x1  }
0x1eb: {  	v1 =	vadd.f32 v2, v1;
	v2 =	vmul.f32 v4, v43;
	v4 =	vld.idx.msk [tilespmem:v61+s22+$0x0], $0xffff;
	_ =	sdelay $0x1  }
0x1ec: {  	v1 =	vadd.f32 v2, v1;
	v2 =	vmul.f32 v54, v44;
	v54 =	vld.idx.msk [tilespmem:v62+s22+$0x0], $0xffff;
	_ =	sdelay $0x1  }
0x1ed: {  	v1 =	vadd.f32 v2, v1;
	v2 =	vmul.f32 v53, v45;
	v52 =	vld.idx.msk [tilespmem:v52+s22+$0x0], $0xffff;
	_ =	sdelay $0x1  }
0x1ee: {  	v1 =	vadd.f32 v2, v1;
	v2 =	vmul.f32 v4, v46;
	v4 =	vld.idx.msk [tilespmem:v63+s22+$0x0], $0xffff;
	_ =	sdelay $0x1  }
0x1ef: {  	v1 =	vadd.f32 v2, v1;
	v2 =	vmul.f32 v54, v47;
	v51 =	vld.idx.msk [tilespmem:v51+s22+$0x0], $0xffff;
	_ =	sdelay $0x1  }
0x1f0: {  	v1 =	vadd.f32 v2, v1;
	v2 =	vmul.f32 v52, v48;
	v52 =	vmov s14  }
0x1f1: {  	v53 =	vor.u32 s14, v0;
	v52 =	vshll.u32 v52, $0x3  }
0x1f2: {  	v1 =	vadd.f32 v2, v1;
	v2 =	vmul.f32 v4, v49;
	v4 =	vand.u32 $0x400, v52  }
0x1f3: {  	v53 =	vand.u32 $0x7F, v53  }
0x1f4: {  	v4 =	vor.u32 v53, v4;
	v1 =	vadd.f32 v2, v1;
	v2 =	vmul.f32 v51, v50  }
0x1f5: {  	v51 =	vor.u32 $0x80, v4;
	v54 =	vor.u32 $0x100, v4;
	v55 =	vor.u32 $0x180, v4  }
0x1f6: {  	v56 =	vor.u32 $0x280, v4;
	v1 =	vadd.f32 v2, v1;
	v2 =	vor.u32 $0x200, v4  }
0x1f7: {  	v52 =	vor.u32 v53, v52;
	v57 =	vor.u32 $0x300, v4;
	v53 =	vor.u32 $0x800, v4  }
0x1f8: {  	v58 =	vor.u32 $0x900, v4;
	[tilespmem:s5+$0xFFFFFFF0] =	vst v1;
	v1 =	vor.u32 $0x380, v52;
	v52 =	vor.u32 $0x880, v4  }
0x1f9: {  	v60 =	vor.u32 $0x980, v4;
	v61 =	vor.u32 $0xA00, v4;
	v62 =	vor.u32 $0xA80, v4;
	v59 =	vld.idx.msk [tilespmem:v4+s22+$0x0], $0xffff  }
0x1fa: {  	v63 =	vor.u32 $0xB00, v4;
	v4 =	vor.u32 $0xB80, v4;
	v51 =	vld.idx.msk [tilespmem:v51+s22+$0x0], $0xffff  }
0x1fb: {  	v54 =	vld.idx.msk [tilespmem:v54+s22+$0x0], $0xffff  }
0x1fc: {  	v55 =	vld.idx.msk [tilespmem:v55+s22+$0x0], $0xffff  }
0x1fd: {  	v2 =	vld.idx.msk [tilespmem:v2+s22+$0x0], $0xffff  }
0x1fe: {  	v56 =	vld.idx.msk [tilespmem:v56+s22+$0x0], $0xffff  }
0x1ff: {  	v57 =	vld.idx.msk [tilespmem:v57+s22+$0x0], $0xffff  }
0x200: {  	v59 =	vmul.f32 v59, v35;
	v51 =	vmul.f32 v51, v36;
	v1 =	vld.idx.msk [tilespmem:v1+s22+$0x0], $0xffff  }
0x201: {  	v53 =	vld.idx.msk [tilespmem:v53+s22+$0x0], $0xffff  }
0x202: {  	v54 =	vmul.f32 v54, v37;
	v51 =	vadd.f32 v51, v59;
	v52 =	vld.idx.msk [tilespmem:v52+s22+$0x0], $0xffff  }
0x203: {  	v58 =	vld.idx.msk [tilespmem:v58+s22+$0x0], $0xffff  }
0x204: {  	v51 =	vadd.f32 v54, v51;
	v54 =	vmul.f32 v55, v38;
	v55 =	vld.idx.msk [tilespmem:v60+s22+$0x0], $0xffff  }
0x205: {  	v59 =	vld.idx.msk [tilespmem:v61+s22+$0x0], $0xffff  }
0x206: {  	v2 =	vmul.f32 v2, v39;
	v51 =	vadd.f32 v54, v51;
	v54 =	vld.idx.msk [tilespmem:v62+s22+$0x0], $0xffff  }
0x207: {  	v60 =	vld.idx.msk [tilespmem:v63+s22+$0x0], $0xffff  }
0x208: {  	v2 =	vadd.f32 v2, v51;
	v51 =	vmul.f32 v56, v40;
	v4 =	vld.idx.msk [tilespmem:v4+s22+$0x0], $0xffff;
	_ =	sdelay $0x1  }
0x209: {  	v2 =	vadd.f32 v51, v2;
	v51 =	vmul.f32 v57, v41;
	_ =	sdelay $0x1  }
0x20a: {  	v1 =	vmul.f32 v1, v42;
	v2 =	vadd.f32 v51, v2;
	_ =	sdelay $0x1  }
0x20b: {  	v1 =	vadd.f32 v1, v2;
	v2 =	vmul.f32 v53, v43;
	_ =	sdelay $0x1  }
0x20c: {  	v1 =	vadd.f32 v2, v1;
	v2 =	vmul.f32 v52, v44;
	_ =	sdelay $0x1  }
0x20d: {  	v1 =	vadd.f32 v2, v1;
	v2 =	vmul.f32 v58, v45;
	_ =	sdelay $0x1  }
0x20e: {  	v1 =	vadd.f32 v2, v1;
	v2 =	vmul.f32 v55, v46;
	_ =	sdelay $0x1  }
0x20f: {  	v1 =	vadd.f32 v2, v1;
	v2 =	vmul.f32 v59, v47  }
0x210: {  	s14 =	sadd.s32 $0x20, s14  }
0x211: {  	s3 =	sadd.s32 $0xFFFFFFF0, s14;
	v1 =	vadd.f32 v2, v1;
	v2 =	vmul.f32 v54, v48  }
0x212: {  	v51 =	vmov s3;
	v52 =	vor.u32 s3, v0  }
.Ltmp1:
0x213: {  	v51 =	vshll.u32 v51, $0x3;
	v1 =	vadd.f32 v2, v1;
	v2 =	vmul.f32 v60, v49;
	(pc) =	sbr.rel @p5 .LBB3_4-.Ltmp1, $4  }
0x214: {  	v4 =	vmul.f32 v4, v50;
	v53 =	vand.u32 $0x6F, v52;
	v52 =	vand.u32 $0x400, v51  }
0x215: {  	v52 =	vor.u32 v53, v52;
	v51 =	vor.u32 v51, v53;
	v1 =	vadd.f32 v2, v1  }
0x216: {  	v57 =	vor.u32 $0x80, v52;
	v56 =	vor.u32 $0x100, v52;
	v55 =	vor.u32 $0x180, v52  }
0x217: {  	v53 =	vor.u32 $0x280, v52;
	v54 =	vor.u32 $0x200, v52;
	v58 =	vadd.f32 v4, v1  }
0x218: {  	_ =	sdelay $0x2  }
0x219: {  	[tilespmem:s0+$0x0] =	vst v58  }
0x21a: {  	v1 =	vld.idx.msk [tilespmem:v52+s22+$0x0], $0xffff  }
0x21b: {  	v2 =	vld.idx.msk [tilespmem:v57+s22+$0x0], $0xffff;
	_ =	sdelay $0x1  }
0x21c: {  	v4 =	vld.idx.msk [tilespmem:v56+s22+$0x0], $0xffff;
	_ =	sdelay $0x1  }
0x21d: {  	v55 =	vld.idx.msk [tilespmem:v55+s22+$0x0], $0xffff  }
0x21e: {  	v61 =	vor.u32 $0x300, v51;
	v1 =	vmul.f32 v1, v35;
	v2 =	vmul.f32 v2, v36  }
0x21f: {  	v54 =	vld.idx.msk [tilespmem:v54+s22+$0x0], $0xffff  }
0x220: {  	v62 =	vor.u32 $0x380, v51;
	v1 =	vadd.f32 v2, v1;
	v2 =	vmul.f32 v4, v37  }
0x221: {  	v4 =	vld.idx.msk [tilespmem:v53+s22+$0x0], $0xffff  }
0x222: {  	v63 =	vor.u32 $0x800, v52;
	v1 =	vadd.f32 v2, v1;
	v2 =	vmul.f32 v55, v38  }
0x223: {  	v55 =	vld.idx.msk [tilespmem:v61+s22+$0x0], $0xffff  }
0x224: {  	v60 =	vor.u32 $0x880, v52;
	v1 =	vadd.f32 v2, v1;
	v2 =	vmul.f32 v54, v39  }
0x225: {  	v61 =	vld.idx.msk [tilespmem:v62+s22+$0x0], $0xffff  }
0x226: {  	v62 =	vor.u32 $0x900, v52;
	v1 =	vadd.f32 v2, v1;
	v2 =	vmul.f32 v4, v40  }
0x227: {  	v4 =	vld.idx.msk [tilespmem:v63+s22+$0x0], $0xffff  }
0x228: {  	v63 =	vor.u32 $0x980, v52;
	v1 =	vadd.f32 v2, v1;
	v2 =	vmul.f32 v55, v41  }
0x229: {  	v55 =	vld.idx.msk [tilespmem:v60+s22+$0x0], $0xffff  }
0x22a: {  	v60 =	vor.u32 $0xA00, v52;
	v1 =	vadd.f32 v2, v1;
	v2 =	vmul.f32 v61, v42  }
0x22b: {  	v61 =	vld.idx.msk [tilespmem:v62+s22+$0x0], $0xffff  }
0x22c: {  	v62 =	vor.u32 $0xA80, v52;
	v1 =	vadd.f32 v2, v1;
	v2 =	vmul.f32 v4, v43  }
0x22d: {  	v4 =	vld.idx.msk [tilespmem:v63+s22+$0x0], $0xffff  }
0x22e: {  	v63 =	vor.u32 $0xB00, v51;
	v1 =	vadd.f32 v2, v1;
	v2 =	vmul.f32 v55, v44  }
0x22f: {  	v57 =	vld.idx.msk [tilespmem:v60+s22+$0x0], $0xffff  }
0x230: {  	v58 =	vor.u32 $0xB80, v51;
	v1 =	vadd.f32 v2, v1;
	v2 =	vmul.f32 v61, v45  }
0x231: {  	v52 =	vld.idx.msk [tilespmem:v62+s22+$0x0], $0xffff  }
0x232: {  	v1 =	vadd.f32 v2, v1;
	v2 =	vmul.f32 v4, v46  }
0x233: {  	v4 =	vld.idx.msk [tilespmem:v63+s22+$0x0], $0xffff  }
0x234: {  	v1 =	vadd.f32 v2, v1;
	v2 =	vmul.f32 v57, v47  }
0x235: {  	v51 =	vld.idx.msk [tilespmem:v58+s22+$0x0], $0xffff  }
0x236: {  	v1 =	vadd.f32 v2, v1;
	v2 =	vmul.f32 v52, v48  }
0x237: {  	v59 =	vmov s14;
	v60 =	vor.u32 s14, v0  }
0x238: {  	v52 =	vshll.u32 v59, $0x3;
	v1 =	vadd.f32 v2, v1;
	v2 =	vmul.f32 v4, v49  }
0x239: {  	v53 =	vand.u32 $0x7F, v60;
	v4 =	vand.u32 $0x400, v52  }
0x23a: {  	v4 =	vor.u32 v53, v4;
	v1 =	vadd.f32 v2, v1;
	v2 =	vmul.f32 v51, v50  }
0x23b: {  	v61 =	vor.u32 $0x80, v4  }
0x23c: {  	v1 =	vadd.f32 v2, v1  }
0x23d: {  	s5 =	sadd.s32 $0x20, s5;
	v2 =	vor.u32 $0x100, v4  }
0x23e: {  	[tilespmem:s5+$0xFFFFFFF0] =	vst v1  }
0x23f: {  	v1 =	vor.u32 $0x180, v4;
	v62 =	vld.idx.msk [tilespmem:v4+s22+$0x0], $0xffff  }
0x240: {  	v51 =	vld.idx.msk [tilespmem:v61+s22+$0x0], $0xffff  }
0x241: {  	v63 =	vor.u32 $0x200, v4  }
0x242: {  	v2 =	vld.idx.msk [tilespmem:v2+s22+$0x0], $0xffff  }
0x243: {  	v56 =	vor.u32 $0x280, v4  }
0x244: {  	v1 =	vld.idx.msk [tilespmem:v1+s22+$0x0], $0xffff  }
0x245: {  	v57 =	vor.u32 $0x300, v4;
	v60 =	vmul.f32 v62, v35;
	v61 =	vmul.f32 v51, v36  }
0x246: {  	v63 =	vld.idx.msk [tilespmem:v63+s22+$0x0], $0xffff;
	v62 =	vor.u32 v53, v52  }
0x247: {  	v51 =	vor.u32 $0x380, v62;
	v35 =	vadd.f32 v61, v60;
	v2 =	vmul.f32 v2, v37  }
0x248: {  	v58 =	vld.idx.msk [tilespmem:v56+s22+$0x0], $0xffff  }
0x249: {  	v59 =	vor.u32 $0x800, v4;
	v2 =	vadd.f32 v2, v35;
	v1 =	vmul.f32 v1, v38  }
0x24a: {  	v60 =	vld.idx.msk [tilespmem:v57+s22+$0x0], $0xffff  }
0x24b: {  	v61 =	vor.u32 $0x880, v4;
	v1 =	vadd.f32 v1, v2;
	v2 =	vmul.f32 v63, v39  }
0x24c: {  	v62 =	vld.idx.msk [tilespmem:v51+s22+$0x0], $0xffff  }
0x24d: {  	v63 =	vor.u32 $0x900, v4;
	v1 =	vadd.f32 v2, v1;
	v2 =	vmul.f32 v58, v40  }
0x24e: {  	v52 =	vld.idx.msk [tilespmem:v59+s22+$0x0], $0xffff  }
0x24f: {  	v53 =	vor.u32 $0x980, v4;
	v1 =	vadd.f32 v2, v1;
	v2 =	vmul.f32 v60, v41  }
0x250: {  	v54 =	vld.idx.msk [tilespmem:v61+s22+$0x0], $0xffff  }
0x251: {  	v55 =	vor.u32 $0xA00, v4;
	v1 =	vadd.f32 v2, v1;
	v2 =	vmul.f32 v62, v42  }
0x252: {  	v56 =	vld.idx.msk [tilespmem:v63+s22+$0x0], $0xffff  }
0x253: {  	v57 =	vor.u32 $0xA80, v4;
	v1 =	vadd.f32 v2, v1;
	v2 =	vmul.f32 v52, v43  }
0x254: {  	v58 =	vld.idx.msk [tilespmem:v53+s22+$0x0], $0xffff  }
0x255: {  	v59 =	vor.u32 $0xB00, v4;
	v1 =	vadd.f32 v2, v1;
	v2 =	vmul.f32 v54, v44  }
0x256: {  	v60 =	vld.idx.msk [tilespmem:v55+s22+$0x0], $0xffff  }
0x257: {  	v4 =	vor.u32 $0xB80, v4;
	v1 =	vadd.f32 v2, v1;
	v2 =	vmul.f32 v56, v45  }
0x258: {  	v61 =	vld.idx.msk [tilespmem:v57+s22+$0x0], $0xffff  }
0x259: {  	v1 =	vadd.f32 v2, v1;
	v2 =	vmul.f32 v58, v46  }
0x25a: {  	v62 =	vld.idx.msk [tilespmem:v59+s22+$0x0], $0xffff  }
0x25b: {  	v1 =	vadd.f32 v2, v1;
	v2 =	vmul.f32 v60, v47  }
0x25c: {  	v4 =	vld.idx.msk [tilespmem:v4+s22+$0x0], $0xffff  }
0x25d: {  	v1 =	vadd.f32 v2, v1;
	v2 =	vmul.f32 v61, v48;
	_ =	sdelay $0x1  }
0x25e: {  	v1 =	vadd.f32 v2, v1;
	v2 =	vmul.f32 v62, v49;
	_ =	sdelay $0x1  }
0x25f: {  	v4 =	vmul.f32 v4, v50;
	v1 =	vadd.f32 v2, v1;
	_ =	sdelay $0x1  }
0x260: {  	v1 =	vadd.f32 v4, v1;
	_ =	sdelay $0x1  }
0x261: {  	[tilespmem:s5+$0x0] =	vst v1  }
0x262: {  	[spmem:s9] =	stream.indirect.scatter.add.f32 [tilespmem:s25], [sflag:$0x2], $0x1, s18, s17, $0xb8;
	[tilespmem:$0x4BD0] =	vst v63  }
0x263: {  	_ =	swait.ge [sflag:s16], $0x80  }
0x264: {  	[sflag:s16] =	ssyncset.done $0x0  }
0x265: {  	[sflag:s16] =	ssyncadd.s32 $0xFFFFFF80  }
0x266: {  	[spmem:s9] =	stream.indirect.scatter.add.f32 [tilespmem:s28], [sflag:$0x2], $0x1, s26, s17, $0xb8;
	[tilespmem:$0x4BD0] =	vst v63  }
0x267: {  	_ =	swait.ge [sflag:s16], $0x80  }
0x268: {  	[sflag:s16] =	ssyncset.done $0x0  }
0x269: {  	[sflag:s16] =	ssyncadd.s32 $0xFFFFFF80  }
0x26a: {  	[bflag:$0x0] =	sbarrier.arrive $0xFFFF  }
0x26b: {  	s6 =	sld [smem:$0x7FA];
	_ =	sdelay $0x2  }
0x26c: {  	[tilespmem:s20], [sflag:$0x2] =	stream.linear.gather [spmem:s6], $0x10, $0x38;
	[tilespmem:$0x4BD0] =	vst v63  }
0x26d: {  	_ =	swait.ge [sflag:s16], $0x10  }
0x26e: {  	v23 =	vld [tilespmem:$0x1FFD0];
	_ =	sdelay $0x5  }
0x26f: {  	[sflag:s16] =	ssyncset.done $0x0  }
0x270: {  	[sflag:s16] =	ssyncadd.s32 $0xFFFFFFF0  }
0x271: {  	v63 =	vld.idx.msk [tilespmem:v23+s23+$0x0], $0xffff  }
0x272: {  	v23 =	vld [tilespmem:$0x1FFE0];
	_ =	sdelay $0x7  }
0x273: {  	v45 =	vld.idx.msk [tilespmem:v23+s23+$0x0], $0xffff  }
0x274: {  	v23 =	vld [tilespmem:$0x1FFF0];
	_ =	sdelay $0x1  }
0x275: {  	v1 =	vld.idx.msk [tilespmem:v5+s24+$0x0], $0xffff  }
0x276: {  	v2 =	vld.idx.msk [tilespmem:v6+s24+$0x0], $0xffff  }
0x277: {  	v4 =	vld.idx.msk [tilespmem:v0+s23+$0x0], $0xffff  }
0x278: {  	v44 =	vld.idx.msk [tilespmem:v7+s24+$0x0], $0xffff;
	_ =	sdelay $0x1  }
0x279: {  	v46 =	vld.idx.msk [tilespmem:v8+s24+$0x0], $0xffff  }
0x27a: {  	v1 =	vmax.f32 v1, $0.0e+00;
	v2 =	vmax.f32 v2, $0.0e+00;
	v47 =	vld.idx.msk [tilespmem:v23+s23+$0x0], $0xffff  }
0x27b: {  	v48 =	vld.idx.msk [tilespmem:v9+s24+$0x0], $0xffff;
	v1 =	vmul.f32 v4, v1;
	v2 =	vmul.f32 v63, v2  }
0x27c: {  	v49 =	vld.idx.msk [tilespmem:v24+s23+$0x0], $0xffff;
	v4 =	vmax.f32 v44, $0.0e+00  }
0x27d: {  	v50 =	vld.idx.msk [tilespmem:v10+s24+$0x0], $0xffff;
	v1 =	vadd.f32 v2, v1;
	v2 =	vmul.f32 v45, v4  }
0x27e: {  	v51 =	vld.idx.msk [tilespmem:v25+s23+$0x0], $0xffff;
	v4 =	vmax.f32 v46, $0.0e+00  }
0x27f: {  	v52 =	vld.idx.msk [tilespmem:v11+s24+$0x0], $0xffff;
	v1 =	vadd.f32 v2, v1;
	v2 =	vmul.f32 v47, v4  }
0x280: {  	v53 =	vld.idx.msk [tilespmem:v26+s23+$0x0], $0xffff;
	v4 =	vmax.f32 v48, $0.0e+00  }
0x281: {  	v54 =	vld.idx.msk [tilespmem:v12+s24+$0x0], $0xffff;
	v1 =	vadd.f32 v2, v1;
	v2 =	vmul.f32 v49, v4  }
0x282: {  	v55 =	vld.idx.msk [tilespmem:v27+s23+$0x0], $0xffff;
	v4 =	vmax.f32 v50, $0.0e+00  }
0x283: {  	v56 =	vld.idx.msk [tilespmem:v13+s24+$0x0], $0xffff;
	v1 =	vadd.f32 v2, v1;
	v2 =	vmul.f32 v51, v4  }
0x284: {  	v57 =	vld.idx.msk [tilespmem:v28+s23+$0x0], $0xffff;
	v4 =	vmax.f32 v52, $0.0e+00  }
0x285: {  	v58 =	vld.idx.msk [tilespmem:v14+s24+$0x0], $0xffff;
	v1 =	vadd.f32 v2, v1;
	v2 =	vmul.f32 v53, v4  }
0x286: {  	v59 =	vld.idx.msk [tilespmem:v29+s23+$0x0], $0xffff;
	v4 =	vmax.f32 v54, $0.0e+00  }
0x287: {  	v60 =	vld.idx.msk [tilespmem:v15+s24+$0x0], $0xffff;
	v1 =	vadd.f32 v2, v1;
	v2 =	vmul.f32 v55, v4  }
0x288: {  	v61 =	vld.idx.msk [tilespmem:v30+s23+$0x0], $0xffff;
	v4 =	vmax.f32 v56, $0.0e+00  }
0x289: {  	v62 =	vld.idx.msk [tilespmem:v16+s24+$0x0], $0xffff;
	v1 =	vadd.f32 v2, v1;
	v2 =	vmul.f32 v57, v4  }
0x28a: {  	v63 =	vld.idx.msk [tilespmem:v31+s23+$0x0], $0xffff;
	v4 =	vmax.f32 v58, $0.0e+00  }
0x28b: {  	v44 =	vld.idx.msk [tilespmem:v17+s24+$0x0], $0xffff;
	v1 =	vadd.f32 v2, v1;
	v2 =	vmul.f32 v59, v4  }
0x28c: {  	v45 =	vld.idx.msk [tilespmem:v32+s23+$0x0], $0xffff;
	v4 =	vmax.f32 v60, $0.0e+00  }
0x28d: {  	v35 =	vor.u32 $0x780, v0;
	v46 =	vld.idx.msk [tilespmem:v18+s24+$0x0], $0xffff;
	v1 =	vadd.f32 v2, v1;
	v2 =	vmul.f32 v61, v4  }
0x28e: {  	v47 =	vld.idx.msk [tilespmem:v33+s23+$0x0], $0xffff;
	v4 =	vmax.f32 v62, $0.0e+00  }
0x28f: {  	v48 =	vld.idx.msk [tilespmem:v19+s24+$0x0], $0xffff;
	v1 =	vadd.f32 v2, v1;
	v2 =	vmul.f32 v63, v4  }
0x290: {  	v49 =	vld.idx.msk [tilespmem:v34+s23+$0x0], $0xffff;
	v4 =	vmax.f32 v44, $0.0e+00  }
0x291: {  	v50 =	vld.idx.msk [tilespmem:v20+s24+$0x0], $0xffff;
	v1 =	vadd.f32 v2, v1;
	v2 =	vmul.f32 v45, v4  }
0x292: {  	v51 =	vld.idx.msk [tilespmem:v35+s23+$0x0], $0xffff;
	v4 =	vmax.f32 v46, $0.0e+00  }
0x293: {  	v1 =	vadd.f32 v2, v1;
	v2 =	vmul.f32 v47, v4  }
0x294: {  	v4 =	vmax.f32 v48, $0.0e+00  }
0x295: {  	v1 =	vadd.f32 v2, v1;
	v2 =	vmul.f32 v49, v4  }
0x296: {  	v4 =	vmax.f32 v50, $0.0e+00  }
0x297: {  	v1 =	vadd.f32 v2, v1;
	v2 =	vmul.f32 v51, v4;
	_ =	sdelay $0x1  }
0x298: {  	v1 =	vadd.f32 v2, v1;
	_ =	sdelay $0x1  }
0x299: {  	s3 =	simm.s32 $0x400;
	s0 =	simm.s32 $0x10;
	s14 =	simm.s32 $0x4080;
	[tilespmem:$0x4080] =	vst v1  }
0x29a: {  	[spmem:s12] =	stream.indirect.scatter.add.f32 [tilespmem:s14], [sflag:$0x2], $0x1, s3, s0, $0xb8;
	[tilespmem:$0x4BD0] =	vst v63  }
0x29b: {  	_ =	swait.ge [sflag:s16], $0x10  }
0x29c: {  	[sflag:s16] =	ssyncset.done $0x0  }
0x29d: {  	[sflag:s16] =	ssyncadd.s32 $0xFFFFFFF0  }
0x29e: {  	v1 =	vld [tilespmem:$0x0];
	_ =	sdelay $0x4  }
0x29f: {  	v4 =	vld [tilespmem:$0x1FFC0];
	v2 =	vshll.u32 v1, $0x1  }
0x2a0: {  	v1 =	vand.u32 $0x7, v1;
	v2 =	vand.u32 $0xFFFFFFF0, v2  }
0x2a1: {  	v1 =	vor.u32 v1, v2  }
0x2a2: {  	v2 =	vperm.xlane v1, v22;
	_ =	sdelay $0x1  }
0x2a3: {  	v1 =	vperm.xlane v1, v4;
	v2 =	vadd.s32 v3, v2;
	_ =	sdelay $0x1  }
0x2a4: {  	v1 =	vadd.s32 v3, v1;
	_ =	sdelay $0x1  }
0x2a5: {  	s6 =	rddreg [dreg:$0x7]  }
0x2a6: {  	[tilespmem:s19], [sflag:$0x2] =	stream.indirect_vreg.gather [hbm4b:s6+s7], $0x80, v2, vm0, $0xb8;
	[tilespmem:$0x4BD0] =	vst v63  }
0x2a7: {  	s14 =	simm.s32 $0xF80  }
0x2a8: {  	[tilespmem:s14], [sflag:$0x2] =	stream.indirect_vreg.gather [hbm4b:s6+s7], $0x80, v1, vm0, $0xb8;
	[tilespmem:$0x4BD0] =	vst v63  }
0x2a9: {  	_ =	swait.ge [sflag:s16], $0x1000  }
0x2aa: {  	[sflag:s16] =	ssyncset.done $0x0  }
0x2ab: {  	s6 =	rddreg [dreg:$0x11];
	[sflag:s16] =	ssyncadd.s32 $0xFFFFF000  }
0x2ac: {  	[tilespmem:s21], [sflag:$0x2] =	stream.linear.gather [hbm4b:s6+s7], $0x1000, $0x38;
	[tilespmem:$0x4BD0] =	vst v63  }
0x2ad: {  	_ =	swait.ge [sflag:s16], $0x1000  }
0x2ae: {  	[sflag:s16] =	ssyncset.done $0x0  }
0x2af: {  	s14 =	rddreg [dreg:$0x12];
	[sflag:s16] =	ssyncadd.s32 $0xFFFFF000  }
0x2b0: {  	[tilespmem:s22], [sflag:$0x2] =	stream.linear.gather [hbm4b:s14+s7], $0x1000, $0x38;
	[tilespmem:$0x4BD0] =	vst v63  }
0x2b1: {  	_ =	swait.ge [sflag:s16], $0x1000  }
0x2b2: {  	[sflag:s16] =	ssyncset.done $0x0  }
0x2b3: {  	s5 =	rddreg [dreg:$0x14];
	[sflag:s16] =	ssyncadd.s32 $0xFFFFF000  }
0x2b4: {  	[tilespmem:s23], [sflag:$0x2] =	stream.linear.gather [hbm4b:s5+s7], $0x800, $0x38;
	[tilespmem:$0x4BD0] =	vst v63  }
0x2b5: {  	_ =	swait.ge [sflag:s16], $0x800  }
0x2b6: {  	[sflag:s16] =	ssyncset.done $0x0  }
0x2b7: {  	s6 =	simm.s32 $0x0;
	[sflag:s16] =	ssyncadd.s32 $0xFFFFF800  }
0x2b8: {  	v2 =	vmov s6;
	v1 =	vld.idx.msk [tilespmem:v21+s19+$0x0], $0xffff  }
0x2b9: {  	v4 =	vor.u32 s6, v0;
	v2 =	vshll.u32 v2, $0x3  }
0x2ba: {  	v4 =	vand.u32 $0x6F, v4;
	v52 =	vand.u32 $0x400, v2  }
0x2bb: {  	v48 =	vor.u32 v4, v52  }
0x2bc: {  	v36 =	vor.u32 $0x80, v48  }
0x2bd: {  	[tilespmem:$0x4110] =	vst v1  }
0x2be: {  	v1 =	vor.u32 $0x100, v48;
	v38 =	vld.idx.msk [tilespmem:v5+s24+$0x0], $0xffff  }
0x2bf: {  	v41 =	vld.idx.msk [tilespmem:v6+s24+$0x0], $0xffff  }
0x2c0: {  	v53 =	vor.u32 $0x180, v48;
	v54 =	vld.idx.msk [tilespmem:v48+s21+$0x0], $0xffff  }
0x2c1: {  	v55 =	vld.idx.msk [tilespmem:v36+s21+$0x0], $0xffff  }
0x2c2: {  	v56 =	vor.u32 $0x200, v48;
	v39 =	vld.idx.msk [tilespmem:v7+s24+$0x0], $0xffff  }
0x2c3: {  	v1 =	vld.idx.msk [tilespmem:v1+s21+$0x0], $0xffff  }
0x2c4: {  	v2 =	vor.u32 v2, v4;
	v57 =	vor.u32 $0x280, v48;
	v36 =	vld.idx.msk [tilespmem:v8+s24+$0x0], $0xffff  }
0x2c5: {  	v58 =	vor.u32 $0x300, v2;
	v4 =	vld.idx.msk [tilespmem:v53+s21+$0x0], $0xffff  }
0x2c6: {  	v37 =	vld.idx.msk [tilespmem:v9+s24+$0x0], $0xffff;
	v59 =	vmul.f32 v54, v38;
	v42 =	vmul.f32 v55, v41  }
0x2c7: {  	v60 =	vld.idx.msk [tilespmem:v56+s21+$0x0], $0xffff  }
0x2c8: {  	v61 =	vor.u32 $0x380, v2;
	v40 =	vld.idx.msk [tilespmem:v10+s24+$0x0], $0xffff;
	v62 =	vadd.f32 v42, v59;
	v1 =	vmul.f32 v1, v39  }
0x2c9: {  	v63 =	vld.idx.msk [tilespmem:v57+s21+$0x0], $0xffff  }
0x2ca: {  	v56 =	vor.u32 $0x800, v48;
	v57 =	vld.idx.msk [tilespmem:v58+s21+$0x0], $0xffff;
	v4 =	vmul.f32 v4, v36;
	v1 =	vadd.f32 v1, v62  }
0x2cb: {  	v42 =	vld.idx.msk [tilespmem:v11+s24+$0x0], $0xffff  }
0x2cc: {  	v43 =	vld.idx.msk [tilespmem:v12+s24+$0x0], $0xffff;
	v58 =	vor.u32 $0x880, v48;
	v1 =	vadd.f32 v4, v1;
	v4 =	vmul.f32 v60, v37  }
0x2cd: {  	v59 =	vld.idx.msk [tilespmem:v61+s21+$0x0], $0xffff  }
0x2ce: {  	v44 =	vld.idx.msk [tilespmem:v13+s24+$0x0], $0xffff;
	v60 =	vor.u32 $0x900, v48;
	v1 =	vadd.f32 v4, v1;
	v4 =	vmul.f32 v63, v40  }
0x2cf: {  	v50 =	vld.idx.msk [tilespmem:v56+s21+$0x0], $0xffff  }
0x2d0: {  	v45 =	vld.idx.msk [tilespmem:v14+s24+$0x0], $0xffff;
	v61 =	vor.u32 $0x980, v48;
	v1 =	vadd.f32 v4, v1;
	v4 =	vmul.f32 v57, v42  }
0x2d1: {  	v51 =	vld.idx.msk [tilespmem:v58+s21+$0x0], $0xffff;
	v62 =	vor.u32 $0xA00, v48  }
0x2d2: {  	v46 =	vld.idx.msk [tilespmem:v15+s24+$0x0], $0xffff;
	v1 =	vadd.f32 v4, v1;
	v4 =	vmul.f32 v59, v43  }
0x2d3: {  	v63 =	vld.idx.msk [tilespmem:v60+s21+$0x0], $0xffff  }
0x2d4: {  	v47 =	vld.idx.msk [tilespmem:v16+s24+$0x0], $0xffff;
	v60 =	vor.u32 $0xA80, v48;
	v1 =	vadd.f32 v4, v1;
	v4 =	vmul.f32 v50, v44  }
0x2d5: {  	v53 =	vld.idx.msk [tilespmem:v61+s21+$0x0], $0xffff  }
0x2d6: {  	v61 =	vor.u32 $0xB00, v2;
	v52 =	vld.idx.msk [tilespmem:v62+s21+$0x0], $0xffff;
	v1 =	vadd.f32 v4, v1;
	v4 =	vmul.f32 v51, v45  }
0x2d7: {  	v2 =	vor.u32 $0xB80, v2;
	v48 =	vld.idx.msk [tilespmem:v17+s24+$0x0], $0xffff  }
0x2d8: {  	v49 =	vld.idx.msk [tilespmem:v18+s24+$0x0], $0xffff;
	v1 =	vadd.f32 v4, v1;
	v4 =	vmul.f32 v63, v46  }
0x2d9: {  	v62 =	vld.idx.msk [tilespmem:v60+s21+$0x0], $0xffff  }
0x2da: {  	v50 =	vld.idx.msk [tilespmem:v19+s24+$0x0], $0xffff;
	v1 =	vadd.f32 v4, v1;
	v4 =	vmul.f32 v53, v47  }
0x2db: {  	v63 =	vld.idx.msk [tilespmem:v61+s21+$0x0], $0xffff  }
0x2dc: {  	v2 =	vld.idx.msk [tilespmem:v2+s21+$0x0], $0xffff;
	v1 =	vadd.f32 v4, v1;
	v4 =	vmul.f32 v52, v48  }
0x2dd: {  	v51 =	vld.idx.msk [tilespmem:v20+s24+$0x0], $0xffff  }
0x2de: {  	v1 =	vadd.f32 v4, v1;
	v4 =	vmul.f32 v62, v49  }
0x2df: {  	v58 =	vor.u32 s0, v0;
	v57 =	vmov s0  }
0x2e0: {  	v52 =	vshll.u32 v57, $0x3;
	v1 =	vadd.f32 v4, v1;
	v4 =	vmul.f32 v63, v50  }
0x2e1: {  	v54 =	vand.u32 $0x7F, v58;
	v59 =	vand.u32 $0x400, v52  }
0x2e2: {  	v2 =	vmul.f32 v2, v51;
	v1 =	vadd.f32 v4, v1;
	v4 =	vor.u32 v54, v59  }
0x2e3: {  	v53 =	vor.u32 $0x80, v4  }
0x2e4: {  	v1 =	vadd.f32 v2, v1  }
0x2e5: {  	s5 =	simm.s32 $0x3F90;
	v2 =	vor.u32 $0x100, v4  }
0x2e6: {  	[tilespmem:s5+$0xFFFFFFF0] =	vst v1  }
0x2e7: {  	v1 =	vor.u32 $0x180, v4;
	v60 =	vld.idx.msk [tilespmem:v4+s21+$0x0], $0xffff  }
0x2e8: {  	v53 =	vld.idx.msk [tilespmem:v53+s21+$0x0], $0xffff  }
0x2e9: {  	v61 =	vor.u32 $0x200, v4  }
0x2ea: {  	v2 =	vld.idx.msk [tilespmem:v2+s21+$0x0], $0xffff  }
0x2eb: {  	v62 =	vor.u32 $0x280, v4  }
0x2ec: {  	v1 =	vld.idx.msk [tilespmem:v1+s21+$0x0], $0xffff  }
0x2ed: {  	v63 =	vor.u32 $0x300, v4;
	v55 =	vmul.f32 v60, v38;
	v53 =	vmul.f32 v53, v41  }
0x2ee: {  	v52 =	vor.u32 v54, v52;
	v60 =	vld.idx.msk [tilespmem:v61+s21+$0x0], $0xffff  }
0x2ef: {  	v52 =	vor.u32 $0x380, v52;
	v2 =	vmul.f32 v2, v39;
	v53 =	vadd.f32 v53, v55  }
0x2f0: {  	v61 =	vld.idx.msk [tilespmem:v62+s21+$0x0], $0xffff  }
0x2f1: {  	v62 =	vor.u32 $0x800, v4;
	v1 =	vmul.f32 v1, v36;
	v2 =	vadd.f32 v2, v53  }
0x2f2: {  	v63 =	vld.idx.msk [tilespmem:v63+s21+$0x0], $0xffff  }
0x2f3: {  	v54 =	vmul.f32 v60, v37;
	v1 =	vadd.f32 v1, v2;
	v2 =	vor.u32 $0x880, v4  }
0x2f4: {  	v52 =	vld.idx.msk [tilespmem:v52+s21+$0x0], $0xffff  }
0x2f5: {  	v60 =	vor.u32 $0x900, v4;
	v55 =	vmul.f32 v61, v40;
	v1 =	vadd.f32 v54, v1  }
0x2f6: {  	v53 =	vld.idx.msk [tilespmem:v62+s21+$0x0], $0xffff  }
0x2f7: {  	v56 =	vmul.f32 v63, v42;
	v61 =	vor.u32 $0x980, v4;
	v1 =	vadd.f32 v55, v1  }
0x2f8: {  	v2 =	vld.idx.msk [tilespmem:v2+s21+$0x0], $0xffff  }
0x2f9: {  	v52 =	vmul.f32 v52, v43;
	v62 =	vor.u32 $0xA00, v4;
	v1 =	vadd.f32 v56, v1  }
0x2fa: {  	v54 =	vld.idx.msk [tilespmem:v60+s21+$0x0], $0xffff  }
0x2fb: {  	v63 =	vor.u32 $0xA80, v4;
	v53 =	vmul.f32 v53, v44;
	v1 =	vadd.f32 v52, v1  }
0x2fc: {  	v55 =	vld.idx.msk [tilespmem:v61+s21+$0x0], $0xffff  }
0x2fd: {  	v60 =	vor.u32 $0xB00, v4;
	v1 =	vadd.f32 v53, v1;
	v2 =	vmul.f32 v2, v45  }
0x2fe: {  	v4 =	vor.u32 $0xB80, v4;
	v56 =	vld.idx.msk [tilespmem:v62+s21+$0x0], $0xffff  }
0x2ff: {  	v1 =	vadd.f32 v2, v1;
	v2 =	vmul.f32 v54, v46  }
0x300: {  	v52 =	vld.idx.msk [tilespmem:v63+s21+$0x0], $0xffff  }
0x301: {  	v1 =	vadd.f32 v2, v1;
	v2 =	vmul.f32 v55, v47  }
0x302: {  	v53 =	vld.idx.msk [tilespmem:v60+s21+$0x0], $0xffff  }
0x303: {  	v4 =	vld.idx.msk [tilespmem:v4+s21+$0x0], $0xffff;
	v1 =	vadd.f32 v2, v1;
	v2 =	vmul.f32 v56, v48;
	_ =	sdelay $0x1  }
0x304: {  	s14 =	simm.s32 $0x20;
	v1 =	vadd.f32 v2, v1;
	v2 =	vmul.f32 v52, v49  }
0x305: {  	v61 =	vmov s14;
	v62 =	vor.u32 s14, v0  }
0x306: {  	v52 =	vshll.u32 v61, $0x3;
	v1 =	vadd.f32 v2, v1;
	v2 =	vmul.f32 v53, v50  }
0x307: {  	v54 =	vand.u32 $0x6F, v62;
	v4 =	vmul.f32 v4, v51;
	v63 =	vand.u32 $0x400, v52  }
0x308: {  	v52 =	vor.u32 v52, v54;
	v53 =	vor.u32 v54, v63;
	v1 =	vadd.f32 v2, v1  }
0x309: {  	v58 =	vor.u32 $0x80, v53;
	v57 =	vor.u32 $0x100, v53;
	v56 =	vor.u32 $0x180, v53  }
0x30a: {  	v23 =	vmovc v22;
	v22 =	vmovc v21;
	s6 =	simm.s32 $0x2;
	s0 =	simm.s32 $0x3F90;
	s14 =	simm.s32 $0x30;
	v55 =	vor.u32 $0x200, v53;
	v54 =	vor.u32 $0x280, v53;
	v59 =	vadd.f32 v4, v1  }
.LBB3_6:
0x30b: {  	s6 =	sadd.s32 $0x2, s6;
	v1 =	vor.u32 $0x300, v52;
	v2 =	vor.u32 $0x380, v52;
	v4 =	vor.u32 $0x800, v53;
	s5 =	sadd.s32 $0x20, s5  }
0x30c: {  	v60 =	vor.u32 $0x880, v53;
	v61 =	vor.u32 $0x900, v53;
	v62 =	vor.u32 $0x980, v53;
	p5 =	slt.u32 s6, $0xE;
	[tilespmem:s0+$0x0] =	vst v59;
	s0 =	smov.u32 s5  }
0x30d: {  	v63 =	vor.u32 $0xA00, v53;
	v21 =	vor.u32 $0xB00, v52;
	v59 =	vld.idx.msk [tilespmem:v53+s21+$0x0], $0xffff;
	v53 =	vor.u32 $0xA80, v53  }
0x30e: {  	v52 =	vor.u32 $0xB80, v52;
	v58 =	vld.idx.msk [tilespmem:v58+s21+$0x0], $0xffff;
	_ =	sdelay $0x1  }
0x30f: {  	v57 =	vld.idx.msk [tilespmem:v57+s21+$0x0], $0xffff;
	_ =	sdelay $0x1  }
0x310: {  	v56 =	vld.idx.msk [tilespmem:v56+s21+$0x0], $0xffff;
	_ =	sdelay $0x1  }
0x311: {  	v59 =	vmul.f32 v59, v38;
	v58 =	vmul.f32 v58, v41;
	v55 =	vld.idx.msk [tilespmem:v55+s21+$0x0], $0xffff;
	_ =	sdelay $0x1  }
0x312: {  	v58 =	vadd.f32 v58, v59;
	v57 =	vmul.f32 v57, v39;
	v54 =	vld.idx.msk [tilespmem:v54+s21+$0x0], $0xffff;
	_ =	sdelay $0x1  }
0x313: {  	v57 =	vadd.f32 v57, v58;
	v56 =	vmul.f32 v56, v36;
	v1 =	vld.idx.msk [tilespmem:v1+s21+$0x0], $0xffff;
	_ =	sdelay $0x1  }
0x314: {  	v56 =	vadd.f32 v56, v57;
	v55 =	vmul.f32 v55, v37;
	v2 =	vld.idx.msk [tilespmem:v2+s21+$0x0], $0xffff;
	_ =	sdelay $0x1  }
0x315: {  	v55 =	vadd.f32 v55, v56;
	v54 =	vmul.f32 v54, v40;
	v4 =	vld.idx.msk [tilespmem:v4+s21+$0x0], $0xffff;
	_ =	sdelay $0x1  }
0x316: {  	v54 =	vadd.f32 v54, v55;
	v1 =	vmul.f32 v1, v42;
	v55 =	vld.idx.msk [tilespmem:v60+s21+$0x0], $0xffff;
	_ =	sdelay $0x1  }
0x317: {  	v1 =	vadd.f32 v1, v54;
	v2 =	vmul.f32 v2, v43;
	v54 =	vld.idx.msk [tilespmem:v61+s21+$0x0], $0xffff;
	_ =	sdelay $0x1  }
0x318: {  	v1 =	vadd.f32 v2, v1;
	v2 =	vmul.f32 v4, v44;
	v4 =	vld.idx.msk [tilespmem:v62+s21+$0x0], $0xffff;
	_ =	sdelay $0x1  }
0x319: {  	v1 =	vadd.f32 v2, v1;
	v2 =	vmul.f32 v55, v45;
	v55 =	vld.idx.msk [tilespmem:v63+s21+$0x0], $0xffff;
	_ =	sdelay $0x1  }
0x31a: {  	v1 =	vadd.f32 v2, v1;
	v2 =	vmul.f32 v54, v46;
	v53 =	vld.idx.msk [tilespmem:v53+s21+$0x0], $0xffff;
	_ =	sdelay $0x1  }
0x31b: {  	v1 =	vadd.f32 v2, v1;
	v2 =	vmul.f32 v4, v47;
	v4 =	vld.idx.msk [tilespmem:v21+s21+$0x0], $0xffff;
	_ =	sdelay $0x1  }
0x31c: {  	v1 =	vadd.f32 v2, v1;
	v2 =	vmul.f32 v55, v48;
	v21 =	vld.idx.msk [tilespmem:v52+s21+$0x0], $0xffff;
	_ =	sdelay $0x1  }
0x31d: {  	v52 =	vmov s14;
	v1 =	vadd.f32 v2, v1;
	v2 =	vmul.f32 v53, v49  }
0x31e: {  	v53 =	vor.u32 s14, v0;
	v52 =	vshll.u32 v52, $0x3  }
0x31f: {  	v1 =	vadd.f32 v2, v1;
	v2 =	vmul.f32 v4, v50;
	v4 =	vand.u32 $0x400, v52  }
0x320: {  	v53 =	vand.u32 $0x7F, v53  }
0x321: {  	v4 =	vor.u32 v53, v4;
	v1 =	vadd.f32 v2, v1;
	v2 =	vmul.f32 v21, v51  }
0x322: {  	v21 =	vor.u32 $0x80, v4;
	v54 =	vor.u32 $0x100, v4;
	v55 =	vor.u32 $0x180, v4  }
0x323: {  	v56 =	vor.u32 $0x280, v4;
	v1 =	vadd.f32 v2, v1;
	v2 =	vor.u32 $0x200, v4  }
0x324: {  	v52 =	vor.u32 v53, v52;
	v57 =	vor.u32 $0x300, v4;
	v53 =	vor.u32 $0x800, v4  }
0x325: {  	v58 =	vor.u32 $0x900, v4;
	[tilespmem:s5+$0xFFFFFFF0] =	vst v1;
	v1 =	vor.u32 $0x380, v52;
	v52 =	vor.u32 $0x880, v4  }
0x326: {  	v60 =	vor.u32 $0x980, v4;
	v61 =	vor.u32 $0xA00, v4;
	v62 =	vor.u32 $0xA80, v4;
	v59 =	vld.idx.msk [tilespmem:v4+s21+$0x0], $0xffff  }
0x327: {  	v63 =	vor.u32 $0xB00, v4;
	v4 =	vor.u32 $0xB80, v4;
	v21 =	vld.idx.msk [tilespmem:v21+s21+$0x0], $0xffff  }
0x328: {  	v54 =	vld.idx.msk [tilespmem:v54+s21+$0x0], $0xffff  }
0x329: {  	v55 =	vld.idx.msk [tilespmem:v55+s21+$0x0], $0xffff  }
0x32a: {  	v2 =	vld.idx.msk [tilespmem:v2+s21+$0x0], $0xffff  }
0x32b: {  	v56 =	vld.idx.msk [tilespmem:v56+s21+$0x0], $0xffff  }
0x32c: {  	v57 =	vld.idx.msk [tilespmem:v57+s21+$0x0], $0xffff  }
0x32d: {  	v59 =	vmul.f32 v59, v38;
	v21 =	vmul.f32 v21, v41;
	v1 =	vld.idx.msk [tilespmem:v1+s21+$0x0], $0xffff  }
0x32e: {  	v53 =	vld.idx.msk [tilespmem:v53+s21+$0x0], $0xffff  }
0x32f: {  	v54 =	vmul.f32 v54, v39;
	v21 =	vadd.f32 v21, v59;
	v52 =	vld.idx.msk [tilespmem:v52+s21+$0x0], $0xffff  }
0x330: {  	v58 =	vld.idx.msk [tilespmem:v58+s21+$0x0], $0xffff  }
0x331: {  	v21 =	vadd.f32 v54, v21;
	v54 =	vmul.f32 v55, v36;
	v55 =	vld.idx.msk [tilespmem:v60+s21+$0x0], $0xffff  }
0x332: {  	v59 =	vld.idx.msk [tilespmem:v61+s21+$0x0], $0xffff  }
0x333: {  	v2 =	vmul.f32 v2, v37;
	v21 =	vadd.f32 v54, v21;
	v54 =	vld.idx.msk [tilespmem:v62+s21+$0x0], $0xffff  }
0x334: {  	v60 =	vld.idx.msk [tilespmem:v63+s21+$0x0], $0xffff  }
0x335: {  	v2 =	vadd.f32 v2, v21;
	v21 =	vmul.f32 v56, v40;
	v4 =	vld.idx.msk [tilespmem:v4+s21+$0x0], $0xffff;
	_ =	sdelay $0x1  }
0x336: {  	v2 =	vadd.f32 v21, v2;
	v21 =	vmul.f32 v57, v42;
	_ =	sdelay $0x1  }
0x337: {  	v1 =	vmul.f32 v1, v43;
	v2 =	vadd.f32 v21, v2;
	_ =	sdelay $0x1  }
0x338: {  	v1 =	vadd.f32 v1, v2;
	v2 =	vmul.f32 v53, v44;
	_ =	sdelay $0x1  }
0x339: {  	v1 =	vadd.f32 v2, v1;
	v2 =	vmul.f32 v52, v45;
	_ =	sdelay $0x1  }
0x33a: {  	v1 =	vadd.f32 v2, v1;
	v2 =	vmul.f32 v58, v46;
	_ =	sdelay $0x1  }
0x33b: {  	v1 =	vadd.f32 v2, v1;
	v2 =	vmul.f32 v55, v47;
	_ =	sdelay $0x1  }
0x33c: {  	v1 =	vadd.f32 v2, v1;
	v2 =	vmul.f32 v59, v48  }
0x33d: {  	s14 =	sadd.s32 $0x20, s14  }
0x33e: {  	s3 =	sadd.s32 $0xFFFFFFF0, s14;
	v1 =	vadd.f32 v2, v1;
	v2 =	vmul.f32 v54, v49  }
0x33f: {  	v21 =	vmov s3;
	v52 =	vor.u32 s3, v0  }
.Ltmp2:
0x340: {  	v21 =	vshll.u32 v21, $0x3;
	v1 =	vadd.f32 v2, v1;
	v2 =	vmul.f32 v60, v50;
	(pc) =	sbr.rel @p5 .LBB3_6-.Ltmp2, $4  }
0x341: {  	v53 =	vand.u32 $0x400, v21;
	v4 =	vmul.f32 v4, v51;
	v52 =	vand.u32 $0x6F, v52  }
0x342: {  	v53 =	vor.u32 v52, v53;
	v52 =	vor.u32 v21, v52;
	v1 =	vadd.f32 v2, v1  }
0x343: {  	v58 =	vor.u32 $0x80, v53;
	v57 =	vor.u32 $0x100, v53;
	v56 =	vor.u32 $0x180, v53  }
0x344: {  	v55 =	vor.u32 $0x200, v53;
	v54 =	vor.u32 $0x280, v53;
	v59 =	vadd.f32 v4, v1  }
0x345: {  	_ =	sdelay $0x2  }
0x346: {  	[tilespmem:s0+$0x0] =	vst v59  }
0x347: {  	v1 =	vld.idx.msk [tilespmem:v53+s21+$0x0], $0xffff  }
0x348: {  	v2 =	vld.idx.msk [tilespmem:v58+s21+$0x0], $0xffff;
	_ =	sdelay $0x1  }
0x349: {  	v4 =	vld.idx.msk [tilespmem:v57+s21+$0x0], $0xffff;
	_ =	sdelay $0x1  }
0x34a: {  	v21 =	vld.idx.msk [tilespmem:v56+s21+$0x0], $0xffff  }
0x34b: {  	v63 =	vor.u32 $0x300, v52;
	v1 =	vmul.f32 v1, v38;
	v2 =	vmul.f32 v2, v41  }
0x34c: {  	v55 =	vld.idx.msk [tilespmem:v55+s21+$0x0], $0xffff  }
0x34d: {  	v60 =	vor.u32 $0x380, v52;
	v1 =	vadd.f32 v2, v1;
	v2 =	vmul.f32 v4, v39  }
0x34e: {  	v4 =	vld.idx.msk [tilespmem:v54+s21+$0x0], $0xffff  }
0x34f: {  	v61 =	vor.u32 $0x800, v53;
	v1 =	vadd.f32 v2, v1;
	v2 =	vmul.f32 v21, v36  }
0x350: {  	v21 =	vld.idx.msk [tilespmem:v63+s21+$0x0], $0xffff  }
0x351: {  	v62 =	vor.u32 $0x880, v53;
	v1 =	vadd.f32 v2, v1;
	v2 =	vmul.f32 v55, v37  }
0x352: {  	v63 =	vld.idx.msk [tilespmem:v60+s21+$0x0], $0xffff  }
0x353: {  	v60 =	vor.u32 $0x900, v53;
	v1 =	vadd.f32 v2, v1;
	v2 =	vmul.f32 v4, v40  }
0x354: {  	v4 =	vld.idx.msk [tilespmem:v61+s21+$0x0], $0xffff  }
0x355: {  	v61 =	vor.u32 $0x980, v53;
	v1 =	vadd.f32 v2, v1;
	v2 =	vmul.f32 v21, v42  }
0x356: {  	v21 =	vld.idx.msk [tilespmem:v62+s21+$0x0], $0xffff  }
0x357: {  	v62 =	vor.u32 $0xA00, v53;
	v1 =	vadd.f32 v2, v1;
	v2 =	vmul.f32 v63, v43  }
0x358: {  	v63 =	vld.idx.msk [tilespmem:v60+s21+$0x0], $0xffff  }
0x359: {  	v57 =	vor.u32 $0xA80, v53;
	v1 =	vadd.f32 v2, v1;
	v2 =	vmul.f32 v4, v44  }
0x35a: {  	v4 =	vld.idx.msk [tilespmem:v61+s21+$0x0], $0xffff  }
0x35b: {  	v58 =	vor.u32 $0xB00, v52;
	v1 =	vadd.f32 v2, v1;
	v2 =	vmul.f32 v21, v45  }
0x35c: {  	v21 =	vld.idx.msk [tilespmem:v62+s21+$0x0], $0xffff  }
0x35d: {  	v59 =	vor.u32 $0xB80, v52;
	v1 =	vadd.f32 v2, v1;
	v2 =	vmul.f32 v63, v46  }
0x35e: {  	v53 =	vld.idx.msk [tilespmem:v57+s21+$0x0], $0xffff  }
0x35f: {  	v1 =	vadd.f32 v2, v1;
	v2 =	vmul.f32 v4, v47  }
0x360: {  	v4 =	vld.idx.msk [tilespmem:v58+s21+$0x0], $0xffff  }
0x361: {  	v1 =	vadd.f32 v2, v1;
	v2 =	vmul.f32 v21, v48  }
0x362: {  	v21 =	vld.idx.msk [tilespmem:v59+s21+$0x0], $0xffff  }
0x363: {  	v60 =	vmov s14;
	v1 =	vadd.f32 v2, v1;
	v2 =	vmul.f32 v53, v49  }
0x364: {  	v52 =	vshll.u32 v60, $0x3  }
0x365: {  	v61 =	vor.u32 s14, v0;
	v1 =	vadd.f32 v2, v1;
	v2 =	vmul.f32 v4, v50  }
0x366: {  	v53 =	vand.u32 $0x7F, v61;
	v4 =	vand.u32 $0x400, v52  }
0x367: {  	v4 =	vor.u32 v53, v4;
	v1 =	vadd.f32 v2, v1;
	v2 =	vmul.f32 v21, v51  }
0x368: {  	v21 =	vor.u32 $0x80, v4  }
0x369: {  	v1 =	vadd.f32 v2, v1  }
0x36a: {  	s14 =	sadd.s32 $0x20, s5;
	v2 =	vor.u32 $0x100, v4  }
0x36b: {  	[tilespmem:s14+$0xFFFFFFF0] =	vst v1  }
0x36c: {  	v1 =	vor.u32 $0x180, v4;
	v62 =	vld.idx.msk [tilespmem:v4+s21+$0x0], $0xffff  }
0x36d: {  	v21 =	vld.idx.msk [tilespmem:v21+s21+$0x0], $0xffff  }
0x36e: {  	v63 =	vor.u32 $0x200, v4  }
0x36f: {  	v2 =	vld.idx.msk [tilespmem:v2+s21+$0x0], $0xffff  }
0x370: {  	v56 =	vor.u32 $0x280, v4  }
0x371: {  	v1 =	vld.idx.msk [tilespmem:v1+s21+$0x0], $0xffff  }
0x372: {  	v60 =	vor.u32 $0x300, v4;
	v61 =	vmul.f32 v62, v38;
	v21 =	vmul.f32 v21, v41  }
0x373: {  	v63 =	vld.idx.msk [tilespmem:v63+s21+$0x0], $0xffff;
	v62 =	vor.u32 v53, v52  }
0x374: {  	v41 =	vor.u32 $0x380, v62;
	v21 =	vadd.f32 v21, v61;
	v2 =	vmul.f32 v2, v39  }
0x375: {  	v54 =	vld.idx.msk [tilespmem:v56+s21+$0x0], $0xffff  }
0x376: {  	v55 =	vor.u32 $0x800, v4;
	v2 =	vadd.f32 v2, v21;
	v1 =	vmul.f32 v1, v36  }
0x377: {  	v21 =	vld.idx.msk [tilespmem:v60+s21+$0x0], $0xffff  }
0x378: {  	v56 =	vor.u32 $0x880, v4;
	v1 =	vadd.f32 v1, v2;
	v2 =	vmul.f32 v63, v37  }
0x379: {  	v57 =	vld.idx.msk [tilespmem:v41+s21+$0x0], $0xffff  }
0x37a: {  	v58 =	vor.u32 $0x900, v4;
	v1 =	vadd.f32 v2, v1;
	v2 =	vmul.f32 v54, v40  }
0x37b: {  	v59 =	vld.idx.msk [tilespmem:v55+s21+$0x0], $0xffff  }
0x37c: {  	v60 =	vor.u32 $0x980, v4;
	v1 =	vadd.f32 v2, v1;
	v2 =	vmul.f32 v21, v42  }
0x37d: {  	v21 =	vld.idx.msk [tilespmem:v56+s21+$0x0], $0xffff  }
0x37e: {  	v61 =	vor.u32 $0xA00, v4;
	v1 =	vadd.f32 v2, v1;
	v2 =	vmul.f32 v57, v43  }
0x37f: {  	v62 =	vld.idx.msk [tilespmem:v58+s21+$0x0], $0xffff  }
0x380: {  	v63 =	vor.u32 $0xA80, v4;
	v1 =	vadd.f32 v2, v1;
	v2 =	vmul.f32 v59, v44  }
0x381: {  	v43 =	vld.idx.msk [tilespmem:v60+s21+$0x0], $0xffff  }
0x382: {  	v44 =	vor.u32 $0xB00, v4;
	v1 =	vadd.f32 v2, v1;
	v2 =	vmul.f32 v21, v45  }
0x383: {  	v21 =	vld.idx.msk [tilespmem:v61+s21+$0x0], $0xffff  }
0x384: {  	v4 =	vor.u32 $0xB80, v4;
	v1 =	vadd.f32 v2, v1;
	v2 =	vmul.f32 v62, v46  }
0x385: {  	v46 =	vld.idx.msk [tilespmem:v63+s21+$0x0], $0xffff  }
0x386: {  	v1 =	vadd.f32 v2, v1;
	v2 =	vmul.f32 v43, v47  }
0x387: {  	v52 =	vld.idx.msk [tilespmem:v44+s21+$0x0], $0xffff  }
0x388: {  	v1 =	vadd.f32 v2, v1;
	v2 =	vmul.f32 v21, v48  }
0x389: {  	v4 =	vld.idx.msk [tilespmem:v4+s21+$0x0], $0xffff  }
0x38a: {  	v1 =	vadd.f32 v2, v1;
	v2 =	vmul.f32 v46, v49;
	_ =	sdelay $0x1  }
0x38b: {  	v1 =	vadd.f32 v2, v1;
	v2 =	vmul.f32 v52, v50;
	_ =	sdelay $0x1  }
0x38c: {  	v4 =	vmul.f32 v4, v51;
	v1 =	vadd.f32 v2, v1;
	_ =	sdelay $0x1  }
0x38d: {  	v1 =	vadd.f32 v4, v1;
	_ =	sdelay $0x1  }
0x38e: {  	[tilespmem:s14+$0x0] =	vst v1  }
0x38f: {  	[spmem:s10] =	stream.indirect.scatter.add.f32 [tilespmem:s25], [sflag:$0x2], $0x1, s18, s17, $0xb8;
	[tilespmem:$0x4BD0] =	vst v63  }
0x390: {  	_ =	swait.ge [sflag:s16], $0x80  }
0x391: {  	[sflag:s16] =	ssyncset.done $0x0  }
0x392: {  	[sflag:s16] =	ssyncadd.s32 $0xFFFFFF80  }
0x393: {  	[spmem:s10] =	stream.indirect.scatter.add.f32 [tilespmem:s28], [sflag:$0x2], $0x1, s26, s17, $0xb8;
	[tilespmem:$0x4BD0] =	vst v63  }
0x394: {  	_ =	swait.ge [sflag:s16], $0x80  }
0x395: {  	[sflag:s16] =	ssyncset.done $0x0  }
0x396: {  	[sflag:s16] =	ssyncadd.s32 $0xFFFFFF80  }
0x397: {  	[bflag:$0x0] =	sbarrier.arrive $0xFFFF  }
0x398: {  	s3 =	simm.s32 $0x0;
	s5 =	sld [smem:$0x7FB]  }
0x399: {  	v1 =	vmov s3  }
0x39a: {  	v2 =	vor.u32 s3, v0;
	v1 =	vshll.u32 v1, $0x3  }
0x39b: {  	v2 =	vand.u32 $0x6F, v2;
	v4 =	vand.u32 $0x400, v1;
	[tilespmem:s20], [sflag:$0x2] =	stream.linear.gather [spmem:s5], $0x10, $0x38;
	[tilespmem:$0x4BD0] =	vst v63  }
0x39c: {  	v4 =	vor.u32 v2, v4;
	_ =	swait.ge [sflag:s16], $0x10  }
0x39d: {  	v21 =	vor.u32 $0x80, v4;
	[sflag:s16] =	ssyncset.done $0x0  }
0x39e: {  	[sflag:s16] =	ssyncadd.s32 $0xFFFFFFF0  }
0x39f: {  	v54 =	vor.u32 $0x100, v4;
	v53 =	vld.idx.msk [tilespmem:v5+s24+$0x0], $0xffff  }
0x3a0: {  	v55 =	vld.idx.msk [tilespmem:v6+s24+$0x0], $0xffff  }
0x3a1: {  	v56 =	vor.u32 $0x180, v4;
	v57 =	vld.idx.msk [tilespmem:v4+s22+$0x0], $0xffff  }
0x3a2: {  	v21 =	vld.idx.msk [tilespmem:v21+s22+$0x0], $0xffff  }
0x3a3: {  	v59 =	vor.u32 $0x200, v4;
	v58 =	vld.idx.msk [tilespmem:v7+s24+$0x0], $0xffff  }
0x3a4: {  	v60 =	vld.idx.msk [tilespmem:v54+s22+$0x0], $0xffff  }
0x3a5: {  	v62 =	vor.u32 $0x280, v4;
	v61 =	vld.idx.msk [tilespmem:v8+s24+$0x0], $0xffff  }
0x3a6: {  	v1 =	vor.u32 v1, v2;
	v2 =	vld.idx.msk [tilespmem:v56+s22+$0x0], $0xffff;
	v36 =	vmax.f32 v53, $0.0e+00;
	v37 =	vmax.f32 v55, $0.0e+00  }
0x3a7: {  	v52 =	vor.u32 $0x300, v1;
	v63 =	vld.idx.msk [tilespmem:v9+s24+$0x0], $0xffff;
	v53 =	vmul.f32 v57, v36;
	v21 =	vmul.f32 v21, v37  }
0x3a8: {  	v54 =	vld.idx.msk [tilespmem:v59+s22+$0x0], $0xffff;
	v38 =	vmax.f32 v58, $0.0e+00  }
0x3a9: {  	v55 =	vld.idx.msk [tilespmem:v10+s24+$0x0], $0xffff;
	v58 =	vor.u32 $0x380, v1;
	v59 =	vmul.f32 v60, v38;
	v21 =	vadd.f32 v21, v53  }
0x3aa: {  	v39 =	vmax.f32 v61, $0.0e+00;
	v60 =	vld.idx.msk [tilespmem:v62+s22+$0x0], $0xffff  }
0x3ab: {  	v61 =	vld.idx.msk [tilespmem:v11+s24+$0x0], $0xffff;
	v62 =	vor.u32 $0x800, v4;
	v2 =	vmul.f32 v2, v39;
	v21 =	vadd.f32 v59, v21  }
0x3ac: {  	v40 =	vmax.f32 v63, $0.0e+00;
	v63 =	vld.idx.msk [tilespmem:v52+s22+$0x0], $0xffff  }
0x3ad: {  	v56 =	vld.idx.msk [tilespmem:v12+s24+$0x0], $0xffff;
	v57 =	vor.u32 $0x880, v4;
	v2 =	vadd.f32 v2, v21;
	v21 =	vmul.f32 v54, v40  }
0x3ae: {  	v41 =	vmax.f32 v55, $0.0e+00;
	v48 =	vld.idx.msk [tilespmem:v58+s22+$0x0], $0xffff  }
0x3af: {  	v58 =	vld.idx.msk [tilespmem:v13+s24+$0x0], $0xffff;
	v59 =	vor.u32 $0x900, v4;
	v2 =	vadd.f32 v21, v2;
	v21 =	vmul.f32 v60, v41  }
0x3b0: {  	v42 =	vmax.f32 v61, $0.0e+00;
	v45 =	vld.idx.msk [tilespmem:v62+s22+$0x0], $0xffff  }
0x3b1: {  	v61 =	vor.u32 $0x980, v4;
	v60 =	vld.idx.msk [tilespmem:v14+s24+$0x0], $0xffff;
	v2 =	vadd.f32 v21, v2;
	v21 =	vmul.f32 v63, v42  }
0x3b2: {  	v43 =	vmax.f32 v56, $0.0e+00;
	v62 =	vld.idx.msk [tilespmem:v57+s22+$0x0], $0xffff  }
0x3b3: {  	v56 =	vor.u32 $0xA00, v4;
	v63 =	vld.idx.msk [tilespmem:v15+s24+$0x0], $0xffff;
	v2 =	vadd.f32 v21, v2;
	v21 =	vmul.f32 v48, v43  }
0x3b4: {  	v44 =	vmax.f32 v58, $0.0e+00;
	v57 =	vld.idx.msk [tilespmem:v59+s22+$0x0], $0xffff  }
0x3b5: {  	v4 =	vor.u32 $0xA80, v4;
	v58 =	vld.idx.msk [tilespmem:v16+s24+$0x0], $0xffff;
	v2 =	vadd.f32 v21, v2;
	v21 =	vmul.f32 v45, v44  }
0x3b6: {  	v59 =	vld.idx.msk [tilespmem:v61+s22+$0x0], $0xffff;
	v45 =	vmax.f32 v60, $0.0e+00  }
0x3b7: {  	v61 =	vor.u32 $0xB00, v1;
	v60 =	vld.idx.msk [tilespmem:v17+s24+$0x0], $0xffff;
	v2 =	vadd.f32 v21, v2;
	v21 =	vmul.f32 v62, v45  }
0x3b8: {  	v49 =	vld.idx.msk [tilespmem:v56+s22+$0x0], $0xffff;
	v46 =	vmax.f32 v63, $0.0e+00  }
0x3b9: {  	v1 =	vor.u32 $0xB80, v1;
	v62 =	vld.idx.msk [tilespmem:v18+s24+$0x0], $0xffff;
	v2 =	vadd.f32 v21, v2;
	v21 =	vmul.f32 v57, v46  }
0x3ba: {  	v4 =	vld.idx.msk [tilespmem:v4+s22+$0x0], $0xffff;
	v47 =	vmax.f32 v58, $0.0e+00  }
0x3bb: {  	v63 =	vld.idx.msk [tilespmem:v19+s24+$0x0], $0xffff;
	v2 =	vadd.f32 v21, v2;
	v21 =	vmul.f32 v59, v47  }
0x3bc: {  	v56 =	vld.idx.msk [tilespmem:v61+s22+$0x0], $0xffff;
	v48 =	vmax.f32 v60, $0.0e+00  }
0x3bd: {  	v57 =	vld.idx.msk [tilespmem:v20+s24+$0x0], $0xffff;
	v2 =	vadd.f32 v21, v2;
	v21 =	vmul.f32 v49, v48  }
0x3be: {  	v1 =	vld.idx.msk [tilespmem:v1+s22+$0x0], $0xffff;
	v49 =	vmax.f32 v62, $0.0e+00  }
0x3bf: {  	s6 =	simm.s32 $0x10;
	v4 =	vmul.f32 v4, v49;
	v2 =	vadd.f32 v21, v2  }
0x3c0: {  	v58 =	vor.u32 s6, v0;
	v50 =	vmax.f32 v63, $0.0e+00;
	v21 =	vmov s6  }
0x3c1: {  	v21 =	vshll.u32 v21, $0x3;
	v2 =	vadd.f32 v4, v2;
	v4 =	vmul.f32 v56, v50  }
0x3c2: {  	v53 =	vand.u32 $0x7F, v58;
	v51 =	vmax.f32 v57, $0.0e+00;
	v59 =	vand.u32 $0x400, v21  }
0x3c3: {  	v1 =	vmul.f32 v1, v51;
	v2 =	vadd.f32 v4, v2;
	v4 =	vor.u32 v53, v59  }
0x3c4: {  	v52 =	vor.u32 $0x80, v4  }
0x3c5: {  	v1 =	vadd.f32 v1, v2  }
0x3c6: {  	s5 =	simm.s32 $0x3F90;
	v2 =	vor.u32 $0x100, v4  }
0x3c7: {  	[tilespmem:s5+$0xFFFFFFF0] =	vst v1  }
0x3c8: {  	v1 =	vor.u32 $0x180, v4;
	v60 =	vld.idx.msk [tilespmem:v4+s22+$0x0], $0xffff  }
0x3c9: {  	v52 =	vld.idx.msk [tilespmem:v52+s22+$0x0], $0xffff  }
0x3ca: {  	v61 =	vor.u32 $0x200, v4  }
0x3cb: {  	v2 =	vld.idx.msk [tilespmem:v2+s22+$0x0], $0xffff  }
0x3cc: {  	v62 =	vor.u32 $0x280, v4  }
0x3cd: {  	v1 =	vld.idx.msk [tilespmem:v1+s22+$0x0], $0xffff  }
0x3ce: {  	v63 =	vor.u32 $0x300, v4;
	v54 =	vmul.f32 v60, v36;
	v52 =	vmul.f32 v52, v37  }
0x3cf: {  	v21 =	vor.u32 v53, v21;
	v53 =	vld.idx.msk [tilespmem:v61+s22+$0x0], $0xffff  }
0x3d0: {  	v21 =	vor.u32 $0x380, v21;
	v2 =	vmul.f32 v2, v38;
	v52 =	vadd.f32 v52, v54  }
0x3d1: {  	v60 =	vld.idx.msk [tilespmem:v62+s22+$0x0], $0xffff  }
0x3d2: {  	v61 =	vor.u32 $0x800, v4;
	v1 =	vmul.f32 v1, v39;
	v2 =	vadd.f32 v2, v52  }
0x3d3: {  	v62 =	vld.idx.msk [tilespmem:v63+s22+$0x0], $0xffff  }
0x3d4: {  	v63 =	vor.u32 $0x880, v4;
	v1 =	vadd.f32 v1, v2;
	v2 =	vmul.f32 v53, v40  }
0x3d5: {  	v21 =	vld.idx.msk [tilespmem:v21+s22+$0x0], $0xffff  }
0x3d6: {  	v53 =	vor.u32 $0x900, v4;
	v1 =	vadd.f32 v2, v1;
	v2 =	vmul.f32 v60, v41  }
0x3d7: {  	v60 =	vld.idx.msk [tilespmem:v61+s22+$0x0], $0xffff  }
0x3d8: {  	v61 =	vor.u32 $0x980, v4;
	v1 =	vadd.f32 v2, v1;
	v2 =	vmul.f32 v62, v42  }
0x3d9: {  	v62 =	vld.idx.msk [tilespmem:v63+s22+$0x0], $0xffff  }
0x3da: {  	v63 =	vor.u32 $0xA00, v4;
	v1 =	vadd.f32 v2, v1;
	v2 =	vmul.f32 v21, v43  }
0x3db: {  	v21 =	vld.idx.msk [tilespmem:v53+s22+$0x0], $0xffff  }
0x3dc: {  	v57 =	vor.u32 $0xA80, v4;
	v1 =	vadd.f32 v2, v1;
	v2 =	vmul.f32 v60, v44  }
0x3dd: {  	v58 =	vld.idx.msk [tilespmem:v61+s22+$0x0], $0xffff  }
0x3de: {  	v59 =	vor.u32 $0xB00, v4;
	v1 =	vadd.f32 v2, v1;
	v2 =	vmul.f32 v62, v45  }
0x3df: {  	v4 =	vor.u32 $0xB80, v4;
	v60 =	vld.idx.msk [tilespmem:v63+s22+$0x0], $0xffff  }
0x3e0: {  	v1 =	vadd.f32 v2, v1;
	v2 =	vmul.f32 v21, v46  }
0x3e1: {  	v21 =	vld.idx.msk [tilespmem:v57+s22+$0x0], $0xffff  }
0x3e2: {  	v1 =	vadd.f32 v2, v1;
	v2 =	vmul.f32 v58, v47  }
0x3e3: {  	v61 =	vld.idx.msk [tilespmem:v59+s22+$0x0], $0xffff  }
0x3e4: {  	v4 =	vld.idx.msk [tilespmem:v4+s22+$0x0], $0xffff;
	v1 =	vadd.f32 v2, v1;
	v2 =	vmul.f32 v60, v48;
	_ =	sdelay $0x1  }
0x3e5: {  	s14 =	simm.s32 $0x20;
	v1 =	vadd.f32 v2, v1;
	v2 =	vmul.f32 v21, v49  }
0x3e6: {  	v62 =	vor.u32 s14, v0;
	v21 =	vmov s14  }
0x3e7: {  	v21 =	vshll.u32 v21, $0x3;
	v1 =	vadd.f32 v2, v1;
	v2 =	vmul.f32 v61, v50  }
0x3e8: {  	v52 =	vand.u32 $0x6F, v62;
	v4 =	vmul.f32 v4, v51;
	v63 =	vand.u32 $0x400, v21  }
0x3e9: {  	v53 =	vor.u32 v52, v63;
	v52 =	vor.u32 v21, v52;
	v1 =	vadd.f32 v2, v1  }
0x3ea: {  	v58 =	vor.u32 $0x80, v53;
	v57 =	vor.u32 $0x100, v53;
	v56 =	vor.u32 $0x180, v53  }
0x3eb: {  	s0 =	simm.s32 $0x3F90;
	s6 =	simm.s32 $0x2;
	s14 =	simm.s32 $0x30;
	v55 =	vor.u32 $0x200, v53;
	v54 =	vor.u32 $0x280, v53;
	v59 =	vadd.f32 v4, v1  }
.LBB3_8:
0x3ec: {  	s6 =	sadd.s32 $0x2, s6;
	v1 =	vor.u32 $0x300, v52;
	v2 =	vor.u32 $0x380, v52;
	v4 =	vor.u32 $0x800, v53;
	s5 =	sadd.s32 $0x20, s5  }
0x3ed: {  	v21 =	vor.u32 $0x880, v53;
	v60 =	vor.u32 $0x900, v53;
	v61 =	vor.u32 $0x980, v53;
	p5 =	slt.u32 s6, $0xE;
	[tilespmem:s0+$0x0] =	vst v59;
	s0 =	smov.u32 s5  }
0x3ee: {  	v62 =	vor.u32 $0xA00, v53;
	v63 =	vor.u32 $0xB00, v52;
	v59 =	vld.idx.msk [tilespmem:v53+s22+$0x0], $0xffff;
	v53 =	vor.u32 $0xA80, v53  }
0x3ef: {  	v52 =	vor.u32 $0xB80, v52;
	v58 =	vld.idx.msk [tilespmem:v58+s22+$0x0], $0xffff;
	_ =	sdelay $0x1  }
0x3f0: {  	v57 =	vld.idx.msk [tilespmem:v57+s22+$0x0], $0xffff;
	_ =	sdelay $0x1  }
0x3f1: {  	v56 =	vld.idx.msk [tilespmem:v56+s22+$0x0], $0xffff;
	_ =	sdelay $0x1  }
0x3f2: {  	v59 =	vmul.f32 v59, v36;
	v58 =	vmul.f32 v58, v37;
	v55 =	vld.idx.msk [tilespmem:v55+s22+$0x0], $0xffff;
	_ =	sdelay $0x1  }
0x3f3: {  	v58 =	vadd.f32 v58, v59;
	v57 =	vmul.f32 v57, v38;
	v54 =	vld.idx.msk [tilespmem:v54+s22+$0x0], $0xffff;
	_ =	sdelay $0x1  }
0x3f4: {  	v57 =	vadd.f32 v57, v58;
	v56 =	vmul.f32 v56, v39;
	v1 =	vld.idx.msk [tilespmem:v1+s22+$0x0], $0xffff;
	_ =	sdelay $0x1  }
0x3f5: {  	v56 =	vadd.f32 v56, v57;
	v55 =	vmul.f32 v55, v40;
	v2 =	vld.idx.msk [tilespmem:v2+s22+$0x0], $0xffff;
	_ =	sdelay $0x1  }
0x3f6: {  	v55 =	vadd.f32 v55, v56;
	v54 =	vmul.f32 v54, v41;
	v4 =	vld.idx.msk [tilespmem:v4+s22+$0x0], $0xffff;
	_ =	sdelay $0x1  }
0x3f7: {  	v54 =	vadd.f32 v54, v55;
	v1 =	vmul.f32 v1, v42;
	v21 =	vld.idx.msk [tilespmem:v21+s22+$0x0], $0xffff;
	_ =	sdelay $0x1  }
0x3f8: {  	v1 =	vadd.f32 v1, v54;
	v2 =	vmul.f32 v2, v43;
	v54 =	vld.idx.msk [tilespmem:v60+s22+$0x0], $0xffff;
	_ =	sdelay $0x1  }
0x3f9: {  	v1 =	vadd.f32 v2, v1;
	v2 =	vmul.f32 v4, v44;
	v4 =	vld.idx.msk [tilespmem:v61+s22+$0x0], $0xffff;
	_ =	sdelay $0x1  }
0x3fa: {  	v1 =	vadd.f32 v2, v1;
	v2 =	vmul.f32 v21, v45;
	v21 =	vld.idx.msk [tilespmem:v62+s22+$0x0], $0xffff;
	_ =	sdelay $0x1  }
0x3fb: {  	v1 =	vadd.f32 v2, v1;
	v2 =	vmul.f32 v54, v46;
	v53 =	vld.idx.msk [tilespmem:v53+s22+$0x0], $0xffff;
	_ =	sdelay $0x1  }
0x3fc: {  	v1 =	vadd.f32 v2, v1;
	v2 =	vmul.f32 v4, v47;
	v4 =	vld.idx.msk [tilespmem:v63+s22+$0x0], $0xffff;
	_ =	sdelay $0x1  }
0x3fd: {  	v1 =	vadd.f32 v2, v1;
	v2 =	vmul.f32 v21, v48;
	v21 =	vld.idx.msk [tilespmem:v52+s22+$0x0], $0xffff;
	_ =	sdelay $0x1  }
0x3fe: {  	v52 =	vmov s14;
	v1 =	vadd.f32 v2, v1;
	v2 =	vmul.f32 v53, v49  }
0x3ff: {  	v53 =	vor.u32 s14, v0;
	v52 =	vshll.u32 v52, $0x3  }
0x400: {  	v1 =	vadd.f32 v2, v1;
	v2 =	vmul.f32 v4, v50;
	v4 =	vand.u32 $0x400, v52  }
0x401: {  	v53 =	vand.u32 $0x7F, v53  }
0x402: {  	v4 =	vor.u32 v53, v4;
	v1 =	vadd.f32 v2, v1;
	v2 =	vmul.f32 v21, v51  }
0x403: {  	v21 =	vor.u32 $0x80, v4;
	v54 =	vor.u32 $0x100, v4;
	v55 =	vor.u32 $0x180, v4  }
0x404: {  	v56 =	vor.u32 $0x280, v4;
	v1 =	vadd.f32 v2, v1;
	v2 =	vor.u32 $0x200, v4  }
0x405: {  	v52 =	vor.u32 v53, v52;
	v57 =	vor.u32 $0x300, v4;
	v53 =	vor.u32 $0x800, v4  }
0x406: {  	v58 =	vor.u32 $0x900, v4;
	[tilespmem:s5+$0xFFFFFFF0] =	vst v1;
	v1 =	vor.u32 $0x380, v52;
	v52 =	vor.u32 $0x880, v4  }
0x407: {  	v60 =	vor.u32 $0x980, v4;
	v61 =	vor.u32 $0xA00, v4;
	v62 =	vor.u32 $0xA80, v4;
	v59 =	vld.idx.msk [tilespmem:v4+s22+$0x0], $0xffff  }
0x408: {  	v63 =	vor.u32 $0xB00, v4;
	v4 =	vor.u32 $0xB80, v4;
	v21 =	vld.idx.msk [tilespmem:v21+s22+$0x0], $0xffff  }
0x409: {  	v54 =	vld.idx.msk [tilespmem:v54+s22+$0x0], $0xffff  }
0x40a: {  	v55 =	vld.idx.msk [tilespmem:v55+s22+$0x0], $0xffff  }
0x40b: {  	v2 =	vld.idx.msk [tilespmem:v2+s22+$0x0], $0xffff  }
0x40c: {  	v56 =	vld.idx.msk [tilespmem:v56+s22+$0x0], $0xffff  }
0x40d: {  	v57 =	vld.idx.msk [tilespmem:v57+s22+$0x0], $0xffff  }
0x40e: {  	v59 =	vmul.f32 v59, v36;
	v21 =	vmul.f32 v21, v37;
	v1 =	vld.idx.msk [tilespmem:v1+s22+$0x0], $0xffff  }
0x40f: {  	v53 =	vld.idx.msk [tilespmem:v53+s22+$0x0], $0xffff  }
0x410: {  	v54 =	vmul.f32 v54, v38;
	v21 =	vadd.f32 v21, v59;
	v52 =	vld.idx.msk [tilespmem:v52+s22+$0x0], $0xffff  }
0x411: {  	v58 =	vld.idx.msk [tilespmem:v58+s22+$0x0], $0xffff  }
0x412: {  	v21 =	vadd.f32 v54, v21;
	v54 =	vmul.f32 v55, v39;
	v55 =	vld.idx.msk [tilespmem:v60+s22+$0x0], $0xffff  }
0x413: {  	v59 =	vld.idx.msk [tilespmem:v61+s22+$0x0], $0xffff  }
0x414: {  	v2 =	vmul.f32 v2, v40;
	v21 =	vadd.f32 v54, v21;
	v54 =	vld.idx.msk [tilespmem:v62+s22+$0x0], $0xffff  }
0x415: {  	v60 =	vld.idx.msk [tilespmem:v63+s22+$0x0], $0xffff  }
0x416: {  	v2 =	vadd.f32 v2, v21;
	v21 =	vmul.f32 v56, v41;
	v4 =	vld.idx.msk [tilespmem:v4+s22+$0x0], $0xffff;
	_ =	sdelay $0x1  }
0x417: {  	v2 =	vadd.f32 v21, v2;
	v21 =	vmul.f32 v57, v42;
	_ =	sdelay $0x1  }
0x418: {  	v1 =	vmul.f32 v1, v43;
	v2 =	vadd.f32 v21, v2;
	_ =	sdelay $0x1  }
0x419: {  	v1 =	vadd.f32 v1, v2;
	v2 =	vmul.f32 v53, v44;
	_ =	sdelay $0x1  }
0x41a: {  	v1 =	vadd.f32 v2, v1;
	v2 =	vmul.f32 v52, v45;
	_ =	sdelay $0x1  }
0x41b: {  	v1 =	vadd.f32 v2, v1;
	v2 =	vmul.f32 v58, v46;
	_ =	sdelay $0x1  }
0x41c: {  	v1 =	vadd.f32 v2, v1;
	v2 =	vmul.f32 v55, v47;
	_ =	sdelay $0x1  }
0x41d: {  	v1 =	vadd.f32 v2, v1;
	v2 =	vmul.f32 v59, v48  }
0x41e: {  	s14 =	sadd.s32 $0x20, s14  }
0x41f: {  	s3 =	sadd.s32 $0xFFFFFFF0, s14;
	v1 =	vadd.f32 v2, v1;
	v2 =	vmul.f32 v54, v49  }
0x420: {  	v21 =	vmov s3;
	v52 =	vor.u32 s3, v0  }
.Ltmp3:
0x421: {  	v21 =	vshll.u32 v21, $0x3;
	v1 =	vadd.f32 v2, v1;
	v2 =	vmul.f32 v60, v50;
	(pc) =	sbr.rel @p5 .LBB3_8-.Ltmp3, $4  }
0x422: {  	v53 =	vand.u32 $0x400, v21;
	v4 =	vmul.f32 v4, v51;
	v52 =	vand.u32 $0x6F, v52  }
0x423: {  	v53 =	vor.u32 v52, v53;
	v52 =	vor.u32 v21, v52;
	v1 =	vadd.f32 v2, v1  }
0x424: {  	v58 =	vor.u32 $0x80, v53;
	v57 =	vor.u32 $0x100, v53;
	v56 =	vor.u32 $0x180, v53  }
0x425: {  	v55 =	vor.u32 $0x200, v53;
	v54 =	vor.u32 $0x280, v53;
	v59 =	vadd.f32 v4, v1  }
0x426: {  	_ =	sdelay $0x2  }
0x427: {  	[tilespmem:s0+$0x0] =	vst v59  }
0x428: {  	v1 =	vld.idx.msk [tilespmem:v53+s22+$0x0], $0xffff  }
0x429: {  	v2 =	vld.idx.msk [tilespmem:v58+s22+$0x0], $0xffff;
	_ =	sdelay $0x1  }
0x42a: {  	v4 =	vld.idx.msk [tilespmem:v57+s22+$0x0], $0xffff;
	_ =	sdelay $0x1  }
0x42b: {  	v21 =	vld.idx.msk [tilespmem:v56+s22+$0x0], $0xffff  }
0x42c: {  	v63 =	vor.u32 $0x300, v52;
	v1 =	vmul.f32 v1, v36;
	v2 =	vmul.f32 v2, v37  }
0x42d: {  	v55 =	vld.idx.msk [tilespmem:v55+s22+$0x0], $0xffff  }
0x42e: {  	v60 =	vor.u32 $0x380, v52;
	v1 =	vadd.f32 v2, v1;
	v2 =	vmul.f32 v4, v38  }
0x42f: {  	v4 =	vld.idx.msk [tilespmem:v54+s22+$0x0], $0xffff  }
0x430: {  	v61 =	vor.u32 $0x800, v53;
	v1 =	vadd.f32 v2, v1;
	v2 =	vmul.f32 v21, v39  }
0x431: {  	v21 =	vld.idx.msk [tilespmem:v63+s22+$0x0], $0xffff  }
0x432: {  	v62 =	vor.u32 $0x880, v53;
	v1 =	vadd.f32 v2, v1;
	v2 =	vmul.f32 v55, v40  }
0x433: {  	v63 =	vld.idx.msk [tilespmem:v60+s22+$0x0], $0xffff  }
0x434: {  	v60 =	vor.u32 $0x900, v53;
	v1 =	vadd.f32 v2, v1;
	v2 =	vmul.f32 v4, v41  }
0x435: {  	v4 =	vld.idx.msk [tilespmem:v61+s22+$0x0], $0xffff  }
0x436: {  	v61 =	vor.u32 $0x980, v53;
	v1 =	vadd.f32 v2, v1;
	v2 =	vmul.f32 v21, v42  }
0x437: {  	v21 =	vld.idx.msk [tilespmem:v62+s22+$0x0], $0xffff  }
0x438: {  	v62 =	vor.u32 $0xA00, v53;
	v1 =	vadd.f32 v2, v1;
	v2 =	vmul.f32 v63, v43  }
0x439: {  	v63 =	vld.idx.msk [tilespmem:v60+s22+$0x0], $0xffff  }
0x43a: {  	v57 =	vor.u32 $0xA80, v53;
	v1 =	vadd.f32 v2, v1;
	v2 =	vmul.f32 v4, v44  }
0x43b: {  	v4 =	vld.idx.msk [tilespmem:v61+s22+$0x0], $0xffff  }
0x43c: {  	v58 =	vor.u32 $0xB00, v52;
	v1 =	vadd.f32 v2, v1;
	v2 =	vmul.f32 v21, v45  }
0x43d: {  	v21 =	vld.idx.msk [tilespmem:v62+s22+$0x0], $0xffff  }
0x43e: {  	v59 =	vor.u32 $0xB80, v52;
	v1 =	vadd.f32 v2, v1;
	v2 =	vmul.f32 v63, v46  }
0x43f: {  	v53 =	vld.idx.msk [tilespmem:v57+s22+$0x0], $0xffff  }
0x440: {  	v1 =	vadd.f32 v2, v1;
	v2 =	vmul.f32 v4, v47  }
0x441: {  	v4 =	vld.idx.msk [tilespmem:v58+s22+$0x0], $0xffff  }
0x442: {  	v1 =	vadd.f32 v2, v1;
	v2 =	vmul.f32 v21, v48  }
0x443: {  	v21 =	vld.idx.msk [tilespmem:v59+s22+$0x0], $0xffff  }
0x444: {  	v60 =	vmov s14;
	v1 =	vadd.f32 v2, v1;
	v2 =	vmul.f32 v53, v49  }
0x445: {  	v52 =	vshll.u32 v60, $0x3  }
0x446: {  	v61 =	vor.u32 s14, v0;
	v1 =	vadd.f32 v2, v1;
	v2 =	vmul.f32 v4, v50  }
0x447: {  	v53 =	vand.u32 $0x7F, v61;
	v4 =	vand.u32 $0x400, v52  }
0x448: {  	v4 =	vor.u32 v53, v4;
	v1 =	vadd.f32 v2, v1;
	v2 =	vmul.f32 v21, v51  }
0x449: {  	v21 =	vor.u32 $0x80, v4  }
0x44a: {  	v1 =	vadd.f32 v2, v1  }
0x44b: {  	s5 =	sadd.s32 $0x20, s5;
	v2 =	vor.u32 $0x100, v4  }
0x44c: {  	[tilespmem:s5+$0xFFFFFFF0] =	vst v1  }
0x44d: {  	v1 =	vor.u32 $0x180, v4;
	v62 =	vld.idx.msk [tilespmem:v4+s22+$0x0], $0xffff  }
0x44e: {  	v21 =	vld.idx.msk [tilespmem:v21+s22+$0x0], $0xffff  }
0x44f: {  	v63 =	vor.u32 $0x200, v4  }
0x450: {  	v2 =	vld.idx.msk [tilespmem:v2+s22+$0x0], $0xffff  }
0x451: {  	v56 =	vor.u32 $0x280, v4  }
0x452: {  	v1 =	vld.idx.msk [tilespmem:v1+s22+$0x0], $0xffff  }
0x453: {  	v60 =	vor.u32 $0x300, v4;
	v61 =	vmul.f32 v62, v36;
	v21 =	vmul.f32 v21, v37  }
0x454: {  	v63 =	vld.idx.msk [tilespmem:v63+s22+$0x0], $0xffff;
	v62 =	vor.u32 v53, v52  }
0x455: {  	v37 =	vor.u32 $0x380, v62;
	v21 =	vadd.f32 v21, v61;
	v2 =	vmul.f32 v2, v38  }
0x456: {  	v55 =	vld.idx.msk [tilespmem:v56+s22+$0x0], $0xffff  }
0x457: {  	v56 =	vor.u32 $0x800, v4;
	v2 =	vadd.f32 v2, v21;
	v1 =	vmul.f32 v1, v39  }
0x458: {  	v21 =	vld.idx.msk [tilespmem:v60+s22+$0x0], $0xffff  }
0x459: {  	v57 =	vor.u32 $0x880, v4;
	v1 =	vadd.f32 v1, v2;
	v2 =	vmul.f32 v63, v40  }
0x45a: {  	v37 =	vld.idx.msk [tilespmem:v37+s22+$0x0], $0xffff  }
0x45b: {  	v58 =	vor.u32 $0x900, v4;
	v1 =	vadd.f32 v2, v1;
	v2 =	vmul.f32 v55, v41  }
0x45c: {  	v59 =	vld.idx.msk [tilespmem:v56+s22+$0x0], $0xffff  }
0x45d: {  	v60 =	vor.u32 $0x980, v4;
	v1 =	vadd.f32 v2, v1;
	v2 =	vmul.f32 v21, v42  }
0x45e: {  	v21 =	vld.idx.msk [tilespmem:v57+s22+$0x0], $0xffff  }
0x45f: {  	v61 =	vor.u32 $0xA00, v4;
	v1 =	vadd.f32 v2, v1;
	v2 =	vmul.f32 v37, v43  }
0x460: {  	v62 =	vld.idx.msk [tilespmem:v58+s22+$0x0], $0xffff  }
0x461: {  	v63 =	vor.u32 $0xA80, v4;
	v1 =	vadd.f32 v2, v1;
	v2 =	vmul.f32 v59, v44  }
0x462: {  	v43 =	vld.idx.msk [tilespmem:v60+s22+$0x0], $0xffff  }
0x463: {  	v44 =	vor.u32 $0xB00, v4;
	v1 =	vadd.f32 v2, v1;
	v2 =	vmul.f32 v21, v45  }
0x464: {  	v21 =	vld.idx.msk [tilespmem:v61+s22+$0x0], $0xffff  }
0x465: {  	v4 =	vor.u32 $0xB80, v4;
	v1 =	vadd.f32 v2, v1;
	v2 =	vmul.f32 v62, v46  }
0x466: {  	v52 =	vld.idx.msk [tilespmem:v63+s22+$0x0], $0xffff  }
0x467: {  	v1 =	vadd.f32 v2, v1;
	v2 =	vmul.f32 v43, v47  }
0x468: {  	v53 =	vld.idx.msk [tilespmem:v44+s22+$0x0], $0xffff  }
0x469: {  	v1 =	vadd.f32 v2, v1;
	v2 =	vmul.f32 v21, v48  }
0x46a: {  	v4 =	vld.idx.msk [tilespmem:v4+s22+$0x0], $0xffff  }
0x46b: {  	v1 =	vadd.f32 v2, v1;
	v2 =	vmul.f32 v52, v49;
	_ =	sdelay $0x1  }
0x46c: {  	v1 =	vadd.f32 v2, v1;
	v2 =	vmul.f32 v53, v50;
	_ =	sdelay $0x1  }
0x46d: {  	v4 =	vmul.f32 v4, v51;
	v1 =	vadd.f32 v2, v1;
	_ =	sdelay $0x1  }
0x46e: {  	v1 =	vadd.f32 v4, v1;
	_ =	sdelay $0x1  }
0x46f: {  	[tilespmem:s5+$0x0] =	vst v1  }
0x470: {  	[spmem:s11] =	stream.indirect.scatter.add.f32 [tilespmem:s25], [sflag:$0x2], $0x1, s18, s17, $0xb8;
	[tilespmem:$0x4BD0] =	vst v63  }
0x471: {  	_ =	swait.ge [sflag:s16], $0x80  }
0x472: {  	[sflag:s16] =	ssyncset.done $0x0  }
0x473: {  	[sflag:s16] =	ssyncadd.s32 $0xFFFFFF80  }
0x474: {  	[spmem:s11] =	stream.indirect.scatter.add.f32 [tilespmem:s28], [sflag:$0x2], $0x1, s26, s17, $0xb8;
	[tilespmem:$0x4BD0] =	vst v63  }
0x475: {  	_ =	swait.ge [sflag:s16], $0x80  }
0x476: {  	[sflag:s16] =	ssyncset.done $0x0  }
0x477: {  	[sflag:s16] =	ssyncadd.s32 $0xFFFFFF80  }
0x478: {  	[bflag:$0x0] =	sbarrier.arrive $0xFFFF  }
0x479: {  	s6 =	sld [smem:$0x7FC];
	_ =	sdelay $0x2  }
0x47a: {  	[tilespmem:s20], [sflag:$0x2] =	stream.linear.gather [spmem:s6], $0x10, $0x38;
	[tilespmem:$0x4BD0] =	vst v63  }
0x47b: {  	_ =	swait.ge [sflag:s16], $0x10  }
0x47c: {  	v21 =	vld [tilespmem:$0x1FFD0];
	_ =	sdelay $0x1  }
0x47d: {  	v55 =	vld [tilespmem:$0x1FFE0]  }
0x47e: {  	[sflag:s16] =	ssyncset.done $0x0  }
0x47f: {  	v57 =	vld [tilespmem:$0x1FFF0];
	[sflag:s16] =	ssyncadd.s32 $0xFFFFFFF0  }
0x480: {  	v1 =	vld.idx.msk [tilespmem:v5+s24+$0x0], $0xffff  }
0x481: {  	v2 =	vld.idx.msk [tilespmem:v6+s24+$0x0], $0xffff  }
0x482: {  	v4 =	vld.idx.msk [tilespmem:v0+s23+$0x0], $0xffff  }
0x483: {  	v21 =	vld.idx.msk [tilespmem:v21+s23+$0x0], $0xffff  }
0x484: {  	v54 =	vld.idx.msk [tilespmem:v7+s24+$0x0], $0xffff  }
0x485: {  	v37 =	vld.idx.msk [tilespmem:v55+s23+$0x0], $0xffff  }
0x486: {  	v56 =	vld.idx.msk [tilespmem:v8+s24+$0x0], $0xffff  }
0x487: {  	v1 =	vmax.f32 v1, $0.0e+00;
	v2 =	vmax.f32 v2, $0.0e+00;
	v39 =	vld.idx.msk [tilespmem:v57+s23+$0x0], $0xffff  }
0x488: {  	v58 =	vld.idx.msk [tilespmem:v9+s24+$0x0], $0xffff;
	v1 =	vmul.f32 v4, v1;
	v2 =	vmul.f32 v21, v2  }
0x489: {  	v4 =	vmax.f32 v54, $0.0e+00;
	v21 =	vld.idx.msk [tilespmem:v24+s23+$0x0], $0xffff  }
0x48a: {  	v59 =	vld.idx.msk [tilespmem:v10+s24+$0x0], $0xffff;
	v1 =	vadd.f32 v2, v1;
	v2 =	vmul.f32 v37, v4  }
0x48b: {  	v60 =	vld.idx.msk [tilespmem:v25+s23+$0x0], $0xffff;
	v4 =	vmax.f32 v56, $0.0e+00  }
0x48c: {  	v61 =	vld.idx.msk [tilespmem:v11+s24+$0x0], $0xffff;
	v1 =	vadd.f32 v2, v1;
	v2 =	vmul.f32 v39, v4  }
0x48d: {  	v62 =	vld.idx.msk [tilespmem:v26+s23+$0x0], $0xffff;
	v4 =	vmax.f32 v58, $0.0e+00  }
0x48e: {  	v63 =	vld.idx.msk [tilespmem:v12+s24+$0x0], $0xffff;
	v1 =	vadd.f32 v2, v1;
	v2 =	vmul.f32 v21, v4  }
0x48f: {  	v4 =	vmax.f32 v59, $0.0e+00;
	v21 =	vld.idx.msk [tilespmem:v27+s23+$0x0], $0xffff  }
0x490: {  	v44 =	vld.idx.msk [tilespmem:v13+s24+$0x0], $0xffff;
	v1 =	vadd.f32 v2, v1;
	v2 =	vmul.f32 v60, v4  }
0x491: {  	v45 =	vld.idx.msk [tilespmem:v28+s23+$0x0], $0xffff;
	v4 =	vmax.f32 v61, $0.0e+00  }
0x492: {  	v46 =	vld.idx.msk [tilespmem:v14+s24+$0x0], $0xffff;
	v1 =	vadd.f32 v2, v1;
	v2 =	vmul.f32 v62, v4  }
0x493: {  	v47 =	vld.idx.msk [tilespmem:v29+s23+$0x0], $0xffff;
	v4 =	vmax.f32 v63, $0.0e+00  }
0x494: {  	v48 =	vld.idx.msk [tilespmem:v15+s24+$0x0], $0xffff;
	v1 =	vadd.f32 v2, v1;
	v2 =	vmul.f32 v21, v4  }
0x495: {  	v4 =	vmax.f32 v44, $0.0e+00;
	v21 =	vld.idx.msk [tilespmem:v30+s23+$0x0], $0xffff  }
0x496: {  	v49 =	vld.idx.msk [tilespmem:v16+s24+$0x0], $0xffff;
	v1 =	vadd.f32 v2, v1;
	v2 =	vmul.f32 v45, v4  }
0x497: {  	v50 =	vld.idx.msk [tilespmem:v31+s23+$0x0], $0xffff;
	v4 =	vmax.f32 v46, $0.0e+00  }
0x498: {  	v51 =	vld.idx.msk [tilespmem:v17+s24+$0x0], $0xffff;
	v1 =	vadd.f32 v2, v1;
	v2 =	vmul.f32 v47, v4  }
0x499: {  	v52 =	vld.idx.msk [tilespmem:v32+s23+$0x0], $0xffff;
	v4 =	vmax.f32 v48, $0.0e+00  }
0x49a: {  	v53 =	vld.idx.msk [tilespmem:v18+s24+$0x0], $0xffff;
	v1 =	vadd.f32 v2, v1;
	v2 =	vmul.f32 v21, v4  }
0x49b: {  	v4 =	vmax.f32 v49, $0.0e+00;
	v21 =	vld.idx.msk [tilespmem:v33+s23+$0x0], $0xffff  }
0x49c: {  	v54 =	vld.idx.msk [tilespmem:v19+s24+$0x0], $0xffff;
	v1 =	vadd.f32 v2, v1;
	v2 =	vmul.f32 v50, v4  }
0x49d: {  	v55 =	vld.idx.msk [tilespmem:v34+s23+$0x0], $0xffff;
	v4 =	vmax.f32 v51, $0.0e+00  }
0x49e: {  	v56 =	vld.idx.msk [tilespmem:v20+s24+$0x0], $0xffff;
	v1 =	vadd.f32 v2, v1;
	v2 =	vmul.f32 v52, v4  }
0x49f: {  	v35 =	vld.idx.msk [tilespmem:v35+s23+$0x0], $0xffff;
	v4 =	vmax.f32 v53, $0.0e+00  }
0x4a0: {  	v1 =	vadd.f32 v2, v1;
	v2 =	vmul.f32 v21, v4  }
0x4a1: {  	v4 =	vmax.f32 v54, $0.0e+00  }
0x4a2: {  	v1 =	vadd.f32 v2, v1;
	v2 =	vmul.f32 v55, v4  }
0x4a3: {  	v4 =	vmax.f32 v56, $0.0e+00  }
0x4a4: {  	v1 =	vadd.f32 v2, v1;
	v2 =	vmul.f32 v35, v4;
	_ =	sdelay $0x1  }
0x4a5: {  	v1 =	vadd.f32 v2, v1;
	_ =	sdelay $0x1  }
0x4a6: {  	s3 =	simm.s32 $0x4080;
	s14 =	simm.s32 $0x400;
	[tilespmem:$0x4080] =	vst v1  }
0x4a7: {  	[spmem:s15] =	stream.indirect.scatter.add.f32 [tilespmem:s3], [sflag:$0x2], $0x1, s14, s1, $0xb8;
	[tilespmem:$0x4BD0] =	vst v63  }
0x4a8: {  	_ =	swait.ge [sflag:s16], $0x10  }
0x4a9: {  	[sflag:s16] =	ssyncset.done $0x0  }
0x4aa: {  	[sflag:s16] =	ssyncadd.s32 $0xFFFFFFF0  }
0x4ab: {  	[bflag:$0x0] =	sbarrier.arrive $0xFFFF  }
0x4ac: {  	[tilespmem:s2], [sflag:$0x2] =	stream.linear.gather [spmem:s12], $0x80, $0x38;
	[tilespmem:$0x4BD0] =	vst v63  }
0x4ad: {  	_ =	swait.ge [sflag:s16], $0x80  }
0x4ae: {  	[sflag:s16] =	ssyncset.done $0x0  }
0x4af: {  	[sflag:s16] =	ssyncadd.s32 $0xFFFFFF80  }
0x4b0: {  	[tilespmem:s4], [sflag:$0x2] =	stream.linear.gather [spmem:s15], $0x80, $0x38;
	[tilespmem:$0x4BD0] =	vst v63  }
0x4b1: {  	_ =	swait.ge [sflag:s16], $0x80  }
0x4b2: {  	[sflag:s16] =	ssyncset.done $0x0  }
0x4b3: {  	[sflag:s16] =	ssyncadd.s32 $0xFFFFFF80  }
0x4b4: {  	v1 =	vld [tilespmem:$0x4300];
	_ =	sdelay $0x4  }
0x4b5: {  	v2 =	vmul.f32 v1, v1;
	_ =	sdelay $0x1  }
0x4b6: {  	v2 =	vnsel vm1, $0x0, v2  }
0x4b7: {  	(xrf2) =	vadd.scan.msk.f32 $0xffff, v2;
	_ =	sdelay $0x9  }
0x4b8: {  	v2, _, _ =	vpop (xrf2)  }
0x4b9: {  	v2 =	vbroadcast v2, $0xF;
	_ =	sdelay $0x1  }
0x4ba: {  	v4 =	vmax.f32 v2, $9.999999910e-38  }
0x4bb: {  	v21 =	vshra.s32 v4, $0x1;
	v4 =	vmul.f32 $5.000000000e-01, v4  }
0x4bc: {  	v21 =	vsub.s32 $0x5F3759DF, v21  }
0x4bd: {  	v57 =	vmul.f32 v21, v4;
	_ =	sdelay $0x1  }
0x4be: {  	v35 =	vmul.f32 v21, v57;
	_ =	sdelay $0x1  }
0x4bf: {  	v35 =	vsub.f32 $1.500000000e+00, v35;
	_ =	sdelay $0x1  }
0x4c0: {  	v21 =	vmul.f32 v21, v35;
	_ =	sdelay $0x1  }
0x4c1: {  	v35 =	vmul.f32 v21, v4;
	_ =	sdelay $0x1  }
0x4c2: {  	v35 =	vmul.f32 v35, v21;
	_ =	sdelay $0x1  }
0x4c3: {  	v35 =	vsub.f32 $1.500000000e+00, v35;
	_ =	sdelay $0x1  }
0x4c4: {  	v21 =	vmul.f32 v35, v21;
	_ =	sdelay $0x1  }
0x4c5: {  	v35 =	vmul.f32 v21, v4;
	_ =	sdelay $0x1  }
0x4c6: {  	v35 =	vmul.f32 v35, v21;
	_ =	sdelay $0x1  }
0x4c7: {  	v35 =	vsub.f32 $1.500000000e+00, v35;
	_ =	sdelay $0x1  }
0x4c8: {  	v21 =	vmul.f32 v35, v21;
	_ =	sdelay $0x1  }
0x4c9: {  	v4 =	vmul.f32 v21, v4;
	_ =	sdelay $0x1  }
0x4ca: {  	v4 =	vmul.f32 v4, v21;
	_ =	sdelay $0x1  }
0x4cb: {  	v4 =	vsub.f32 $1.500000000e+00, v4;
	_ =	sdelay $0x1  }
0x4cc: {  	v4 =	vmul.f32 v4, v21;
	_ =	sdelay $0x1  }
0x4cd: {  	v2 =	vmul.f32 v4, v2;
	_ =	sdelay $0x1  }
0x4ce: {  	v2 =	vadd.f32 $9.999999930e-09, v2;
	_ =	sdelay $0x1  }
0x4cf: {  	(erf) = vrcp.f32 v2;
	_ =	sdelay $0x5  }
0x4d0: {  	v2 =	vld [tilespmem:$0x80]  }
0x4d1: {  	v4 =	vld [tilespmem:$0x100]  }
0x4d2: {  	v21 =	vld [tilespmem:$0x180]  }
0x4d3: {  	v58 =	vpop (erf)  }
0x4d4: {  	v59 =	vld [tilespmem:$0x200];
	v1 =	vmul.f32 v58, v1  }
0x4d5: {  	v60 =	vld [tilespmem:$0x500]  }
0x4d6: {  	[tilespmem:$0x4300] =	vst v1;
	v1 =	vld [tilespmem:$0x280]  }
0x4d7: {  	v61 =	vld [tilespmem:$0x580]  }
0x4d8: {  	v2 =	vld.idx.msk [tilespmem:v2+s4+$0x0], $0xffff  }
0x4d9: {  	v4 =	vld.idx.msk [tilespmem:v4+s4+$0x0], $0xffff  }
0x4da: {  	v21 =	vld.idx.msk [tilespmem:v21+s4+$0x0], $0xffff  }
0x4db: {  	v62 =	vld [tilespmem:$0x480]  }
0x4dc: {  	v35 =	vld.idx.msk [tilespmem:v59+s4+$0x0], $0xffff  }
0x4dd: {  	v63 =	vld [tilespmem:$0x600];
	v2 =	vmul.f32 v60, v2  }
0x4de: {  	v1 =	vld.idx.msk [tilespmem:v1+s2+$0x0], $0xffff  }
0x4df: {  	v2 =	vmul.f32 v2, v4;
	v4 =	vmul.f32 v61, v21;
	_ =	sdelay $0x1  }
0x4e0: {  	v2 =	vadd.f32 v2, v62;
	v4 =	vmul.f32 v4, v35;
	_ =	sdelay $0x1  }
0x4e1: {  	v2 =	vadd.f32 v4, v2;
	v1 =	vmul.f32 v63, v1;
	_ =	sdelay $0x1  }
0x4e2: {  	v1 =	vadd.f32 v2, v1;
	_ =	sdelay $0x1  }
0x4e3: {  	s0 =	simm.s32 @!p1 $0x1;
	[tilespmem:$0x4180] =	vst v1  }
0x4e4: {  	_ =	swait.ge @!p1 [sflag:s0], $0x18700  }
0x4e5: {  	[sflag:s0] =	ssyncset.done @!p1 $0x0  }
0x4e6: {  	[sflag:s0] =	ssyncadd.s32 @!p1 $0xFFFE7900;
	s0 =	simm.s32 @p0 $0x1  }
0x4e7: {  	_ =	swait.ge @p0 [sflag:s0], $0x18700  }
0x4e8: {  	[sflag:s0] =	ssyncset.done @p0 $0x0  }
0x4e9: {  	[sflag:s0] =	ssyncadd.s32 @p0 $0xFFFE7900  }
0x4ea: {  	[bflag:$0x0] =	sbarrier.arrive $0xFFFF  }
0x4eb: {  	v1 =	vld [tilespmem:$0x0];
	_ =	sdelay $0x4  }
0x4ec: {  	v2 =	vxor.u32 $0x80000000, v1  }
0x4ed: {  	(xrf0) =	vmax.scan.msk.u32 $0xffff, v2;
	_ =	sdelay $0x5  }
0x4ee: {  	v2, _, _ =	vpop (xrf0)  }
0x4ef: {  	(v2sf) =	vpush v2, $0xF;
	_ =	sdelay $0xe  }
0x4f0: {  	s5 =	spop (v2sf)  }
0x4f1: {  	s0 =	sxor.u32 $0x80000000, s5  }
0x4f2: {  	s6 =	sshra.s32 s0, $0x1F  }
0x4f3: {  	s5 =	simm.s32 @!p2 $0x4180;
	s3 =	sshrl.u32 s6, $0x1D  }
0x4f4: {  	s6 =	rddreg [dreg:$0x1a];
	s0 =	sadd.s32 s3, s0;
	s3 =	simm.s32 @!p2 $0x0  }
0x4f5: {  	[hbm4b:s6+s3] =	stream.linear.scatter @!p2 [tilespmem:s5], [sflag:$0x2], $0x10, $0x38;
	[tilespmem:$0x4BD0] =	vst v63  }
0x4f6: {  	s0 =	sand.u32 $0xFFFFFFF8, s0;
	s5 =	simm.s32 @!p2 $0x2  }
0x4f7: {  	_ =	swait.ge @!p2 [sflag:s5], $0x10;
	s6 =	sshll.u32 @!p2 s0, $0x4  }
0x4f8: {  	[sflag:s5] =	ssyncset.done @!p2 $0x0;
	s6 =	sand.u32 @!p2 $0xFFFFF80, s6  }
0x4f9: {  	s14 =	simm.s32 @!p2 $0x4380;
	[sflag:s5] =	ssyncadd.s32 @!p2 $0xFFFFFFF0;
	s6 =	sadd.s32 @!p2 s29, s6  }
0x4fa: {  	[tilespmem:s14], [sflag:$0x2] =	stream.linear.gather @!p2 [hbm4b:s6+s3], $0x400, $0x38;
	[tilespmem:$0x4BD0] =	vst v63  }
0x4fb: {  	v2 =	vmov s0;
	_ =	swait.ge @!p2 [sflag:s5], $0x400  }
0x4fc: {  	v1 =	vsub.s32 v1, v2;
	[sflag:s5] =	ssyncset.done @!p2 $0x0  }
0x4fd: {  	v4 =	vlaneseq.u32 @!p2;
	v2 =	vshll.u32 @!p2 v1, $0x7;
	[sflag:s5] =	ssyncadd.s32 @!p2 $0xFFFFFC00  }
0x4fe: {  	v2 =	vor.u32 @!p2 v4, v2;
	v21 =	vld @!p2 [tilespmem:$0x4280];
	_ =	sdelay $0x4  }
0x4ff: {  	s0 =	sshll.u32 @p4 s0, $0x4;
	[tilespmem:v2+s14+$0x0] =	vst.idx.msk @!p2 $0x7, v21  }
0x500: {  	[hbm4b:s6+s3] =	stream.linear.scatter @!p2 [tilespmem:s14], [sflag:$0x2], $0x400, $0x38;
	[tilespmem:$0x4BD0] =	vst v63  }
0x501: {  	s0 =	sand.u32 @p4 $0xFFFFF80, s0;
	_ =	swait.ge @!p2 [sflag:s5], $0x400  }
0x502: {  	s0 =	sadd.s32 @p4 s30, s0;
	s3 =	simm.s32 @p4 $0x0;
	[sflag:s5] =	ssyncset.done @!p2 $0x0  }
0x503: {  	s6 =	simm.s32 @p4 $0x2;
	[sflag:s5] =	ssyncadd.s32 @!p2 $0xFFFFFC00;
	s5 =	simm.s32 @p4 $0x4780  }
0x504: {  	[tilespmem:s5], [sflag:$0x2] =	stream.linear.gather @p4 [hbm4b:s0+s3], $0x400, $0x38;
	[tilespmem:$0x4BD0] =	vst v63  }
0x505: {  	_ =	swait.ge @p4 [sflag:s6], $0x400  }
0x506: {  	[sflag:s6] =	ssyncset.done @p4 $0x0  }
0x507: {  	v1 =	vshll.u32 @p4 v1, $0x7;
	v2 =	vlaneseq.u32 @p4;
	[sflag:s6] =	ssyncadd.s32 @p4 $0xFFFFFC00  }
0x508: {  	v1 =	vor.u32 @p4 v2, v1;
	v4 =	vld @p4 [tilespmem:$0x4300];
	_ =	sdelay $0x4  }
0x509: {  	[tilespmem:v1+s5+$0x0] =	vst.idx.msk @p4 $0xf, v4  }
0x50a: {  	[hbm4b:s0+s3] =	stream.linear.scatter @p4 [tilespmem:s5], [sflag:$0x2], $0x400, $0x38;
	[tilespmem:$0x4BD0] =	vst v63  }
0x50b: {  	_ =	swait.ge @p4 [sflag:s6], $0x400  }
0x50c: {  	s14 =	sld [smem:$0x7FD];
	_ =	sdelay $0x1  }
0x50d: {  	s31 =	sadd.s32 $0x1, s31  }
0x50e: {  	p5 =	sne.s32 s31, s14  }
.Ltmp4:
0x50f: {  	_ = 	snop;
	(pc) =	sbr.rel @p5 .LBB3_1-.Ltmp4, $3  }
0x510: {  	_ =	sdelay $0x1  }
0x511: {  	[sflag:s6] =	ssyncset.done @p4 $0x0  }
0x512: {  	v21 =	vmov v22;
	v22 =	vmov v23;
	[sflag:s6] =	ssyncadd.s32 @p4 $0xFFFFFC00  }
0x513: {  	_ =	sfence.sel $0x180000  }
0x514: {  	[bflag:$0x0] =	sbarrier.arrive $0xFFFF  }
0x515: {  	_ =	strace $0x90000047  }
0x516: {  	[bflag:$0x2] =	sbarrier.arrive $0xFFFF  }
0x517: {  	s0 =	rddreg [dreg:$0xe]  }
0x518: {  	s0 =	sadd.s32 @!p3 $0x100000, s0  }
0x519: {  	[sflag:s0] =	ssyncadd.tile.s32 @!p3 $0x1;
	_ =	shalt  }
.Lfunc_end3:
_tile_overlayer_lowered:
.L_overlay_start_3:
0x51a: {  	(tag) =	ssettag $0x3  }
0x51b: {  	s0 =	rddreg [dreg:$0x0];
	s2 =	stileid.u32  }
0x51c: {  	s1 =	rddreg [dreg:$0x1];
	p0 =	sne.s32 s2, $0x0  }
0x51d: {  	s3 =	rddreg [dreg:$0x2];
	[bflag:$0x3] =	sbarrier.arrive $0xFFFF;
	s2 =	simm.s32 @!p0 $0x1C02  }
0x51e: {  	[timem:s3], [sflag:s2] =	dma.local @!p0 [hbm:s0], s1  }
0x51f: {  	s0 =	simm.s32 @!p0 $0x2  }
0x520: {  	_ =	swait.ge @!p0 [sflag:s0], s1  }
0x521: {  	s1 =	ssub.s32 @!p0 $0x0, s1;
	[sflag:s0] =	ssyncset.done @!p0 $0x0  }
0x522: {  	[sflag:s0] =	ssyncadd.s32 @!p0 s1  }
0x523: {  	[bflag:$0x3] =	sbarrier.arrive $0xFFFF  }
0x524: {  	_ =	shalt  }

</sc_bundles>
